<compile_context>
chip_gen: v7x
topology: tpu7x:2x2x1
jax: 0.10.2.dev20260603
libtpu: 0.0.44.dev20260713+nightly
codegen_flags: <defaults>
</compile_context>

<pallas_src>
import math

import jax
import jax.numpy as jnp
from jax import lax
from jax.experimental import pallas as pl
from jax.experimental.pallas import tpu as pltpu
from jax.experimental.pallas import tpu_sc as plsc

N = 50000
E = 800000
IN_DIM = 128
H = 64
HH = 32
ED = 16
EMB = 512
G = 64

NC = 2
NS = 16
LANES = 16

CH = 128
BLK = 256
BPT = 196
EPT = BPT * BLK
EP = EPT * NS
NROWS = 51200
RPT = NROWS // NS
TRASH = N

_BN_SCALE = 1.0 / math.sqrt(1.0 + 1e-5)



def _nodeproj_body(x_ref, w_ref, b_ref, out_ref):
    r = jnp.dot(x_ref[...], w_ref[...], preferred_element_type=jnp.float32)
    r = r + b_ref[...]
    out_ref[0] = r[:, :HH]
    out_ref[1] = r[:, HH:]


def _node_proj(x, np_W, np_b):
    B = 2000
    nb = N // B
    return pl.pallas_call(
        _nodeproj_body,
        grid=(nb,),
        in_specs=[
            pl.BlockSpec((B, IN_DIM), lambda i: (i, 0)),
            pl.BlockSpec((IN_DIM, H), lambda i: (0, 0)),
            pl.BlockSpec((1, H), lambda i: (0, 0)),
        ],
        out_specs=pl.BlockSpec((2, B, HH), lambda i: (0, i, 0)),
        out_shape=jax.ShapeDtypeStruct((2, N, HH), jnp.float32),
    )(x, np_W, np_b.reshape(1, H))


def _edgelin_body(ea_ref, w_ref, b_ref, o_ref):
    r = jnp.dot(ea_ref[...], w_ref[...], preferred_element_type=jnp.float32)
    r = r + b_ref[...]
    o_ref[0] = r[:, :HH]
    o_ref[1] = r[:, HH:]


def _edge_lin(edge_attr, lW, lb):
    B = 2000
    nb = E // B
    return pl.pallas_call(
        _edgelin_body,
        grid=(nb,),
        in_specs=[
            pl.BlockSpec((B, ED), lambda i: (i, 0)),
            pl.BlockSpec((ED, H), lambda i: (0, 0)),
            pl.BlockSpec((1, H), lambda i: (0, 0)),
        ],
        out_specs=pl.BlockSpec((2, B, HH), lambda i: (0, i, 0)),
        out_shape=jax.ShapeDtypeStruct((2, EP, HH), jnp.float32),
    )(edge_attr, lW, lb.reshape(1, H))


def _nodemlp_body(h_ref, a_ref, w1_ref, b1_ref, w2_ref, b2_ref, g_ref, bb_ref,
                  out_ref):
    hf = jnp.concatenate([h_ref[0], h_ref[1]], axis=1)
    af = jnp.concatenate([a_ref[0], a_ref[1]], axis=1)
    t = hf + af
    t = jnp.maximum(
        jnp.dot(t, w1_ref[...], preferred_element_type=jnp.float32)
        + b1_ref[...], 0.0)
    t = jnp.dot(t, w2_ref[...], preferred_element_type=jnp.float32) + b2_ref[...]
    t = t * (g_ref[...] * _BN_SCALE) + bb_ref[...]
    t = jnp.maximum(t, 0.0)
    out_ref[0] = t[:, :HH]
    out_ref[1] = t[:, HH:]


def _node_mlp(h2, aggr2, W1, b1, W2, b2, bn_g, bn_b):
    B = 2000
    nb = N // B
    spec = pl.BlockSpec((2, B, HH), lambda i: (0, i, 0))
    vec = lambda v: v.reshape(1, H)
    return pl.pallas_call(
        _nodemlp_body,
        grid=(nb,),
        in_specs=[
            spec, spec,
            pl.BlockSpec((H, H), lambda i: (0, 0)),
            pl.BlockSpec((1, H), lambda i: (0, 0)),
            pl.BlockSpec((H, H), lambda i: (0, 0)),
            pl.BlockSpec((1, H), lambda i: (0, 0)),
            pl.BlockSpec((1, H), lambda i: (0, 0)),
            pl.BlockSpec((1, H), lambda i: (0, 0)),
        ],
        out_specs=spec,
        out_shape=jax.ShapeDtypeStruct((2, N, HH), jnp.float32),
    )(h2, aggr2, W1, vec(b1), W2, vec(b2), vec(bn_g), vec(bn_b))


def _pool_body(h_ref, batch_ref, pw_ref, pb_ref, lg_ref, lb_ref, out_ref,
               acc_ref, mx_ref):
    i = pl.program_id(0)
    nb = pl.num_programs(0)

    @pl.when(i == 0)
    def _init():
        acc_ref[...] = jnp.zeros_like(acc_ref)
        mx_ref[...] = jnp.full_like(mx_ref, -jnp.inf)

    hf = jnp.concatenate([h_ref[0], h_ref[1]], axis=1)
    B = hf.shape[0]
    bb = batch_ref[0, 0]
    gid = lax.broadcasted_iota(jnp.int32, (1, G), 1)
    onehot = (bb[:, None] == gid).astype(jnp.float32)
    ones = jnp.ones((B, 1), jnp.float32)
    hx = jnp.concatenate([hf, ones, jnp.zeros((B, 63), jnp.float32)], axis=1)
    acc_ref[...] += jnp.dot(onehot.T, hx, preferred_element_type=jnp.float32)

    bbc = bb[:, None]
    parts = []
    for g in range(G):
        col = jnp.where(bbc == g, hf, -jnp.inf)
        parts.append(jnp.max(col, axis=0, keepdims=True))
    mx_ref[...] = jnp.maximum(mx_ref[...], jnp.concatenate(parts, axis=0))

    @pl.when(i == nb - 1)
    def _final():
        acc = acc_ref[...]
        sums = acc[:, :H]
        cnt = acc[:, H:H + 1]
        mean = sums / jnp.maximum(cnt, 1.0)
        cat = jnp.concatenate([mean, mx_ref[...]], axis=1)
        o = jnp.dot(cat, pw_ref[...], preferred_element_type=jnp.float32)
        o = o + pb_ref[...]
        mu = jnp.mean(o, axis=-1, keepdims=True)
        var = jnp.mean((o - mu) * (o - mu), axis=-1, keepdims=True)
        o = (o - mu) / jnp.sqrt(var + 1e-5) * lg_ref[...] + lb_ref[...]
        out_ref[...] = jnp.maximum(o, 0.0)


def _pool_proj(h2, batch, proj_W, proj_b, ln_g, ln_b):
    B = 1000
    nb = N // B
    batch_r = batch.reshape(nb, 1, B)
    return pl.pallas_call(
        _pool_body,
        grid=(nb,),
        in_specs=[
            pl.BlockSpec((2, B, HH), lambda i: (0, i, 0)),
            pl.BlockSpec((1, 1, B), lambda i: (i, 0, 0)),
            pl.BlockSpec((2 * H, EMB), lambda i: (0, 0)),
            pl.BlockSpec((1, EMB), lambda i: (0, 0)),
            pl.BlockSpec((1, EMB), lambda i: (0, 0)),
            pl.BlockSpec((1, EMB), lambda i: (0, 0)),
        ],
        out_specs=pl.BlockSpec((G, EMB), lambda i: (0, 0)),
        out_shape=jax.ShapeDtypeStruct((G, EMB), jnp.float32),
        scratch_shapes=[
            pltpu.VMEM((G, 2 * H), jnp.float32),
            pltpu.VMEM((G, H), jnp.float32),
        ],
    )(h2, batch_r, proj_W, proj_b.reshape(1, EMB), ln_g.reshape(1, EMB),
      ln_b.reshape(1, EMB))



def _sc_body(h_hbm, e_hbm, src_hbm, dst_hbm, out_hbm,
             sidx, didx, hrows, erows, aggr_sh, sem):
    c = lax.axis_index("c")
    s = lax.axis_index("s")

    def _zrow(r, _):
        hrows[r, pl.ds(0, LANES)] = jnp.zeros((LANES,), jnp.float32)
        hrows[r, pl.ds(LANES, LANES)] = jnp.zeros((LANES,), jnp.float32)
        return 0
    lax.fori_loop(0, CH, _zrow, 0)

    def _zchunk(z, _):
        pltpu.sync_copy(hrows.at[pl.ds(0, CH)],
                        aggr_sh.at[pl.ds(s * RPT + z * CH, CH)])
        return 0
    lax.fori_loop(0, RPT // CH, _zchunk, 0)

    plsc.subcore_barrier()

    coff = c * N
    eoff = c * (EP // CH)
    bbase = s * (EPT // CH)

    def _block(t, _):
        row0 = bbase + t * (BLK // CH)
        pltpu.sync_copy(src_hbm.at[pl.ds(row0, BLK // CH)], sidx)
        pltpu.sync_copy(dst_hbm.at[pl.ds(row0, BLK // CH)], didx)

        for rr in range(BLK // CH):
            for k in range(CH // LANES):
                sidx[rr, pl.ds(k * LANES, LANES)] = (
                    sidx[rr, pl.ds(k * LANES, LANES)] + coff)

        gats = [
            pltpu.async_copy(h_hbm.at[sidx.at[rr]],
                             hrows.at[pl.ds(rr * CH, CH)], sem)
            for rr in range(BLK // CH)
        ]
        pltpu.sync_copy(e_hbm.at[pl.ds((eoff + row0) * CH, BLK)], erows)
        for gat in gats:
            gat.wait()

        def _row(r, _):
            a0 = hrows[r, pl.ds(0, LANES)] + erows[r, pl.ds(0, LANES)]
            a1 = hrows[r, pl.ds(LANES, LANES)] + erows[r, pl.ds(LANES, LANES)]
            hrows[r, pl.ds(0, LANES)] = jnp.maximum(a0, 0.0)
            hrows[r, pl.ds(LANES, LANES)] = jnp.maximum(a1, 0.0)
            return 0
        lax.fori_loop(0, BLK, _row, 0, unroll=4)

        for rr in range(BLK // CH):
            pltpu.sync_copy(hrows.at[pl.ds(rr * CH, CH)],
                            aggr_sh.at[didx.at[rr]], add=True)
        return 0

    lax.fori_loop(0, BPT, _block, 0)

    plsc.subcore_barrier()

    pltpu.sync_copy(aggr_sh.at[pl.ds(s * RPT, RPT)],
                    out_hbm.at[pl.ds(c * NROWS + s * RPT, RPT)])


def _make_sc_aggr():
    mesh = plsc.VectorSubcoreMesh(core_axis_name="c", subcore_axis_name="s")
    return pl.kernel(
        _sc_body,
        out_type=jax.ShapeDtypeStruct((NC * NROWS, HH), jnp.float32),
        mesh=mesh,
        scratch_types=[
            pltpu.VMEM((BLK // CH, CH), jnp.int32),
            pltpu.VMEM((BLK // CH, CH), jnp.int32),
            pltpu.VMEM((BLK, HH), jnp.float32),
            pltpu.VMEM((BLK, HH), jnp.float32),
            pltpu.VMEM_SHARED((NROWS, HH), jnp.float32),
            pltpu.SemaphoreType.DMA,
        ],
        compiler_params=pltpu.CompilerParams(use_tc_tiling_on_sc=False),
    )


_sc_aggr = _make_sc_aggr()


def _sc_layer(h2, e2, src2, dst2):
    h_flat = h2.reshape(2 * N, HH)
    e_flat = e2.reshape(2 * EP, HH)
    out = _sc_aggr(h_flat, e_flat, src2, dst2)
    return out.reshape(2, NROWS, HH)



@jax.jit
def kernel(x, edge_index, edge_attr, batch, np_W, np_b,
           lin1_W, lin1_b, mlp1_W1, mlp1_b1, mlp1_W2, mlp1_b2, bn1_g, bn1_b,
           lin2_W, lin2_b, mlp2_W1, mlp2_b1, mlp2_W2, mlp2_b2, bn2_g, bn2_b,
           lin3_W, lin3_b, mlp3_W1, mlp3_b1, mlp3_W2, mlp3_b2, bn3_g, bn3_b,
           proj_W, proj_b, ln_g, ln_b):
    src = edge_index[0]
    dst = edge_index[1]
    srcp = jnp.pad(src, (0, EP - E)).reshape(EP // CH, CH)
    dstp = jnp.pad(dst, (0, EP - E),
                   constant_values=TRASH).reshape(EP // CH, CH)

    e1 = _edge_lin(edge_attr, lin1_W, lin1_b)
    h = _node_proj(x, np_W, np_b)

    aggr = _sc_layer(h, e1, srcp, dstp)
    e2 = _edge_lin(edge_attr, lin2_W, lin2_b)
    h = _node_mlp(h, aggr, mlp1_W1, mlp1_b1, mlp1_W2, mlp1_b2, bn1_g, bn1_b)

    aggr = _sc_layer(h, e2, srcp, dstp)
    e3 = _edge_lin(edge_attr, lin3_W, lin3_b)
    h = _node_mlp(h, aggr, mlp2_W1, mlp2_b1, mlp2_W2, mlp2_b2, bn2_g, bn2_b)

    aggr = _sc_layer(h, e3, srcp, dstp)
    h = _node_mlp(h, aggr, mlp3_W1, mlp3_b1, mlp3_W2, mlp3_b2, bn3_g, bn3_b)

    return _pool_proj(h, batch, proj_W, proj_b, ln_g, ln_b)

# --- scband reference (transcript-rebuilt; emitter-appended) ---
"""Pipeline reference for scband-glycan-gnnencoder-7069516169549 (READ-ONLY COPY).

The authoritative reference and input builder live on the scoring server;
editing this copy changes nothing except your own understanding.
"""

import jax, jax.numpy as jnp
import numpy as np

N = 50000
E = 800000
IN_DIM = 128
H = 64
ED = 16
EMB = 512
G = 64


def setup_inputs(seed: int = 0) -> dict:
    key = jax.random.key(seed)
    ks = jax.random.split(key, 40)
    inp = {}
    inp['x'] = jax.random.normal(ks[0], (N, IN_DIM), dtype=jnp.float32)
    inp['edge_index'] = jax.random.randint(ks[1], (2, E), 0, N, dtype=jnp.int32)
    inp['edge_attr'] = jax.random.normal(ks[2], (E, ED), dtype=jnp.float32)
    inp['batch'] = jnp.sort(jax.random.randint(ks[3], (N,), 0, G, dtype=jnp.int32))
    s = 0.05
    inp['np_W'] = jax.random.normal(ks[4], (IN_DIM, H), dtype=jnp.float32) * s
    inp['np_b'] = jnp.zeros((H,), dtype=jnp.float32)
    idx = 5
    for i in (1, 2, 3):
        inp['lin%d_W' % i] = jax.random.normal(ks[idx], (ED, H), dtype=jnp.float32) * s; idx += 1
        inp['lin%d_b' % i] = jnp.zeros((H,), dtype=jnp.float32)
        inp['mlp%d_W1' % i] = jax.random.normal(ks[idx], (H, H), dtype=jnp.float32) * s; idx += 1
        inp['mlp%d_b1' % i] = jnp.zeros((H,), dtype=jnp.float32)
        inp['mlp%d_W2' % i] = jax.random.normal(ks[idx], (H, H), dtype=jnp.float32) * s; idx += 1
        inp['mlp%d_b2' % i] = jnp.zeros((H,), dtype=jnp.float32)
        inp['bn%d_g' % i] = jnp.ones((H,), dtype=jnp.float32)
        inp['bn%d_b' % i] = jnp.zeros((H,), dtype=jnp.float32)
    inp['proj_W'] = jax.random.normal(ks[idx], (2 * H, EMB), dtype=jnp.float32) * s; idx += 1
    inp['proj_b'] = jnp.zeros((EMB,), dtype=jnp.float32)
    inp['ln_g'] = jnp.ones((EMB,), dtype=jnp.float32)
    inp['ln_b'] = jnp.zeros((EMB,), dtype=jnp.float32)
    return inp


def _gine(x, src, dst, edge_attr, lW, lb, W1, b1, W2, b2):
    # GINEConv: message = relu(x_j + lin_edge(edge_attr)); sum-aggregate at dst; nn((1+eps)*x + aggr), eps=0
    e = edge_attr @ lW + lb
    m = jax.nn.relu(x[src] + e)
    aggr = jax.ops.segment_sum(m, dst, num_segments=N)
    h = x + aggr
    return jax.nn.relu(h @ W1 + b1) @ W2 + b2


def _bn(x, g, b):
    # BatchNorm1d in eval mode with running_mean=0, running_var=1
    return x / jnp.sqrt(1.0 + 1e-5) * g + b


def reference(x, edge_index, edge_attr, batch, np_W, np_b, lin1_W, lin1_b, mlp1_W1, mlp1_b1, mlp1_W2, mlp1_b2, bn1_g, bn1_b, lin2_W, lin2_b, mlp2_W1, mlp2_b1, mlp2_W2, mlp2_b2, bn2_g, bn2_b, lin3_W, lin3_b, mlp3_W1, mlp3_b1, mlp3_W2, mlp3_b2, bn3_g, bn3_b, proj_W, proj_b, ln_g, ln_b):
    src = edge_index[0]
    dst = edge_index[1]
    h = x @ np_W + np_b
    h = jax.nn.relu(_bn(_gine(h, src, dst, edge_attr, lin1_W, lin1_b, mlp1_W1, mlp1_b1, mlp1_W2, mlp1_b2), bn1_g, bn1_b))
    h = jax.nn.relu(_bn(_gine(h, src, dst, edge_attr, lin2_W, lin2_b, mlp2_W1, mlp2_b1, mlp2_W2, mlp2_b2), bn2_g, bn2_b))
    h = jax.nn.relu(_bn(_gine(h, src, dst, edge_attr, lin3_W, lin3_b, mlp3_W1, mlp3_b1, mlp3_W2, mlp3_b2), bn3_g, bn3_b))
    counts = jax.ops.segment_sum(jnp.ones((N,), dtype=h.dtype), batch, num_segments=G)
    x_mean = jax.ops.segment_sum(h, batch, num_segments=G) / jnp.maximum(counts, 1.0)[:, None]
    x_max = jax.ops.segment_max(h, batch, num_segments=G)
    cat = jnp.concatenate([x_mean, x_max], axis=1)
    o = cat @ proj_W + proj_b
    mu = jnp.mean(o, axis=-1, keepdims=True)
    var = jnp.var(o, axis=-1, keepdims=True)
    o = (o - mu) / jnp.sqrt(var + 1e-5) * ln_g + ln_b
    return jax.nn.relu(o)

if __name__ == "__main__":
    import jax
    _d = setup_inputs()
    print(jax.jit(kernel)(*tuple(_d.values())))

</pallas_src>

<mosaic_0001>
#map = affine_map<(d0, d1) -> (0, 0)>
module attributes {stable_mosaic.version = 14 : i64} {
  func.func @_sc_body(%arg0: i32, %arg1: i32, %arg2: memref<100000x32xf32, #tpu.memory_space<hbm>>, %arg3: memref<1605632x32xf32, #tpu.memory_space<hbm>>, %arg4: memref<6272x128xi32, #tpu.memory_space<hbm>>, %arg5: memref<6272x128xi32, #tpu.memory_space<hbm>>, %arg6: memref<102400x32xf32, #tpu.memory_space<hbm>>, %arg7: memref<2x128xi32, #tpu.memory_space<vmem>>, %arg8: memref<2x128xi32, #tpu.memory_space<vmem>>, %arg9: memref<256x32xf32, #tpu.memory_space<vmem>>, %arg10: memref<256x32xf32, #tpu.memory_space<vmem>>, %arg11: memref<51200x32xf32, #tpu.memory_space<vmem_shared>>, %arg12: memref<!tpu.dma_semaphore, #tpu.memory_space<semaphore_mem>>) attributes {dimension_semantics = [#tpu.dimension_semantics<core_parallel>, #tpu.dimension_semantics<subcore_parallel>], iteration_bounds = array<i64: 2, 16>, scalar_prefetch = 0 : i64, scratch_operands = 6 : i64, tpu.core_type = #tpu.core_type<sc_vector_subcore>, window_params = [{transform_indices = #map}, {transform_indices = #map}, {transform_indices = #map}, {transform_indices = #map}, {transform_indices = #map}]} {
    %scan3A = arith.constant 0 : i32
    %scan3A_0 = arith.constant 0 : i32
    %scan3A_1 = arith.constant 128 : i32
    %scan3A_2 = arith.addi %scan3A_0, %scan3A_1 : i32
    %scan3A_3 = arith.constant 1 : i32
    %scan3A_4 = scf.for %scan3A_32 = %scan3A_0 to %scan3A_2 step %scan3A_3 iter_args(%scan3A_33 = %scan3A) -> (i32)  : i32 {
      %broadcast_in_dim3A = arith.constant 0.000000e+00 : f32
      %broadcast_in_dim3A_34 = vector.broadcast %broadcast_in_dim3A : f32 to vector<16xf32>
      %swap3A = arith.index_cast %scan3A_32 : i32 to index
      %swap3A_35 = arith.constant 0 : index
      %swap3A_36 = tpu.vector_load %arg9[%swap3A, %swap3A_35] {strides = array<i32>} : memref<256x32xf32, #tpu.memory_space<vmem>>, vector<1x16xf32>,
      %swap3A_37 = vector.shape_cast %swap3A_36 : vector<1x16xf32> to vector<16xf32>
      %swap3A_38 = vector.shape_cast %broadcast_in_dim3A_34 : vector<16xf32> to vector<1x16xf32>
      tpu.vector_store %arg9[%swap3A, %swap3A_35], %swap3A_38 {strides = array<i32>} : memref<256x32xf32, #tpu.memory_space<vmem>>, vector<1x16xf32>,
      %broadcast_in_dim3A_39 = arith.constant 0.000000e+00 : f32
      %broadcast_in_dim3A_40 = vector.broadcast %broadcast_in_dim3A_39 : f32 to vector<16xf32>
      %swap3A_41 = arith.index_cast %scan3A_32 : i32 to index
      %swap3A_42 = arith.constant 16 : index
      %swap3A_43 = tpu.vector_load %arg9[%swap3A_41, %swap3A_42] {strides = array<i32>} : memref<256x32xf32, #tpu.memory_space<vmem>>, vector<1x16xf32>,
      %swap3A_44 = vector.shape_cast %swap3A_43 : vector<1x16xf32> to vector<16xf32>
      %swap3A_45 = vector.shape_cast %broadcast_in_dim3A_40 : vector<16xf32> to vector<1x16xf32>
      tpu.vector_store %arg9[%swap3A_41, %swap3A_42], %swap3A_45 {strides = array<i32>} : memref<256x32xf32, #tpu.memory_space<vmem>>, vector<1x16xf32>,
      %scan3A_46 = arith.constant 0 : i32
      scf.yield %scan3A_46 : i32
    }
    %scan3A_5 = arith.constant 128 : i32
    %scan3A_6 = arith.constant 0 : i32
    %scan3A_7 = arith.constant 0 : i32
    %scan3A_8 = arith.constant 25 : i32
    %scan3A_9 = arith.addi %scan3A_7, %scan3A_8 : i32
    %scan3A_10 = arith.constant 1 : i32
    %scan3A_11 = scf.for %scan3A_32 = %scan3A_7 to %scan3A_9 step %scan3A_10 iter_args(%scan3A_33 = %scan3A_6) -> (i32)  : i32 {
      %mul3A_34 = arith.constant 3200 : i32
      %mul3A_35 = arith.muli %arg1, %mul3A_34 : i32
      %mul3A_36 = arith.constant 128 : i32
      %mul3A_37 = arith.muli %scan3A_32, %mul3A_36 : i32
      %add3A_38 = arith.addi %mul3A_35, %mul3A_37 : i32
      "tpu.region"() ({
        %run_scoped3A = tpu.sem_alloc : memref<!tpu.dma_semaphore, #tpu.memory_space<semaphore_mem>>
        %dma_start3A = arith.constant 0 : i32
        %dma_start3A_40 = arith.constant 0 : i32
        %dma_start3A_41 = tpu.memref_slice %arg9[%dma_start3A, %dma_start3A_40] : memref<256x32xf32, #tpu.memory_space<vmem>> -> memref<128x32xf32, #tpu.memory_space<vmem>>
        %dma_start3A_42 = arith.constant 0 : i32
        %dma_start3A_43 = tpu.memref_slice %arg11[%add3A_38, %dma_start3A_42] : memref<51200x32xf32, #tpu.memory_space<vmem_shared>> -> memref<128x32xf32, #tpu.memory_space<vmem_shared>>
        %dma_start3A_44 = arith.constant 0 : i32
        %dma_start3A_45 = tpu.memref_slice %arg11[%add3A_38, %dma_start3A_44] : memref<51200x32xf32, #tpu.memory_space<vmem_shared>> -> memref<128x32xf32, #tpu.memory_space<vmem_shared>>
        %dma_start3A_46 = arith.constant 0 : i32
        %dma_start3A_47 = arith.constant 0 : i32
        %dma_start3A_48 = tpu.memref_slice %arg9[%dma_start3A_46, %dma_start3A_47] : memref<256x32xf32, #tpu.memory_space<vmem>> -> memref<128x32xf32, #tpu.memory_space<vmem>>
        tpu.enqueue_dma source(%dma_start3A_48 : memref<128x32xf32, #tpu.memory_space<vmem>>) target(%dma_start3A_45 : memref<128x32xf32, #tpu.memory_space<vmem_shared>>) target_semaphore(%run_scoped3A : memref<!tpu.dma_semaphore, #tpu.memory_space<semaphore_mem>>)
        %dma_wait3A = arith.constant 0 : i32
        %dma_wait3A_49 = arith.constant 0 : i32
        %dma_wait3A_50 = tpu.memref_slice %arg9[%dma_wait3A, %dma_wait3A_49] : memref<256x32xf32, #tpu.memory_space<vmem>> -> memref<128x32xf32, #tpu.memory_space<vmem>>
        %dma_wait3A_51 = arith.constant 0 : i32
        %dma_wait3A_52 = tpu.memref_slice %arg11[%add3A_38, %dma_wait3A_51] : memref<51200x32xf32, #tpu.memory_space<vmem_shared>> -> memref<128x32xf32, #tpu.memory_space<vmem_shared>>
        %dma_wait3A_53 = arith.constant 0 : i32
        %dma_wait3A_54 = tpu.memref_slice %arg11[%add3A_38, %dma_wait3A_53] : memref<51200x32xf32, #tpu.memory_space<vmem_shared>> -> memref<128x32xf32, #tpu.memory_space<vmem_shared>>
        %dma_wait3A_55 = arith.constant 0 : i32
        %dma_wait3A_56 = arith.constant 0 : i32
        %dma_wait3A_57 = tpu.memref_slice %arg9[%dma_wait3A_55, %dma_wait3A_56] : memref<256x32xf32, #tpu.memory_space<vmem>> -> memref<128x32xf32, #tpu.memory_space<vmem>>
        tpu.wait_dma2 semaphore(%run_scoped3A : memref<!tpu.dma_semaphore, #tpu.memory_space<semaphore_mem>>) src(%dma_wait3A_57 : memref<128x32xf32, #tpu.memory_space<vmem>>) dst(%dma_wait3A_54 : memref<128x32xf32, #tpu.memory_space<vmem_shared>>)
        tpu.yield
      }) : () -> ()
      %scan3A_39 = arith.constant 0 : i32
      scf.yield %scan3A_39 : i32
    }
    %scan3A_12 = arith.constant 25 : i32
    %barrier3A = arith.constant 0 : index
    tpu.barrier barrier_id(%barrier3A)
    %mul3A = arith.constant 50000 : i32
    %mul3A_13 = arith.muli %arg0, %mul3A : i32
    %mul3A_14 = arith.constant 6272 : i32
    %mul3A_15 = arith.muli %arg0, %mul3A_14 : i32
    %mul3A_16 = arith.constant 392 : i32
    %mul3A_17 = arith.muli %arg1, %mul3A_16 : i32
    %scan3A_18 = arith.constant 0 : i32
    %scan3A_19 = arith.constant 0 : i32
    %scan3A_20 = arith.constant 196 : i32
    %scan3A_21 = arith.addi %scan3A_19, %scan3A_20 : i32
    %scan3A_22 = arith.constant 1 : i32
    %scan3A_23 = scf.for %scan3A_32 = %scan3A_19 to %scan3A_21 step %scan3A_22 iter_args(%scan3A_33 = %scan3A_18) -> (i32)  : i32 {
      %mul3A_34 = arith.constant 2 : i32
      %mul3A_35 = arith.muli %scan3A_32, %mul3A_34 : i32
      %add3A_36 = arith.addi %mul3A_17, %mul3A_35 : i32
      "tpu.region"() ({
        %run_scoped3A_293 = tpu.sem_alloc : memref<!tpu.dma_semaphore, #tpu.memory_space<semaphore_mem>>
        %dma_start3A_294 = arith.constant 0 : i32
        %dma_start3A_295 = tpu.memref_slice %arg4[%add3A_36, %dma_start3A_294] : memref<6272x128xi32, #tpu.memory_space<hbm>> -> memref<2x128xi32, #tpu.memory_space<hbm>>
        %dma_start3A_296 = arith.constant 0 : i32
        %dma_start3A_297 = tpu.memref_slice %arg4[%add3A_36, %dma_start3A_296] : memref<6272x128xi32, #tpu.memory_space<hbm>> -> memref<2x128xi32, #tpu.memory_space<hbm>>
        tpu.enqueue_dma source(%dma_start3A_297 : memref<2x128xi32, #tpu.memory_space<hbm>>) target(%arg7 : memref<2x128xi32, #tpu.memory_space<vmem>>) target_semaphore(%run_scoped3A_293 : memref<!tpu.dma_semaphore, #tpu.memory_space<semaphore_mem>>)
        %dma_wait3A_298 = arith.constant 0 : i32
        %dma_wait3A_299 = tpu.memref_slice %arg4[%add3A_36, %dma_wait3A_298] : memref<6272x128xi32, #tpu.memory_space<hbm>> -> memref<2x128xi32, #tpu.memory_space<hbm>>
        %dma_wait3A_300 = arith.constant 0 : i32
        %dma_wait3A_301 = tpu.memref_slice %arg4[%add3A_36, %dma_wait3A_300] : memref<6272x128xi32, #tpu.memory_space<hbm>> -> memref<2x128xi32, #tpu.memory_space<hbm>>
        tpu.wait_dma2 semaphore(%run_scoped3A_293 : memref<!tpu.dma_semaphore, #tpu.memory_space<semaphore_mem>>) src(%dma_wait3A_301 : memref<2x128xi32, #tpu.memory_space<hbm>>) dst(%arg7 : memref<2x128xi32, #tpu.memory_space<vmem>>)
        tpu.yield
      }) : () -> ()
      "tpu.region"() ({
        %run_scoped3A_293 = tpu.sem_alloc : memref<!tpu.dma_semaphore, #tpu.memory_space<semaphore_mem>>
        %dma_start3A_294 = arith.constant 0 : i32
        %dma_start3A_295 = tpu.memref_slice %arg5[%add3A_36, %dma_start3A_294] : memref<6272x128xi32, #tpu.memory_space<hbm>> -> memref<2x128xi32, #tpu.memory_space<hbm>>
        %dma_start3A_296 = arith.constant 0 : i32
        %dma_start3A_297 = tpu.memref_slice %arg5[%add3A_36, %dma_start3A_296] : memref<6272x128xi32, #tpu.memory_space<hbm>> -> memref<2x128xi32, #tpu.memory_space<hbm>>
        tpu.enqueue_dma source(%dma_start3A_297 : memref<2x128xi32, #tpu.memory_space<hbm>>) target(%arg8 : memref<2x128xi32, #tpu.memory_space<vmem>>) target_semaphore(%run_scoped3A_293 : memref<!tpu.dma_semaphore, #tpu.memory_space<semaphore_mem>>)
        %dma_wait3A_298 = arith.constant 0 : i32
        %dma_wait3A_299 = tpu.memref_slice %arg5[%add3A_36, %dma_wait3A_298] : memref<6272x128xi32, #tpu.memory_space<hbm>> -> memref<2x128xi32, #tpu.memory_space<hbm>>
        %dma_wait3A_300 = arith.constant 0 : i32
        %dma_wait3A_301 = tpu.memref_slice %arg5[%add3A_36, %dma_wait3A_300] : memref<6272x128xi32, #tpu.memory_space<hbm>> -> memref<2x128xi32, #tpu.memory_space<hbm>>
        tpu.wait_dma2 semaphore(%run_scoped3A_293 : memref<!tpu.dma_semaphore, #tpu.memory_space<semaphore_mem>>) src(%dma_wait3A_301 : memref<2x128xi32, #tpu.memory_space<hbm>>) dst(%arg8 : memref<2x128xi32, #tpu.memory_space<vmem>>)
        tpu.yield
      }) : () -> ()
      %get3A = arith.constant 0 : i32
      %get3A_37 = arith.index_cast %get3A : i32 to index
      %get3A_38 = arith.constant 0 : index
      %get3A_39 = tpu.vector_load %arg7[%get3A_37, %get3A_38] {strides = array<i32>} : memref<2x128xi32, #tpu.memory_space<vmem>>, vector<1x16xi32>,
      %get3A_40 = vector.shape_cast %get3A_39 : vector<1x16xi32> to vector<16xi32>
      %add3A_41 = vector.broadcast %mul3A_13 : i32 to vector<16xi32>
      %add3A_42 = arith.addi %get3A_40, %add3A_41 : vector<16xi32>
      %swap3A = arith.constant 0 : i32
      %swap3A_43 = arith.index_cast %swap3A : i32 to index
      %swap3A_44 = arith.constant 0 : index
      %swap3A_45 = tpu.vector_load %arg7[%swap3A_43, %swap3A_44] {strides = array<i32>} : memref<2x128xi32, #tpu.memory_space<vmem>>, vector<1x16xi32>,
      %swap3A_46 = vector.shape_cast %swap3A_45 : vector<1x16xi32> to vector<16xi32>
      %swap3A_47 = vector.shape_cast %add3A_42 : vector<16xi32> to vector<1x16xi32>
      tpu.vector_store %arg7[%swap3A_43, %swap3A_44], %swap3A_47 {strides = array<i32>} : memref<2x128xi32, #tpu.memory_space<vmem>>, vector<1x16xi32>,
      %get3A_48 = arith.constant 0 : i32
      %get3A_49 = arith.index_cast %get3A_48 : i32 to index
      %get3A_50 = arith.constant 16 : index
      %get3A_51 = tpu.vector_load %arg7[%get3A_49, %get3A_50] {strides = array<i32>} : memref<2x128xi32, #tpu.memory_space<vmem>>, vector<1x16xi32>,
      %get3A_52 = vector.shape_cast %get3A_51 : vector<1x16xi32> to vector<16xi32>
      %add3A_53 = vector.broadcast %mul3A_13 : i32 to vector<16xi32>
      %add3A_54 = arith.addi %get3A_52, %add3A_53 : vector<16xi32>
      %swap3A_55 = arith.constant 0 : i32
      %swap3A_56 = arith.index_cast %swap3A_55 : i32 to index
      %swap3A_57 = arith.constant 16 : index
      %swap3A_58 = tpu.vector_load %arg7[%swap3A_56, %swap3A_57] {strides = array<i32>} : memref<2x128xi32, #tpu.memory_space<vmem>>, vector<1x16xi32>,
      %swap3A_59 = vector.shape_cast %swap3A_58 : vector<1x16xi32> to vector<16xi32>
      %swap3A_60 = vector.shape_cast %add3A_54 : vector<16xi32> to vector<1x16xi32>
      tpu.vector_store %arg7[%swap3A_56, %swap3A_57], %swap3A_60 {strides = array<i32>} : memref<2x128xi32, #tpu.memory_space<vmem>>, vector<1x16xi32>,
      %get3A_61 = arith.constant 0 : i32
      %get3A_62 = arith.index_cast %get3A_61 : i32 to index
      %get3A_63 = arith.constant 32 : index
      %get3A_64 = tpu.vector_load %arg7[%get3A_62, %get3A_63] {strides = array<i32>} : memref<2x128xi32, #tpu.memory_space<vmem>>, vector<1x16xi32>,
      %get3A_65 = vector.shape_cast %get3A_64 : vector<1x16xi32> to vector<16xi32>
      %add3A_66 = vector.broadcast %mul3A_13 : i32 to vector<16xi32>
      %add3A_67 = arith.addi %get3A_65, %add3A_66 : vector<16xi32>
      %swap3A_68 = arith.constant 0 : i32
      %swap3A_69 = arith.index_cast %swap3A_68 : i32 to index
      %swap3A_70 = arith.constant 32 : index
      %swap3A_71 = tpu.vector_load %arg7[%swap3A_69, %swap3A_70] {strides = array<i32>} : memref<2x128xi32, #tpu.memory_space<vmem>>, vector<1x16xi32>,
      %swap3A_72 = vector.shape_cast %swap3A_71 : vector<1x16xi32> to vector<16xi32>
      %swap3A_73 = vector.shape_cast %add3A_67 : vector<16xi32> to vector<1x16xi32>
      tpu.vector_store %arg7[%swap3A_69, %swap3A_70], %swap3A_73 {strides = array<i32>} : memref<2x128xi32, #tpu.memory_space<vmem>>, vector<1x16xi32>,
      %get3A_74 = arith.constant 0 : i32
      %get3A_75 = arith.index_cast %get3A_74 : i32 to index
      %get3A_76 = arith.constant 48 : index
      %get3A_77 = tpu.vector_load %arg7[%get3A_75, %get3A_76] {strides = array<i32>} : memref<2x128xi32, #tpu.memory_space<vmem>>, vector<1x16xi32>,
      %get3A_78 = vector.shape_cast %get3A_77 : vector<1x16xi32> to vector<16xi32>
      %add3A_79 = vector.broadcast %mul3A_13 : i32 to vector<16xi32>
      %add3A_80 = arith.addi %get3A_78, %add3A_79 : vector<16xi32>
      %swap3A_81 = arith.constant 0 : i32
      %swap3A_82 = arith.index_cast %swap3A_81 : i32 to index
      %swap3A_83 = arith.constant 48 : index
      %swap3A_84 = tpu.vector_load %arg7[%swap3A_82, %swap3A_83] {strides = array<i32>} : memref<2x128xi32, #tpu.memory_space<vmem>>, vector<1x16xi32>,
      %swap3A_85 = vector.shape_cast %swap3A_84 : vector<1x16xi32> to vector<16xi32>
      %swap3A_86 = vector.shape_cast %add3A_80 : vector<16xi32> to vector<1x16xi32>
      tpu.vector_store %arg7[%swap3A_82, %swap3A_83], %swap3A_86 {strides = array<i32>} : memref<2x128xi32, #tpu.memory_space<vmem>>, vector<1x16xi32>,
      %get3A_87 = arith.constant 0 : i32
      %get3A_88 = arith.index_cast %get3A_87 : i32 to index
      %get3A_89 = arith.constant 64 : index
      %get3A_90 = tpu.vector_load %arg7[%get3A_88, %get3A_89] {strides = array<i32>} : memref<2x128xi32, #tpu.memory_space<vmem>>, vector<1x16xi32>,
      %get3A_91 = vector.shape_cast %get3A_90 : vector<1x16xi32> to vector<16xi32>
      %add3A_92 = vector.broadcast %mul3A_13 : i32 to vector<16xi32>
      %add3A_93 = arith.addi %get3A_91, %add3A_92 : vector<16xi32>
      %swap3A_94 = arith.constant 0 : i32
      %swap3A_95 = arith.index_cast %swap3A_94 : i32 to index
      %swap3A_96 = arith.constant 64 : index
      %swap3A_97 = tpu.vector_load %arg7[%swap3A_95, %swap3A_96] {strides = array<i32>} : memref<2x128xi32, #tpu.memory_space<vmem>>, vector<1x16xi32>,
      %swap3A_98 = vector.shape_cast %swap3A_97 : vector<1x16xi32> to vector<16xi32>
      %swap3A_99 = vector.shape_cast %add3A_93 : vector<16xi32> to vector<1x16xi32>
      tpu.vector_store %arg7[%swap3A_95, %swap3A_96], %swap3A_99 {strides = array<i32>} : memref<2x128xi32, #tpu.memory_space<vmem>>, vector<1x16xi32>,
      %get3A_100 = arith.constant 0 : i32
      %get3A_101 = arith.index_cast %get3A_100 : i32 to index
      %get3A_102 = arith.constant 80 : index
      %get3A_103 = tpu.vector_load %arg7[%get3A_101, %get3A_102] {strides = array<i32>} : memref<2x128xi32, #tpu.memory_space<vmem>>, vector<1x16xi32>,
      %get3A_104 = vector.shape_cast %get3A_103 : vector<1x16xi32> to vector<16xi32>
      %add3A_105 = vector.broadcast %mul3A_13 : i32 to vector<16xi32>
      %add3A_106 = arith.addi %get3A_104, %add3A_105 : vector<16xi32>
      %swap3A_107 = arith.constant 0 : i32
      %swap3A_108 = arith.index_cast %swap3A_107 : i32 to index
      %swap3A_109 = arith.constant 80 : index
      %swap3A_110 = tpu.vector_load %arg7[%swap3A_108, %swap3A_109] {strides = array<i32>} : memref<2x128xi32, #tpu.memory_space<vmem>>, vector<1x16xi32>,
      %swap3A_111 = vector.shape_cast %swap3A_110 : vector<1x16xi32> to vector<16xi32>
      %swap3A_112 = vector.shape_cast %add3A_106 : vector<16xi32> to vector<1x16xi32>
      tpu.vector_store %arg7[%swap3A_108, %swap3A_109], %swap3A_112 {strides = array<i32>} : memref<2x128xi32, #tpu.memory_space<vmem>>, vector<1x16xi32>,
      %get3A_113 = arith.constant 0 : i32
      %get3A_114 = arith.index_cast %get3A_113 : i32 to index
      %get3A_115 = arith.constant 96 : index
      %get3A_116 = tpu.vector_load %arg7[%get3A_114, %get3A_115] {strides = array<i32>} : memref<2x128xi32, #tpu.memory_space<vmem>>, vector<1x16xi32>,
      %get3A_117 = vector.shape_cast %get3A_116 : vector<1x16xi32> to vector<16xi32>
      %add3A_118 = vector.broadcast %mul3A_13 : i32 to vector<16xi32>
      %add3A_119 = arith.addi %get3A_117, %add3A_118 : vector<16xi32>
      %swap3A_120 = arith.constant 0 : i32
      %swap3A_121 = arith.index_cast %swap3A_120 : i32 to index
      %swap3A_122 = arith.constant 96 : index
      %swap3A_123 = tpu.vector_load %arg7[%swap3A_121, %swap3A_122] {strides = array<i32>} : memref<2x128xi32, #tpu.memory_space<vmem>>, vector<1x16xi32>,
      %swap3A_124 = vector.shape_cast %swap3A_123 : vector<1x16xi32> to vector<16xi32>
      %swap3A_125 = vector.shape_cast %add3A_119 : vector<16xi32> to vector<1x16xi32>
      tpu.vector_store %arg7[%swap3A_121, %swap3A_122], %swap3A_125 {strides = array<i32>} : memref<2x128xi32, #tpu.memory_space<vmem>>, vector<1x16xi32>,
      %get3A_126 = arith.constant 0 : i32
      %get3A_127 = arith.index_cast %get3A_126 : i32 to index
      %get3A_128 = arith.constant 112 : index
      %get3A_129 = tpu.vector_load %arg7[%get3A_127, %get3A_128] {strides = array<i32>} : memref<2x128xi32, #tpu.memory_space<vmem>>, vector<1x16xi32>,
      %get3A_130 = vector.shape_cast %get3A_129 : vector<1x16xi32> to vector<16xi32>
      %add3A_131 = vector.broadcast %mul3A_13 : i32 to vector<16xi32>
      %add3A_132 = arith.addi %get3A_130, %add3A_131 : vector<16xi32>
      %swap3A_133 = arith.constant 0 : i32
      %swap3A_134 = arith.index_cast %swap3A_133 : i32 to index
      %swap3A_135 = arith.constant 112 : index
      %swap3A_136 = tpu.vector_load %arg7[%swap3A_134, %swap3A_135] {strides = array<i32>} : memref<2x128xi32, #tpu.memory_space<vmem>>, vector<1x16xi32>,
      %swap3A_137 = vector.shape_cast %swap3A_136 : vector<1x16xi32> to vector<16xi32>
      %swap3A_138 = vector.shape_cast %add3A_132 : vector<16xi32> to vector<1x16xi32>
      tpu.vector_store %arg7[%swap3A_134, %swap3A_135], %swap3A_138 {strides = array<i32>} : memref<2x128xi32, #tpu.memory_space<vmem>>, vector<1x16xi32>,
      %get3A_139 = arith.constant 1 : i32
      %get3A_140 = arith.index_cast %get3A_139 : i32 to index
      %get3A_141 = arith.constant 0 : index
      %get3A_142 = tpu.vector_load %arg7[%get3A_140, %get3A_141] {strides = array<i32>} : memref<2x128xi32, #tpu.memory_space<vmem>>, vector<1x16xi32>,
      %get3A_143 = vector.shape_cast %get3A_142 : vector<1x16xi32> to vector<16xi32>
      %add3A_144 = vector.broadcast %mul3A_13 : i32 to vector<16xi32>
      %add3A_145 = arith.addi %get3A_143, %add3A_144 : vector<16xi32>
      %swap3A_146 = arith.constant 1 : i32
      %swap3A_147 = arith.index_cast %swap3A_146 : i32 to index
      %swap3A_148 = arith.constant 0 : index
      %swap3A_149 = tpu.vector_load %arg7[%swap3A_147, %swap3A_148] {strides = array<i32>} : memref<2x128xi32, #tpu.memory_space<vmem>>, vector<1x16xi32>,
      %swap3A_150 = vector.shape_cast %swap3A_149 : vector<1x16xi32> to vector<16xi32>
      %swap3A_151 = vector.shape_cast %add3A_145 : vector<16xi32> to vector<1x16xi32>
      tpu.vector_store %arg7[%swap3A_147, %swap3A_148], %swap3A_151 {strides = array<i32>} : memref<2x128xi32, #tpu.memory_space<vmem>>, vector<1x16xi32>,
      %get3A_152 = arith.constant 1 : i32
      %get3A_153 = arith.index_cast %get3A_152 : i32 to index
      %get3A_154 = arith.constant 16 : index
      %get3A_155 = tpu.vector_load %arg7[%get3A_153, %get3A_154] {strides = array<i32>} : memref<2x128xi32, #tpu.memory_space<vmem>>, vector<1x16xi32>,
      %get3A_156 = vector.shape_cast %get3A_155 : vector<1x16xi32> to vector<16xi32>
      %add3A_157 = vector.broadcast %mul3A_13 : i32 to vector<16xi32>
      %add3A_158 = arith.addi %get3A_156, %add3A_157 : vector<16xi32>
      %swap3A_159 = arith.constant 1 : i32
      %swap3A_160 = arith.index_cast %swap3A_159 : i32 to index
      %swap3A_161 = arith.constant 16 : index
      %swap3A_162 = tpu.vector_load %arg7[%swap3A_160, %swap3A_161] {strides = array<i32>} : memref<2x128xi32, #tpu.memory_space<vmem>>, vector<1x16xi32>,
      %swap3A_163 = vector.shape_cast %swap3A_162 : vector<1x16xi32> to vector<16xi32>
      %swap3A_164 = vector.shape_cast %add3A_158 : vector<16xi32> to vector<1x16xi32>
      tpu.vector_store %arg7[%swap3A_160, %swap3A_161], %swap3A_164 {strides = array<i32>} : memref<2x128xi32, #tpu.memory_space<vmem>>, vector<1x16xi32>,
      %get3A_165 = arith.constant 1 : i32
      %get3A_166 = arith.index_cast %get3A_165 : i32 to index
      %get3A_167 = arith.constant 32 : index
      %get3A_168 = tpu.vector_load %arg7[%get3A_166, %get3A_167] {strides = array<i32>} : memref<2x128xi32, #tpu.memory_space<vmem>>, vector<1x16xi32>,
      %get3A_169 = vector.shape_cast %get3A_168 : vector<1x16xi32> to vector<16xi32>
      %add3A_170 = vector.broadcast %mul3A_13 : i32 to vector<16xi32>
      %add3A_171 = arith.addi %get3A_169, %add3A_170 : vector<16xi32>
      %swap3A_172 = arith.constant 1 : i32
      %swap3A_173 = arith.index_cast %swap3A_172 : i32 to index
      %swap3A_174 = arith.constant 32 : index
      %swap3A_175 = tpu.vector_load %arg7[%swap3A_173, %swap3A_174] {strides = array<i32>} : memref<2x128xi32, #tpu.memory_space<vmem>>, vector<1x16xi32>,
      %swap3A_176 = vector.shape_cast %swap3A_175 : vector<1x16xi32> to vector<16xi32>
      %swap3A_177 = vector.shape_cast %add3A_171 : vector<16xi32> to vector<1x16xi32>
      tpu.vector_store %arg7[%swap3A_173, %swap3A_174], %swap3A_177 {strides = array<i32>} : memref<2x128xi32, #tpu.memory_space<vmem>>, vector<1x16xi32>,
      %get3A_178 = arith.constant 1 : i32
      %get3A_179 = arith.index_cast %get3A_178 : i32 to index
      %get3A_180 = arith.constant 48 : index
      %get3A_181 = tpu.vector_load %arg7[%get3A_179, %get3A_180] {strides = array<i32>} : memref<2x128xi32, #tpu.memory_space<vmem>>, vector<1x16xi32>,
      %get3A_182 = vector.shape_cast %get3A_181 : vector<1x16xi32> to vector<16xi32>
      %add3A_183 = vector.broadcast %mul3A_13 : i32 to vector<16xi32>
      %add3A_184 = arith.addi %get3A_182, %add3A_183 : vector<16xi32>
      %swap3A_185 = arith.constant 1 : i32
      %swap3A_186 = arith.index_cast %swap3A_185 : i32 to index
      %swap3A_187 = arith.constant 48 : index
      %swap3A_188 = tpu.vector_load %arg7[%swap3A_186, %swap3A_187] {strides = array<i32>} : memref<2x128xi32, #tpu.memory_space<vmem>>, vector<1x16xi32>,
      %swap3A_189 = vector.shape_cast %swap3A_188 : vector<1x16xi32> to vector<16xi32>
      %swap3A_190 = vector.shape_cast %add3A_184 : vector<16xi32> to vector<1x16xi32>
      tpu.vector_store %arg7[%swap3A_186, %swap3A_187], %swap3A_190 {strides = array<i32>} : memref<2x128xi32, #tpu.memory_space<vmem>>, vector<1x16xi32>,
      %get3A_191 = arith.constant 1 : i32
      %get3A_192 = arith.index_cast %get3A_191 : i32 to index
      %get3A_193 = arith.constant 64 : index
      %get3A_194 = tpu.vector_load %arg7[%get3A_192, %get3A_193] {strides = array<i32>} : memref<2x128xi32, #tpu.memory_space<vmem>>, vector<1x16xi32>,
      %get3A_195 = vector.shape_cast %get3A_194 : vector<1x16xi32> to vector<16xi32>
      %add3A_196 = vector.broadcast %mul3A_13 : i32 to vector<16xi32>
      %add3A_197 = arith.addi %get3A_195, %add3A_196 : vector<16xi32>
      %swap3A_198 = arith.constant 1 : i32
      %swap3A_199 = arith.index_cast %swap3A_198 : i32 to index
      %swap3A_200 = arith.constant 64 : index
      %swap3A_201 = tpu.vector_load %arg7[%swap3A_199, %swap3A_200] {strides = array<i32>} : memref<2x128xi32, #tpu.memory_space<vmem>>, vector<1x16xi32>,
      %swap3A_202 = vector.shape_cast %swap3A_201 : vector<1x16xi32> to vector<16xi32>
      %swap3A_203 = vector.shape_cast %add3A_197 : vector<16xi32> to vector<1x16xi32>
      tpu.vector_store %arg7[%swap3A_199, %swap3A_200], %swap3A_203 {strides = array<i32>} : memref<2x128xi32, #tpu.memory_space<vmem>>, vector<1x16xi32>,
      %get3A_204 = arith.constant 1 : i32
      %get3A_205 = arith.index_cast %get3A_204 : i32 to index
      %get3A_206 = arith.constant 80 : index
      %get3A_207 = tpu.vector_load %arg7[%get3A_205, %get3A_206] {strides = array<i32>} : memref<2x128xi32, #tpu.memory_space<vmem>>, vector<1x16xi32>,
      %get3A_208 = vector.shape_cast %get3A_207 : vector<1x16xi32> to vector<16xi32>
      %add3A_209 = vector.broadcast %mul3A_13 : i32 to vector<16xi32>
      %add3A_210 = arith.addi %get3A_208, %add3A_209 : vector<16xi32>
      %swap3A_211 = arith.constant 1 : i32
      %swap3A_212 = arith.index_cast %swap3A_211 : i32 to index
      %swap3A_213 = arith.constant 80 : index
      %swap3A_214 = tpu.vector_load %arg7[%swap3A_212, %swap3A_213] {strides = array<i32>} : memref<2x128xi32, #tpu.memory_space<vmem>>, vector<1x16xi32>,
      %swap3A_215 = vector.shape_cast %swap3A_214 : vector<1x16xi32> to vector<16xi32>
      %swap3A_216 = vector.shape_cast %add3A_210 : vector<16xi32> to vector<1x16xi32>
      tpu.vector_store %arg7[%swap3A_212, %swap3A_213], %swap3A_216 {strides = array<i32>} : memref<2x128xi32, #tpu.memory_space<vmem>>, vector<1x16xi32>,
      %get3A_217 = arith.constant 1 : i32
      %get3A_218 = arith.index_cast %get3A_217 : i32 to index
      %get3A_219 = arith.constant 96 : index
      %get3A_220 = tpu.vector_load %arg7[%get3A_218, %get3A_219] {strides = array<i32>} : memref<2x128xi32, #tpu.memory_space<vmem>>, vector<1x16xi32>,
      %get3A_221 = vector.shape_cast %get3A_220 : vector<1x16xi32> to vector<16xi32>
      %add3A_222 = vector.broadcast %mul3A_13 : i32 to vector<16xi32>
      %add3A_223 = arith.addi %get3A_221, %add3A_222 : vector<16xi32>
      %swap3A_224 = arith.constant 1 : i32
      %swap3A_225 = arith.index_cast %swap3A_224 : i32 to index
      %swap3A_226 = arith.constant 96 : index
      %swap3A_227 = tpu.vector_load %arg7[%swap3A_225, %swap3A_226] {strides = array<i32>} : memref<2x128xi32, #tpu.memory_space<vmem>>, vector<1x16xi32>,
      %swap3A_228 = vector.shape_cast %swap3A_227 : vector<1x16xi32> to vector<16xi32>
      %swap3A_229 = vector.shape_cast %add3A_223 : vector<16xi32> to vector<1x16xi32>
      tpu.vector_store %arg7[%swap3A_225, %swap3A_226], %swap3A_229 {strides = array<i32>} : memref<2x128xi32, #tpu.memory_space<vmem>>, vector<1x16xi32>,
      %get3A_230 = arith.constant 1 : i32
      %get3A_231 = arith.index_cast %get3A_230 : i32 to index
      %get3A_232 = arith.constant 112 : index
      %get3A_233 = tpu.vector_load %arg7[%get3A_231, %get3A_232] {strides = array<i32>} : memref<2x128xi32, #tpu.memory_space<vmem>>, vector<1x16xi32>,
      %get3A_234 = vector.shape_cast %get3A_233 : vector<1x16xi32> to vector<16xi32>
      %add3A_235 = vector.broadcast %mul3A_13 : i32 to vector<16xi32>
      %add3A_236 = arith.addi %get3A_234, %add3A_235 : vector<16xi32>
      %swap3A_237 = arith.constant 1 : i32
      %swap3A_238 = arith.index_cast %swap3A_237 : i32 to index
      %swap3A_239 = arith.constant 112 : index
      %swap3A_240 = tpu.vector_load %arg7[%swap3A_238, %swap3A_239] {strides = array<i32>} : memref<2x128xi32, #tpu.memory_space<vmem>>, vector<1x16xi32>,
      %swap3A_241 = vector.shape_cast %swap3A_240 : vector<1x16xi32> to vector<16xi32>
      %swap3A_242 = vector.shape_cast %add3A_236 : vector<16xi32> to vector<1x16xi32>
      tpu.vector_store %arg7[%swap3A_238, %swap3A_239], %swap3A_242 {strides = array<i32>} : memref<2x128xi32, #tpu.memory_space<vmem>>, vector<1x16xi32>,
      %dma_start3A = arith.constant 0 : i32
      %dma_start3A_243 = arith.constant 0 : i32
      %dma_start3A_244 = arith.constant 0 : i32
      %dma_start3A_245 = tpu.memref_slice %arg9[%dma_start3A_243, %dma_start3A_244] : memref<256x32xf32, #tpu.memory_space<vmem>> -> memref<128x32xf32, #tpu.memory_space<vmem>>
      %dma_start3A_246 = arith.constant 0 : i32
      %dma_start3A_247 = tpu.memref_slice %arg7[%dma_start3A, %dma_start3A_246] : memref<2x128xi32, #tpu.memory_space<vmem>> -> memref<1x128xi32, #tpu.memory_space<vmem>>
      %dma_start3A_248 = tpu.memref_squeeze %dma_start3A_247 : memref<1x128xi32, #tpu.memory_space<vmem>> -> memref<128xi32, #tpu.memory_space<vmem>>
      %dma_start3A_249 = arith.constant 0 : i32
      %dma_start3A_250 = arith.constant 0 : i32
      %dma_start3A_251 = tpu.memref_slice %arg2[%dma_start3A_249, %dma_start3A_250] : memref<100000x32xf32, #tpu.memory_space<hbm>> -> memref<100000x32xf32, #tpu.memory_space<hbm>>
      tpu.enqueue_indirect_dma source(%dma_start3A_251 : memref<100000x32xf32, #tpu.memory_space<hbm>>) target(%dma_start3A_245 : memref<128x32xf32, #tpu.memory_space<vmem>>) offsets(%dma_start3A_248 : memref<128xi32, #tpu.memory_space<vmem>>) semaphore(%arg12 : memref<!tpu.dma_semaphore, #tpu.memory_space<semaphore_mem>>)
      %dma_start3A_252 = arith.constant 1 : i32
      %dma_start3A_253 = arith.constant 128 : i32
      %dma_start3A_254 = arith.constant 0 : i32
      %dma_start3A_255 = tpu.memref_slice %arg9[%dma_start3A_253, %dma_start3A_254] : memref<256x32xf32, #tpu.memory_space<vmem>> -> memref<128x32xf32, #tpu.memory_space<vmem>>
      %dma_start3A_256 = arith.constant 0 : i32
      %dma_start3A_257 = tpu.memref_slice %arg7[%dma_start3A_252, %dma_start3A_256] : memref<2x128xi32, #tpu.memory_space<vmem>> -> memref<1x128xi32, #tpu.memory_space<vmem>>
      %dma_start3A_258 = tpu.memref_squeeze %dma_start3A_257 : memref<1x128xi32, #tpu.memory_space<vmem>> -> memref<128xi32, #tpu.memory_space<vmem>>
      %dma_start3A_259 = arith.constant 0 : i32
      %dma_start3A_260 = arith.constant 0 : i32
      %dma_start3A_261 = tpu.memref_slice %arg2[%dma_start3A_259, %dma_start3A_260] : memref<100000x32xf32, #tpu.memory_space<hbm>> -> memref<100000x32xf32, #tpu.memory_space<hbm>>
      tpu.enqueue_indirect_dma source(%dma_start3A_261 : memref<100000x32xf32, #tpu.memory_space<hbm>>) target(%dma_start3A_255 : memref<128x32xf32, #tpu.memory_space<vmem>>) offsets(%dma_start3A_258 : memref<128xi32, #tpu.memory_space<vmem>>) semaphore(%arg12 : memref<!tpu.dma_semaphore, #tpu.memory_space<semaphore_mem>>)
      %add3A_262 = arith.addi %mul3A_15, %add3A_36 : i32
      %mul3A_263 = arith.constant 128 : i32
      %mul3A_264 = arith.muli %add3A_262, %mul3A_263 : i32
      "tpu.region"() ({
        %run_scoped3A_293 = tpu.sem_alloc : memref<!tpu.dma_semaphore, #tpu.memory_space<semaphore_mem>>
        %dma_start3A_294 = arith.constant 0 : i32
        %dma_start3A_295 = tpu.memref_slice %arg3[%mul3A_264, %dma_start3A_294] : memref<1605632x32xf32, #tpu.memory_space<hbm>> -> memref<256x32xf32, #tpu.memory_space<hbm>>
        %dma_start3A_296 = arith.constant 0 : i32
        %dma_start3A_297 = tpu.memref_slice %arg3[%mul3A_264, %dma_start3A_296] : memref<1605632x32xf32, #tpu.memory_space<hbm>> -> memref<256x32xf32, #tpu.memory_space<hbm>>
        tpu.enqueue_dma source(%dma_start3A_297 : memref<256x32xf32, #tpu.memory_space<hbm>>) target(%arg10 : memref<256x32xf32, #tpu.memory_space<vmem>>) target_semaphore(%run_scoped3A_293 : memref<!tpu.dma_semaphore, #tpu.memory_space<semaphore_mem>>)
        %dma_wait3A_298 = arith.constant 0 : i32
        %dma_wait3A_299 = tpu.memref_slice %arg3[%mul3A_264, %dma_wait3A_298] : memref<1605632x32xf32, #tpu.memory_space<hbm>> -> memref<256x32xf32, #tpu.memory_space<hbm>>
        %dma_wait3A_300 = arith.constant 0 : i32
        %dma_wait3A_301 = tpu.memref_slice %arg3[%mul3A_264, %dma_wait3A_300] : memref<1605632x32xf32, #tpu.memory_space<hbm>> -> memref<256x32xf32, #tpu.memory_space<hbm>>
        tpu.wait_dma2 semaphore(%run_scoped3A_293 : memref<!tpu.dma_semaphore, #tpu.memory_space<semaphore_mem>>) src(%dma_wait3A_301 : memref<256x32xf32, #tpu.memory_space<hbm>>) dst(%arg10 : memref<256x32xf32, #tpu.memory_space<vmem>>)
        tpu.yield
      }) : () -> ()
      %dma_wait3A = arith.constant 0 : i32
      %dma_wait3A_265 = arith.constant 0 : i32
      %dma_wait3A_266 = arith.constant 0 : i32
      %dma_wait3A_267 = tpu.memref_slice %arg9[%dma_wait3A_265, %dma_wait3A_266] : memref<256x32xf32, #tpu.memory_space<vmem>> -> memref<128x32xf32, #tpu.memory_space<vmem>>
      %dma_wait3A_268 = arith.constant 0 : i32
      %dma_wait3A_269 = tpu.memref_slice %arg7[%dma_wait3A, %dma_wait3A_268] : memref<2x128xi32, #tpu.memory_space<vmem>> -> memref<1x128xi32, #tpu.memory_space<vmem>>
      %dma_wait3A_270 = tpu.memref_squeeze %dma_wait3A_269 : memref<1x128xi32, #tpu.memory_space<vmem>> -> memref<128xi32, #tpu.memory_space<vmem>>
      %dma_wait3A_271 = arith.constant 0 : i32
      %dma_wait3A_272 = arith.constant 0 : i32
      %dma_wait3A_273 = tpu.memref_slice %arg2[%dma_wait3A_271, %dma_wait3A_272] : memref<100000x32xf32, #tpu.memory_space<hbm>> -> memref<100000x32xf32, #tpu.memory_space<hbm>>
      tpu.wait_indirect_dma semaphore(%arg12 : memref<!tpu.dma_semaphore, #tpu.memory_space<semaphore_mem>>) src(%dma_wait3A_273 : memref<100000x32xf32, #tpu.memory_space<hbm>>) dst(%dma_wait3A_267 : memref<128x32xf32, #tpu.memory_space<vmem>>)
      %dma_wait3A_274 = arith.constant 1 : i32
      %dma_wait3A_275 = arith.constant 128 : i32
      %dma_wait3A_276 = arith.constant 0 : i32
      %dma_wait3A_277 = tpu.memref_slice %arg9[%dma_wait3A_275, %dma_wait3A_276] : memref<256x32xf32, #tpu.memory_space<vmem>> -> memref<128x32xf32, #tpu.memory_space<vmem>>
      %dma_wait3A_278 = arith.constant 0 : i32
      %dma_wait3A_279 = tpu.memref_slice %arg7[%dma_wait3A_274, %dma_wait3A_278] : memref<2x128xi32, #tpu.memory_space<vmem>> -> memref<1x128xi32, #tpu.memory_space<vmem>>
      %dma_wait3A_280 = tpu.memref_squeeze %dma_wait3A_279 : memref<1x128xi32, #tpu.memory_space<vmem>> -> memref<128xi32, #tpu.memory_space<vmem>>
      %dma_wait3A_281 = arith.constant 0 : i32
      %dma_wait3A_282 = arith.constant 0 : i32
      %dma_wait3A_283 = tpu.memref_slice %arg2[%dma_wait3A_281, %dma_wait3A_282] : memref<100000x32xf32, #tpu.memory_space<hbm>> -> memref<100000x32xf32, #tpu.memory_space<hbm>>
      tpu.wait_indirect_dma semaphore(%arg12 : memref<!tpu.dma_semaphore, #tpu.memory_space<semaphore_mem>>) src(%dma_wait3A_283 : memref<100000x32xf32, #tpu.memory_space<hbm>>) dst(%dma_wait3A_277 : memref<128x32xf32, #tpu.memory_space<vmem>>)
      %scan3A_284 = arith.constant 0 : i32
      %scan3A_285 = arith.constant 0 : i32
      %scan3A_286 = arith.constant 256 : i32
      %scan3A_287 = arith.addi %scan3A_285, %scan3A_286 : i32
      %scan3A_288 = arith.constant 4 : i32
      %scan3A_289 = scf.for %scan3A_293 = %scan3A_285 to %scan3A_287 step %scan3A_288 iter_args(%scan3A_294 = %scan3A_284) -> (i32)  : i32 {
        %get3A_295 = arith.index_cast %scan3A_293 : i32 to index
        %get3A_296 = arith.constant 0 : index
        %get3A_297 = tpu.vector_load %arg9[%get3A_295, %get3A_296] {strides = array<i32>} : memref<256x32xf32, #tpu.memory_space<vmem>>, vector<1x16xf32>,
        %get3A_298 = vector.shape_cast %get3A_297 : vector<1x16xf32> to vector<16xf32>
        %get3A_299 = arith.index_cast %scan3A_293 : i32 to index
        %get3A_300 = arith.constant 0 : index
        %get3A_301 = tpu.vector_load %arg10[%get3A_299, %get3A_300] {strides = array<i32>} : memref<256x32xf32, #tpu.memory_space<vmem>>, vector<1x16xf32>,
        %get3A_302 = vector.shape_cast %get3A_301 : vector<1x16xf32> to vector<16xf32>
        %add3A_303 = arith.addf %get3A_298, %get3A_302 : vector<16xf32>
        %get3A_304 = arith.index_cast %scan3A_293 : i32 to index
        %get3A_305 = arith.constant 16 : index
        %get3A_306 = tpu.vector_load %arg9[%get3A_304, %get3A_305] {strides = array<i32>} : memref<256x32xf32, #tpu.memory_space<vmem>>, vector<1x16xf32>,
        %get3A_307 = vector.shape_cast %get3A_306 : vector<1x16xf32> to vector<16xf32>
        %get3A_308 = arith.index_cast %scan3A_293 : i32 to index
        %get3A_309 = arith.constant 16 : index
        %get3A_310 = tpu.vector_load %arg10[%get3A_308, %get3A_309] {strides = array<i32>} : memref<256x32xf32, #tpu.memory_space<vmem>>, vector<1x16xf32>,
        %get3A_311 = vector.shape_cast %get3A_310 : vector<1x16xf32> to vector<16xf32>
        %add3A_312 = arith.addf %get3A_307, %get3A_311 : vector<16xf32>
        %max3A = arith.constant 0.000000e+00 : f32
        %max3A_313 = vector.broadcast %max3A : f32 to vector<16xf32>
        %max3A_314 = arith.maximumf %add3A_303, %max3A_313 : vector<16xf32>
        %swap3A_315 = arith.index_cast %scan3A_293 : i32 to index
        %swap3A_316 = arith.constant 0 : index
        %swap3A_317 = tpu.vector_load %arg9[%swap3A_315, %swap3A_316] {strides = array<i32>} : memref<256x32xf32, #tpu.memory_space<vmem>>, vector<1x16xf32>,
        %swap3A_318 = vector.shape_cast %swap3A_317 : vector<1x16xf32> to vector<16xf32>
        %swap3A_319 = vector.shape_cast %max3A_314 : vector<16xf32> to vector<1x16xf32>
        tpu.vector_store %arg9[%swap3A_315, %swap3A_316], %swap3A_319 {strides = array<i32>} : memref<256x32xf32, #tpu.memory_space<vmem>>, vector<1x16xf32>,
        %max3A_320 = arith.constant 0.000000e+00 : f32
        %max3A_321 = vector.broadcast %max3A_320 : f32 to vector<16xf32>
        %max3A_322 = arith.maximumf %add3A_312, %max3A_321 : vector<16xf32>
        %swap3A_323 = arith.index_cast %scan3A_293 : i32 to index
        %swap3A_324 = arith.constant 16 : index
        %swap3A_325 = tpu.vector_load %arg9[%swap3A_323, %swap3A_324] {strides = array<i32>} : memref<256x32xf32, #tpu.memory_space<vmem>>, vector<1x16xf32>,
        %swap3A_326 = vector.shape_cast %swap3A_325 : vector<1x16xf32> to vector<16xf32>
        %swap3A_327 = vector.shape_cast %max3A_322 : vector<16xf32> to vector<1x16xf32>
        tpu.vector_store %arg9[%swap3A_323, %swap3A_324], %swap3A_327 {strides = array<i32>} : memref<256x32xf32, #tpu.memory_space<vmem>>, vector<1x16xf32>,
        %scan3A_328 = arith.constant 0 : i32
        %scan3A_329 = arith.constant 1 : i32
        %scan3A_330 = arith.addi %scan3A_293, %scan3A_329 : i32
        %get3A_331 = arith.index_cast %scan3A_330 : i32 to index
        %get3A_332 = arith.constant 0 : index
        %get3A_333 = tpu.vector_load %arg9[%get3A_331, %get3A_332] {strides = array<i32>} : memref<256x32xf32, #tpu.memory_space<vmem>>, vector<1x16xf32>,
        %get3A_334 = vector.shape_cast %get3A_333 : vector<1x16xf32> to vector<16xf32>
        %get3A_335 = arith.index_cast %scan3A_330 : i32 to index
        %get3A_336 = arith.constant 0 : index
        %get3A_337 = tpu.vector_load %arg10[%get3A_335, %get3A_336] {strides = array<i32>} : memref<256x32xf32, #tpu.memory_space<vmem>>, vector<1x16xf32>,
        %get3A_338 = vector.shape_cast %get3A_337 : vector<1x16xf32> to vector<16xf32>
        %add3A_339 = arith.addf %get3A_334, %get3A_338 : vector<16xf32>
        %get3A_340 = arith.index_cast %scan3A_330 : i32 to index
        %get3A_341 = arith.constant 16 : index
        %get3A_342 = tpu.vector_load %arg9[%get3A_340, %get3A_341] {strides = array<i32>} : memref<256x32xf32, #tpu.memory_space<vmem>>, vector<1x16xf32>,
        %get3A_343 = vector.shape_cast %get3A_342 : vector<1x16xf32> to vector<16xf32>
        %get3A_344 = arith.index_cast %scan3A_330 : i32 to index
        %get3A_345 = arith.constant 16 : index
        %get3A_346 = tpu.vector_load %arg10[%get3A_344, %get3A_345] {strides = array<i32>} : memref<256x32xf32, #tpu.memory_space<vmem>>, vector<1x16xf32>,
        %get3A_347 = vector.shape_cast %get3A_346 : vector<1x16xf32> to vector<16xf32>
        %add3A_348 = arith.addf %get3A_343, %get3A_347 : vector<16xf32>
        %max3A_349 = arith.constant 0.000000e+00 : f32
        %max3A_350 = vector.broadcast %max3A_349 : f32 to vector<16xf32>
        %max3A_351 = arith.maximumf %add3A_339, %max3A_350 : vector<16xf32>
        %swap3A_352 = arith.index_cast %scan3A_330 : i32 to index
        %swap3A_353 = arith.constant 0 : index
        %swap3A_354 = tpu.vector_load %arg9[%swap3A_352, %swap3A_353] {strides = array<i32>} : memref<256x32xf32, #tpu.memory_space<vmem>>, vector<1x16xf32>,
        %swap3A_355 = vector.shape_cast %swap3A_354 : vector<1x16xf32> to vector<16xf32>
        %swap3A_356 = vector.shape_cast %max3A_351 : vector<16xf32> to vector<1x16xf32>
        tpu.vector_store %arg9[%swap3A_352, %swap3A_353], %swap3A_356 {strides = array<i32>} : memref<256x32xf32, #tpu.memory_space<vmem>>, vector<1x16xf32>,
        %max3A_357 = arith.constant 0.000000e+00 : f32
        %max3A_358 = vector.broadcast %max3A_357 : f32 to vector<16xf32>
        %max3A_359 = arith.maximumf %add3A_348, %max3A_358 : vector<16xf32>
        %swap3A_360 = arith.index_cast %scan3A_330 : i32 to index
        %swap3A_361 = arith.constant 16 : index
        %swap3A_362 = tpu.vector_load %arg9[%swap3A_360, %swap3A_361] {strides = array<i32>} : memref<256x32xf32, #tpu.memory_space<vmem>>, vector<1x16xf32>,
        %swap3A_363 = vector.shape_cast %swap3A_362 : vector<1x16xf32> to vector<16xf32>
        %swap3A_364 = vector.shape_cast %max3A_359 : vector<16xf32> to vector<1x16xf32>
        tpu.vector_store %arg9[%swap3A_360, %swap3A_361], %swap3A_364 {strides = array<i32>} : memref<256x32xf32, #tpu.memory_space<vmem>>, vector<1x16xf32>,
        %scan3A_365 = arith.constant 0 : i32
        %scan3A_366 = arith.constant 2 : i32
        %scan3A_367 = arith.addi %scan3A_293, %scan3A_366 : i32
        %get3A_368 = arith.index_cast %scan3A_367 : i32 to index
        %get3A_369 = arith.constant 0 : index
        %get3A_370 = tpu.vector_load %arg9[%get3A_368, %get3A_369] {strides = array<i32>} : memref<256x32xf32, #tpu.memory_space<vmem>>, vector<1x16xf32>,
        %get3A_371 = vector.shape_cast %get3A_370 : vector<1x16xf32> to vector<16xf32>
        %get3A_372 = arith.index_cast %scan3A_367 : i32 to index
        %get3A_373 = arith.constant 0 : index
        %get3A_374 = tpu.vector_load %arg10[%get3A_372, %get3A_373] {strides = array<i32>} : memref<256x32xf32, #tpu.memory_space<vmem>>, vector<1x16xf32>,
        %get3A_375 = vector.shape_cast %get3A_374 : vector<1x16xf32> to vector<16xf32>
        %add3A_376 = arith.addf %get3A_371, %get3A_375 : vector<16xf32>
        %get3A_377 = arith.index_cast %scan3A_367 : i32 to index
        %get3A_378 = arith.constant 16 : index
        %get3A_379 = tpu.vector_load %arg9[%get3A_377, %get3A_378] {strides = array<i32>} : memref<256x32xf32, #tpu.memory_space<vmem>>, vector<1x16xf32>,
        %get3A_380 = vector.shape_cast %get3A_379 : vector<1x16xf32> to vector<16xf32>
        %get3A_381 = arith.index_cast %scan3A_367 : i32 to index
        %get3A_382 = arith.constant 16 : index
        %get3A_383 = tpu.vector_load %arg10[%get3A_381, %get3A_382] {strides = array<i32>} : memref<256x32xf32, #tpu.memory_space<vmem>>, vector<1x16xf32>,
        %get3A_384 = vector.shape_cast %get3A_383 : vector<1x16xf32> to vector<16xf32>
        %add3A_385 = arith.addf %get3A_380, %get3A_384 : vector<16xf32>
        %max3A_386 = arith.constant 0.000000e+00 : f32
        %max3A_387 = vector.broadcast %max3A_386 : f32 to vector<16xf32>
        %max3A_388 = arith.maximumf %add3A_376, %max3A_387 : vector<16xf32>
        %swap3A_389 = arith.index_cast %scan3A_367 : i32 to index
        %swap3A_390 = arith.constant 0 : index
        %swap3A_391 = tpu.vector_load %arg9[%swap3A_389, %swap3A_390] {strides = array<i32>} : memref<256x32xf32, #tpu.memory_space<vmem>>, vector<1x16xf32>,
        %swap3A_392 = vector.shape_cast %swap3A_391 : vector<1x16xf32> to vector<16xf32>
        %swap3A_393 = vector.shape_cast %max3A_388 : vector<16xf32> to vector<1x16xf32>
        tpu.vector_store %arg9[%swap3A_389, %swap3A_390], %swap3A_393 {strides = array<i32>} : memref<256x32xf32, #tpu.memory_space<vmem>>, vector<1x16xf32>,
        %max3A_394 = arith.constant 0.000000e+00 : f32
        %max3A_395 = vector.broadcast %max3A_394 : f32 to vector<16xf32>
        %max3A_396 = arith.maximumf %add3A_385, %max3A_395 : vector<16xf32>
        %swap3A_397 = arith.index_cast %scan3A_367 : i32 to index
        %swap3A_398 = arith.constant 16 : index
        %swap3A_399 = tpu.vector_load %arg9[%swap3A_397, %swap3A_398] {strides = array<i32>} : memref<256x32xf32, #tpu.memory_space<vmem>>, vector<1x16xf32>,
        %swap3A_400 = vector.shape_cast %swap3A_399 : vector<1x16xf32> to vector<16xf32>
        %swap3A_401 = vector.shape_cast %max3A_396 : vector<16xf32> to vector<1x16xf32>
        tpu.vector_store %arg9[%swap3A_397, %swap3A_398], %swap3A_401 {strides = array<i32>} : memref<256x32xf32, #tpu.memory_space<vmem>>, vector<1x16xf32>,
        %scan3A_402 = arith.constant 0 : i32
        %scan3A_403 = arith.constant 3 : i32
        %scan3A_404 = arith.addi %scan3A_293, %scan3A_403 : i32
        %get3A_405 = arith.index_cast %scan3A_404 : i32 to index
        %get3A_406 = arith.constant 0 : index
        %get3A_407 = tpu.vector_load %arg9[%get3A_405, %get3A_406] {strides = array<i32>} : memref<256x32xf32, #tpu.memory_space<vmem>>, vector<1x16xf32>,
        %get3A_408 = vector.shape_cast %get3A_407 : vector<1x16xf32> to vector<16xf32>
        %get3A_409 = arith.index_cast %scan3A_404 : i32 to index
        %get3A_410 = arith.constant 0 : index
        %get3A_411 = tpu.vector_load %arg10[%get3A_409, %get3A_410] {strides = array<i32>} : memref<256x32xf32, #tpu.memory_space<vmem>>, vector<1x16xf32>,
        %get3A_412 = vector.shape_cast %get3A_411 : vector<1x16xf32> to vector<16xf32>
        %add3A_413 = arith.addf %get3A_408, %get3A_412 : vector<16xf32>
        %get3A_414 = arith.index_cast %scan3A_404 : i32 to index
        %get3A_415 = arith.constant 16 : index
        %get3A_416 = tpu.vector_load %arg9[%get3A_414, %get3A_415] {strides = array<i32>} : memref<256x32xf32, #tpu.memory_space<vmem>>, vector<1x16xf32>,
        %get3A_417 = vector.shape_cast %get3A_416 : vector<1x16xf32> to vector<16xf32>
        %get3A_418 = arith.index_cast %scan3A_404 : i32 to index
        %get3A_419 = arith.constant 16 : index
        %get3A_420 = tpu.vector_load %arg10[%get3A_418, %get3A_419] {strides = array<i32>} : memref<256x32xf32, #tpu.memory_space<vmem>>, vector<1x16xf32>,
        %get3A_421 = vector.shape_cast %get3A_420 : vector<1x16xf32> to vector<16xf32>
        %add3A_422 = arith.addf %get3A_417, %get3A_421 : vector<16xf32>
        %max3A_423 = arith.constant 0.000000e+00 : f32
        %max3A_424 = vector.broadcast %max3A_423 : f32 to vector<16xf32>
        %max3A_425 = arith.maximumf %add3A_413, %max3A_424 : vector<16xf32>
        %swap3A_426 = arith.index_cast %scan3A_404 : i32 to index
        %swap3A_427 = arith.constant 0 : index
        %swap3A_428 = tpu.vector_load %arg9[%swap3A_426, %swap3A_427] {strides = array<i32>} : memref<256x32xf32, #tpu.memory_space<vmem>>, vector<1x16xf32>,
        %swap3A_429 = vector.shape_cast %swap3A_428 : vector<1x16xf32> to vector<16xf32>
        %swap3A_430 = vector.shape_cast %max3A_425 : vector<16xf32> to vector<1x16xf32>
        tpu.vector_store %arg9[%swap3A_426, %swap3A_427], %swap3A_430 {strides = array<i32>} : memref<256x32xf32, #tpu.memory_space<vmem>>, vector<1x16xf32>,
        %max3A_431 = arith.constant 0.000000e+00 : f32
        %max3A_432 = vector.broadcast %max3A_431 : f32 to vector<16xf32>
        %max3A_433 = arith.maximumf %add3A_422, %max3A_432 : vector<16xf32>
        %swap3A_434 = arith.index_cast %scan3A_404 : i32 to index
        %swap3A_435 = arith.constant 16 : index
        %swap3A_436 = tpu.vector_load %arg9[%swap3A_434, %swap3A_435] {strides = array<i32>} : memref<256x32xf32, #tpu.memory_space<vmem>>, vector<1x16xf32>,
        %swap3A_437 = vector.shape_cast %swap3A_436 : vector<1x16xf32> to vector<16xf32>
        %swap3A_438 = vector.shape_cast %max3A_433 : vector<16xf32> to vector<1x16xf32>
        tpu.vector_store %arg9[%swap3A_434, %swap3A_435], %swap3A_438 {strides = array<i32>} : memref<256x32xf32, #tpu.memory_space<vmem>>, vector<1x16xf32>,
        %scan3A_439 = arith.constant 0 : i32
        scf.yield %scan3A_439 : i32
      }
      %scan3A_290 = arith.constant 256 : i32
      %run_scoped3A = arith.constant 0 : i32
      "tpu.region"() ({
        %run_scoped3A_293 = tpu.sem_alloc : memref<!tpu.dma_semaphore, #tpu.memory_space<semaphore_mem>>
        %dma_start3A_294 = arith.constant 0 : i32
        %dma_start3A_295 = arith.constant 0 : i32
        %dma_start3A_296 = tpu.memref_slice %arg9[%dma_start3A_294, %dma_start3A_295] : memref<256x32xf32, #tpu.memory_space<vmem>> -> memref<128x32xf32, #tpu.memory_space<vmem>>
        %dma_start3A_297 = arith.constant 0 : i32
        %dma_start3A_298 = tpu.memref_slice %arg8[%run_scoped3A, %dma_start3A_297] : memref<2x128xi32, #tpu.memory_space<vmem>> -> memref<1x128xi32, #tpu.memory_space<vmem>>
        %dma_start3A_299 = tpu.memref_squeeze %dma_start3A_298 : memref<1x128xi32, #tpu.memory_space<vmem>> -> memref<128xi32, #tpu.memory_space<vmem>>
        %dma_start3A_300 = arith.constant 0 : i32
        %dma_start3A_301 = arith.constant 0 : i32
        %dma_start3A_302 = tpu.memref_slice %arg11[%dma_start3A_300, %dma_start3A_301] : memref<51200x32xf32, #tpu.memory_space<vmem_shared>> -> memref<51200x32xf32, #tpu.memory_space<vmem_shared>>
        tpu.enqueue_indirect_dma source(%dma_start3A_296 : memref<128x32xf32, #tpu.memory_space<vmem>>) target(%dma_start3A_302 : memref<51200x32xf32, #tpu.memory_space<vmem_shared>>) offsets(%dma_start3A_299 : memref<128xi32, #tpu.memory_space<vmem>>) semaphore(%run_scoped3A_293 : memref<!tpu.dma_semaphore, #tpu.memory_space<semaphore_mem>>) {add = true}
        %dma_wait3A_303 = arith.constant 0 : i32
        %dma_wait3A_304 = arith.constant 0 : i32
        %dma_wait3A_305 = tpu.memref_slice %arg9[%dma_wait3A_303, %dma_wait3A_304] : memref<256x32xf32, #tpu.memory_space<vmem>> -> memref<128x32xf32, #tpu.memory_space<vmem>>
        %dma_wait3A_306 = arith.constant 0 : i32
        %dma_wait3A_307 = tpu.memref_slice %arg8[%run_scoped3A, %dma_wait3A_306] : memref<2x128xi32, #tpu.memory_space<vmem>> -> memref<1x128xi32, #tpu.memory_space<vmem>>
        %dma_wait3A_308 = tpu.memref_squeeze %dma_wait3A_307 : memref<1x128xi32, #tpu.memory_space<vmem>> -> memref<128xi32, #tpu.memory_space<vmem>>
        %dma_wait3A_309 = arith.constant 0 : i32
        %dma_wait3A_310 = arith.constant 0 : i32
        %dma_wait3A_311 = tpu.memref_slice %arg11[%dma_wait3A_309, %dma_wait3A_310] : memref<51200x32xf32, #tpu.memory_space<vmem_shared>> -> memref<51200x32xf32, #tpu.memory_space<vmem_shared>>
        tpu.wait_indirect_dma semaphore(%run_scoped3A_293 : memref<!tpu.dma_semaphore, #tpu.memory_space<semaphore_mem>>) src(%dma_wait3A_305 : memref<128x32xf32, #tpu.memory_space<vmem>>) dst(%dma_wait3A_311 : memref<51200x32xf32, #tpu.memory_space<vmem_shared>>)
        tpu.yield
      }) : () -> ()
      %run_scoped3A_291 = arith.constant 1 : i32
      "tpu.region"() ({
        %run_scoped3A_293 = tpu.sem_alloc : memref<!tpu.dma_semaphore, #tpu.memory_space<semaphore_mem>>
        %dma_start3A_294 = arith.constant 128 : i32
        %dma_start3A_295 = arith.constant 0 : i32
        %dma_start3A_296 = tpu.memref_slice %arg9[%dma_start3A_294, %dma_start3A_295] : memref<256x32xf32, #tpu.memory_space<vmem>> -> memref<128x32xf32, #tpu.memory_space<vmem>>
        %dma_start3A_297 = arith.constant 0 : i32
        %dma_start3A_298 = tpu.memref_slice %arg8[%run_scoped3A_291, %dma_start3A_297] : memref<2x128xi32, #tpu.memory_space<vmem>> -> memref<1x128xi32, #tpu.memory_space<vmem>>
        %dma_start3A_299 = tpu.memref_squeeze %dma_start3A_298 : memref<1x128xi32, #tpu.memory_space<vmem>> -> memref<128xi32, #tpu.memory_space<vmem>>
        %dma_start3A_300 = arith.constant 0 : i32
        %dma_start3A_301 = arith.constant 0 : i32
        %dma_start3A_302 = tpu.memref_slice %arg11[%dma_start3A_300, %dma_start3A_301] : memref<51200x32xf32, #tpu.memory_space<vmem_shared>> -> memref<51200x32xf32, #tpu.memory_space<vmem_shared>>
        tpu.enqueue_indirect_dma source(%dma_start3A_296 : memref<128x32xf32, #tpu.memory_space<vmem>>) target(%dma_start3A_302 : memref<51200x32xf32, #tpu.memory_space<vmem_shared>>) offsets(%dma_start3A_299 : memref<128xi32, #tpu.memory_space<vmem>>) semaphore(%run_scoped3A_293 : memref<!tpu.dma_semaphore, #tpu.memory_space<semaphore_mem>>) {add = true}
        %dma_wait3A_303 = arith.constant 128 : i32
        %dma_wait3A_304 = arith.constant 0 : i32
        %dma_wait3A_305 = tpu.memref_slice %arg9[%dma_wait3A_303, %dma_wait3A_304] : memref<256x32xf32, #tpu.memory_space<vmem>> -> memref<128x32xf32, #tpu.memory_space<vmem>>
        %dma_wait3A_306 = arith.constant 0 : i32
        %dma_wait3A_307 = tpu.memref_slice %arg8[%run_scoped3A_291, %dma_wait3A_306] : memref<2x128xi32, #tpu.memory_space<vmem>> -> memref<1x128xi32, #tpu.memory_space<vmem>>
        %dma_wait3A_308 = tpu.memref_squeeze %dma_wait3A_307 : memref<1x128xi32, #tpu.memory_space<vmem>> -> memref<128xi32, #tpu.memory_space<vmem>>
        %dma_wait3A_309 = arith.constant 0 : i32
        %dma_wait3A_310 = arith.constant 0 : i32
        %dma_wait3A_311 = tpu.memref_slice %arg11[%dma_wait3A_309, %dma_wait3A_310] : memref<51200x32xf32, #tpu.memory_space<vmem_shared>> -> memref<51200x32xf32, #tpu.memory_space<vmem_shared>>
        tpu.wait_indirect_dma semaphore(%run_scoped3A_293 : memref<!tpu.dma_semaphore, #tpu.memory_space<semaphore_mem>>) src(%dma_wait3A_305 : memref<128x32xf32, #tpu.memory_space<vmem>>) dst(%dma_wait3A_311 : memref<51200x32xf32, #tpu.memory_space<vmem_shared>>)
        tpu.yield
      }) : () -> ()
      %scan3A_292 = arith.constant 0 : i32
      scf.yield %scan3A_292 : i32
    }
    %scan3A_24 = arith.constant 196 : i32
    %barrier3A_25 = arith.constant 0 : index
    tpu.barrier barrier_id(%barrier3A_25)
    %mul3A_26 = arith.constant 3200 : i32
    %mul3A_27 = arith.muli %arg1, %mul3A_26 : i32
    %mul3A_28 = arith.constant 51200 : i32
    %mul3A_29 = arith.muli %arg0, %mul3A_28 : i32
    %mul3A_30 = arith.constant 3200 : i32
    %mul3A_31 = arith.muli %arg1, %mul3A_30 : i32
    %add3A = arith.addi %mul3A_29, %mul3A_31 : i32
    "tpu.region"() ({
      %run_scoped3A = tpu.sem_alloc : memref<!tpu.dma_semaphore, #tpu.memory_space<semaphore_mem>>
      %dma_start3A = arith.constant 0 : i32
      %dma_start3A_32 = tpu.memref_slice %arg6[%add3A, %dma_start3A] : memref<102400x32xf32, #tpu.memory_space<hbm>> -> memref<3200x32xf32, #tpu.memory_space<hbm>>
      %dma_start3A_33 = arith.constant 0 : i32
      %dma_start3A_34 = tpu.memref_slice %arg11[%mul3A_27, %dma_start3A_33] : memref<51200x32xf32, #tpu.memory_space<vmem_shared>> -> memref<3200x32xf32, #tpu.memory_space<vmem_shared>>
      tpu.enqueue_dma source(%dma_start3A_34 : memref<3200x32xf32, #tpu.memory_space<vmem_shared>>) target(%dma_start3A_32 : memref<3200x32xf32, #tpu.memory_space<hbm>>) target_semaphore(%run_scoped3A : memref<!tpu.dma_semaphore, #tpu.memory_space<semaphore_mem>>)
      %dma_wait3A = arith.constant 0 : i32
      %dma_wait3A_35 = tpu.memref_slice %arg6[%add3A, %dma_wait3A] : memref<102400x32xf32, #tpu.memory_space<hbm>> -> memref<3200x32xf32, #tpu.memory_space<hbm>>
      %dma_wait3A_36 = arith.constant 0 : i32
      %dma_wait3A_37 = tpu.memref_slice %arg11[%mul3A_27, %dma_wait3A_36] : memref<51200x32xf32, #tpu.memory_space<vmem_shared>> -> memref<3200x32xf32, #tpu.memory_space<vmem_shared>>
      tpu.wait_dma2 semaphore(%run_scoped3A : memref<!tpu.dma_semaphore, #tpu.memory_space<semaphore_mem>>) src(%dma_wait3A_37 : memref<3200x32xf32, #tpu.memory_space<vmem_shared>>) dst(%dma_wait3A_35 : memref<3200x32xf32, #tpu.memory_space<hbm>>)
      tpu.yield
    }) : () -> ()
    return
  }
}

#map = affine_map<(d0, d1) -> (0, 0)>
module attributes {stable_mosaic.version = 14 : i64} {
  func.func @_sc_body(%arg0: i32, %arg1: i32, %arg2: memref<100000x32xf32, #tpu.memory_space<hbm>>, %arg3: memref<1605632x32xf32, #tpu.memory_space<hbm>>, %arg4: memref<6272x128xi32, #tpu.memory_space<hbm>>, %arg5: memref<6272x128xi32, #tpu.memory_space<hbm>>, %arg6: memref<102400x32xf32, #tpu.memory_space<hbm>>, %arg7: memref<2x128xi32, #tpu.memory_space<vmem>>, %arg8: memref<2x128xi32, #tpu.memory_space<vmem>>, %arg9: memref<256x32xf32, #tpu.memory_space<vmem>>, %arg10: memref<256x32xf32, #tpu.memory_space<vmem>>, %arg11: memref<51200x32xf32, #tpu.memory_space<vmem_shared>>, %arg12: memref<!tpu.dma_semaphore, #tpu.memory_space<semaphore_mem>>) attributes {dimension_semantics = [#tpu.dimension_semantics<core_parallel>, #tpu.dimension_semantics<subcore_parallel>], iteration_bounds = array<i64: 2, 16>, scalar_prefetch = 0 : i64, scratch_operands = 6 : i64, tpu.core_type = #tpu.core_type<sc_vector_subcore>, window_params = [{transform_indices = #map}, {transform_indices = #map}, {transform_indices = #map}, {transform_indices = #map}, {transform_indices = #map}]} {
    %scan3A = arith.constant 0 : i32
    %scan3A_0 = arith.constant 0 : i32
    %scan3A_1 = arith.constant 128 : i32
    %scan3A_2 = arith.addi %scan3A_0, %scan3A_1 : i32
    %scan3A_3 = arith.constant 1 : i32
    %scan3A_4 = scf.for %scan3A_32 = %scan3A_0 to %scan3A_2 step %scan3A_3 iter_args(%scan3A_33 = %scan3A) -> (i32)  : i32 {
      %broadcast_in_dim3A = arith.constant 0.000000e+00 : f32
      %broadcast_in_dim3A_34 = vector.broadcast %broadcast_in_dim3A : f32 to vector<16xf32>
      %swap3A = arith.index_cast %scan3A_32 : i32 to index
      %swap3A_35 = arith.constant 0 : index
      %swap3A_36 = tpu.vector_load %arg9[%swap3A, %swap3A_35] {strides = array<i32>} : memref<256x32xf32, #tpu.memory_space<vmem>>, vector<1x16xf32>,
      %swap3A_37 = vector.shape_cast %swap3A_36 : vector<1x16xf32> to vector<16xf32>
      %swap3A_38 = vector.shape_cast %broadcast_in_dim3A_34 : vector<16xf32> to vector<1x16xf32>
      tpu.vector_store %arg9[%swap3A, %swap3A_35], %swap3A_38 {strides = array<i32>} : memref<256x32xf32, #tpu.memory_space<vmem>>, vector<1x16xf32>,
      %broadcast_in_dim3A_39 = arith.constant 0.000000e+00 : f32
      %broadcast_in_dim3A_40 = vector.broadcast %broadcast_in_dim3A_39 : f32 to vector<16xf32>
      %swap3A_41 = arith.index_cast %scan3A_32 : i32 to index
      %swap3A_42 = arith.constant 16 : index
      %swap3A_43 = tpu.vector_load %arg9[%swap3A_41, %swap3A_42] {strides = array<i32>} : memref<256x32xf32, #tpu.memory_space<vmem>>, vector<1x16xf32>,
      %swap3A_44 = vector.shape_cast %swap3A_43 : vector<1x16xf32> to vector<16xf32>
      %swap3A_45 = vector.shape_cast %broadcast_in_dim3A_40 : vector<16xf32> to vector<1x16xf32>
      tpu.vector_store %arg9[%swap3A_41, %swap3A_42], %swap3A_45 {strides = array<i32>} : memref<256x32xf32, #tpu.memory_space<vmem>>, vector<1x16xf32>,
      %scan3A_46 = arith.constant 0 : i32
      scf.yield %scan3A_46 : i32
    }
    %scan3A_5 = arith.constant 128 : i32
    %scan3A_6 = arith.constant 0 : i32
    %scan3A_7 = arith.constant 0 : i32
    %scan3A_8 = arith.constant 25 : i32
    %scan3A_9 = arith.addi %scan3A_7, %scan3A_8 : i32
    %scan3A_10 = arith.constant 1 : i32
    %scan3A_11 = scf.for %scan3A_32 = %scan3A_7 to %scan3A_9 step %scan3A_10 iter_args(%scan3A_33 = %scan3A_6) -> (i32)  : i32 {
      %mul3A_34 = arith.constant 3200 : i32
      %mul3A_35 = arith.muli %arg1, %mul3A_34 : i32
      %mul3A_36 = arith.constant 128 : i32
      %mul3A_37 = arith.muli %scan3A_32, %mul3A_36 : i32
      %add3A_38 = arith.addi %mul3A_35, %mul3A_37 : i32
      "tpu.region"() ({
        %run_scoped3A = tpu.sem_alloc : memref<!tpu.dma_semaphore, #tpu.memory_space<semaphore_mem>>
        %dma_start3A = arith.constant 0 : i32
        %dma_start3A_40 = arith.constant 0 : i32
        %dma_start3A_41 = tpu.memref_slice %arg9[%dma_start3A, %dma_start3A_40] : memref<256x32xf32, #tpu.memory_space<vmem>> -> memref<128x32xf32, #tpu.memory_space<vmem>>
        %dma_start3A_42 = arith.constant 0 : i32
        %dma_start3A_43 = tpu.memref_slice %arg11[%add3A_38, %dma_start3A_42] : memref<51200x32xf32, #tpu.memory_space<vmem_shared>> -> memref<128x32xf32, #tpu.memory_space<vmem_shared>>
        %dma_start3A_44 = arith.constant 0 : i32
        %dma_start3A_45 = tpu.memref_slice %arg11[%add3A_38, %dma_start3A_44] : memref<51200x32xf32, #tpu.memory_space<vmem_shared>> -> memref<128x32xf32, #tpu.memory_space<vmem_shared>>
        %dma_start3A_46 = arith.constant 0 : i32
        %dma_start3A_47 = arith.constant 0 : i32
        %dma_start3A_48 = tpu.memref_slice %arg9[%dma_start3A_46, %dma_start3A_47] : memref<256x32xf32, #tpu.memory_space<vmem>> -> memref<128x32xf32, #tpu.memory_space<vmem>>
        tpu.enqueue_dma source(%dma_start3A_48 : memref<128x32xf32, #tpu.memory_space<vmem>>) target(%dma_start3A_45 : memref<128x32xf32, #tpu.memory_space<vmem_shared>>) target_semaphore(%run_scoped3A : memref<!tpu.dma_semaphore, #tpu.memory_space<semaphore_mem>>)
        %dma_wait3A = arith.constant 0 : i32
        %dma_wait3A_49 = arith.constant 0 : i32
        %dma_wait3A_50 = tpu.memref_slice %arg9[%dma_wait3A, %dma_wait3A_49] : memref<256x32xf32, #tpu.memory_space<vmem>> -> memref<128x32xf32, #tpu.memory_space<vmem>>
        %dma_wait3A_51 = arith.constant 0 : i32
        %dma_wait3A_52 = tpu.memref_slice %arg11[%add3A_38, %dma_wait3A_51] : memref<51200x32xf32, #tpu.memory_space<vmem_shared>> -> memref<128x32xf32, #tpu.memory_space<vmem_shared>>
        %dma_wait3A_53 = arith.constant 0 : i32
        %dma_wait3A_54 = tpu.memref_slice %arg11[%add3A_38, %dma_wait3A_53] : memref<51200x32xf32, #tpu.memory_space<vmem_shared>> -> memref<128x32xf32, #tpu.memory_space<vmem_shared>>
        %dma_wait3A_55 = arith.constant 0 : i32
        %dma_wait3A_56 = arith.constant 0 : i32
        %dma_wait3A_57 = tpu.memref_slice %arg9[%dma_wait3A_55, %dma_wait3A_56] : memref<256x32xf32, #tpu.memory_space<vmem>> -> memref<128x32xf32, #tpu.memory_space<vmem>>
        tpu.wait_dma2 semaphore(%run_scoped3A : memref<!tpu.dma_semaphore, #tpu.memory_space<semaphore_mem>>) src(%dma_wait3A_57 : memref<128x32xf32, #tpu.memory_space<vmem>>) dst(%dma_wait3A_54 : memref<128x32xf32, #tpu.memory_space<vmem_shared>>)
        tpu.yield
      }) : () -> ()
      %scan3A_39 = arith.constant 0 : i32
      scf.yield %scan3A_39 : i32
    }
    %scan3A_12 = arith.constant 25 : i32
    %barrier3A = arith.constant 0 : index
    tpu.barrier barrier_id(%barrier3A)
    %mul3A = arith.constant 50000 : i32
    %mul3A_13 = arith.muli %arg0, %mul3A : i32
    %mul3A_14 = arith.constant 6272 : i32
    %mul3A_15 = arith.muli %arg0, %mul3A_14 : i32
    %mul3A_16 = arith.constant 392 : i32
    %mul3A_17 = arith.muli %arg1, %mul3A_16 : i32
    %scan3A_18 = arith.constant 0 : i32
    %scan3A_19 = arith.constant 0 : i32
    %scan3A_20 = arith.constant 196 : i32
    %scan3A_21 = arith.addi %scan3A_19, %scan3A_20 : i32
    %scan3A_22 = arith.constant 1 : i32
    %scan3A_23 = scf.for %scan3A_32 = %scan3A_19 to %scan3A_21 step %scan3A_22 iter_args(%scan3A_33 = %scan3A_18) -> (i32)  : i32 {
      %mul3A_34 = arith.constant 2 : i32
      %mul3A_35 = arith.muli %scan3A_32, %mul3A_34 : i32
      %add3A_36 = arith.addi %mul3A_17, %mul3A_35 : i32
      "tpu.region"() ({
        %run_scoped3A_293 = tpu.sem_alloc : memref<!tpu.dma_semaphore, #tpu.memory_space<semaphore_mem>>
        %dma_start3A_294 = arith.constant 0 : i32
        %dma_start3A_295 = tpu.memref_slice %arg4[%add3A_36, %dma_start3A_294] : memref<6272x128xi32, #tpu.memory_space<hbm>> -> memref<2x128xi32, #tpu.memory_space<hbm>>
        %dma_start3A_296 = arith.constant 0 : i32
        %dma_start3A_297 = tpu.memref_slice %arg4[%add3A_36, %dma_start3A_296] : memref<6272x128xi32, #tpu.memory_space<hbm>> -> memref<2x128xi32, #tpu.memory_space<hbm>>
        tpu.enqueue_dma source(%dma_start3A_297 : memref<2x128xi32, #tpu.memory_space<hbm>>) target(%arg7 : memref<2x128xi32, #tpu.memory_space<vmem>>) target_semaphore(%run_scoped3A_293 : memref<!tpu.dma_semaphore, #tpu.memory_space<semaphore_mem>>)
        %dma_wait3A_298 = arith.constant 0 : i32
        %dma_wait3A_299 = tpu.memref_slice %arg4[%add3A_36, %dma_wait3A_298] : memref<6272x128xi32, #tpu.memory_space<hbm>> -> memref<2x128xi32, #tpu.memory_space<hbm>>
        %dma_wait3A_300 = arith.constant 0 : i32
        %dma_wait3A_301 = tpu.memref_slice %arg4[%add3A_36, %dma_wait3A_300] : memref<6272x128xi32, #tpu.memory_space<hbm>> -> memref<2x128xi32, #tpu.memory_space<hbm>>
        tpu.wait_dma2 semaphore(%run_scoped3A_293 : memref<!tpu.dma_semaphore, #tpu.memory_space<semaphore_mem>>) src(%dma_wait3A_301 : memref<2x128xi32, #tpu.memory_space<hbm>>) dst(%arg7 : memref<2x128xi32, #tpu.memory_space<vmem>>)
        tpu.yield
      }) : () -> ()
      "tpu.region"() ({
        %run_scoped3A_293 = tpu.sem_alloc : memref<!tpu.dma_semaphore, #tpu.memory_space<semaphore_mem>>
        %dma_start3A_294 = arith.constant 0 : i32
        %dma_start3A_295 = tpu.memref_slice %arg5[%add3A_36, %dma_start3A_294] : memref<6272x128xi32, #tpu.memory_space<hbm>> -> memref<2x128xi32, #tpu.memory_space<hbm>>
        %dma_start3A_296 = arith.constant 0 : i32
        %dma_start3A_297 = tpu.memref_slice %arg5[%add3A_36, %dma_start3A_296] : memref<6272x128xi32, #tpu.memory_space<hbm>> -> memref<2x128xi32, #tpu.memory_space<hbm>>
        tpu.enqueue_dma source(%dma_start3A_297 : memref<2x128xi32, #tpu.memory_space<hbm>>) target(%arg8 : memref<2x128xi32, #tpu.memory_space<vmem>>) target_semaphore(%run_scoped3A_293 : memref<!tpu.dma_semaphore, #tpu.memory_space<semaphore_mem>>)
        %dma_wait3A_298 = arith.constant 0 : i32
        %dma_wait3A_299 = tpu.memref_slice %arg5[%add3A_36, %dma_wait3A_298] : memref<6272x128xi32, #tpu.memory_space<hbm>> -> memref<2x128xi32, #tpu.memory_space<hbm>>
        %dma_wait3A_300 = arith.constant 0 : i32
        %dma_wait3A_301 = tpu.memref_slice %arg5[%add3A_36, %dma_wait3A_300] : memref<6272x128xi32, #tpu.memory_space<hbm>> -> memref<2x128xi32, #tpu.memory_space<hbm>>
        tpu.wait_dma2 semaphore(%run_scoped3A_293 : memref<!tpu.dma_semaphore, #tpu.memory_space<semaphore_mem>>) src(%dma_wait3A_301 : memref<2x128xi32, #tpu.memory_space<hbm>>) dst(%arg8 : memref<2x128xi32, #tpu.memory_space<vmem>>)
        tpu.yield
      }) : () -> ()
      %get3A = arith.constant 0 : i32
      %get3A_37 = arith.index_cast %get3A : i32 to index
      %get3A_38 = arith.constant 0 : index
      %get3A_39 = tpu.vector_load %arg7[%get3A_37, %get3A_38] {strides = array<i32>} : memref<2x128xi32, #tpu.memory_space<vmem>>, vector<1x16xi32>,
      %get3A_40 = vector.shape_cast %get3A_39 : vector<1x16xi32> to vector<16xi32>
      %add3A_41 = vector.broadcast %mul3A_13 : i32 to vector<16xi32>
      %add3A_42 = arith.addi %get3A_40, %add3A_41 : vector<16xi32>
      %swap3A = arith.constant 0 : i32
      %swap3A_43 = arith.index_cast %swap3A : i32 to index
      %swap3A_44 = arith.constant 0 : index
      %swap3A_45 = tpu.vector_load %arg7[%swap3A_43, %swap3A_44] {strides = array<i32>} : memref<2x128xi32, #tpu.memory_space<vmem>>, vector<1x16xi32>,
      %swap3A_46 = vector.shape_cast %swap3A_45 : vector<1x16xi32> to vector<16xi32>
      %swap3A_47 = vector.shape_cast %add3A_42 : vector<16xi32> to vector<1x16xi32>
      tpu.vector_store %arg7[%swap3A_43, %swap3A_44], %swap3A_47 {strides = array<i32>} : memref<2x128xi32, #tpu.memory_space<vmem>>, vector<1x16xi32>,
      %get3A_48 = arith.constant 0 : i32
      %get3A_49 = arith.index_cast %get3A_48 : i32 to index
      %get3A_50 = arith.constant 16 : index
      %get3A_51 = tpu.vector_load %arg7[%get3A_49, %get3A_50] {strides = array<i32>} : memref<2x128xi32, #tpu.memory_space<vmem>>, vector<1x16xi32>,
      %get3A_52 = vector.shape_cast %get3A_51 : vector<1x16xi32> to vector<16xi32>
      %add3A_53 = vector.broadcast %mul3A_13 : i32 to vector<16xi32>
      %add3A_54 = arith.addi %get3A_52, %add3A_53 : vector<16xi32>
      %swap3A_55 = arith.constant 0 : i32
      %swap3A_56 = arith.index_cast %swap3A_55 : i32 to index
      %swap3A_57 = arith.constant 16 : index
      %swap3A_58 = tpu.vector_load %arg7[%swap3A_56, %swap3A_57] {strides = array<i32>} : memref<2x128xi32, #tpu.memory_space<vmem>>, vector<1x16xi32>,
      %swap3A_59 = vector.shape_cast %swap3A_58 : vector<1x16xi32> to vector<16xi32>
      %swap3A_60 = vector.shape_cast %add3A_54 : vector<16xi32> to vector<1x16xi32>
      tpu.vector_store %arg7[%swap3A_56, %swap3A_57], %swap3A_60 {strides = array<i32>} : memref<2x128xi32, #tpu.memory_space<vmem>>, vector<1x16xi32>,
      %get3A_61 = arith.constant 0 : i32
      %get3A_62 = arith.index_cast %get3A_61 : i32 to index
      %get3A_63 = arith.constant 32 : index
      %get3A_64 = tpu.vector_load %arg7[%get3A_62, %get3A_63] {strides = array<i32>} : memref<2x128xi32, #tpu.memory_space<vmem>>, vector<1x16xi32>,
      %get3A_65 = vector.shape_cast %get3A_64 : vector<1x16xi32> to vector<16xi32>
      %add3A_66 = vector.broadcast %mul3A_13 : i32 to vector<16xi32>
      %add3A_67 = arith.addi %get3A_65, %add3A_66 : vector<16xi32>
      %swap3A_68 = arith.constant 0 : i32
      %swap3A_69 = arith.index_cast %swap3A_68 : i32 to index
      %swap3A_70 = arith.constant 32 : index
      %swap3A_71 = tpu.vector_load %arg7[%swap3A_69, %swap3A_70] {strides = array<i32>} : memref<2x128xi32, #tpu.memory_space<vmem>>, vector<1x16xi32>,
      %swap3A_72 = vector.shape_cast %swap3A_71 : vector<1x16xi32> to vector<16xi32>
      %swap3A_73 = vector.shape_cast %add3A_67 : vector<16xi32> to vector<1x16xi32>
      tpu.vector_store %arg7[%swap3A_69, %swap3A_70], %swap3A_73 {strides = array<i32>} : memref<2x128xi32, #tpu.memory_space<vmem>>, vector<1x16xi32>,
      %get3A_74 = arith.constant 0 : i32
      %get3A_75 = arith.index_cast %get3A_74 : i32 to index
      %get3A_76 = arith.constant 48 : index
      %get3A_77 = tpu.vector_load %arg7[%get3A_75, %get3A_76] {strides = array<i32>} : memref<2x128xi32, #tpu.memory_space<vmem>>, vector<1x16xi32>,
      %get3A_78 = vector.shape_cast %get3A_77 : vector<1x16xi32> to vector<16xi32>
      %add3A_79 = vector.broadcast %mul3A_13 : i32 to vector<16xi32>
      %add3A_80 = arith.addi %get3A_78, %add3A_79 : vector<16xi32>
      %swap3A_81 = arith.constant 0 : i32
      %swap3A_82 = arith.index_cast %swap3A_81 : i32 to index
      %swap3A_83 = arith.constant 48 : index
      %swap3A_84 = tpu.vector_load %arg7[%swap3A_82, %swap3A_83] {strides = array<i32>} : memref<2x128xi32, #tpu.memory_space<vmem>>, vector<1x16xi32>,
      %swap3A_85 = vector.shape_cast %swap3A_84 : vector<1x16xi32> to vector<16xi32>
      %swap3A_86 = vector.shape_cast %add3A_80 : vector<16xi32> to vector<1x16xi32>
      tpu.vector_store %arg7[%swap3A_82, %swap3A_83], %swap3A_86 {strides = array<i32>} : memref<2x128xi32, #tpu.memory_space<vmem>>, vector<1x16xi32>,
      %get3A_87 = arith.constant 0 : i32
      %get3A_88 = arith.index_cast %get3A_87 : i32 to index
      %get3A_89 = arith.constant 64 : index
      %get3A_90 = tpu.vector_load %arg7[%get3A_88, %get3A_89] {strides = array<i32>} : memref<2x128xi32, #tpu.memory_space<vmem>>, vector<1x16xi32>,
      %get3A_91 = vector.shape_cast %get3A_90 : vector<1x16xi32> to vector<16xi32>
      %add3A_92 = vector.broadcast %mul3A_13 : i32 to vector<16xi32>
      %add3A_93 = arith.addi %get3A_91, %add3A_92 : vector<16xi32>
      %swap3A_94 = arith.constant 0 : i32
      %swap3A_95 = arith.index_cast %swap3A_94 : i32 to index
      %swap3A_96 = arith.constant 64 : index
      %swap3A_97 = tpu.vector_load %arg7[%swap3A_95, %swap3A_96] {strides = array<i32>} : memref<2x128xi32, #tpu.memory_space<vmem>>, vector<1x16xi32>,
      %swap3A_98 = vector.shape_cast %swap3A_97 : vector<1x16xi32> to vector<16xi32>
      %swap3A_99 = vector.shape_cast %add3A_93 : vector<16xi32> to vector<1x16xi32>
      tpu.vector_store %arg7[%swap3A_95, %swap3A_96], %swap3A_99 {strides = array<i32>} : memref<2x128xi32, #tpu.memory_space<vmem>>, vector<1x16xi32>,
      %get3A_100 = arith.constant 0 : i32
      %get3A_101 = arith.index_cast %get3A_100 : i32 to index
      %get3A_102 = arith.constant 80 : index
      %get3A_103 = tpu.vector_load %arg7[%get3A_101, %get3A_102] {strides = array<i32>} : memref<2x128xi32, #tpu.memory_space<vmem>>, vector<1x16xi32>,
      %get3A_104 = vector.shape_cast %get3A_103 : vector<1x16xi32> to vector<16xi32>
      %add3A_105 = vector.broadcast %mul3A_13 : i32 to vector<16xi32>
      %add3A_106 = arith.addi %get3A_104, %add3A_105 : vector<16xi32>
      %swap3A_107 = arith.constant 0 : i32
      %swap3A_108 = arith.index_cast %swap3A_107 : i32 to index
      %swap3A_109 = arith.constant 80 : index
      %swap3A_110 = tpu.vector_load %arg7[%swap3A_108, %swap3A_109] {strides = array<i32>} : memref<2x128xi32, #tpu.memory_space<vmem>>, vector<1x16xi32>,
      %swap3A_111 = vector.shape_cast %swap3A_110 : vector<1x16xi32> to vector<16xi32>
      %swap3A_112 = vector.shape_cast %add3A_106 : vector<16xi32> to vector<1x16xi32>
      tpu.vector_store %arg7[%swap3A_108, %swap3A_109], %swap3A_112 {strides = array<i32>} : memref<2x128xi32, #tpu.memory_space<vmem>>, vector<1x16xi32>,
      %get3A_113 = arith.constant 0 : i32
      %get3A_114 = arith.index_cast %get3A_113 : i32 to index
      %get3A_115 = arith.constant 96 : index
      %get3A_116 = tpu.vector_load %arg7[%get3A_114, %get3A_115] {strides = array<i32>} : memref<2x128xi32, #tpu.memory_space<vmem>>, vector<1x16xi32>,
      %get3A_117 = vector.shape_cast %get3A_116 : vector<1x16xi32> to vector<16xi32>
      %add3A_118 = vector.broadcast %mul3A_13 : i32 to vector<16xi32>
      %add3A_119 = arith.addi %get3A_117, %add3A_118 : vector<16xi32>
      %swap3A_120 = arith.constant 0 : i32
      %swap3A_121 = arith.index_cast %swap3A_120 : i32 to index
      %swap3A_122 = arith.constant 96 : index
      %swap3A_123 = tpu.vector_load %arg7[%swap3A_121, %swap3A_122] {strides = array<i32>} : memref<2x128xi32, #tpu.memory_space<vmem>>, vector<1x16xi32>,
      %swap3A_124 = vector.shape_cast %swap3A_123 : vector<1x16xi32> to vector<16xi32>
      %swap3A_125 = vector.shape_cast %add3A_119 : vector<16xi32> to vector<1x16xi32>
      tpu.vector_store %arg7[%swap3A_121, %swap3A_122], %swap3A_125 {strides = array<i32>} : memref<2x128xi32, #tpu.memory_space<vmem>>, vector<1x16xi32>,
      %get3A_126 = arith.constant 0 : i32
      %get3A_127 = arith.index_cast %get3A_126 : i32 to index
      %get3A_128 = arith.constant 112 : index
      %get3A_129 = tpu.vector_load %arg7[%get3A_127, %get3A_128] {strides = array<i32>} : memref<2x128xi32, #tpu.memory_space<vmem>>, vector<1x16xi32>,
      %get3A_130 = vector.shape_cast %get3A_129 : vector<1x16xi32> to vector<16xi32>
      %add3A_131 = vector.broadcast %mul3A_13 : i32 to vector<16xi32>
      %add3A_132 = arith.addi %get3A_130, %add3A_131 : vector<16xi32>
      %swap3A_133 = arith.constant 0 : i32
      %swap3A_134 = arith.index_cast %swap3A_133 : i32 to index
      %swap3A_135 = arith.constant 112 : index
      %swap3A_136 = tpu.vector_load %arg7[%swap3A_134, %swap3A_135] {strides = array<i32>} : memref<2x128xi32, #tpu.memory_space<vmem>>, vector<1x16xi32>,
      %swap3A_137 = vector.shape_cast %swap3A_136 : vector<1x16xi32> to vector<16xi32>
      %swap3A_138 = vector.shape_cast %add3A_132 : vector<16xi32> to vector<1x16xi32>
      tpu.vector_store %arg7[%swap3A_134, %swap3A_135], %swap3A_138 {strides = array<i32>} : memref<2x128xi32, #tpu.memory_space<vmem>>, vector<1x16xi32>,
      %get3A_139 = arith.constant 1 : i32
      %get3A_140 = arith.index_cast %get3A_139 : i32 to index
      %get3A_141 = arith.constant 0 : index
      %get3A_142 = tpu.vector_load %arg7[%get3A_140, %get3A_141] {strides = array<i32>} : memref<2x128xi32, #tpu.memory_space<vmem>>, vector<1x16xi32>,
      %get3A_143 = vector.shape_cast %get3A_142 : vector<1x16xi32> to vector<16xi32>
      %add3A_144 = vector.broadcast %mul3A_13 : i32 to vector<16xi32>
      %add3A_145 = arith.addi %get3A_143, %add3A_144 : vector<16xi32>
      %swap3A_146 = arith.constant 1 : i32
      %swap3A_147 = arith.index_cast %swap3A_146 : i32 to index
      %swap3A_148 = arith.constant 0 : index
      %swap3A_149 = tpu.vector_load %arg7[%swap3A_147, %swap3A_148] {strides = array<i32>} : memref<2x128xi32, #tpu.memory_space<vmem>>, vector<1x16xi32>,
      %swap3A_150 = vector.shape_cast %swap3A_149 : vector<1x16xi32> to vector<16xi32>
      %swap3A_151 = vector.shape_cast %add3A_145 : vector<16xi32> to vector<1x16xi32>
      tpu.vector_store %arg7[%swap3A_147, %swap3A_148], %swap3A_151 {strides = array<i32>} : memref<2x128xi32, #tpu.memory_space<vmem>>, vector<1x16xi32>,
      %get3A_152 = arith.constant 1 : i32
      %get3A_153 = arith.index_cast %get3A_152 : i32 to index
      %get3A_154 = arith.constant 16 : index
      %get3A_155 = tpu.vector_load %arg7[%get3A_153, %get3A_154] {strides = array<i32>} : memref<2x128xi32, #tpu.memory_space<vmem>>, vector<1x16xi32>,
      %get3A_156 = vector.shape_cast %get3A_155 : vector<1x16xi32> to vector<16xi32>
      %add3A_157 = vector.broadcast %mul3A_13 : i32 to vector<16xi32>
      %add3A_158 = arith.addi %get3A_156, %add3A_157 : vector<16xi32>
      %swap3A_159 = arith.constant 1 : i32
      %swap3A_160 = arith.index_cast %swap3A_159 : i32 to index
      %swap3A_161 = arith.constant 16 : index
      %swap3A_162 = tpu.vector_load %arg7[%swap3A_160, %swap3A_161] {strides = array<i32>} : memref<2x128xi32, #tpu.memory_space<vmem>>, vector<1x16xi32>,
      %swap3A_163 = vector.shape_cast %swap3A_162 : vector<1x16xi32> to vector<16xi32>
      %swap3A_164 = vector.shape_cast %add3A_158 : vector<16xi32> to vector<1x16xi32>
      tpu.vector_store %arg7[%swap3A_160, %swap3A_161], %swap3A_164 {strides = array<i32>} : memref<2x128xi32, #tpu.memory_space<vmem>>, vector<1x16xi32>,
      %get3A_165 = arith.constant 1 : i32
      %get3A_166 = arith.index_cast %get3A_165 : i32 to index
      %get3A_167 = arith.constant 32 : index
      %get3A_168 = tpu.vector_load %arg7[%get3A_166, %get3A_167] {strides = array<i32>} : memref<2x128xi32, #tpu.memory_space<vmem>>, vector<1x16xi32>,
      %get3A_169 = vector.shape_cast %get3A_168 : vector<1x16xi32> to vector<16xi32>
      %add3A_170 = vector.broadcast %mul3A_13 : i32 to vector<16xi32>
      %add3A_171 = arith.addi %get3A_169, %add3A_170 : vector<16xi32>
      %swap3A_172 = arith.constant 1 : i32
      %swap3A_173 = arith.index_cast %swap3A_172 : i32 to index
      %swap3A_174 = arith.constant 32 : index
      %swap3A_175 = tpu.vector_load %arg7[%swap3A_173, %swap3A_174] {strides = array<i32>} : memref<2x128xi32, #tpu.memory_space<vmem>>, vector<1x16xi32>,
      %swap3A_176 = vector.shape_cast %swap3A_175 : vector<1x16xi32> to vector<16xi32>
      %swap3A_177 = vector.shape_cast %add3A_171 : vector<16xi32> to vector<1x16xi32>
      tpu.vector_store %arg7[%swap3A_173, %swap3A_174], %swap3A_177 {strides = array<i32>} : memref<2x128xi32, #tpu.memory_space<vmem>>, vector<1x16xi32>,
      %get3A_178 = arith.constant 1 : i32
      %get3A_179 = arith.index_cast %get3A_178 : i32 to index
      %get3A_180 = arith.constant 48 : index
      %get3A_181 = tpu.vector_load %arg7[%get3A_179, %get3A_180] {strides = array<i32>} : memref<2x128xi32, #tpu.memory_space<vmem>>, vector<1x16xi32>,
      %get3A_182 = vector.shape_cast %get3A_181 : vector<1x16xi32> to vector<16xi32>
      %add3A_183 = vector.broadcast %mul3A_13 : i32 to vector<16xi32>
      %add3A_184 = arith.addi %get3A_182, %add3A_183 : vector<16xi32>
      %swap3A_185 = arith.constant 1 : i32
      %swap3A_186 = arith.index_cast %swap3A_185 : i32 to index
      %swap3A_187 = arith.constant 48 : index
      %swap3A_188 = tpu.vector_load %arg7[%swap3A_186, %swap3A_187] {strides = array<i32>} : memref<2x128xi32, #tpu.memory_space<vmem>>, vector<1x16xi32>,
      %swap3A_189 = vector.shape_cast %swap3A_188 : vector<1x16xi32> to vector<16xi32>
      %swap3A_190 = vector.shape_cast %add3A_184 : vector<16xi32> to vector<1x16xi32>
      tpu.vector_store %arg7[%swap3A_186, %swap3A_187], %swap3A_190 {strides = array<i32>} : memref<2x128xi32, #tpu.memory_space<vmem>>, vector<1x16xi32>,
      %get3A_191 = arith.constant 1 : i32
      %get3A_192 = arith.index_cast %get3A_191 : i32 to index
      %get3A_193 = arith.constant 64 : index
      %get3A_194 = tpu.vector_load %arg7[%get3A_192, %get3A_193] {strides = array<i32>} : memref<2x128xi32, #tpu.memory_space<vmem>>, vector<1x16xi32>,
      %get3A_195 = vector.shape_cast %get3A_194 : vector<1x16xi32> to vector<16xi32>
      %add3A_196 = vector.broadcast %mul3A_13 : i32 to vector<16xi32>
      %add3A_197 = arith.addi %get3A_195, %add3A_196 : vector<16xi32>
      %swap3A_198 = arith.constant 1 : i32
      %swap3A_199 = arith.index_cast %swap3A_198 : i32 to index
      %swap3A_200 = arith.constant 64 : index
      %swap3A_201 = tpu.vector_load %arg7[%swap3A_199, %swap3A_200] {strides = array<i32>} : memref<2x128xi32, #tpu.memory_space<vmem>>, vector<1x16xi32>,
      %swap3A_202 = vector.shape_cast %swap3A_201 : vector<1x16xi32> to vector<16xi32>
      %swap3A_203 = vector.shape_cast %add3A_197 : vector<16xi32> to vector<1x16xi32>
      tpu.vector_store %arg7[%swap3A_199, %swap3A_200], %swap3A_203 {strides = array<i32>} : memref<2x128xi32, #tpu.memory_space<vmem>>, vector<1x16xi32>,
      %get3A_204 = arith.constant 1 : i32
      %get3A_205 = arith.index_cast %get3A_204 : i32 to index
      %get3A_206 = arith.constant 80 : index
      %get3A_207 = tpu.vector_load %arg7[%get3A_205, %get3A_206] {strides = array<i32>} : memref<2x128xi32, #tpu.memory_space<vmem>>, vector<1x16xi32>,
      %get3A_208 = vector.shape_cast %get3A_207 : vector<1x16xi32> to vector<16xi32>
      %add3A_209 = vector.broadcast %mul3A_13 : i32 to vector<16xi32>
      %add3A_210 = arith.addi %get3A_208, %add3A_209 : vector<16xi32>
      %swap3A_211 = arith.constant 1 : i32
      %swap3A_212 = arith.index_cast %swap3A_211 : i32 to index
      %swap3A_213 = arith.constant 80 : index
      %swap3A_214 = tpu.vector_load %arg7[%swap3A_212, %swap3A_213] {strides = array<i32>} : memref<2x128xi32, #tpu.memory_space<vmem>>, vector<1x16xi32>,
      %swap3A_215 = vector.shape_cast %swap3A_214 : vector<1x16xi32> to vector<16xi32>
      %swap3A_216 = vector.shape_cast %add3A_210 : vector<16xi32> to vector<1x16xi32>
      tpu.vector_store %arg7[%swap3A_212, %swap3A_213], %swap3A_216 {strides = array<i32>} : memref<2x128xi32, #tpu.memory_space<vmem>>, vector<1x16xi32>,
      %get3A_217 = arith.constant 1 : i32
      %get3A_218 = arith.index_cast %get3A_217 : i32 to index
      %get3A_219 = arith.constant 96 : index
      %get3A_220 = tpu.vector_load %arg7[%get3A_218, %get3A_219] {strides = array<i32>} : memref<2x128xi32, #tpu.memory_space<vmem>>, vector<1x16xi32>,
      %get3A_221 = vector.shape_cast %get3A_220 : vector<1x16xi32> to vector<16xi32>
      %add3A_222 = vector.broadcast %mul3A_13 : i32 to vector<16xi32>
      %add3A_223 = arith.addi %get3A_221, %add3A_222 : vector<16xi32>
      %swap3A_224 = arith.constant 1 : i32
      %swap3A_225 = arith.index_cast %swap3A_224 : i32 to index
      %swap3A_226 = arith.constant 96 : index
      %swap3A_227 = tpu.vector_load %arg7[%swap3A_225, %swap3A_226] {strides = array<i32>} : memref<2x128xi32, #tpu.memory_space<vmem>>, vector<1x16xi32>,
      %swap3A_228 = vector.shape_cast %swap3A_227 : vector<1x16xi32> to vector<16xi32>
      %swap3A_229 = vector.shape_cast %add3A_223 : vector<16xi32> to vector<1x16xi32>
      tpu.vector_store %arg7[%swap3A_225, %swap3A_226], %swap3A_229 {strides = array<i32>} : memref<2x128xi32, #tpu.memory_space<vmem>>, vector<1x16xi32>,
      %get3A_230 = arith.constant 1 : i32
      %get3A_231 = arith.index_cast %get3A_230 : i32 to index
      %get3A_232 = arith.constant 112 : index
      %get3A_233 = tpu.vector_load %arg7[%get3A_231, %get3A_232] {strides = array<i32>} : memref<2x128xi32, #tpu.memory_space<vmem>>, vector<1x16xi32>,
      %get3A_234 = vector.shape_cast %get3A_233 : vector<1x16xi32> to vector<16xi32>
      %add3A_235 = vector.broadcast %mul3A_13 : i32 to vector<16xi32>
      %add3A_236 = arith.addi %get3A_234, %add3A_235 : vector<16xi32>
      %swap3A_237 = arith.constant 1 : i32
      %swap3A_238 = arith.index_cast %swap3A_237 : i32 to index
      %swap3A_239 = arith.constant 112 : index
      %swap3A_240 = tpu.vector_load %arg7[%swap3A_238, %swap3A_239] {strides = array<i32>} : memref<2x128xi32, #tpu.memory_space<vmem>>, vector<1x16xi32>,
      %swap3A_241 = vector.shape_cast %swap3A_240 : vector<1x16xi32> to vector<16xi32>
      %swap3A_242 = vector.shape_cast %add3A_236 : vector<16xi32> to vector<1x16xi32>
      tpu.vector_store %arg7[%swap3A_238, %swap3A_239], %swap3A_242 {strides = array<i32>} : memref<2x128xi32, #tpu.memory_space<vmem>>, vector<1x16xi32>,
      %dma_start3A = arith.constant 0 : i32
      %dma_start3A_243 = arith.constant 0 : i32
      %dma_start3A_244 = arith.constant 0 : i32
      %dma_start3A_245 = tpu.memref_slice %arg9[%dma_start3A_243, %dma_start3A_244] : memref<256x32xf32, #tpu.memory_space<vmem>> -> memref<128x32xf32, #tpu.memory_space<vmem>>
      %dma_start3A_246 = arith.constant 0 : i32
      %dma_start3A_247 = tpu.memref_slice %arg7[%dma_start3A, %dma_start3A_246] : memref<2x128xi32, #tpu.memory_space<vmem>> -> memref<1x128xi32, #tpu.memory_space<vmem>>
      %dma_start3A_248 = tpu.memref_squeeze %dma_start3A_247 : memref<1x128xi32, #tpu.memory_space<vmem>> -> memref<128xi32, #tpu.memory_space<vmem>>
      %dma_start3A_249 = arith.constant 0 : i32
      %dma_start3A_250 = arith.constant 0 : i32
      %dma_start3A_251 = tpu.memref_slice %arg2[%dma_start3A_249, %dma_start3A_250] : memref<100000x32xf32, #tpu.memory_space<hbm>> -> memref<100000x32xf32, #tpu.memory_space<hbm>>
      tpu.enqueue_indirect_dma source(%dma_start3A_251 : memref<100000x32xf32, #tpu.memory_space<hbm>>) target(%dma_start3A_245 : memref<128x32xf32, #tpu.memory_space<vmem>>) offsets(%dma_start3A_248 : memref<128xi32, #tpu.memory_space<vmem>>) semaphore(%arg12 : memref<!tpu.dma_semaphore, #tpu.memory_space<semaphore_mem>>)
      %dma_start3A_252 = arith.constant 1 : i32
      %dma_start3A_253 = arith.constant 128 : i32
      %dma_start3A_254 = arith.constant 0 : i32
      %dma_start3A_255 = tpu.memref_slice %arg9[%dma_start3A_253, %dma_start3A_254] : memref<256x32xf32, #tpu.memory_space<vmem>> -> memref<128x32xf32, #tpu.memory_space<vmem>>
      %dma_start3A_256 = arith.constant 0 : i32
      %dma_start3A_257 = tpu.memref_slice %arg7[%dma_start3A_252, %dma_start3A_256] : memref<2x128xi32, #tpu.memory_space<vmem>> -> memref<1x128xi32, #tpu.memory_space<vmem>>
      %dma_start3A_258 = tpu.memref_squeeze %dma_start3A_257 : memref<1x128xi32, #tpu.memory_space<vmem>> -> memref<128xi32, #tpu.memory_space<vmem>>
      %dma_start3A_259 = arith.constant 0 : i32
      %dma_start3A_260 = arith.constant 0 : i32
      %dma_start3A_261 = tpu.memref_slice %arg2[%dma_start3A_259, %dma_start3A_260] : memref<100000x32xf32, #tpu.memory_space<hbm>> -> memref<100000x32xf32, #tpu.memory_space<hbm>>
      tpu.enqueue_indirect_dma source(%dma_start3A_261 : memref<100000x32xf32, #tpu.memory_space<hbm>>) target(%dma_start3A_255 : memref<128x32xf32, #tpu.memory_space<vmem>>) offsets(%dma_start3A_258 : memref<128xi32, #tpu.memory_space<vmem>>) semaphore(%arg12 : memref<!tpu.dma_semaphore, #tpu.memory_space<semaphore_mem>>)
      %add3A_262 = arith.addi %mul3A_15, %add3A_36 : i32
      %mul3A_263 = arith.constant 128 : i32
      %mul3A_264 = arith.muli %add3A_262, %mul3A_263 : i32
      "tpu.region"() ({
        %run_scoped3A_293 = tpu.sem_alloc : memref<!tpu.dma_semaphore, #tpu.memory_space<semaphore_mem>>
        %dma_start3A_294 = arith.constant 0 : i32
        %dma_start3A_295 = tpu.memref_slice %arg3[%mul3A_264, %dma_start3A_294] : memref<1605632x32xf32, #tpu.memory_space<hbm>> -> memref<256x32xf32, #tpu.memory_space<hbm>>
        %dma_start3A_296 = arith.constant 0 : i32
        %dma_start3A_297 = tpu.memref_slice %arg3[%mul3A_264, %dma_start3A_296] : memref<1605632x32xf32, #tpu.memory_space<hbm>> -> memref<256x32xf32, #tpu.memory_space<hbm>>
        tpu.enqueue_dma source(%dma_start3A_297 : memref<256x32xf32, #tpu.memory_space<hbm>>) target(%arg10 : memref<256x32xf32, #tpu.memory_space<vmem>>) target_semaphore(%run_scoped3A_293 : memref<!tpu.dma_semaphore, #tpu.memory_space<semaphore_mem>>)
        %dma_wait3A_298 = arith.constant 0 : i32
        %dma_wait3A_299 = tpu.memref_slice %arg3[%mul3A_264, %dma_wait3A_298] : memref<1605632x32xf32, #tpu.memory_space<hbm>> -> memref<256x32xf32, #tpu.memory_space<hbm>>
        %dma_wait3A_300 = arith.constant 0 : i32
        %dma_wait3A_301 = tpu.memref_slice %arg3[%mul3A_264, %dma_wait3A_300] : memref<1605632x32xf32, #tpu.memory_space<hbm>> -> memref<256x32xf32, #tpu.memory_space<hbm>>
        tpu.wait_dma2 semaphore(%run_scoped3A_293 : memref<!tpu.dma_semaphore, #tpu.memory_space<semaphore_mem>>) src(%dma_wait3A_301 : memref<256x32xf32, #tpu.memory_space<hbm>>) dst(%arg10 : memref<256x32xf32, #tpu.memory_space<vmem>>)
        tpu.yield
      }) : () -> ()
      %dma_wait3A = arith.constant 0 : i32
      %dma_wait3A_265 = arith.constant 0 : i32
      %dma_wait3A_266 = arith.constant 0 : i32
      %dma_wait3A_267 = tpu.memref_slice %arg9[%dma_wait3A_265, %dma_wait3A_266] : memref<256x32xf32, #tpu.memory_space<vmem>> -> memref<128x32xf32, #tpu.memory_space<vmem>>
      %dma_wait3A_268 = arith.constant 0 : i32
      %dma_wait3A_269 = tpu.memref_slice %arg7[%dma_wait3A, %dma_wait3A_268] : memref<2x128xi32, #tpu.memory_space<vmem>> -> memref<1x128xi32, #tpu.memory_space<vmem>>
      %dma_wait3A_270 = tpu.memref_squeeze %dma_wait3A_269 : memref<1x128xi32, #tpu.memory_space<vmem>> -> memref<128xi32, #tpu.memory_space<vmem>>
      %dma_wait3A_271 = arith.constant 0 : i32
      %dma_wait3A_272 = arith.constant 0 : i32
      %dma_wait3A_273 = tpu.memref_slice %arg2[%dma_wait3A_271, %dma_wait3A_272] : memref<100000x32xf32, #tpu.memory_space<hbm>> -> memref<100000x32xf32, #tpu.memory_space<hbm>>
      tpu.wait_indirect_dma semaphore(%arg12 : memref<!tpu.dma_semaphore, #tpu.memory_space<semaphore_mem>>) src(%dma_wait3A_273 : memref<100000x32xf32, #tpu.memory_space<hbm>>) dst(%dma_wait3A_267 : memref<128x32xf32, #tpu.memory_space<vmem>>)
      %dma_wait3A_274 = arith.constant 1 : i32
      %dma_wait3A_275 = arith.constant 128 : i32
      %dma_wait3A_276 = arith.constant 0 : i32
      %dma_wait3A_277 = tpu.memref_slice %arg9[%dma_wait3A_275, %dma_wait3A_276] : memref<256x32xf32, #tpu.memory_space<vmem>> -> memref<128x32xf32, #tpu.memory_space<vmem>>
      %dma_wait3A_278 = arith.constant 0 : i32
      %dma_wait3A_279 = tpu.memref_slice %arg7[%dma_wait3A_274, %dma_wait3A_278] : memref<2x128xi32, #tpu.memory_space<vmem>> -> memref<1x128xi32, #tpu.memory_space<vmem>>
      %dma_wait3A_280 = tpu.memref_squeeze %dma_wait3A_279 : memref<1x128xi32, #tpu.memory_space<vmem>> -> memref<128xi32, #tpu.memory_space<vmem>>
      %dma_wait3A_281 = arith.constant 0 : i32
      %dma_wait3A_282 = arith.constant 0 : i32
      %dma_wait3A_283 = tpu.memref_slice %arg2[%dma_wait3A_281, %dma_wait3A_282] : memref<100000x32xf32, #tpu.memory_space<hbm>> -> memref<100000x32xf32, #tpu.memory_space<hbm>>
      tpu.wait_indirect_dma semaphore(%arg12 : memref<!tpu.dma_semaphore, #tpu.memory_space<semaphore_mem>>) src(%dma_wait3A_283 : memref<100000x32xf32, #tpu.memory_space<hbm>>) dst(%dma_wait3A_277 : memref<128x32xf32, #tpu.memory_space<vmem>>)
      %scan3A_284 = arith.constant 0 : i32
      %scan3A_285 = arith.constant 0 : i32
      %scan3A_286 = arith.constant 256 : i32
      %scan3A_287 = arith.addi %scan3A_285, %scan3A_286 : i32
      %scan3A_288 = arith.constant 4 : i32
      %scan3A_289 = scf.for %scan3A_293 = %scan3A_285 to %scan3A_287 step %scan3A_288 iter_args(%scan3A_294 = %scan3A_284) -> (i32)  : i32 {
        %get3A_295 = arith.index_cast %scan3A_293 : i32 to index
        %get3A_296 = arith.constant 0 : index
        %get3A_297 = tpu.vector_load %arg9[%get3A_295, %get3A_296] {strides = array<i32>} : memref<256x32xf32, #tpu.memory_space<vmem>>, vector<1x16xf32>,
        %get3A_298 = vector.shape_cast %get3A_297 : vector<1x16xf32> to vector<16xf32>
        %get3A_299 = arith.index_cast %scan3A_293 : i32 to index
        %get3A_300 = arith.constant 0 : index
        %get3A_301 = tpu.vector_load %arg10[%get3A_299, %get3A_300] {strides = array<i32>} : memref<256x32xf32, #tpu.memory_space<vmem>>, vector<1x16xf32>,
        %get3A_302 = vector.shape_cast %get3A_301 : vector<1x16xf32> to vector<16xf32>
        %add3A_303 = arith.addf %get3A_298, %get3A_302 : vector<16xf32>
        %get3A_304 = arith.index_cast %scan3A_293 : i32 to index
        %get3A_305 = arith.constant 16 : index
        %get3A_306 = tpu.vector_load %arg9[%get3A_304, %get3A_305] {strides = array<i32>} : memref<256x32xf32, #tpu.memory_space<vmem>>, vector<1x16xf32>,
        %get3A_307 = vector.shape_cast %get3A_306 : vector<1x16xf32> to vector<16xf32>
        %get3A_308 = arith.index_cast %scan3A_293 : i32 to index
        %get3A_309 = arith.constant 16 : index
        %get3A_310 = tpu.vector_load %arg10[%get3A_308, %get3A_309] {strides = array<i32>} : memref<256x32xf32, #tpu.memory_space<vmem>>, vector<1x16xf32>,
        %get3A_311 = vector.shape_cast %get3A_310 : vector<1x16xf32> to vector<16xf32>
        %add3A_312 = arith.addf %get3A_307, %get3A_311 : vector<16xf32>
        %max3A = arith.constant 0.000000e+00 : f32
        %max3A_313 = vector.broadcast %max3A : f32 to vector<16xf32>
        %max3A_314 = arith.maximumf %add3A_303, %max3A_313 : vector<16xf32>
        %swap3A_315 = arith.index_cast %scan3A_293 : i32 to index
        %swap3A_316 = arith.constant 0 : index
        %swap3A_317 = tpu.vector_load %arg9[%swap3A_315, %swap3A_316] {strides = array<i32>} : memref<256x32xf32, #tpu.memory_space<vmem>>, vector<1x16xf32>,
        %swap3A_318 = vector.shape_cast %swap3A_317 : vector<1x16xf32> to vector<16xf32>
        %swap3A_319 = vector.shape_cast %max3A_314 : vector<16xf32> to vector<1x16xf32>
        tpu.vector_store %arg9[%swap3A_315, %swap3A_316], %swap3A_319 {strides = array<i32>} : memref<256x32xf32, #tpu.memory_space<vmem>>, vector<1x16xf32>,
        %max3A_320 = arith.constant 0.000000e+00 : f32
        %max3A_321 = vector.broadcast %max3A_320 : f32 to vector<16xf32>
        %max3A_322 = arith.maximumf %add3A_312, %max3A_321 : vector<16xf32>
        %swap3A_323 = arith.index_cast %scan3A_293 : i32 to index
        %swap3A_324 = arith.constant 16 : index
        %swap3A_325 = tpu.vector_load %arg9[%swap3A_323, %swap3A_324] {strides = array<i32>} : memref<256x32xf32, #tpu.memory_space<vmem>>, vector<1x16xf32>,
        %swap3A_326 = vector.shape_cast %swap3A_325 : vector<1x16xf32> to vector<16xf32>
        %swap3A_327 = vector.shape_cast %max3A_322 : vector<16xf32> to vector<1x16xf32>
        tpu.vector_store %arg9[%swap3A_323, %swap3A_324], %swap3A_327 {strides = array<i32>} : memref<256x32xf32, #tpu.memory_space<vmem>>, vector<1x16xf32>,
        %scan3A_328 = arith.constant 0 : i32
        %scan3A_329 = arith.constant 1 : i32
        %scan3A_330 = arith.addi %scan3A_293, %scan3A_329 : i32
        %get3A_331 = arith.index_cast %scan3A_330 : i32 to index
        %get3A_332 = arith.constant 0 : index
        %get3A_333 = tpu.vector_load %arg9[%get3A_331, %get3A_332] {strides = array<i32>} : memref<256x32xf32, #tpu.memory_space<vmem>>, vector<1x16xf32>,
        %get3A_334 = vector.shape_cast %get3A_333 : vector<1x16xf32> to vector<16xf32>
        %get3A_335 = arith.index_cast %scan3A_330 : i32 to index
        %get3A_336 = arith.constant 0 : index
        %get3A_337 = tpu.vector_load %arg10[%get3A_335, %get3A_336] {strides = array<i32>} : memref<256x32xf32, #tpu.memory_space<vmem>>, vector<1x16xf32>,
        %get3A_338 = vector.shape_cast %get3A_337 : vector<1x16xf32> to vector<16xf32>
        %add3A_339 = arith.addf %get3A_334, %get3A_338 : vector<16xf32>
        %get3A_340 = arith.index_cast %scan3A_330 : i32 to index
        %get3A_341 = arith.constant 16 : index
        %get3A_342 = tpu.vector_load %arg9[%get3A_340, %get3A_341] {strides = array<i32>} : memref<256x32xf32, #tpu.memory_space<vmem>>, vector<1x16xf32>,
        %get3A_343 = vector.shape_cast %get3A_342 : vector<1x16xf32> to vector<16xf32>
        %get3A_344 = arith.index_cast %scan3A_330 : i32 to index
        %get3A_345 = arith.constant 16 : index
        %get3A_346 = tpu.vector_load %arg10[%get3A_344, %get3A_345] {strides = array<i32>} : memref<256x32xf32, #tpu.memory_space<vmem>>, vector<1x16xf32>,
        %get3A_347 = vector.shape_cast %get3A_346 : vector<1x16xf32> to vector<16xf32>
        %add3A_348 = arith.addf %get3A_343, %get3A_347 : vector<16xf32>
        %max3A_349 = arith.constant 0.000000e+00 : f32
        %max3A_350 = vector.broadcast %max3A_349 : f32 to vector<16xf32>
        %max3A_351 = arith.maximumf %add3A_339, %max3A_350 : vector<16xf32>
        %swap3A_352 = arith.index_cast %scan3A_330 : i32 to index
        %swap3A_353 = arith.constant 0 : index
        %swap3A_354 = tpu.vector_load %arg9[%swap3A_352, %swap3A_353] {strides = array<i32>} : memref<256x32xf32, #tpu.memory_space<vmem>>, vector<1x16xf32>,
        %swap3A_355 = vector.shape_cast %swap3A_354 : vector<1x16xf32> to vector<16xf32>
        %swap3A_356 = vector.shape_cast %max3A_351 : vector<16xf32> to vector<1x16xf32>
        tpu.vector_store %arg9[%swap3A_352, %swap3A_353], %swap3A_356 {strides = array<i32>} : memref<256x32xf32, #tpu.memory_space<vmem>>, vector<1x16xf32>,
        %max3A_357 = arith.constant 0.000000e+00 : f32
        %max3A_358 = vector.broadcast %max3A_357 : f32 to vector<16xf32>
        %max3A_359 = arith.maximumf %add3A_348, %max3A_358 : vector<16xf32>
        %swap3A_360 = arith.index_cast %scan3A_330 : i32 to index
        %swap3A_361 = arith.constant 16 : index
        %swap3A_362 = tpu.vector_load %arg9[%swap3A_360, %swap3A_361] {strides = array<i32>} : memref<256x32xf32, #tpu.memory_space<vmem>>, vector<1x16xf32>,
        %swap3A_363 = vector.shape_cast %swap3A_362 : vector<1x16xf32> to vector<16xf32>
        %swap3A_364 = vector.shape_cast %max3A_359 : vector<16xf32> to vector<1x16xf32>
        tpu.vector_store %arg9[%swap3A_360, %swap3A_361], %swap3A_364 {strides = array<i32>} : memref<256x32xf32, #tpu.memory_space<vmem>>, vector<1x16xf32>,
        %scan3A_365 = arith.constant 0 : i32
        %scan3A_366 = arith.constant 2 : i32
        %scan3A_367 = arith.addi %scan3A_293, %scan3A_366 : i32
        %get3A_368 = arith.index_cast %scan3A_367 : i32 to index
        %get3A_369 = arith.constant 0 : index
        %get3A_370 = tpu.vector_load %arg9[%get3A_368, %get3A_369] {strides = array<i32>} : memref<256x32xf32, #tpu.memory_space<vmem>>, vector<1x16xf32>,
        %get3A_371 = vector.shape_cast %get3A_370 : vector<1x16xf32> to vector<16xf32>
        %get3A_372 = arith.index_cast %scan3A_367 : i32 to index
        %get3A_373 = arith.constant 0 : index
        %get3A_374 = tpu.vector_load %arg10[%get3A_372, %get3A_373] {strides = array<i32>} : memref<256x32xf32, #tpu.memory_space<vmem>>, vector<1x16xf32>,
        %get3A_375 = vector.shape_cast %get3A_374 : vector<1x16xf32> to vector<16xf32>
        %add3A_376 = arith.addf %get3A_371, %get3A_375 : vector<16xf32>
        %get3A_377 = arith.index_cast %scan3A_367 : i32 to index
        %get3A_378 = arith.constant 16 : index
        %get3A_379 = tpu.vector_load %arg9[%get3A_377, %get3A_378] {strides = array<i32>} : memref<256x32xf32, #tpu.memory_space<vmem>>, vector<1x16xf32>,
        %get3A_380 = vector.shape_cast %get3A_379 : vector<1x16xf32> to vector<16xf32>
        %get3A_381 = arith.index_cast %scan3A_367 : i32 to index
        %get3A_382 = arith.constant 16 : index
        %get3A_383 = tpu.vector_load %arg10[%get3A_381, %get3A_382] {strides = array<i32>} : memref<256x32xf32, #tpu.memory_space<vmem>>, vector<1x16xf32>,
        %get3A_384 = vector.shape_cast %get3A_383 : vector<1x16xf32> to vector<16xf32>
        %add3A_385 = arith.addf %get3A_380, %get3A_384 : vector<16xf32>
        %max3A_386 = arith.constant 0.000000e+00 : f32
        %max3A_387 = vector.broadcast %max3A_386 : f32 to vector<16xf32>
        %max3A_388 = arith.maximumf %add3A_376, %max3A_387 : vector<16xf32>
        %swap3A_389 = arith.index_cast %scan3A_367 : i32 to index
        %swap3A_390 = arith.constant 0 : index
        %swap3A_391 = tpu.vector_load %arg9[%swap3A_389, %swap3A_390] {strides = array<i32>} : memref<256x32xf32, #tpu.memory_space<vmem>>, vector<1x16xf32>,
        %swap3A_392 = vector.shape_cast %swap3A_391 : vector<1x16xf32> to vector<16xf32>
        %swap3A_393 = vector.shape_cast %max3A_388 : vector<16xf32> to vector<1x16xf32>
        tpu.vector_store %arg9[%swap3A_389, %swap3A_390], %swap3A_393 {strides = array<i32>} : memref<256x32xf32, #tpu.memory_space<vmem>>, vector<1x16xf32>,
        %max3A_394 = arith.constant 0.000000e+00 : f32
        %max3A_395 = vector.broadcast %max3A_394 : f32 to vector<16xf32>
        %max3A_396 = arith.maximumf %add3A_385, %max3A_395 : vector<16xf32>
        %swap3A_397 = arith.index_cast %scan3A_367 : i32 to index
        %swap3A_398 = arith.constant 16 : index
        %swap3A_399 = tpu.vector_load %arg9[%swap3A_397, %swap3A_398] {strides = array<i32>} : memref<256x32xf32, #tpu.memory_space<vmem>>, vector<1x16xf32>,
        %swap3A_400 = vector.shape_cast %swap3A_399 : vector<1x16xf32> to vector<16xf32>
        %swap3A_401 = vector.shape_cast %max3A_396 : vector<16xf32> to vector<1x16xf32>
        tpu.vector_store %arg9[%swap3A_397, %swap3A_398], %swap3A_401 {strides = array<i32>} : memref<256x32xf32, #tpu.memory_space<vmem>>, vector<1x16xf32>,
        %scan3A_402 = arith.constant 0 : i32
        %scan3A_403 = arith.constant 3 : i32
        %scan3A_404 = arith.addi %scan3A_293, %scan3A_403 : i32
        %get3A_405 = arith.index_cast %scan3A_404 : i32 to index
        %get3A_406 = arith.constant 0 : index
        %get3A_407 = tpu.vector_load %arg9[%get3A_405, %get3A_406] {strides = array<i32>} : memref<256x32xf32, #tpu.memory_space<vmem>>, vector<1x16xf32>,
        %get3A_408 = vector.shape_cast %get3A_407 : vector<1x16xf32> to vector<16xf32>
        %get3A_409 = arith.index_cast %scan3A_404 : i32 to index
        %get3A_410 = arith.constant 0 : index
        %get3A_411 = tpu.vector_load %arg10[%get3A_409, %get3A_410] {strides = array<i32>} : memref<256x32xf32, #tpu.memory_space<vmem>>, vector<1x16xf32>,
        %get3A_412 = vector.shape_cast %get3A_411 : vector<1x16xf32> to vector<16xf32>
        %add3A_413 = arith.addf %get3A_408, %get3A_412 : vector<16xf32>
        %get3A_414 = arith.index_cast %scan3A_404 : i32 to index
        %get3A_415 = arith.constant 16 : index
        %get3A_416 = tpu.vector_load %arg9[%get3A_414, %get3A_415] {strides = array<i32>} : memref<256x32xf32, #tpu.memory_space<vmem>>, vector<1x16xf32>,
        %get3A_417 = vector.shape_cast %get3A_416 : vector<1x16xf32> to vector<16xf32>
        %get3A_418 = arith.index_cast %scan3A_404 : i32 to index
        %get3A_419 = arith.constant 16 : index
        %get3A_420 = tpu.vector_load %arg10[%get3A_418, %get3A_419] {strides = array<i32>} : memref<256x32xf32, #tpu.memory_space<vmem>>, vector<1x16xf32>,
        %get3A_421 = vector.shape_cast %get3A_420 : vector<1x16xf32> to vector<16xf32>
        %add3A_422 = arith.addf %get3A_417, %get3A_421 : vector<16xf32>
        %max3A_423 = arith.constant 0.000000e+00 : f32
        %max3A_424 = vector.broadcast %max3A_423 : f32 to vector<16xf32>
        %max3A_425 = arith.maximumf %add3A_413, %max3A_424 : vector<16xf32>
        %swap3A_426 = arith.index_cast %scan3A_404 : i32 to index
        %swap3A_427 = arith.constant 0 : index
        %swap3A_428 = tpu.vector_load %arg9[%swap3A_426, %swap3A_427] {strides = array<i32>} : memref<256x32xf32, #tpu.memory_space<vmem>>, vector<1x16xf32>,
        %swap3A_429 = vector.shape_cast %swap3A_428 : vector<1x16xf32> to vector<16xf32>
        %swap3A_430 = vector.shape_cast %max3A_425 : vector<16xf32> to vector<1x16xf32>
        tpu.vector_store %arg9[%swap3A_426, %swap3A_427], %swap3A_430 {strides = array<i32>} : memref<256x32xf32, #tpu.memory_space<vmem>>, vector<1x16xf32>,
        %max3A_431 = arith.constant 0.000000e+00 : f32
        %max3A_432 = vector.broadcast %max3A_431 : f32 to vector<16xf32>
        %max3A_433 = arith.maximumf %add3A_422, %max3A_432 : vector<16xf32>
        %swap3A_434 = arith.index_cast %scan3A_404 : i32 to index
        %swap3A_435 = arith.constant 16 : index
        %swap3A_436 = tpu.vector_load %arg9[%swap3A_434, %swap3A_435] {strides = array<i32>} : memref<256x32xf32, #tpu.memory_space<vmem>>, vector<1x16xf32>,
        %swap3A_437 = vector.shape_cast %swap3A_436 : vector<1x16xf32> to vector<16xf32>
        %swap3A_438 = vector.shape_cast %max3A_433 : vector<16xf32> to vector<1x16xf32>
        tpu.vector_store %arg9[%swap3A_434, %swap3A_435], %swap3A_438 {strides = array<i32>} : memref<256x32xf32, #tpu.memory_space<vmem>>, vector<1x16xf32>,
        %scan3A_439 = arith.constant 0 : i32
        scf.yield %scan3A_439 : i32
      }
      %scan3A_290 = arith.constant 256 : i32
      %run_scoped3A = arith.constant 0 : i32
      "tpu.region"() ({
        %run_scoped3A_293 = tpu.sem_alloc : memref<!tpu.dma_semaphore, #tpu.memory_space<semaphore_mem>>
        %dma_start3A_294 = arith.constant 0 : i32
        %dma_start3A_295 = arith.constant 0 : i32
        %dma_start3A_296 = tpu.memref_slice %arg9[%dma_start3A_294, %dma_start3A_295] : memref<256x32xf32, #tpu.memory_space<vmem>> -> memref<128x32xf32, #tpu.memory_space<vmem>>
        %dma_start3A_297 = arith.constant 0 : i32
        %dma_start3A_298 = tpu.memref_slice %arg8[%run_scoped3A, %dma_start3A_297] : memref<2x128xi32, #tpu.memory_space<vmem>> -> memref<1x128xi32, #tpu.memory_space<vmem>>
        %dma_start3A_299 = tpu.memref_squeeze %dma_start3A_298 : memref<1x128xi32, #tpu.memory_space<vmem>> -> memref<128xi32, #tpu.memory_space<vmem>>
        %dma_start3A_300 = arith.constant 0 : i32
        %dma_start3A_301 = arith.constant 0 : i32
        %dma_start3A_302 = tpu.memref_slice %arg11[%dma_start3A_300, %dma_start3A_301] : memref<51200x32xf32, #tpu.memory_space<vmem_shared>> -> memref<51200x32xf32, #tpu.memory_space<vmem_shared>>
        tpu.enqueue_indirect_dma source(%dma_start3A_296 : memref<128x32xf32, #tpu.memory_space<vmem>>) target(%dma_start3A_302 : memref<51200x32xf32, #tpu.memory_space<vmem_shared>>) offsets(%dma_start3A_299 : memref<128xi32, #tpu.memory_space<vmem>>) semaphore(%run_scoped3A_293 : memref<!tpu.dma_semaphore, #tpu.memory_space<semaphore_mem>>) {add = true}
        %dma_wait3A_303 = arith.constant 0 : i32
        %dma_wait3A_304 = arith.constant 0 : i32
        %dma_wait3A_305 = tpu.memref_slice %arg9[%dma_wait3A_303, %dma_wait3A_304] : memref<256x32xf32, #tpu.memory_space<vmem>> -> memref<128x32xf32, #tpu.memory_space<vmem>>
        %dma_wait3A_306 = arith.constant 0 : i32
        %dma_wait3A_307 = tpu.memref_slice %arg8[%run_scoped3A, %dma_wait3A_306] : memref<2x128xi32, #tpu.memory_space<vmem>> -> memref<1x128xi32, #tpu.memory_space<vmem>>
        %dma_wait3A_308 = tpu.memref_squeeze %dma_wait3A_307 : memref<1x128xi32, #tpu.memory_space<vmem>> -> memref<128xi32, #tpu.memory_space<vmem>>
        %dma_wait3A_309 = arith.constant 0 : i32
        %dma_wait3A_310 = arith.constant 0 : i32
        %dma_wait3A_311 = tpu.memref_slice %arg11[%dma_wait3A_309, %dma_wait3A_310] : memref<51200x32xf32, #tpu.memory_space<vmem_shared>> -> memref<51200x32xf32, #tpu.memory_space<vmem_shared>>
        tpu.wait_indirect_dma semaphore(%run_scoped3A_293 : memref<!tpu.dma_semaphore, #tpu.memory_space<semaphore_mem>>) src(%dma_wait3A_305 : memref<128x32xf32, #tpu.memory_space<vmem>>) dst(%dma_wait3A_311 : memref<51200x32xf32, #tpu.memory_space<vmem_shared>>)
        tpu.yield
      }) : () -> ()
      %run_scoped3A_291 = arith.constant 1 : i32
      "tpu.region"() ({
        %run_scoped3A_293 = tpu.sem_alloc : memref<!tpu.dma_semaphore, #tpu.memory_space<semaphore_mem>>
        %dma_start3A_294 = arith.constant 128 : i32
        %dma_start3A_295 = arith.constant 0 : i32
        %dma_start3A_296 = tpu.memref_slice %arg9[%dma_start3A_294, %dma_start3A_295] : memref<256x32xf32, #tpu.memory_space<vmem>> -> memref<128x32xf32, #tpu.memory_space<vmem>>
        %dma_start3A_297 = arith.constant 0 : i32
        %dma_start3A_298 = tpu.memref_slice %arg8[%run_scoped3A_291, %dma_start3A_297] : memref<2x128xi32, #tpu.memory_space<vmem>> -> memref<1x128xi32, #tpu.memory_space<vmem>>
        %dma_start3A_299 = tpu.memref_squeeze %dma_start3A_298 : memref<1x128xi32, #tpu.memory_space<vmem>> -> memref<128xi32, #tpu.memory_space<vmem>>
        %dma_start3A_300 = arith.constant 0 : i32
        %dma_start3A_301 = arith.constant 0 : i32
        %dma_start3A_302 = tpu.memref_slice %arg11[%dma_start3A_300, %dma_start3A_301] : memref<51200x32xf32, #tpu.memory_space<vmem_shared>> -> memref<51200x32xf32, #tpu.memory_space<vmem_shared>>
        tpu.enqueue_indirect_dma source(%dma_start3A_296 : memref<128x32xf32, #tpu.memory_space<vmem>>) target(%dma_start3A_302 : memref<51200x32xf32, #tpu.memory_space<vmem_shared>>) offsets(%dma_start3A_299 : memref<128xi32, #tpu.memory_space<vmem>>) semaphore(%run_scoped3A_293 : memref<!tpu.dma_semaphore, #tpu.memory_space<semaphore_mem>>) {add = true}
        %dma_wait3A_303 = arith.constant 128 : i32
        %dma_wait3A_304 = arith.constant 0 : i32
        %dma_wait3A_305 = tpu.memref_slice %arg9[%dma_wait3A_303, %dma_wait3A_304] : memref<256x32xf32, #tpu.memory_space<vmem>> -> memref<128x32xf32, #tpu.memory_space<vmem>>
        %dma_wait3A_306 = arith.constant 0 : i32
        %dma_wait3A_307 = tpu.memref_slice %arg8[%run_scoped3A_291, %dma_wait3A_306] : memref<2x128xi32, #tpu.memory_space<vmem>> -> memref<1x128xi32, #tpu.memory_space<vmem>>
        %dma_wait3A_308 = tpu.memref_squeeze %dma_wait3A_307 : memref<1x128xi32, #tpu.memory_space<vmem>> -> memref<128xi32, #tpu.memory_space<vmem>>
        %dma_wait3A_309 = arith.constant 0 : i32
        %dma_wait3A_310 = arith.constant 0 : i32
        %dma_wait3A_311 = tpu.memref_slice %arg11[%dma_wait3A_309, %dma_wait3A_310] : memref<51200x32xf32, #tpu.memory_space<vmem_shared>> -> memref<51200x32xf32, #tpu.memory_space<vmem_shared>>
        tpu.wait_indirect_dma semaphore(%run_scoped3A_293 : memref<!tpu.dma_semaphore, #tpu.memory_space<semaphore_mem>>) src(%dma_wait3A_305 : memref<128x32xf32, #tpu.memory_space<vmem>>) dst(%dma_wait3A_311 : memref<51200x32xf32, #tpu.memory_space<vmem_shared>>)
        tpu.yield
      }) : () -> ()
      %scan3A_292 = arith.constant 0 : i32
      scf.yield %scan3A_292 : i32
    }
    %scan3A_24 = arith.constant 196 : i32
    %barrier3A_25 = arith.constant 0 : index
    tpu.barrier barrier_id(%barrier3A_25)
    %mul3A_26 = arith.constant 3200 : i32
    %mul3A_27 = arith.muli %arg1, %mul3A_26 : i32
    %mul3A_28 = arith.constant 51200 : i32
    %mul3A_29 = arith.muli %arg0, %mul3A_28 : i32
    %mul3A_30 = arith.constant 3200 : i32
    %mul3A_31 = arith.muli %arg1, %mul3A_30 : i32
    %add3A = arith.addi %mul3A_29, %mul3A_31 : i32
    "tpu.region"() ({
      %run_scoped3A = tpu.sem_alloc : memref<!tpu.dma_semaphore, #tpu.memory_space<semaphore_mem>>
      %dma_start3A = arith.constant 0 : i32
      %dma_start3A_32 = tpu.memref_slice %arg6[%add3A, %dma_start3A] : memref<102400x32xf32, #tpu.memory_space<hbm>> -> memref<3200x32xf32, #tpu.memory_space<hbm>>
      %dma_start3A_33 = arith.constant 0 : i32
      %dma_start3A_34 = tpu.memref_slice %arg11[%mul3A_27, %dma_start3A_33] : memref<51200x32xf32, #tpu.memory_space<vmem_shared>> -> memref<3200x32xf32, #tpu.memory_space<vmem_shared>>
      tpu.enqueue_dma source(%dma_start3A_34 : memref<3200x32xf32, #tpu.memory_space<vmem_shared>>) target(%dma_start3A_32 : memref<3200x32xf32, #tpu.memory_space<hbm>>) target_semaphore(%run_scoped3A : memref<!tpu.dma_semaphore, #tpu.memory_space<semaphore_mem>>)
      %dma_wait3A = arith.constant 0 : i32
      %dma_wait3A_35 = tpu.memref_slice %arg6[%add3A, %dma_wait3A] : memref<102400x32xf32, #tpu.memory_space<hbm>> -> memref<3200x32xf32, #tpu.memory_space<hbm>>
      %dma_wait3A_36 = arith.constant 0 : i32
      %dma_wait3A_37 = tpu.memref_slice %arg11[%mul3A_27, %dma_wait3A_36] : memref<51200x32xf32, #tpu.memory_space<vmem_shared>> -> memref<3200x32xf32, #tpu.memory_space<vmem_shared>>
      tpu.wait_dma2 semaphore(%run_scoped3A : memref<!tpu.dma_semaphore, #tpu.memory_space<semaphore_mem>>) src(%dma_wait3A_37 : memref<3200x32xf32, #tpu.memory_space<vmem_shared>>) dst(%dma_wait3A_35 : memref<3200x32xf32, #tpu.memory_space<hbm>>)
      tpu.yield
    }) : () -> ()
    return
  }
}

#map = affine_map<(d0, d1) -> (0, 0)>
module attributes {stable_mosaic.version = 14 : i64} {
  func.func @_sc_body(%arg0: i32, %arg1: i32, %arg2: memref<100000x32xf32, #tpu.memory_space<hbm>>, %arg3: memref<1605632x32xf32, #tpu.memory_space<hbm>>, %arg4: memref<6272x128xi32, #tpu.memory_space<hbm>>, %arg5: memref<6272x128xi32, #tpu.memory_space<hbm>>, %arg6: memref<102400x32xf32, #tpu.memory_space<hbm>>, %arg7: memref<2x128xi32, #tpu.memory_space<vmem>>, %arg8: memref<2x128xi32, #tpu.memory_space<vmem>>, %arg9: memref<256x32xf32, #tpu.memory_space<vmem>>, %arg10: memref<256x32xf32, #tpu.memory_space<vmem>>, %arg11: memref<51200x32xf32, #tpu.memory_space<vmem_shared>>, %arg12: memref<!tpu.dma_semaphore, #tpu.memory_space<semaphore_mem>>) attributes {dimension_semantics = [#tpu.dimension_semantics<core_parallel>, #tpu.dimension_semantics<subcore_parallel>], iteration_bounds = array<i64: 2, 16>, scalar_prefetch = 0 : i64, scratch_operands = 6 : i64, tpu.core_type = #tpu.core_type<sc_vector_subcore>, window_params = [{transform_indices = #map}, {transform_indices = #map}, {transform_indices = #map}, {transform_indices = #map}, {transform_indices = #map}]} {
    %scan3A = arith.constant 0 : i32
    %scan3A_0 = arith.constant 0 : i32
    %scan3A_1 = arith.constant 128 : i32
    %scan3A_2 = arith.addi %scan3A_0, %scan3A_1 : i32
    %scan3A_3 = arith.constant 1 : i32
    %scan3A_4 = scf.for %scan3A_32 = %scan3A_0 to %scan3A_2 step %scan3A_3 iter_args(%scan3A_33 = %scan3A) -> (i32)  : i32 {
      %broadcast_in_dim3A = arith.constant 0.000000e+00 : f32
      %broadcast_in_dim3A_34 = vector.broadcast %broadcast_in_dim3A : f32 to vector<16xf32>
      %swap3A = arith.index_cast %scan3A_32 : i32 to index
      %swap3A_35 = arith.constant 0 : index
      %swap3A_36 = tpu.vector_load %arg9[%swap3A, %swap3A_35] {strides = array<i32>} : memref<256x32xf32, #tpu.memory_space<vmem>>, vector<1x16xf32>,
      %swap3A_37 = vector.shape_cast %swap3A_36 : vector<1x16xf32> to vector<16xf32>
      %swap3A_38 = vector.shape_cast %broadcast_in_dim3A_34 : vector<16xf32> to vector<1x16xf32>
      tpu.vector_store %arg9[%swap3A, %swap3A_35], %swap3A_38 {strides = array<i32>} : memref<256x32xf32, #tpu.memory_space<vmem>>, vector<1x16xf32>,
      %broadcast_in_dim3A_39 = arith.constant 0.000000e+00 : f32
      %broadcast_in_dim3A_40 = vector.broadcast %broadcast_in_dim3A_39 : f32 to vector<16xf32>
      %swap3A_41 = arith.index_cast %scan3A_32 : i32 to index
      %swap3A_42 = arith.constant 16 : index
      %swap3A_43 = tpu.vector_load %arg9[%swap3A_41, %swap3A_42] {strides = array<i32>} : memref<256x32xf32, #tpu.memory_space<vmem>>, vector<1x16xf32>,
      %swap3A_44 = vector.shape_cast %swap3A_43 : vector<1x16xf32> to vector<16xf32>
      %swap3A_45 = vector.shape_cast %broadcast_in_dim3A_40 : vector<16xf32> to vector<1x16xf32>
      tpu.vector_store %arg9[%swap3A_41, %swap3A_42], %swap3A_45 {strides = array<i32>} : memref<256x32xf32, #tpu.memory_space<vmem>>, vector<1x16xf32>,
      %scan3A_46 = arith.constant 0 : i32
      scf.yield %scan3A_46 : i32
    }
    %scan3A_5 = arith.constant 128 : i32
    %scan3A_6 = arith.constant 0 : i32
    %scan3A_7 = arith.constant 0 : i32
    %scan3A_8 = arith.constant 25 : i32
    %scan3A_9 = arith.addi %scan3A_7, %scan3A_8 : i32
    %scan3A_10 = arith.constant 1 : i32
    %scan3A_11 = scf.for %scan3A_32 = %scan3A_7 to %scan3A_9 step %scan3A_10 iter_args(%scan3A_33 = %scan3A_6) -> (i32)  : i32 {
      %mul3A_34 = arith.constant 3200 : i32
      %mul3A_35 = arith.muli %arg1, %mul3A_34 : i32
      %mul3A_36 = arith.constant 128 : i32
      %mul3A_37 = arith.muli %scan3A_32, %mul3A_36 : i32
      %add3A_38 = arith.addi %mul3A_35, %mul3A_37 : i32
      "tpu.region"() ({
        %run_scoped3A = tpu.sem_alloc : memref<!tpu.dma_semaphore, #tpu.memory_space<semaphore_mem>>
        %dma_start3A = arith.constant 0 : i32
        %dma_start3A_40 = arith.constant 0 : i32
        %dma_start3A_41 = tpu.memref_slice %arg9[%dma_start3A, %dma_start3A_40] : memref<256x32xf32, #tpu.memory_space<vmem>> -> memref<128x32xf32, #tpu.memory_space<vmem>>
        %dma_start3A_42 = arith.constant 0 : i32
        %dma_start3A_43 = tpu.memref_slice %arg11[%add3A_38, %dma_start3A_42] : memref<51200x32xf32, #tpu.memory_space<vmem_shared>> -> memref<128x32xf32, #tpu.memory_space<vmem_shared>>
        %dma_start3A_44 = arith.constant 0 : i32
        %dma_start3A_45 = tpu.memref_slice %arg11[%add3A_38, %dma_start3A_44] : memref<51200x32xf32, #tpu.memory_space<vmem_shared>> -> memref<128x32xf32, #tpu.memory_space<vmem_shared>>
        %dma_start3A_46 = arith.constant 0 : i32
        %dma_start3A_47 = arith.constant 0 : i32
        %dma_start3A_48 = tpu.memref_slice %arg9[%dma_start3A_46, %dma_start3A_47] : memref<256x32xf32, #tpu.memory_space<vmem>> -> memref<128x32xf32, #tpu.memory_space<vmem>>
        tpu.enqueue_dma source(%dma_start3A_48 : memref<128x32xf32, #tpu.memory_space<vmem>>) target(%dma_start3A_45 : memref<128x32xf32, #tpu.memory_space<vmem_shared>>) target_semaphore(%run_scoped3A : memref<!tpu.dma_semaphore, #tpu.memory_space<semaphore_mem>>)
        %dma_wait3A = arith.constant 0 : i32
        %dma_wait3A_49 = arith.constant 0 : i32
        %dma_wait3A_50 = tpu.memref_slice %arg9[%dma_wait3A, %dma_wait3A_49] : memref<256x32xf32, #tpu.memory_space<vmem>> -> memref<128x32xf32, #tpu.memory_space<vmem>>
        %dma_wait3A_51 = arith.constant 0 : i32
        %dma_wait3A_52 = tpu.memref_slice %arg11[%add3A_38, %dma_wait3A_51] : memref<51200x32xf32, #tpu.memory_space<vmem_shared>> -> memref<128x32xf32, #tpu.memory_space<vmem_shared>>
        %dma_wait3A_53 = arith.constant 0 : i32
        %dma_wait3A_54 = tpu.memref_slice %arg11[%add3A_38, %dma_wait3A_53] : memref<51200x32xf32, #tpu.memory_space<vmem_shared>> -> memref<128x32xf32, #tpu.memory_space<vmem_shared>>
        %dma_wait3A_55 = arith.constant 0 : i32
        %dma_wait3A_56 = arith.constant 0 : i32
        %dma_wait3A_57 = tpu.memref_slice %arg9[%dma_wait3A_55, %dma_wait3A_56] : memref<256x32xf32, #tpu.memory_space<vmem>> -> memref<128x32xf32, #tpu.memory_space<vmem>>
        tpu.wait_dma2 semaphore(%run_scoped3A : memref<!tpu.dma_semaphore, #tpu.memory_space<semaphore_mem>>) src(%dma_wait3A_57 : memref<128x32xf32, #tpu.memory_space<vmem>>) dst(%dma_wait3A_54 : memref<128x32xf32, #tpu.memory_space<vmem_shared>>)
        tpu.yield
      }) : () -> ()
      %scan3A_39 = arith.constant 0 : i32
      scf.yield %scan3A_39 : i32
    }
    %scan3A_12 = arith.constant 25 : i32
    %barrier3A = arith.constant 0 : index
    tpu.barrier barrier_id(%barrier3A)
    %mul3A = arith.constant 50000 : i32
    %mul3A_13 = arith.muli %arg0, %mul3A : i32
    %mul3A_14 = arith.constant 6272 : i32
    %mul3A_15 = arith.muli %arg0, %mul3A_14 : i32
    %mul3A_16 = arith.constant 392 : i32
    %mul3A_17 = arith.muli %arg1, %mul3A_16 : i32
    %scan3A_18 = arith.constant 0 : i32
    %scan3A_19 = arith.constant 0 : i32
    %scan3A_20 = arith.constant 196 : i32
    %scan3A_21 = arith.addi %scan3A_19, %scan3A_20 : i32
    %scan3A_22 = arith.constant 1 : i32
    %scan3A_23 = scf.for %scan3A_32 = %scan3A_19 to %scan3A_21 step %scan3A_22 iter_args(%scan3A_33 = %scan3A_18) -> (i32)  : i32 {
      %mul3A_34 = arith.constant 2 : i32
      %mul3A_35 = arith.muli %scan3A_32, %mul3A_34 : i32
      %add3A_36 = arith.addi %mul3A_17, %mul3A_35 : i32
      "tpu.region"() ({
        %run_scoped3A_293 = tpu.sem_alloc : memref<!tpu.dma_semaphore, #tpu.memory_space<semaphore_mem>>
        %dma_start3A_294 = arith.constant 0 : i32
        %dma_start3A_295 = tpu.memref_slice %arg4[%add3A_36, %dma_start3A_294] : memref<6272x128xi32, #tpu.memory_space<hbm>> -> memref<2x128xi32, #tpu.memory_space<hbm>>
        %dma_start3A_296 = arith.constant 0 : i32
        %dma_start3A_297 = tpu.memref_slice %arg4[%add3A_36, %dma_start3A_296] : memref<6272x128xi32, #tpu.memory_space<hbm>> -> memref<2x128xi32, #tpu.memory_space<hbm>>
        tpu.enqueue_dma source(%dma_start3A_297 : memref<2x128xi32, #tpu.memory_space<hbm>>) target(%arg7 : memref<2x128xi32, #tpu.memory_space<vmem>>) target_semaphore(%run_scoped3A_293 : memref<!tpu.dma_semaphore, #tpu.memory_space<semaphore_mem>>)
        %dma_wait3A_298 = arith.constant 0 : i32
        %dma_wait3A_299 = tpu.memref_slice %arg4[%add3A_36, %dma_wait3A_298] : memref<6272x128xi32, #tpu.memory_space<hbm>> -> memref<2x128xi32, #tpu.memory_space<hbm>>
        %dma_wait3A_300 = arith.constant 0 : i32
        %dma_wait3A_301 = tpu.memref_slice %arg4[%add3A_36, %dma_wait3A_300] : memref<6272x128xi32, #tpu.memory_space<hbm>> -> memref<2x128xi32, #tpu.memory_space<hbm>>
        tpu.wait_dma2 semaphore(%run_scoped3A_293 : memref<!tpu.dma_semaphore, #tpu.memory_space<semaphore_mem>>) src(%dma_wait3A_301 : memref<2x128xi32, #tpu.memory_space<hbm>>) dst(%arg7 : memref<2x128xi32, #tpu.memory_space<vmem>>)
        tpu.yield
      }) : () -> ()
      "tpu.region"() ({
        %run_scoped3A_293 = tpu.sem_alloc : memref<!tpu.dma_semaphore, #tpu.memory_space<semaphore_mem>>
        %dma_start3A_294 = arith.constant 0 : i32
        %dma_start3A_295 = tpu.memref_slice %arg5[%add3A_36, %dma_start3A_294] : memref<6272x128xi32, #tpu.memory_space<hbm>> -> memref<2x128xi32, #tpu.memory_space<hbm>>
        %dma_start3A_296 = arith.constant 0 : i32
        %dma_start3A_297 = tpu.memref_slice %arg5[%add3A_36, %dma_start3A_296] : memref<6272x128xi32, #tpu.memory_space<hbm>> -> memref<2x128xi32, #tpu.memory_space<hbm>>
        tpu.enqueue_dma source(%dma_start3A_297 : memref<2x128xi32, #tpu.memory_space<hbm>>) target(%arg8 : memref<2x128xi32, #tpu.memory_space<vmem>>) target_semaphore(%run_scoped3A_293 : memref<!tpu.dma_semaphore, #tpu.memory_space<semaphore_mem>>)
        %dma_wait3A_298 = arith.constant 0 : i32
        %dma_wait3A_299 = tpu.memref_slice %arg5[%add3A_36, %dma_wait3A_298] : memref<6272x128xi32, #tpu.memory_space<hbm>> -> memref<2x128xi32, #tpu.memory_space<hbm>>
        %dma_wait3A_300 = arith.constant 0 : i32
        %dma_wait3A_301 = tpu.memref_slice %arg5[%add3A_36, %dma_wait3A_300] : memref<6272x128xi32, #tpu.memory_space<hbm>> -> memref<2x128xi32, #tpu.memory_space<hbm>>
        tpu.wait_dma2 semaphore(%run_scoped3A_293 : memref<!tpu.dma_semaphore, #tpu.memory_space<semaphore_mem>>) src(%dma_wait3A_301 : memref<2x128xi32, #tpu.memory_space<hbm>>) dst(%arg8 : memref<2x128xi32, #tpu.memory_space<vmem>>)
        tpu.yield
      }) : () -> ()
      %get3A = arith.constant 0 : i32
      %get3A_37 = arith.index_cast %get3A : i32 to index
      %get3A_38 = arith.constant 0 : index
      %get3A_39 = tpu.vector_load %arg7[%get3A_37, %get3A_38] {strides = array<i32>} : memref<2x128xi32, #tpu.memory_space<vmem>>, vector<1x16xi32>,
      %get3A_40 = vector.shape_cast %get3A_39 : vector<1x16xi32> to vector<16xi32>
      %add3A_41 = vector.broadcast %mul3A_13 : i32 to vector<16xi32>
      %add3A_42 = arith.addi %get3A_40, %add3A_41 : vector<16xi32>
      %swap3A = arith.constant 0 : i32
      %swap3A_43 = arith.index_cast %swap3A : i32 to index
      %swap3A_44 = arith.constant 0 : index
      %swap3A_45 = tpu.vector_load %arg7[%swap3A_43, %swap3A_44] {strides = array<i32>} : memref<2x128xi32, #tpu.memory_space<vmem>>, vector<1x16xi32>,
      %swap3A_46 = vector.shape_cast %swap3A_45 : vector<1x16xi32> to vector<16xi32>
      %swap3A_47 = vector.shape_cast %add3A_42 : vector<16xi32> to vector<1x16xi32>
      tpu.vector_store %arg7[%swap3A_43, %swap3A_44], %swap3A_47 {strides = array<i32>} : memref<2x128xi32, #tpu.memory_space<vmem>>, vector<1x16xi32>,
      %get3A_48 = arith.constant 0 : i32
      %get3A_49 = arith.index_cast %get3A_48 : i32 to index
      %get3A_50 = arith.constant 16 : index
      %get3A_51 = tpu.vector_load %arg7[%get3A_49, %get3A_50] {strides = array<i32>} : memref<2x128xi32, #tpu.memory_space<vmem>>, vector<1x16xi32>,
      %get3A_52 = vector.shape_cast %get3A_51 : vector<1x16xi32> to vector<16xi32>
      %add3A_53 = vector.broadcast %mul3A_13 : i32 to vector<16xi32>
      %add3A_54 = arith.addi %get3A_52, %add3A_53 : vector<16xi32>
      %swap3A_55 = arith.constant 0 : i32
      %swap3A_56 = arith.index_cast %swap3A_55 : i32 to index
      %swap3A_57 = arith.constant 16 : index
      %swap3A_58 = tpu.vector_load %arg7[%swap3A_56, %swap3A_57] {strides = array<i32>} : memref<2x128xi32, #tpu.memory_space<vmem>>, vector<1x16xi32>,
      %swap3A_59 = vector.shape_cast %swap3A_58 : vector<1x16xi32> to vector<16xi32>
      %swap3A_60 = vector.shape_cast %add3A_54 : vector<16xi32> to vector<1x16xi32>
      tpu.vector_store %arg7[%swap3A_56, %swap3A_57], %swap3A_60 {strides = array<i32>} : memref<2x128xi32, #tpu.memory_space<vmem>>, vector<1x16xi32>,
      %get3A_61 = arith.constant 0 : i32
      %get3A_62 = arith.index_cast %get3A_61 : i32 to index
      %get3A_63 = arith.constant 32 : index
      %get3A_64 = tpu.vector_load %arg7[%get3A_62, %get3A_63] {strides = array<i32>} : memref<2x128xi32, #tpu.memory_space<vmem>>, vector<1x16xi32>,
      %get3A_65 = vector.shape_cast %get3A_64 : vector<1x16xi32> to vector<16xi32>
      %add3A_66 = vector.broadcast %mul3A_13 : i32 to vector<16xi32>
      %add3A_67 = arith.addi %get3A_65, %add3A_66 : vector<16xi32>
      %swap3A_68 = arith.constant 0 : i32
      %swap3A_69 = arith.index_cast %swap3A_68 : i32 to index
      %swap3A_70 = arith.constant 32 : index
      %swap3A_71 = tpu.vector_load %arg7[%swap3A_69, %swap3A_70] {strides = array<i32>} : memref<2x128xi32, #tpu.memory_space<vmem>>, vector<1x16xi32>,
      %swap3A_72 = vector.shape_cast %swap3A_71 : vector<1x16xi32> to vector<16xi32>
      %swap3A_73 = vector.shape_cast %add3A_67 : vector<16xi32> to vector<1x16xi32>
      tpu.vector_store %arg7[%swap3A_69, %swap3A_70], %swap3A_73 {strides = array<i32>} : memref<2x128xi32, #tpu.memory_space<vmem>>, vector<1x16xi32>,
      %get3A_74 = arith.constant 0 : i32
      %get3A_75 = arith.index_cast %get3A_74 : i32 to index
      %get3A_76 = arith.constant 48 : index
      %get3A_77 = tpu.vector_load %arg7[%get3A_75, %get3A_76] {strides = array<i32>} : memref<2x128xi32, #tpu.memory_space<vmem>>, vector<1x16xi32>,
      %get3A_78 = vector.shape_cast %get3A_77 : vector<1x16xi32> to vector<16xi32>
      %add3A_79 = vector.broadcast %mul3A_13 : i32 to vector<16xi32>
      %add3A_80 = arith.addi %get3A_78, %add3A_79 : vector<16xi32>
      %swap3A_81 = arith.constant 0 : i32
      %swap3A_82 = arith.index_cast %swap3A_81 : i32 to index
      %swap3A_83 = arith.constant 48 : index
      %swap3A_84 = tpu.vector_load %arg7[%swap3A_82, %swap3A_83] {strides = array<i32>} : memref<2x128xi32, #tpu.memory_space<vmem>>, vector<1x16xi32>,
      %swap3A_85 = vector.shape_cast %swap3A_84 : vector<1x16xi32> to vector<16xi32>
      %swap3A_86 = vector.shape_cast %add3A_80 : vector<16xi32> to vector<1x16xi32>
      tpu.vector_store %arg7[%swap3A_82, %swap3A_83], %swap3A_86 {strides = array<i32>} : memref<2x128xi32, #tpu.memory_space<vmem>>, vector<1x16xi32>,
      %get3A_87 = arith.constant 0 : i32
      %get3A_88 = arith.index_cast %get3A_87 : i32 to index
      %get3A_89 = arith.constant 64 : index
      %get3A_90 = tpu.vector_load %arg7[%get3A_88, %get3A_89] {strides = array<i32>} : memref<2x128xi32, #tpu.memory_space<vmem>>, vector<1x16xi32>,
      %get3A_91 = vector.shape_cast %get3A_90 : vector<1x16xi32> to vector<16xi32>
      %add3A_92 = vector.broadcast %mul3A_13 : i32 to vector<16xi32>
      %add3A_93 = arith.addi %get3A_91, %add3A_92 : vector<16xi32>
      %swap3A_94 = arith.constant 0 : i32
      %swap3A_95 = arith.index_cast %swap3A_94 : i32 to index
      %swap3A_96 = arith.constant 64 : index
      %swap3A_97 = tpu.vector_load %arg7[%swap3A_95, %swap3A_96] {strides = array<i32>} : memref<2x128xi32, #tpu.memory_space<vmem>>, vector<1x16xi32>,
      %swap3A_98 = vector.shape_cast %swap3A_97 : vector<1x16xi32> to vector<16xi32>
      %swap3A_99 = vector.shape_cast %add3A_93 : vector<16xi32> to vector<1x16xi32>
      tpu.vector_store %arg7[%swap3A_95, %swap3A_96], %swap3A_99 {strides = array<i32>} : memref<2x128xi32, #tpu.memory_space<vmem>>, vector<1x16xi32>,
      %get3A_100 = arith.constant 0 : i32
      %get3A_101 = arith.index_cast %get3A_100 : i32 to index
      %get3A_102 = arith.constant 80 : index
      %get3A_103 = tpu.vector_load %arg7[%get3A_101, %get3A_102] {strides = array<i32>} : memref<2x128xi32, #tpu.memory_space<vmem>>, vector<1x16xi32>,
      %get3A_104 = vector.shape_cast %get3A_103 : vector<1x16xi32> to vector<16xi32>
      %add3A_105 = vector.broadcast %mul3A_13 : i32 to vector<16xi32>
      %add3A_106 = arith.addi %get3A_104, %add3A_105 : vector<16xi32>
      %swap3A_107 = arith.constant 0 : i32
      %swap3A_108 = arith.index_cast %swap3A_107 : i32 to index
      %swap3A_109 = arith.constant 80 : index
      %swap3A_110 = tpu.vector_load %arg7[%swap3A_108, %swap3A_109] {strides = array<i32>} : memref<2x128xi32, #tpu.memory_space<vmem>>, vector<1x16xi32>,
      %swap3A_111 = vector.shape_cast %swap3A_110 : vector<1x16xi32> to vector<16xi32>
      %swap3A_112 = vector.shape_cast %add3A_106 : vector<16xi32> to vector<1x16xi32>
      tpu.vector_store %arg7[%swap3A_108, %swap3A_109], %swap3A_112 {strides = array<i32>} : memref<2x128xi32, #tpu.memory_space<vmem>>, vector<1x16xi32>,
      %get3A_113 = arith.constant 0 : i32
      %get3A_114 = arith.index_cast %get3A_113 : i32 to index
      %get3A_115 = arith.constant 96 : index
      %get3A_116 = tpu.vector_load %arg7[%get3A_114, %get3A_115] {strides = array<i32>} : memref<2x128xi32, #tpu.memory_space<vmem>>, vector<1x16xi32>,
      %get3A_117 = vector.shape_cast %get3A_116 : vector<1x16xi32> to vector<16xi32>
      %add3A_118 = vector.broadcast %mul3A_13 : i32 to vector<16xi32>
      %add3A_119 = arith.addi %get3A_117, %add3A_118 : vector<16xi32>
      %swap3A_120 = arith.constant 0 : i32
      %swap3A_121 = arith.index_cast %swap3A_120 : i32 to index
      %swap3A_122 = arith.constant 96 : index
      %swap3A_123 = tpu.vector_load %arg7[%swap3A_121, %swap3A_122] {strides = array<i32>} : memref<2x128xi32, #tpu.memory_space<vmem>>, vector<1x16xi32>,
      %swap3A_124 = vector.shape_cast %swap3A_123 : vector<1x16xi32> to vector<16xi32>
      %swap3A_125 = vector.shape_cast %add3A_119 : vector<16xi32> to vector<1x16xi32>
      tpu.vector_store %arg7[%swap3A_121, %swap3A_122], %swap3A_125 {strides = array<i32>} : memref<2x128xi32, #tpu.memory_space<vmem>>, vector<1x16xi32>,
      %get3A_126 = arith.constant 0 : i32
      %get3A_127 = arith.index_cast %get3A_126 : i32 to index
      %get3A_128 = arith.constant 112 : index
      %get3A_129 = tpu.vector_load %arg7[%get3A_127, %get3A_128] {strides = array<i32>} : memref<2x128xi32, #tpu.memory_space<vmem>>, vector<1x16xi32>,
      %get3A_130 = vector.shape_cast %get3A_129 : vector<1x16xi32> to vector<16xi32>
      %add3A_131 = vector.broadcast %mul3A_13 : i32 to vector<16xi32>
      %add3A_132 = arith.addi %get3A_130, %add3A_131 : vector<16xi32>
      %swap3A_133 = arith.constant 0 : i32
      %swap3A_134 = arith.index_cast %swap3A_133 : i32 to index
      %swap3A_135 = arith.constant 112 : index
      %swap3A_136 = tpu.vector_load %arg7[%swap3A_134, %swap3A_135] {strides = array<i32>} : memref<2x128xi32, #tpu.memory_space<vmem>>, vector<1x16xi32>,
      %swap3A_137 = vector.shape_cast %swap3A_136 : vector<1x16xi32> to vector<16xi32>
      %swap3A_138 = vector.shape_cast %add3A_132 : vector<16xi32> to vector<1x16xi32>
      tpu.vector_store %arg7[%swap3A_134, %swap3A_135], %swap3A_138 {strides = array<i32>} : memref<2x128xi32, #tpu.memory_space<vmem>>, vector<1x16xi32>,
      %get3A_139 = arith.constant 1 : i32
      %get3A_140 = arith.index_cast %get3A_139 : i32 to index
      %get3A_141 = arith.constant 0 : index
      %get3A_142 = tpu.vector_load %arg7[%get3A_140, %get3A_141] {strides = array<i32>} : memref<2x128xi32, #tpu.memory_space<vmem>>, vector<1x16xi32>,
      %get3A_143 = vector.shape_cast %get3A_142 : vector<1x16xi32> to vector<16xi32>
      %add3A_144 = vector.broadcast %mul3A_13 : i32 to vector<16xi32>
      %add3A_145 = arith.addi %get3A_143, %add3A_144 : vector<16xi32>
      %swap3A_146 = arith.constant 1 : i32
      %swap3A_147 = arith.index_cast %swap3A_146 : i32 to index
      %swap3A_148 = arith.constant 0 : index
      %swap3A_149 = tpu.vector_load %arg7[%swap3A_147, %swap3A_148] {strides = array<i32>} : memref<2x128xi32, #tpu.memory_space<vmem>>, vector<1x16xi32>,
      %swap3A_150 = vector.shape_cast %swap3A_149 : vector<1x16xi32> to vector<16xi32>
      %swap3A_151 = vector.shape_cast %add3A_145 : vector<16xi32> to vector<1x16xi32>
      tpu.vector_store %arg7[%swap3A_147, %swap3A_148], %swap3A_151 {strides = array<i32>} : memref<2x128xi32, #tpu.memory_space<vmem>>, vector<1x16xi32>,
      %get3A_152 = arith.constant 1 : i32
      %get3A_153 = arith.index_cast %get3A_152 : i32 to index
      %get3A_154 = arith.constant 16 : index
      %get3A_155 = tpu.vector_load %arg7[%get3A_153, %get3A_154] {strides = array<i32>} : memref<2x128xi32, #tpu.memory_space<vmem>>, vector<1x16xi32>,
      %get3A_156 = vector.shape_cast %get3A_155 : vector<1x16xi32> to vector<16xi32>
      %add3A_157 = vector.broadcast %mul3A_13 : i32 to vector<16xi32>
      %add3A_158 = arith.addi %get3A_156, %add3A_157 : vector<16xi32>
      %swap3A_159 = arith.constant 1 : i32
      %swap3A_160 = arith.index_cast %swap3A_159 : i32 to index
      %swap3A_161 = arith.constant 16 : index
      %swap3A_162 = tpu.vector_load %arg7[%swap3A_160, %swap3A_161] {strides = array<i32>} : memref<2x128xi32, #tpu.memory_space<vmem>>, vector<1x16xi32>,
      %swap3A_163 = vector.shape_cast %swap3A_162 : vector<1x16xi32> to vector<16xi32>
      %swap3A_164 = vector.shape_cast %add3A_158 : vector<16xi32> to vector<1x16xi32>
      tpu.vector_store %arg7[%swap3A_160, %swap3A_161], %swap3A_164 {strides = array<i32>} : memref<2x128xi32, #tpu.memory_space<vmem>>, vector<1x16xi32>,
      %get3A_165 = arith.constant 1 : i32
      %get3A_166 = arith.index_cast %get3A_165 : i32 to index
      %get3A_167 = arith.constant 32 : index
      %get3A_168 = tpu.vector_load %arg7[%get3A_166, %get3A_167] {strides = array<i32>} : memref<2x128xi32, #tpu.memory_space<vmem>>, vector<1x16xi32>,
      %get3A_169 = vector.shape_cast %get3A_168 : vector<1x16xi32> to vector<16xi32>
      %add3A_170 = vector.broadcast %mul3A_13 : i32 to vector<16xi32>
      %add3A_171 = arith.addi %get3A_169, %add3A_170 : vector<16xi32>
      %swap3A_172 = arith.constant 1 : i32
      %swap3A_173 = arith.index_cast %swap3A_172 : i32 to index
      %swap3A_174 = arith.constant 32 : index
      %swap3A_175 = tpu.vector_load %arg7[%swap3A_173, %swap3A_174] {strides = array<i32>} : memref<2x128xi32, #tpu.memory_space<vmem>>, vector<1x16xi32>,
      %swap3A_176 = vector.shape_cast %swap3A_175 : vector<1x16xi32> to vector<16xi32>
      %swap3A_177 = vector.shape_cast %add3A_171 : vector<16xi32> to vector<1x16xi32>
      tpu.vector_store %arg7[%swap3A_173, %swap3A_174], %swap3A_177 {strides = array<i32>} : memref<2x128xi32, #tpu.memory_space<vmem>>, vector<1x16xi32>,
      %get3A_178 = arith.constant 1 : i32
      %get3A_179 = arith.index_cast %get3A_178 : i32 to index
      %get3A_180 = arith.constant 48 : index
      %get3A_181 = tpu.vector_load %arg7[%get3A_179, %get3A_180] {strides = array<i32>} : memref<2x128xi32, #tpu.memory_space<vmem>>, vector<1x16xi32>,
      %get3A_182 = vector.shape_cast %get3A_181 : vector<1x16xi32> to vector<16xi32>
      %add3A_183 = vector.broadcast %mul3A_13 : i32 to vector<16xi32>
      %add3A_184 = arith.addi %get3A_182, %add3A_183 : vector<16xi32>
      %swap3A_185 = arith.constant 1 : i32
      %swap3A_186 = arith.index_cast %swap3A_185 : i32 to index
      %swap3A_187 = arith.constant 48 : index
      %swap3A_188 = tpu.vector_load %arg7[%swap3A_186, %swap3A_187] {strides = array<i32>} : memref<2x128xi32, #tpu.memory_space<vmem>>, vector<1x16xi32>,
      %swap3A_189 = vector.shape_cast %swap3A_188 : vector<1x16xi32> to vector<16xi32>
      %swap3A_190 = vector.shape_cast %add3A_184 : vector<16xi32> to vector<1x16xi32>
      tpu.vector_store %arg7[%swap3A_186, %swap3A_187], %swap3A_190 {strides = array<i32>} : memref<2x128xi32, #tpu.memory_space<vmem>>, vector<1x16xi32>,
      %get3A_191 = arith.constant 1 : i32
      %get3A_192 = arith.index_cast %get3A_191 : i32 to index
      %get3A_193 = arith.constant 64 : index
      %get3A_194 = tpu.vector_load %arg7[%get3A_192, %get3A_193] {strides = array<i32>} : memref<2x128xi32, #tpu.memory_space<vmem>>, vector<1x16xi32>,
      %get3A_195 = vector.shape_cast %get3A_194 : vector<1x16xi32> to vector<16xi32>
      %add3A_196 = vector.broadcast %mul3A_13 : i32 to vector<16xi32>
      %add3A_197 = arith.addi %get3A_195, %add3A_196 : vector<16xi32>
      %swap3A_198 = arith.constant 1 : i32
      %swap3A_199 = arith.index_cast %swap3A_198 : i32 to index
      %swap3A_200 = arith.constant 64 : index
      %swap3A_201 = tpu.vector_load %arg7[%swap3A_199, %swap3A_200] {strides = array<i32>} : memref<2x128xi32, #tpu.memory_space<vmem>>, vector<1x16xi32>,
      %swap3A_202 = vector.shape_cast %swap3A_201 : vector<1x16xi32> to vector<16xi32>
      %swap3A_203 = vector.shape_cast %add3A_197 : vector<16xi32> to vector<1x16xi32>
      tpu.vector_store %arg7[%swap3A_199, %swap3A_200], %swap3A_203 {strides = array<i32>} : memref<2x128xi32, #tpu.memory_space<vmem>>, vector<1x16xi32>,
      %get3A_204 = arith.constant 1 : i32
      %get3A_205 = arith.index_cast %get3A_204 : i32 to index
      %get3A_206 = arith.constant 80 : index
      %get3A_207 = tpu.vector_load %arg7[%get3A_205, %get3A_206] {strides = array<i32>} : memref<2x128xi32, #tpu.memory_space<vmem>>, vector<1x16xi32>,
      %get3A_208 = vector.shape_cast %get3A_207 : vector<1x16xi32> to vector<16xi32>
      %add3A_209 = vector.broadcast %mul3A_13 : i32 to vector<16xi32>
      %add3A_210 = arith.addi %get3A_208, %add3A_209 : vector<16xi32>
      %swap3A_211 = arith.constant 1 : i32
      %swap3A_212 = arith.index_cast %swap3A_211 : i32 to index
      %swap3A_213 = arith.constant 80 : index
      %swap3A_214 = tpu.vector_load %arg7[%swap3A_212, %swap3A_213] {strides = array<i32>} : memref<2x128xi32, #tpu.memory_space<vmem>>, vector<1x16xi32>,
      %swap3A_215 = vector.shape_cast %swap3A_214 : vector<1x16xi32> to vector<16xi32>
      %swap3A_216 = vector.shape_cast %add3A_210 : vector<16xi32> to vector<1x16xi32>
      tpu.vector_store %arg7[%swap3A_212, %swap3A_213], %swap3A_216 {strides = array<i32>} : memref<2x128xi32, #tpu.memory_space<vmem>>, vector<1x16xi32>,
      %get3A_217 = arith.constant 1 : i32
      %get3A_218 = arith.index_cast %get3A_217 : i32 to index
      %get3A_219 = arith.constant 96 : index
      %get3A_220 = tpu.vector_load %arg7[%get3A_218, %get3A_219] {strides = array<i32>} : memref<2x128xi32, #tpu.memory_space<vmem>>, vector<1x16xi32>,
      %get3A_221 = vector.shape_cast %get3A_220 : vector<1x16xi32> to vector<16xi32>
      %add3A_222 = vector.broadcast %mul3A_13 : i32 to vector<16xi32>
      %add3A_223 = arith.addi %get3A_221, %add3A_222 : vector<16xi32>
      %swap3A_224 = arith.constant 1 : i32
      %swap3A_225 = arith.index_cast %swap3A_224 : i32 to index
      %swap3A_226 = arith.constant 96 : index
      %swap3A_227 = tpu.vector_load %arg7[%swap3A_225, %swap3A_226] {strides = array<i32>} : memref<2x128xi32, #tpu.memory_space<vmem>>, vector<1x16xi32>,
      %swap3A_228 = vector.shape_cast %swap3A_227 : vector<1x16xi32> to vector<16xi32>
      %swap3A_229 = vector.shape_cast %add3A_223 : vector<16xi32> to vector<1x16xi32>
      tpu.vector_store %arg7[%swap3A_225, %swap3A_226], %swap3A_229 {strides = array<i32>} : memref<2x128xi32, #tpu.memory_space<vmem>>, vector<1x16xi32>,
      %get3A_230 = arith.constant 1 : i32
      %get3A_231 = arith.index_cast %get3A_230 : i32 to index
      %get3A_232 = arith.constant 112 : index
      %get3A_233 = tpu.vector_load %arg7[%get3A_231, %get3A_232] {strides = array<i32>} : memref<2x128xi32, #tpu.memory_space<vmem>>, vector<1x16xi32>,
      %get3A_234 = vector.shape_cast %get3A_233 : vector<1x16xi32> to vector<16xi32>
      %add3A_235 = vector.broadcast %mul3A_13 : i32 to vector<16xi32>
      %add3A_236 = arith.addi %get3A_234, %add3A_235 : vector<16xi32>
      %swap3A_237 = arith.constant 1 : i32
      %swap3A_238 = arith.index_cast %swap3A_237 : i32 to index
      %swap3A_239 = arith.constant 112 : index
      %swap3A_240 = tpu.vector_load %arg7[%swap3A_238, %swap3A_239] {strides = array<i32>} : memref<2x128xi32, #tpu.memory_space<vmem>>, vector<1x16xi32>,
      %swap3A_241 = vector.shape_cast %swap3A_240 : vector<1x16xi32> to vector<16xi32>
      %swap3A_242 = vector.shape_cast %add3A_236 : vector<16xi32> to vector<1x16xi32>
      tpu.vector_store %arg7[%swap3A_238, %swap3A_239], %swap3A_242 {strides = array<i32>} : memref<2x128xi32, #tpu.memory_space<vmem>>, vector<1x16xi32>,
      %dma_start3A = arith.constant 0 : i32
      %dma_start3A_243 = arith.constant 0 : i32
      %dma_start3A_244 = arith.constant 0 : i32
      %dma_start3A_245 = tpu.memref_slice %arg9[%dma_start3A_243, %dma_start3A_244] : memref<256x32xf32, #tpu.memory_space<vmem>> -> memref<128x32xf32, #tpu.memory_space<vmem>>
      %dma_start3A_246 = arith.constant 0 : i32
      %dma_start3A_247 = tpu.memref_slice %arg7[%dma_start3A, %dma_start3A_246] : memref<2x128xi32, #tpu.memory_space<vmem>> -> memref<1x128xi32, #tpu.memory_space<vmem>>
      %dma_start3A_248 = tpu.memref_squeeze %dma_start3A_247 : memref<1x128xi32, #tpu.memory_space<vmem>> -> memref<128xi32, #tpu.memory_space<vmem>>
      %dma_start3A_249 = arith.constant 0 : i32
      %dma_start3A_250 = arith.constant 0 : i32
      %dma_start3A_251 = tpu.memref_slice %arg2[%dma_start3A_249, %dma_start3A_250] : memref<100000x32xf32, #tpu.memory_space<hbm>> -> memref<100000x32xf32, #tpu.memory_space<hbm>>
      tpu.enqueue_indirect_dma source(%dma_start3A_251 : memref<100000x32xf32, #tpu.memory_space<hbm>>) target(%dma_start3A_245 : memref<128x32xf32, #tpu.memory_space<vmem>>) offsets(%dma_start3A_248 : memref<128xi32, #tpu.memory_space<vmem>>) semaphore(%arg12 : memref<!tpu.dma_semaphore, #tpu.memory_space<semaphore_mem>>)
      %dma_start3A_252 = arith.constant 1 : i32
      %dma_start3A_253 = arith.constant 128 : i32
      %dma_start3A_254 = arith.constant 0 : i32
      %dma_start3A_255 = tpu.memref_slice %arg9[%dma_start3A_253, %dma_start3A_254] : memref<256x32xf32, #tpu.memory_space<vmem>> -> memref<128x32xf32, #tpu.memory_space<vmem>>
      %dma_start3A_256 = arith.constant 0 : i32
      %dma_start3A_257 = tpu.memref_slice %arg7[%dma_start3A_252, %dma_start3A_256] : memref<2x128xi32, #tpu.memory_space<vmem>> -> memref<1x128xi32, #tpu.memory_space<vmem>>
      %dma_start3A_258 = tpu.memref_squeeze %dma_start3A_257 : memref<1x128xi32, #tpu.memory_space<vmem>> -> memref<128xi32, #tpu.memory_space<vmem>>
      %dma_start3A_259 = arith.constant 0 : i32
      %dma_start3A_260 = arith.constant 0 : i32
      %dma_start3A_261 = tpu.memref_slice %arg2[%dma_start3A_259, %dma_start3A_260] : memref<100000x32xf32, #tpu.memory_space<hbm>> -> memref<100000x32xf32, #tpu.memory_space<hbm>>
      tpu.enqueue_indirect_dma source(%dma_start3A_261 : memref<100000x32xf32, #tpu.memory_space<hbm>>) target(%dma_start3A_255 : memref<128x32xf32, #tpu.memory_space<vmem>>) offsets(%dma_start3A_258 : memref<128xi32, #tpu.memory_space<vmem>>) semaphore(%arg12 : memref<!tpu.dma_semaphore, #tpu.memory_space<semaphore_mem>>)
      %add3A_262 = arith.addi %mul3A_15, %add3A_36 : i32
      %mul3A_263 = arith.constant 128 : i32
      %mul3A_264 = arith.muli %add3A_262, %mul3A_263 : i32
      "tpu.region"() ({
        %run_scoped3A_293 = tpu.sem_alloc : memref<!tpu.dma_semaphore, #tpu.memory_space<semaphore_mem>>
        %dma_start3A_294 = arith.constant 0 : i32
        %dma_start3A_295 = tpu.memref_slice %arg3[%mul3A_264, %dma_start3A_294] : memref<1605632x32xf32, #tpu.memory_space<hbm>> -> memref<256x32xf32, #tpu.memory_space<hbm>>
        %dma_start3A_296 = arith.constant 0 : i32
        %dma_start3A_297 = tpu.memref_slice %arg3[%mul3A_264, %dma_start3A_296] : memref<1605632x32xf32, #tpu.memory_space<hbm>> -> memref<256x32xf32, #tpu.memory_space<hbm>>
        tpu.enqueue_dma source(%dma_start3A_297 : memref<256x32xf32, #tpu.memory_space<hbm>>) target(%arg10 : memref<256x32xf32, #tpu.memory_space<vmem>>) target_semaphore(%run_scoped3A_293 : memref<!tpu.dma_semaphore, #tpu.memory_space<semaphore_mem>>)
        %dma_wait3A_298 = arith.constant 0 : i32
        %dma_wait3A_299 = tpu.memref_slice %arg3[%mul3A_264, %dma_wait3A_298] : memref<1605632x32xf32, #tpu.memory_space<hbm>> -> memref<256x32xf32, #tpu.memory_space<hbm>>
        %dma_wait3A_300 = arith.constant 0 : i32
        %dma_wait3A_301 = tpu.memref_slice %arg3[%mul3A_264, %dma_wait3A_300] : memref<1605632x32xf32, #tpu.memory_space<hbm>> -> memref<256x32xf32, #tpu.memory_space<hbm>>
        tpu.wait_dma2 semaphore(%run_scoped3A_293 : memref<!tpu.dma_semaphore, #tpu.memory_space<semaphore_mem>>) src(%dma_wait3A_301 : memref<256x32xf32, #tpu.memory_space<hbm>>) dst(%arg10 : memref<256x32xf32, #tpu.memory_space<vmem>>)
        tpu.yield
      }) : () -> ()
      %dma_wait3A = arith.constant 0 : i32
      %dma_wait3A_265 = arith.constant 0 : i32
      %dma_wait3A_266 = arith.constant 0 : i32
      %dma_wait3A_267 = tpu.memref_slice %arg9[%dma_wait3A_265, %dma_wait3A_266] : memref<256x32xf32, #tpu.memory_space<vmem>> -> memref<128x32xf32, #tpu.memory_space<vmem>>
      %dma_wait3A_268 = arith.constant 0 : i32
      %dma_wait3A_269 = tpu.memref_slice %arg7[%dma_wait3A, %dma_wait3A_268] : memref<2x128xi32, #tpu.memory_space<vmem>> -> memref<1x128xi32, #tpu.memory_space<vmem>>
      %dma_wait3A_270 = tpu.memref_squeeze %dma_wait3A_269 : memref<1x128xi32, #tpu.memory_space<vmem>> -> memref<128xi32, #tpu.memory_space<vmem>>
      %dma_wait3A_271 = arith.constant 0 : i32
      %dma_wait3A_272 = arith.constant 0 : i32
      %dma_wait3A_273 = tpu.memref_slice %arg2[%dma_wait3A_271, %dma_wait3A_272] : memref<100000x32xf32, #tpu.memory_space<hbm>> -> memref<100000x32xf32, #tpu.memory_space<hbm>>
      tpu.wait_indirect_dma semaphore(%arg12 : memref<!tpu.dma_semaphore, #tpu.memory_space<semaphore_mem>>) src(%dma_wait3A_273 : memref<100000x32xf32, #tpu.memory_space<hbm>>) dst(%dma_wait3A_267 : memref<128x32xf32, #tpu.memory_space<vmem>>)
      %dma_wait3A_274 = arith.constant 1 : i32
      %dma_wait3A_275 = arith.constant 128 : i32
      %dma_wait3A_276 = arith.constant 0 : i32
      %dma_wait3A_277 = tpu.memref_slice %arg9[%dma_wait3A_275, %dma_wait3A_276] : memref<256x32xf32, #tpu.memory_space<vmem>> -> memref<128x32xf32, #tpu.memory_space<vmem>>
      %dma_wait3A_278 = arith.constant 0 : i32
      %dma_wait3A_279 = tpu.memref_slice %arg7[%dma_wait3A_274, %dma_wait3A_278] : memref<2x128xi32, #tpu.memory_space<vmem>> -> memref<1x128xi32, #tpu.memory_space<vmem>>
      %dma_wait3A_280 = tpu.memref_squeeze %dma_wait3A_279 : memref<1x128xi32, #tpu.memory_space<vmem>> -> memref<128xi32, #tpu.memory_space<vmem>>
      %dma_wait3A_281 = arith.constant 0 : i32
      %dma_wait3A_282 = arith.constant 0 : i32
      %dma_wait3A_283 = tpu.memref_slice %arg2[%dma_wait3A_281, %dma_wait3A_282] : memref<100000x32xf32, #tpu.memory_space<hbm>> -> memref<100000x32xf32, #tpu.memory_space<hbm>>
      tpu.wait_indirect_dma semaphore(%arg12 : memref<!tpu.dma_semaphore, #tpu.memory_space<semaphore_mem>>) src(%dma_wait3A_283 : memref<100000x32xf32, #tpu.memory_space<hbm>>) dst(%dma_wait3A_277 : memref<128x32xf32, #tpu.memory_space<vmem>>)
      %scan3A_284 = arith.constant 0 : i32
      %scan3A_285 = arith.constant 0 : i32
      %scan3A_286 = arith.constant 256 : i32
      %scan3A_287 = arith.addi %scan3A_285, %scan3A_286 : i32
      %scan3A_288 = arith.constant 4 : i32
      %scan3A_289 = scf.for %scan3A_293 = %scan3A_285 to %scan3A_287 step %scan3A_288 iter_args(%scan3A_294 = %scan3A_284) -> (i32)  : i32 {
        %get3A_295 = arith.index_cast %scan3A_293 : i32 to index
        %get3A_296 = arith.constant 0 : index
        %get3A_297 = tpu.vector_load %arg9[%get3A_295, %get3A_296] {strides = array<i32>} : memref<256x32xf32, #tpu.memory_space<vmem>>, vector<1x16xf32>,
        %get3A_298 = vector.shape_cast %get3A_297 : vector<1x16xf32> to vector<16xf32>
        %get3A_299 = arith.index_cast %scan3A_293 : i32 to index
        %get3A_300 = arith.constant 0 : index
        %get3A_301 = tpu.vector_load %arg10[%get3A_299, %get3A_300] {strides = array<i32>} : memref<256x32xf32, #tpu.memory_space<vmem>>, vector<1x16xf32>,
        %get3A_302 = vector.shape_cast %get3A_301 : vector<1x16xf32> to vector<16xf32>
        %add3A_303 = arith.addf %get3A_298, %get3A_302 : vector<16xf32>
        %get3A_304 = arith.index_cast %scan3A_293 : i32 to index
        %get3A_305 = arith.constant 16 : index
        %get3A_306 = tpu.vector_load %arg9[%get3A_304, %get3A_305] {strides = array<i32>} : memref<256x32xf32, #tpu.memory_space<vmem>>, vector<1x16xf32>,
        %get3A_307 = vector.shape_cast %get3A_306 : vector<1x16xf32> to vector<16xf32>
        %get3A_308 = arith.index_cast %scan3A_293 : i32 to index
        %get3A_309 = arith.constant 16 : index
        %get3A_310 = tpu.vector_load %arg10[%get3A_308, %get3A_309] {strides = array<i32>} : memref<256x32xf32, #tpu.memory_space<vmem>>, vector<1x16xf32>,
        %get3A_311 = vector.shape_cast %get3A_310 : vector<1x16xf32> to vector<16xf32>
        %add3A_312 = arith.addf %get3A_307, %get3A_311 : vector<16xf32>
        %max3A = arith.constant 0.000000e+00 : f32
        %max3A_313 = vector.broadcast %max3A : f32 to vector<16xf32>
        %max3A_314 = arith.maximumf %add3A_303, %max3A_313 : vector<16xf32>
        %swap3A_315 = arith.index_cast %scan3A_293 : i32 to index
        %swap3A_316 = arith.constant 0 : index
        %swap3A_317 = tpu.vector_load %arg9[%swap3A_315, %swap3A_316] {strides = array<i32>} : memref<256x32xf32, #tpu.memory_space<vmem>>, vector<1x16xf32>,
        %swap3A_318 = vector.shape_cast %swap3A_317 : vector<1x16xf32> to vector<16xf32>
        %swap3A_319 = vector.shape_cast %max3A_314 : vector<16xf32> to vector<1x16xf32>
        tpu.vector_store %arg9[%swap3A_315, %swap3A_316], %swap3A_319 {strides = array<i32>} : memref<256x32xf32, #tpu.memory_space<vmem>>, vector<1x16xf32>,
        %max3A_320 = arith.constant 0.000000e+00 : f32
        %max3A_321 = vector.broadcast %max3A_320 : f32 to vector<16xf32>
        %max3A_322 = arith.maximumf %add3A_312, %max3A_321 : vector<16xf32>
        %swap3A_323 = arith.index_cast %scan3A_293 : i32 to index
        %swap3A_324 = arith.constant 16 : index
        %swap3A_325 = tpu.vector_load %arg9[%swap3A_323, %swap3A_324] {strides = array<i32>} : memref<256x32xf32, #tpu.memory_space<vmem>>, vector<1x16xf32>,
        %swap3A_326 = vector.shape_cast %swap3A_325 : vector<1x16xf32> to vector<16xf32>
        %swap3A_327 = vector.shape_cast %max3A_322 : vector<16xf32> to vector<1x16xf32>
        tpu.vector_store %arg9[%swap3A_323, %swap3A_324], %swap3A_327 {strides = array<i32>} : memref<256x32xf32, #tpu.memory_space<vmem>>, vector<1x16xf32>,
        %scan3A_328 = arith.constant 0 : i32
        %scan3A_329 = arith.constant 1 : i32
        %scan3A_330 = arith.addi %scan3A_293, %scan3A_329 : i32
        %get3A_331 = arith.index_cast %scan3A_330 : i32 to index
        %get3A_332 = arith.constant 0 : index
        %get3A_333 = tpu.vector_load %arg9[%get3A_331, %get3A_332] {strides = array<i32>} : memref<256x32xf32, #tpu.memory_space<vmem>>, vector<1x16xf32>,
        %get3A_334 = vector.shape_cast %get3A_333 : vector<1x16xf32> to vector<16xf32>
        %get3A_335 = arith.index_cast %scan3A_330 : i32 to index
        %get3A_336 = arith.constant 0 : index
        %get3A_337 = tpu.vector_load %arg10[%get3A_335, %get3A_336] {strides = array<i32>} : memref<256x32xf32, #tpu.memory_space<vmem>>, vector<1x16xf32>,
        %get3A_338 = vector.shape_cast %get3A_337 : vector<1x16xf32> to vector<16xf32>
        %add3A_339 = arith.addf %get3A_334, %get3A_338 : vector<16xf32>
        %get3A_340 = arith.index_cast %scan3A_330 : i32 to index
        %get3A_341 = arith.constant 16 : index
        %get3A_342 = tpu.vector_load %arg9[%get3A_340, %get3A_341] {strides = array<i32>} : memref<256x32xf32, #tpu.memory_space<vmem>>, vector<1x16xf32>,
        %get3A_343 = vector.shape_cast %get3A_342 : vector<1x16xf32> to vector<16xf32>
        %get3A_344 = arith.index_cast %scan3A_330 : i32 to index
        %get3A_345 = arith.constant 16 : index
        %get3A_346 = tpu.vector_load %arg10[%get3A_344, %get3A_345] {strides = array<i32>} : memref<256x32xf32, #tpu.memory_space<vmem>>, vector<1x16xf32>,
        %get3A_347 = vector.shape_cast %get3A_346 : vector<1x16xf32> to vector<16xf32>
        %add3A_348 = arith.addf %get3A_343, %get3A_347 : vector<16xf32>
        %max3A_349 = arith.constant 0.000000e+00 : f32
        %max3A_350 = vector.broadcast %max3A_349 : f32 to vector<16xf32>
        %max3A_351 = arith.maximumf %add3A_339, %max3A_350 : vector<16xf32>
        %swap3A_352 = arith.index_cast %scan3A_330 : i32 to index
        %swap3A_353 = arith.constant 0 : index
        %swap3A_354 = tpu.vector_load %arg9[%swap3A_352, %swap3A_353] {strides = array<i32>} : memref<256x32xf32, #tpu.memory_space<vmem>>, vector<1x16xf32>,
        %swap3A_355 = vector.shape_cast %swap3A_354 : vector<1x16xf32> to vector<16xf32>
        %swap3A_356 = vector.shape_cast %max3A_351 : vector<16xf32> to vector<1x16xf32>
        tpu.vector_store %arg9[%swap3A_352, %swap3A_353], %swap3A_356 {strides = array<i32>} : memref<256x32xf32, #tpu.memory_space<vmem>>, vector<1x16xf32>,
        %max3A_357 = arith.constant 0.000000e+00 : f32
        %max3A_358 = vector.broadcast %max3A_357 : f32 to vector<16xf32>
        %max3A_359 = arith.maximumf %add3A_348, %max3A_358 : vector<16xf32>
        %swap3A_360 = arith.index_cast %scan3A_330 : i32 to index
        %swap3A_361 = arith.constant 16 : index
        %swap3A_362 = tpu.vector_load %arg9[%swap3A_360, %swap3A_361] {strides = array<i32>} : memref<256x32xf32, #tpu.memory_space<vmem>>, vector<1x16xf32>,
        %swap3A_363 = vector.shape_cast %swap3A_362 : vector<1x16xf32> to vector<16xf32>
        %swap3A_364 = vector.shape_cast %max3A_359 : vector<16xf32> to vector<1x16xf32>
        tpu.vector_store %arg9[%swap3A_360, %swap3A_361], %swap3A_364 {strides = array<i32>} : memref<256x32xf32, #tpu.memory_space<vmem>>, vector<1x16xf32>,
        %scan3A_365 = arith.constant 0 : i32
        %scan3A_366 = arith.constant 2 : i32
        %scan3A_367 = arith.addi %scan3A_293, %scan3A_366 : i32
        %get3A_368 = arith.index_cast %scan3A_367 : i32 to index
        %get3A_369 = arith.constant 0 : index
        %get3A_370 = tpu.vector_load %arg9[%get3A_368, %get3A_369] {strides = array<i32>} : memref<256x32xf32, #tpu.memory_space<vmem>>, vector<1x16xf32>,
        %get3A_371 = vector.shape_cast %get3A_370 : vector<1x16xf32> to vector<16xf32>
        %get3A_372 = arith.index_cast %scan3A_367 : i32 to index
        %get3A_373 = arith.constant 0 : index
        %get3A_374 = tpu.vector_load %arg10[%get3A_372, %get3A_373] {strides = array<i32>} : memref<256x32xf32, #tpu.memory_space<vmem>>, vector<1x16xf32>,
        %get3A_375 = vector.shape_cast %get3A_374 : vector<1x16xf32> to vector<16xf32>
        %add3A_376 = arith.addf %get3A_371, %get3A_375 : vector<16xf32>
        %get3A_377 = arith.index_cast %scan3A_367 : i32 to index
        %get3A_378 = arith.constant 16 : index
        %get3A_379 = tpu.vector_load %arg9[%get3A_377, %get3A_378] {strides = array<i32>} : memref<256x32xf32, #tpu.memory_space<vmem>>, vector<1x16xf32>,
        %get3A_380 = vector.shape_cast %get3A_379 : vector<1x16xf32> to vector<16xf32>
        %get3A_381 = arith.index_cast %scan3A_367 : i32 to index
        %get3A_382 = arith.constant 16 : index
        %get3A_383 = tpu.vector_load %arg10[%get3A_381, %get3A_382] {strides = array<i32>} : memref<256x32xf32, #tpu.memory_space<vmem>>, vector<1x16xf32>,
        %get3A_384 = vector.shape_cast %get3A_383 : vector<1x16xf32> to vector<16xf32>
        %add3A_385 = arith.addf %get3A_380, %get3A_384 : vector<16xf32>
        %max3A_386 = arith.constant 0.000000e+00 : f32
        %max3A_387 = vector.broadcast %max3A_386 : f32 to vector<16xf32>
        %max3A_388 = arith.maximumf %add3A_376, %max3A_387 : vector<16xf32>
        %swap3A_389 = arith.index_cast %scan3A_367 : i32 to index
        %swap3A_390 = arith.constant 0 : index
        %swap3A_391 = tpu.vector_load %arg9[%swap3A_389, %swap3A_390] {strides = array<i32>} : memref<256x32xf32, #tpu.memory_space<vmem>>, vector<1x16xf32>,
        %swap3A_392 = vector.shape_cast %swap3A_391 : vector<1x16xf32> to vector<16xf32>
        %swap3A_393 = vector.shape_cast %max3A_388 : vector<16xf32> to vector<1x16xf32>
        tpu.vector_store %arg9[%swap3A_389, %swap3A_390], %swap3A_393 {strides = array<i32>} : memref<256x32xf32, #tpu.memory_space<vmem>>, vector<1x16xf32>,
        %max3A_394 = arith.constant 0.000000e+00 : f32
        %max3A_395 = vector.broadcast %max3A_394 : f32 to vector<16xf32>
        %max3A_396 = arith.maximumf %add3A_385, %max3A_395 : vector<16xf32>
        %swap3A_397 = arith.index_cast %scan3A_367 : i32 to index
        %swap3A_398 = arith.constant 16 : index
        %swap3A_399 = tpu.vector_load %arg9[%swap3A_397, %swap3A_398] {strides = array<i32>} : memref<256x32xf32, #tpu.memory_space<vmem>>, vector<1x16xf32>,
        %swap3A_400 = vector.shape_cast %swap3A_399 : vector<1x16xf32> to vector<16xf32>
        %swap3A_401 = vector.shape_cast %max3A_396 : vector<16xf32> to vector<1x16xf32>
        tpu.vector_store %arg9[%swap3A_397, %swap3A_398], %swap3A_401 {strides = array<i32>} : memref<256x32xf32, #tpu.memory_space<vmem>>, vector<1x16xf32>,
        %scan3A_402 = arith.constant 0 : i32
        %scan3A_403 = arith.constant 3 : i32
        %scan3A_404 = arith.addi %scan3A_293, %scan3A_403 : i32
        %get3A_405 = arith.index_cast %scan3A_404 : i32 to index
        %get3A_406 = arith.constant 0 : index
        %get3A_407 = tpu.vector_load %arg9[%get3A_405, %get3A_406] {strides = array<i32>} : memref<256x32xf32, #tpu.memory_space<vmem>>, vector<1x16xf32>,
        %get3A_408 = vector.shape_cast %get3A_407 : vector<1x16xf32> to vector<16xf32>
        %get3A_409 = arith.index_cast %scan3A_404 : i32 to index
        %get3A_410 = arith.constant 0 : index
        %get3A_411 = tpu.vector_load %arg10[%get3A_409, %get3A_410] {strides = array<i32>} : memref<256x32xf32, #tpu.memory_space<vmem>>, vector<1x16xf32>,
        %get3A_412 = vector.shape_cast %get3A_411 : vector<1x16xf32> to vector<16xf32>
        %add3A_413 = arith.addf %get3A_408, %get3A_412 : vector<16xf32>
        %get3A_414 = arith.index_cast %scan3A_404 : i32 to index
        %get3A_415 = arith.constant 16 : index
        %get3A_416 = tpu.vector_load %arg9[%get3A_414, %get3A_415] {strides = array<i32>} : memref<256x32xf32, #tpu.memory_space<vmem>>, vector<1x16xf32>,
        %get3A_417 = vector.shape_cast %get3A_416 : vector<1x16xf32> to vector<16xf32>
        %get3A_418 = arith.index_cast %scan3A_404 : i32 to index
        %get3A_419 = arith.constant 16 : index
        %get3A_420 = tpu.vector_load %arg10[%get3A_418, %get3A_419] {strides = array<i32>} : memref<256x32xf32, #tpu.memory_space<vmem>>, vector<1x16xf32>,
        %get3A_421 = vector.shape_cast %get3A_420 : vector<1x16xf32> to vector<16xf32>
        %add3A_422 = arith.addf %get3A_417, %get3A_421 : vector<16xf32>
        %max3A_423 = arith.constant 0.000000e+00 : f32
        %max3A_424 = vector.broadcast %max3A_423 : f32 to vector<16xf32>
        %max3A_425 = arith.maximumf %add3A_413, %max3A_424 : vector<16xf32>
        %swap3A_426 = arith.index_cast %scan3A_404 : i32 to index
        %swap3A_427 = arith.constant 0 : index
        %swap3A_428 = tpu.vector_load %arg9[%swap3A_426, %swap3A_427] {strides = array<i32>} : memref<256x32xf32, #tpu.memory_space<vmem>>, vector<1x16xf32>,
        %swap3A_429 = vector.shape_cast %swap3A_428 : vector<1x16xf32> to vector<16xf32>
        %swap3A_430 = vector.shape_cast %max3A_425 : vector<16xf32> to vector<1x16xf32>
        tpu.vector_store %arg9[%swap3A_426, %swap3A_427], %swap3A_430 {strides = array<i32>} : memref<256x32xf32, #tpu.memory_space<vmem>>, vector<1x16xf32>,
        %max3A_431 = arith.constant 0.000000e+00 : f32
        %max3A_432 = vector.broadcast %max3A_431 : f32 to vector<16xf32>
        %max3A_433 = arith.maximumf %add3A_422, %max3A_432 : vector<16xf32>
        %swap3A_434 = arith.index_cast %scan3A_404 : i32 to index
        %swap3A_435 = arith.constant 16 : index
        %swap3A_436 = tpu.vector_load %arg9[%swap3A_434, %swap3A_435] {strides = array<i32>} : memref<256x32xf32, #tpu.memory_space<vmem>>, vector<1x16xf32>,
        %swap3A_437 = vector.shape_cast %swap3A_436 : vector<1x16xf32> to vector<16xf32>
        %swap3A_438 = vector.shape_cast %max3A_433 : vector<16xf32> to vector<1x16xf32>
        tpu.vector_store %arg9[%swap3A_434, %swap3A_435], %swap3A_438 {strides = array<i32>} : memref<256x32xf32, #tpu.memory_space<vmem>>, vector<1x16xf32>,
        %scan3A_439 = arith.constant 0 : i32
        scf.yield %scan3A_439 : i32
      }
      %scan3A_290 = arith.constant 256 : i32
      %run_scoped3A = arith.constant 0 : i32
      "tpu.region"() ({
        %run_scoped3A_293 = tpu.sem_alloc : memref<!tpu.dma_semaphore, #tpu.memory_space<semaphore_mem>>
        %dma_start3A_294 = arith.constant 0 : i32
        %dma_start3A_295 = arith.constant 0 : i32
        %dma_start3A_296 = tpu.memref_slice %arg9[%dma_start3A_294, %dma_start3A_295] : memref<256x32xf32, #tpu.memory_space<vmem>> -> memref<128x32xf32, #tpu.memory_space<vmem>>
        %dma_start3A_297 = arith.constant 0 : i32
        %dma_start3A_298 = tpu.memref_slice %arg8[%run_scoped3A, %dma_start3A_297] : memref<2x128xi32, #tpu.memory_space<vmem>> -> memref<1x128xi32, #tpu.memory_space<vmem>>
        %dma_start3A_299 = tpu.memref_squeeze %dma_start3A_298 : memref<1x128xi32, #tpu.memory_space<vmem>> -> memref<128xi32, #tpu.memory_space<vmem>>
        %dma_start3A_300 = arith.constant 0 : i32
        %dma_start3A_301 = arith.constant 0 : i32
        %dma_start3A_302 = tpu.memref_slice %arg11[%dma_start3A_300, %dma_start3A_301] : memref<51200x32xf32, #tpu.memory_space<vmem_shared>> -> memref<51200x32xf32, #tpu.memory_space<vmem_shared>>
        tpu.enqueue_indirect_dma source(%dma_start3A_296 : memref<128x32xf32, #tpu.memory_space<vmem>>) target(%dma_start3A_302 : memref<51200x32xf32, #tpu.memory_space<vmem_shared>>) offsets(%dma_start3A_299 : memref<128xi32, #tpu.memory_space<vmem>>) semaphore(%run_scoped3A_293 : memref<!tpu.dma_semaphore, #tpu.memory_space<semaphore_mem>>) {add = true}
        %dma_wait3A_303 = arith.constant 0 : i32
        %dma_wait3A_304 = arith.constant 0 : i32
        %dma_wait3A_305 = tpu.memref_slice %arg9[%dma_wait3A_303, %dma_wait3A_304] : memref<256x32xf32, #tpu.memory_space<vmem>> -> memref<128x32xf32, #tpu.memory_space<vmem>>
        %dma_wait3A_306 = arith.constant 0 : i32
        %dma_wait3A_307 = tpu.memref_slice %arg8[%run_scoped3A, %dma_wait3A_306] : memref<2x128xi32, #tpu.memory_space<vmem>> -> memref<1x128xi32, #tpu.memory_space<vmem>>
        %dma_wait3A_308 = tpu.memref_squeeze %dma_wait3A_307 : memref<1x128xi32, #tpu.memory_space<vmem>> -> memref<128xi32, #tpu.memory_space<vmem>>
        %dma_wait3A_309 = arith.constant 0 : i32
        %dma_wait3A_310 = arith.constant 0 : i32
        %dma_wait3A_311 = tpu.memref_slice %arg11[%dma_wait3A_309, %dma_wait3A_310] : memref<51200x32xf32, #tpu.memory_space<vmem_shared>> -> memref<51200x32xf32, #tpu.memory_space<vmem_shared>>
        tpu.wait_indirect_dma semaphore(%run_scoped3A_293 : memref<!tpu.dma_semaphore, #tpu.memory_space<semaphore_mem>>) src(%dma_wait3A_305 : memref<128x32xf32, #tpu.memory_space<vmem>>) dst(%dma_wait3A_311 : memref<51200x32xf32, #tpu.memory_space<vmem_shared>>)
        tpu.yield
      }) : () -> ()
      %run_scoped3A_291 = arith.constant 1 : i32
      "tpu.region"() ({
        %run_scoped3A_293 = tpu.sem_alloc : memref<!tpu.dma_semaphore, #tpu.memory_space<semaphore_mem>>
        %dma_start3A_294 = arith.constant 128 : i32
        %dma_start3A_295 = arith.constant 0 : i32
        %dma_start3A_296 = tpu.memref_slice %arg9[%dma_start3A_294, %dma_start3A_295] : memref<256x32xf32, #tpu.memory_space<vmem>> -> memref<128x32xf32, #tpu.memory_space<vmem>>
        %dma_start3A_297 = arith.constant 0 : i32
        %dma_start3A_298 = tpu.memref_slice %arg8[%run_scoped3A_291, %dma_start3A_297] : memref<2x128xi32, #tpu.memory_space<vmem>> -> memref<1x128xi32, #tpu.memory_space<vmem>>
        %dma_start3A_299 = tpu.memref_squeeze %dma_start3A_298 : memref<1x128xi32, #tpu.memory_space<vmem>> -> memref<128xi32, #tpu.memory_space<vmem>>
        %dma_start3A_300 = arith.constant 0 : i32
        %dma_start3A_301 = arith.constant 0 : i32
        %dma_start3A_302 = tpu.memref_slice %arg11[%dma_start3A_300, %dma_start3A_301] : memref<51200x32xf32, #tpu.memory_space<vmem_shared>> -> memref<51200x32xf32, #tpu.memory_space<vmem_shared>>
        tpu.enqueue_indirect_dma source(%dma_start3A_296 : memref<128x32xf32, #tpu.memory_space<vmem>>) target(%dma_start3A_302 : memref<51200x32xf32, #tpu.memory_space<vmem_shared>>) offsets(%dma_start3A_299 : memref<128xi32, #tpu.memory_space<vmem>>) semaphore(%run_scoped3A_293 : memref<!tpu.dma_semaphore, #tpu.memory_space<semaphore_mem>>) {add = true}
        %dma_wait3A_303 = arith.constant 128 : i32
        %dma_wait3A_304 = arith.constant 0 : i32
        %dma_wait3A_305 = tpu.memref_slice %arg9[%dma_wait3A_303, %dma_wait3A_304] : memref<256x32xf32, #tpu.memory_space<vmem>> -> memref<128x32xf32, #tpu.memory_space<vmem>>
        %dma_wait3A_306 = arith.constant 0 : i32
        %dma_wait3A_307 = tpu.memref_slice %arg8[%run_scoped3A_291, %dma_wait3A_306] : memref<2x128xi32, #tpu.memory_space<vmem>> -> memref<1x128xi32, #tpu.memory_space<vmem>>
        %dma_wait3A_308 = tpu.memref_squeeze %dma_wait3A_307 : memref<1x128xi32, #tpu.memory_space<vmem>> -> memref<128xi32, #tpu.memory_space<vmem>>
        %dma_wait3A_309 = arith.constant 0 : i32
        %dma_wait3A_310 = arith.constant 0 : i32
        %dma_wait3A_311 = tpu.memref_slice %arg11[%dma_wait3A_309, %dma_wait3A_310] : memref<51200x32xf32, #tpu.memory_space<vmem_shared>> -> memref<51200x32xf32, #tpu.memory_space<vmem_shared>>
        tpu.wait_indirect_dma semaphore(%run_scoped3A_293 : memref<!tpu.dma_semaphore, #tpu.memory_space<semaphore_mem>>) src(%dma_wait3A_305 : memref<128x32xf32, #tpu.memory_space<vmem>>) dst(%dma_wait3A_311 : memref<51200x32xf32, #tpu.memory_space<vmem_shared>>)
        tpu.yield
      }) : () -> ()
      %scan3A_292 = arith.constant 0 : i32
      scf.yield %scan3A_292 : i32
    }
    %scan3A_24 = arith.constant 196 : i32
    %barrier3A_25 = arith.constant 0 : index
    tpu.barrier barrier_id(%barrier3A_25)
    %mul3A_26 = arith.constant 3200 : i32
    %mul3A_27 = arith.muli %arg1, %mul3A_26 : i32
    %mul3A_28 = arith.constant 51200 : i32
    %mul3A_29 = arith.muli %arg0, %mul3A_28 : i32
    %mul3A_30 = arith.constant 3200 : i32
    %mul3A_31 = arith.muli %arg1, %mul3A_30 : i32
    %add3A = arith.addi %mul3A_29, %mul3A_31 : i32
    "tpu.region"() ({
      %run_scoped3A = tpu.sem_alloc : memref<!tpu.dma_semaphore, #tpu.memory_space<semaphore_mem>>
      %dma_start3A = arith.constant 0 : i32
      %dma_start3A_32 = tpu.memref_slice %arg6[%add3A, %dma_start3A] : memref<102400x32xf32, #tpu.memory_space<hbm>> -> memref<3200x32xf32, #tpu.memory_space<hbm>>
      %dma_start3A_33 = arith.constant 0 : i32
      %dma_start3A_34 = tpu.memref_slice %arg11[%mul3A_27, %dma_start3A_33] : memref<51200x32xf32, #tpu.memory_space<vmem_shared>> -> memref<3200x32xf32, #tpu.memory_space<vmem_shared>>
      tpu.enqueue_dma source(%dma_start3A_34 : memref<3200x32xf32, #tpu.memory_space<vmem_shared>>) target(%dma_start3A_32 : memref<3200x32xf32, #tpu.memory_space<hbm>>) target_semaphore(%run_scoped3A : memref<!tpu.dma_semaphore, #tpu.memory_space<semaphore_mem>>)
      %dma_wait3A = arith.constant 0 : i32
      %dma_wait3A_35 = tpu.memref_slice %arg6[%add3A, %dma_wait3A] : memref<102400x32xf32, #tpu.memory_space<hbm>> -> memref<3200x32xf32, #tpu.memory_space<hbm>>
      %dma_wait3A_36 = arith.constant 0 : i32
      %dma_wait3A_37 = tpu.memref_slice %arg11[%mul3A_27, %dma_wait3A_36] : memref<51200x32xf32, #tpu.memory_space<vmem_shared>> -> memref<3200x32xf32, #tpu.memory_space<vmem_shared>>
      tpu.wait_dma2 semaphore(%run_scoped3A : memref<!tpu.dma_semaphore, #tpu.memory_space<semaphore_mem>>) src(%dma_wait3A_37 : memref<3200x32xf32, #tpu.memory_space<vmem_shared>>) dst(%dma_wait3A_35 : memref<3200x32xf32, #tpu.memory_space<hbm>>)
      tpu.yield
    }) : () -> ()
    return
  }
}

module attributes {stable_mosaic.version = 14 : i64} {
  func.func @_edgelin_body(%arg0: i32, %arg1: memref<2000x16xf32, #tpu.memory_space<vmem>>, %arg2: memref<16x64xf32, #tpu.memory_space<vmem>>, %arg3: memref<1x64xf32, #tpu.memory_space<vmem>>, %arg4: memref<2x2000x32xf32, #tpu.memory_space<vmem>>) attributes {dimension_semantics = [#tpu.dimension_semantics<arbitrary>], iteration_bounds = array<i64: 400>, scalar_prefetch = 0 : i64, scratch_operands = 0 : i64, tpu.core_type = #tpu.core_type<tc>, window_params = [{transform_indices = @transform_0, window_bounds = array<i64: 2000, 16>}, {pipeline_mode = #tpu.pipeline_mode<synchronous>, transform_indices = @transform_1, window_bounds = array<i64: 16, 64>}, {pipeline_mode = #tpu.pipeline_mode<synchronous>, transform_indices = @transform_2, window_bounds = array<i64: 1, 64>}, {transform_indices = @transform_3, window_bounds = array<i64: 2, 2000, 32>}]} {
    %get3A = arith.constant 0 : index
    %get3A_0 = arith.constant 0 : index
    %get3A_1 = vector.load %arg1[%get3A, %get3A_0] : memref<2000x16xf32, #tpu.memory_space<vmem>>, vector<2000x16xf32>
    %get3A_2 = arith.constant 0 : index
    %get3A_3 = arith.constant 0 : index
    %get3A_4 = vector.load %arg2[%get3A_2, %get3A_3] : memref<16x64xf32, #tpu.memory_space<vmem>>, vector<16x64xf32>
    %dot_general3A = arith.constant dense<0.000000e+00> : vector<2000x64xf32>
    %dot_general3A_5 = tpu.matmul %get3A_1, %get3A_4, %dot_general3A {dimension_numbers = #tpu.dot_dimension_numbers<[1], [0], [0], [1], [0, 0, 1, 1], [], []>, transpose_lhs_hint = false} : vector<2000x16xf32>, vector<16x64xf32>, vector<2000x64xf32> -> vector<2000x64xf32>
    %get3A_6 = arith.constant 0 : index
    %get3A_7 = arith.constant 0 : index
    %get3A_8 = vector.load %arg3[%get3A_6, %get3A_7] : memref<1x64xf32, #tpu.memory_space<vmem>>, vector<1x64xf32>
    %add3A = vector.broadcast %get3A_8 : vector<1x64xf32> to vector<2000x64xf32>
    %add3A_9 = arith.addf %dot_general3A_5, %add3A : vector<2000x64xf32>
    %slice3A = vector.extract_strided_slice %add3A_9 {offsets = [0, 0], sizes = [2000, 32], strides = [1, 1]} : vector<2000x64xf32> to vector<2000x32xf32>
    %swap3A = arith.constant 0 : index
    %swap3A_10 = arith.constant 0 : index
    %swap3A_11 = arith.constant 0 : index
    %swap3A_12 = vector.load %arg4[%swap3A, %swap3A_10, %swap3A_11] : memref<2x2000x32xf32, #tpu.memory_space<vmem>>, vector<1x2000x32xf32>
    %swap3A_13 = vector.shape_cast %swap3A_12 : vector<1x2000x32xf32> to vector<2000x32xf32>
    %swap3A_14 = vector.shape_cast %slice3A : vector<2000x32xf32> to vector<1x2000x32xf32>
    tpu.vector_store %arg4[%swap3A, %swap3A_10, %swap3A_11], %swap3A_14 {strides = array<i32>} : memref<2x2000x32xf32, #tpu.memory_space<vmem>>, vector<1x2000x32xf32>,
    %slice3A_15 = vector.extract_strided_slice %add3A_9 {offsets = [0, 32], sizes = [2000, 32], strides = [1, 1]} : vector<2000x64xf32> to vector<2000x32xf32>
    %swap3A_16 = arith.constant 1 : index
    %swap3A_17 = arith.constant 0 : index
    %swap3A_18 = arith.constant 0 : index
    %swap3A_19 = vector.load %arg4[%swap3A_16, %swap3A_17, %swap3A_18] : memref<2x2000x32xf32, #tpu.memory_space<vmem>>, vector<1x2000x32xf32>
    %swap3A_20 = vector.shape_cast %swap3A_19 : vector<1x2000x32xf32> to vector<2000x32xf32>
    %swap3A_21 = vector.shape_cast %slice3A_15 : vector<2000x32xf32> to vector<1x2000x32xf32>
    tpu.vector_store %arg4[%swap3A_16, %swap3A_17, %swap3A_18], %swap3A_21 {strides = array<i32>} : memref<2x2000x32xf32, #tpu.memory_space<vmem>>, vector<1x2000x32xf32>,
    return
  }
  func.func @transform_0(%arg0: i32) -> (i32, i32) {
    %c0_i32 = arith.constant 0 : i32
    %c0_i32_0 = arith.constant 0 : i32
    return %arg0, %c0_i32 : i32, i32
  }
  func.func @transform_1(%arg0: i32) -> (i32, i32) {
    %c0_i32 = arith.constant 0 : i32
    %c0_i32_0 = arith.constant 0 : i32
    %c0_i32_1 = arith.constant 0 : i32
    return %c0_i32, %c0_i32_0 : i32, i32
  }
  func.func @transform_2(%arg0: i32) -> (i32, i32) {
    %c0_i32 = arith.constant 0 : i32
    %c0_i32_0 = arith.constant 0 : i32
    %c0_i32_1 = arith.constant 0 : i32
    return %c0_i32, %c0_i32_0 : i32, i32
  }
  func.func @transform_3(%arg0: i32) -> (i32, i32, i32) {
    %c0_i32 = arith.constant 0 : i32
    %c0_i32_0 = arith.constant 0 : i32
    %c0_i32_1 = arith.constant 0 : i32
    return %c0_i32, %arg0, %c0_i32_0 : i32, i32, i32
  }
}

module attributes {stable_mosaic.version = 14 : i64} {
  func.func @_nodeproj_body(%arg0: i32, %arg1: memref<2000x128xf32, #tpu.memory_space<vmem>>, %arg2: memref<128x64xf32, #tpu.memory_space<vmem>>, %arg3: memref<1x64xf32, #tpu.memory_space<vmem>>, %arg4: memref<2x2000x32xf32, #tpu.memory_space<vmem>>) attributes {dimension_semantics = [#tpu.dimension_semantics<arbitrary>], iteration_bounds = array<i64: 25>, scalar_prefetch = 0 : i64, scratch_operands = 0 : i64, tpu.core_type = #tpu.core_type<tc>, window_params = [{transform_indices = @transform_0, window_bounds = array<i64: 2000, 128>}, {pipeline_mode = #tpu.pipeline_mode<synchronous>, transform_indices = @transform_1, window_bounds = array<i64: 128, 64>}, {pipeline_mode = #tpu.pipeline_mode<synchronous>, transform_indices = @transform_2, window_bounds = array<i64: 1, 64>}, {transform_indices = @transform_3, window_bounds = array<i64: 2, 2000, 32>}]} {
    %get3A = arith.constant 0 : index
    %get3A_0 = arith.constant 0 : index
    %get3A_1 = vector.load %arg1[%get3A, %get3A_0] : memref<2000x128xf32, #tpu.memory_space<vmem>>, vector<2000x128xf32>
    %get3A_2 = arith.constant 0 : index
    %get3A_3 = arith.constant 0 : index
    %get3A_4 = vector.load %arg2[%get3A_2, %get3A_3] : memref<128x64xf32, #tpu.memory_space<vmem>>, vector<128x64xf32>
    %dot_general3A = arith.constant dense<0.000000e+00> : vector<2000x64xf32>
    %dot_general3A_5 = tpu.matmul %get3A_1, %get3A_4, %dot_general3A {dimension_numbers = #tpu.dot_dimension_numbers<[1], [0], [0], [1], [0, 0, 1, 1], [], []>, transpose_lhs_hint = false} : vector<2000x128xf32>, vector<128x64xf32>, vector<2000x64xf32> -> vector<2000x64xf32>
    %get3A_6 = arith.constant 0 : index
    %get3A_7 = arith.constant 0 : index
    %get3A_8 = vector.load %arg3[%get3A_6, %get3A_7] : memref<1x64xf32, #tpu.memory_space<vmem>>, vector<1x64xf32>
    %add3A = vector.broadcast %get3A_8 : vector<1x64xf32> to vector<2000x64xf32>
    %add3A_9 = arith.addf %dot_general3A_5, %add3A : vector<2000x64xf32>
    %slice3A = vector.extract_strided_slice %add3A_9 {offsets = [0, 0], sizes = [2000, 32], strides = [1, 1]} : vector<2000x64xf32> to vector<2000x32xf32>
    %swap3A = arith.constant 0 : index
    %swap3A_10 = arith.constant 0 : index
    %swap3A_11 = arith.constant 0 : index
    %swap3A_12 = vector.load %arg4[%swap3A, %swap3A_10, %swap3A_11] : memref<2x2000x32xf32, #tpu.memory_space<vmem>>, vector<1x2000x32xf32>
    %swap3A_13 = vector.shape_cast %swap3A_12 : vector<1x2000x32xf32> to vector<2000x32xf32>
    %swap3A_14 = vector.shape_cast %slice3A : vector<2000x32xf32> to vector<1x2000x32xf32>
    tpu.vector_store %arg4[%swap3A, %swap3A_10, %swap3A_11], %swap3A_14 {strides = array<i32>} : memref<2x2000x32xf32, #tpu.memory_space<vmem>>, vector<1x2000x32xf32>,
    %slice3A_15 = vector.extract_strided_slice %add3A_9 {offsets = [0, 32], sizes = [2000, 32], strides = [1, 1]} : vector<2000x64xf32> to vector<2000x32xf32>
    %swap3A_16 = arith.constant 1 : index
    %swap3A_17 = arith.constant 0 : index
    %swap3A_18 = arith.constant 0 : index
    %swap3A_19 = vector.load %arg4[%swap3A_16, %swap3A_17, %swap3A_18] : memref<2x2000x32xf32, #tpu.memory_space<vmem>>, vector<1x2000x32xf32>
    %swap3A_20 = vector.shape_cast %swap3A_19 : vector<1x2000x32xf32> to vector<2000x32xf32>
    %swap3A_21 = vector.shape_cast %slice3A_15 : vector<2000x32xf32> to vector<1x2000x32xf32>
    tpu.vector_store %arg4[%swap3A_16, %swap3A_17, %swap3A_18], %swap3A_21 {strides = array<i32>} : memref<2x2000x32xf32, #tpu.memory_space<vmem>>, vector<1x2000x32xf32>,
    return
  }
  func.func @transform_0(%arg0: i32) -> (i32, i32) {
    %c0_i32 = arith.constant 0 : i32
    %c0_i32_0 = arith.constant 0 : i32
    return %arg0, %c0_i32 : i32, i32
  }
  func.func @transform_1(%arg0: i32) -> (i32, i32) {
    %c0_i32 = arith.constant 0 : i32
    %c0_i32_0 = arith.constant 0 : i32
    %c0_i32_1 = arith.constant 0 : i32
    return %c0_i32, %c0_i32_0 : i32, i32
  }
  func.func @transform_2(%arg0: i32) -> (i32, i32) {
    %c0_i32 = arith.constant 0 : i32
    %c0_i32_0 = arith.constant 0 : i32
    %c0_i32_1 = arith.constant 0 : i32
    return %c0_i32, %c0_i32_0 : i32, i32
  }
  func.func @transform_3(%arg0: i32) -> (i32, i32, i32) {
    %c0_i32 = arith.constant 0 : i32
    %c0_i32_0 = arith.constant 0 : i32
    %c0_i32_1 = arith.constant 0 : i32
    return %c0_i32, %arg0, %c0_i32_0 : i32, i32, i32
  }
}

module attributes {stable_mosaic.version = 14 : i64} {
  func.func @_nodemlp_body(%arg0: i32, %arg1: memref<2x2000x32xf32, #tpu.memory_space<vmem>>, %arg2: memref<2x2000x32xf32, #tpu.memory_space<vmem>>, %arg3: memref<64x64xf32, #tpu.memory_space<vmem>>, %arg4: memref<1x64xf32, #tpu.memory_space<vmem>>, %arg5: memref<64x64xf32, #tpu.memory_space<vmem>>, %arg6: memref<1x64xf32, #tpu.memory_space<vmem>>, %arg7: memref<1x64xf32, #tpu.memory_space<vmem>>, %arg8: memref<1x64xf32, #tpu.memory_space<vmem>>, %arg9: memref<2x2000x32xf32, #tpu.memory_space<vmem>>) attributes {dimension_semantics = [#tpu.dimension_semantics<arbitrary>], iteration_bounds = array<i64: 25>, scalar_prefetch = 0 : i64, scratch_operands = 0 : i64, tpu.core_type = #tpu.core_type<tc>, window_params = [{transform_indices = @transform_0, window_bounds = array<i64: 2, 2000, 32>}, {transform_indices = @transform_1, window_bounds = array<i64: 2, 2000, 32>}, {pipeline_mode = #tpu.pipeline_mode<synchronous>, transform_indices = @transform_2, window_bounds = array<i64: 64, 64>}, {pipeline_mode = #tpu.pipeline_mode<synchronous>, transform_indices = @transform_3, window_bounds = array<i64: 1, 64>}, {pipeline_mode = #tpu.pipeline_mode<synchronous>, transform_indices = @transform_4, window_bounds = array<i64: 64, 64>}, {pipeline_mode = #tpu.pipeline_mode<synchronous>, transform_indices = @transform_5, window_bounds = array<i64: 1, 64>}, {pipeline_mode = #tpu.pipeline_mode<synchronous>, transform_indices = @transform_6, window_bounds = array<i64: 1, 64>}, {pipeline_mode = #tpu.pipeline_mode<synchronous>, transform_indices = @transform_7, window_bounds = array<i64: 1, 64>}, {transform_indices = @transform_8, window_bounds = array<i64: 2, 2000, 32>}]} {
    %get3A = arith.constant 0 : index
    %get3A_0 = arith.constant 0 : index
    %get3A_1 = arith.constant 0 : index
    %get3A_2 = vector.load %arg1[%get3A, %get3A_0, %get3A_1] : memref<2x2000x32xf32, #tpu.memory_space<vmem>>, vector<1x2000x32xf32>
    %get3A_3 = vector.shape_cast %get3A_2 : vector<1x2000x32xf32> to vector<2000x32xf32>
    %get3A_4 = arith.constant 1 : index
    %get3A_5 = arith.constant 0 : index
    %get3A_6 = arith.constant 0 : index
    %get3A_7 = vector.load %arg1[%get3A_4, %get3A_5, %get3A_6] : memref<2x2000x32xf32, #tpu.memory_space<vmem>>, vector<1x2000x32xf32>
    %get3A_8 = vector.shape_cast %get3A_7 : vector<1x2000x32xf32> to vector<2000x32xf32>
    %concatenate3A = tpu.concatenate %get3A_3, %get3A_8 in 1 : vector<2000x32xf32>, vector<2000x32xf32> -> vector<2000x64xf32>
    %get3A_9 = arith.constant 0 : index
    %get3A_10 = arith.constant 0 : index
    %get3A_11 = arith.constant 0 : index
    %get3A_12 = vector.load %arg2[%get3A_9, %get3A_10, %get3A_11] : memref<2x2000x32xf32, #tpu.memory_space<vmem>>, vector<1x2000x32xf32>
    %get3A_13 = vector.shape_cast %get3A_12 : vector<1x2000x32xf32> to vector<2000x32xf32>
    %get3A_14 = arith.constant 1 : index
    %get3A_15 = arith.constant 0 : index
    %get3A_16 = arith.constant 0 : index
    %get3A_17 = vector.load %arg2[%get3A_14, %get3A_15, %get3A_16] : memref<2x2000x32xf32, #tpu.memory_space<vmem>>, vector<1x2000x32xf32>
    %get3A_18 = vector.shape_cast %get3A_17 : vector<1x2000x32xf32> to vector<2000x32xf32>
    %concatenate3A_19 = tpu.concatenate %get3A_13, %get3A_18 in 1 : vector<2000x32xf32>, vector<2000x32xf32> -> vector<2000x64xf32>
    %add3A = arith.addf %concatenate3A, %concatenate3A_19 : vector<2000x64xf32>
    %get3A_20 = arith.constant 0 : index
    %get3A_21 = arith.constant 0 : index
    %get3A_22 = vector.load %arg3[%get3A_20, %get3A_21] : memref<64x64xf32, #tpu.memory_space<vmem>>, vector<64x64xf32>
    %dot_general3A = arith.constant dense<0.000000e+00> : vector<2000x64xf32>
    %dot_general3A_23 = tpu.matmul %add3A, %get3A_22, %dot_general3A {dimension_numbers = #tpu.dot_dimension_numbers<[1], [0], [0], [1], [0, 0, 1, 1], [], []>, transpose_lhs_hint = false} : vector<2000x64xf32>, vector<64x64xf32>, vector<2000x64xf32> -> vector<2000x64xf32>
    %get3A_24 = arith.constant 0 : index
    %get3A_25 = arith.constant 0 : index
    %get3A_26 = vector.load %arg4[%get3A_24, %get3A_25] : memref<1x64xf32, #tpu.memory_space<vmem>>, vector<1x64xf32>
    %add3A_27 = vector.broadcast %get3A_26 : vector<1x64xf32> to vector<2000x64xf32>
    %add3A_28 = arith.addf %dot_general3A_23, %add3A_27 : vector<2000x64xf32>
    %max3A = arith.constant 0.000000e+00 : f32
    %max3A_29 = vector.broadcast %max3A : f32 to vector<2000x64xf32>
    %max3A_30 = arith.maximumf %add3A_28, %max3A_29 : vector<2000x64xf32>
    %get3A_31 = arith.constant 0 : index
    %get3A_32 = arith.constant 0 : index
    %get3A_33 = vector.load %arg5[%get3A_31, %get3A_32] : memref<64x64xf32, #tpu.memory_space<vmem>>, vector<64x64xf32>
    %dot_general3A_34 = arith.constant dense<0.000000e+00> : vector<2000x64xf32>
    %dot_general3A_35 = tpu.matmul %max3A_30, %get3A_33, %dot_general3A_34 {dimension_numbers = #tpu.dot_dimension_numbers<[1], [0], [0], [1], [0, 0, 1, 1], [], []>, transpose_lhs_hint = false} : vector<2000x64xf32>, vector<64x64xf32>, vector<2000x64xf32> -> vector<2000x64xf32>
    %get3A_36 = arith.constant 0 : index
    %get3A_37 = arith.constant 0 : index
    %get3A_38 = vector.load %arg6[%get3A_36, %get3A_37] : memref<1x64xf32, #tpu.memory_space<vmem>>, vector<1x64xf32>
    %add3A_39 = vector.broadcast %get3A_38 : vector<1x64xf32> to vector<2000x64xf32>
    %add3A_40 = arith.addf %dot_general3A_35, %add3A_39 : vector<2000x64xf32>
    %get3A_41 = arith.constant 0 : index
    %get3A_42 = arith.constant 0 : index
    %get3A_43 = vector.load %arg7[%get3A_41, %get3A_42] : memref<1x64xf32, #tpu.memory_space<vmem>>, vector<1x64xf32>
    %mul3A = arith.constant 0.999994993 : f32
    %mul3A_44 = vector.broadcast %mul3A : f32 to vector<1x64xf32>
    %mul3A_45 = arith.mulf %get3A_43, %mul3A_44 : vector<1x64xf32>
    %mul3A_46 = vector.broadcast %mul3A_45 : vector<1x64xf32> to vector<2000x64xf32>
    %mul3A_47 = arith.mulf %add3A_40, %mul3A_46 : vector<2000x64xf32>
    %get3A_48 = arith.constant 0 : index
    %get3A_49 = arith.constant 0 : index
    %get3A_50 = vector.load %arg8[%get3A_48, %get3A_49] : memref<1x64xf32, #tpu.memory_space<vmem>>, vector<1x64xf32>
    %add3A_51 = vector.broadcast %get3A_50 : vector<1x64xf32> to vector<2000x64xf32>
    %add3A_52 = arith.addf %mul3A_47, %add3A_51 : vector<2000x64xf32>
    %max3A_53 = arith.constant 0.000000e+00 : f32
    %max3A_54 = vector.broadcast %max3A_53 : f32 to vector<2000x64xf32>
    %max3A_55 = arith.maximumf %add3A_52, %max3A_54 : vector<2000x64xf32>
    %slice3A = vector.extract_strided_slice %max3A_55 {offsets = [0, 0], sizes = [2000, 32], strides = [1, 1]} : vector<2000x64xf32> to vector<2000x32xf32>
    %swap3A = arith.constant 0 : index
    %swap3A_56 = arith.constant 0 : index
    %swap3A_57 = arith.constant 0 : index
    %swap3A_58 = vector.load %arg9[%swap3A, %swap3A_56, %swap3A_57] : memref<2x2000x32xf32, #tpu.memory_space<vmem>>, vector<1x2000x32xf32>
    %swap3A_59 = vector.shape_cast %swap3A_58 : vector<1x2000x32xf32> to vector<2000x32xf32>
    %swap3A_60 = vector.shape_cast %slice3A : vector<2000x32xf32> to vector<1x2000x32xf32>
    tpu.vector_store %arg9[%swap3A, %swap3A_56, %swap3A_57], %swap3A_60 {strides = array<i32>} : memref<2x2000x32xf32, #tpu.memory_space<vmem>>, vector<1x2000x32xf32>,
    %slice3A_61 = vector.extract_strided_slice %max3A_55 {offsets = [0, 32], sizes = [2000, 32], strides = [1, 1]} : vector<2000x64xf32> to vector<2000x32xf32>
    %swap3A_62 = arith.constant 1 : index
    %swap3A_63 = arith.constant 0 : index
    %swap3A_64 = arith.constant 0 : index
    %swap3A_65 = vector.load %arg9[%swap3A_62, %swap3A_63, %swap3A_64] : memref<2x2000x32xf32, #tpu.memory_space<vmem>>, vector<1x2000x32xf32>
    %swap3A_66 = vector.shape_cast %swap3A_65 : vector<1x2000x32xf32> to vector<2000x32xf32>
    %swap3A_67 = vector.shape_cast %slice3A_61 : vector<2000x32xf32> to vector<1x2000x32xf32>
    tpu.vector_store %arg9[%swap3A_62, %swap3A_63, %swap3A_64], %swap3A_67 {strides = array<i32>} : memref<2x2000x32xf32, #tpu.memory_space<vmem>>, vector<1x2000x32xf32>,
    return
  }
  func.func @transform_0(%arg0: i32) -> (i32, i32, i32) {
    %c0_i32 = arith.constant 0 : i32
    %c0_i32_0 = arith.constant 0 : i32
    %c0_i32_1 = arith.constant 0 : i32
    return %c0_i32, %arg0, %c0_i32_0 : i32, i32, i32
  }
  func.func @transform_1(%arg0: i32) -> (i32, i32, i32) {
    %c0_i32 = arith.constant 0 : i32
    %c0_i32_0 = arith.constant 0 : i32
    %c0_i32_1 = arith.constant 0 : i32
    return %c0_i32, %arg0, %c0_i32_0 : i32, i32, i32
  }
  func.func @transform_2(%arg0: i32) -> (i32, i32) {
    %c0_i32 = arith.constant 0 : i32
    %c0_i32_0 = arith.constant 0 : i32
    %c0_i32_1 = arith.constant 0 : i32
    return %c0_i32, %c0_i32_0 : i32, i32
  }
  func.func @transform_3(%arg0: i32) -> (i32, i32) {
    %c0_i32 = arith.constant 0 : i32
    %c0_i32_0 = arith.constant 0 : i32
    %c0_i32_1 = arith.constant 0 : i32
    return %c0_i32, %c0_i32_0 : i32, i32
  }
  func.func @transform_4(%arg0: i32) -> (i32, i32) {
    %c0_i32 = arith.constant 0 : i32
    %c0_i32_0 = arith.constant 0 : i32
    %c0_i32_1 = arith.constant 0 : i32
    return %c0_i32, %c0_i32_0 : i32, i32
  }
  func.func @transform_5(%arg0: i32) -> (i32, i32) {
    %c0_i32 = arith.constant 0 : i32
    %c0_i32_0 = arith.constant 0 : i32
    %c0_i32_1 = arith.constant 0 : i32
    return %c0_i32, %c0_i32_0 : i32, i32
  }
  func.func @transform_6(%arg0: i32) -> (i32, i32) {
    %c0_i32 = arith.constant 0 : i32
    %c0_i32_0 = arith.constant 0 : i32
    %c0_i32_1 = arith.constant 0 : i32
    return %c0_i32, %c0_i32_0 : i32, i32
  }
  func.func @transform_7(%arg0: i32) -> (i32, i32) {
    %c0_i32 = arith.constant 0 : i32
    %c0_i32_0 = arith.constant 0 : i32
    %c0_i32_1 = arith.constant 0 : i32
    return %c0_i32, %c0_i32_0 : i32, i32
  }
  func.func @transform_8(%arg0: i32) -> (i32, i32, i32) {
    %c0_i32 = arith.constant 0 : i32
    %c0_i32_0 = arith.constant 0 : i32
    %c0_i32_1 = arith.constant 0 : i32
    return %c0_i32, %arg0, %c0_i32_0 : i32, i32, i32
  }
}

module attributes {stable_mosaic.version = 14 : i64} {
  func.func @_pool_body(%arg0: i32, %arg1: memref<2x1000x32xf32, #tpu.memory_space<vmem>>, %arg2: memref<1x1x1000xi32, #tpu.memory_space<vmem>>, %arg3: memref<128x512xf32, #tpu.memory_space<vmem>>, %arg4: memref<1x512xf32, #tpu.memory_space<vmem>>, %arg5: memref<1x512xf32, #tpu.memory_space<vmem>>, %arg6: memref<1x512xf32, #tpu.memory_space<vmem>>, %arg7: memref<64x512xf32, #tpu.memory_space<vmem>>, %arg8: memref<64x128xf32, #tpu.memory_space<vmem>>, %arg9: memref<64x64xf32, #tpu.memory_space<vmem>>) attributes {dimension_semantics = [#tpu.dimension_semantics<arbitrary>], iteration_bounds = array<i64: 50>, scalar_prefetch = 0 : i64, scratch_operands = 2 : i64, tpu.core_type = #tpu.core_type<tc>, window_params = [{transform_indices = @transform_0, window_bounds = array<i64: 2, 1000, 32>}, {transform_indices = @transform_1, window_bounds = array<i64: 1, 1, 1000>}, {pipeline_mode = #tpu.pipeline_mode<synchronous>, transform_indices = @transform_2, window_bounds = array<i64: 128, 512>}, {pipeline_mode = #tpu.pipeline_mode<synchronous>, transform_indices = @transform_3, window_bounds = array<i64: 1, 512>}, {pipeline_mode = #tpu.pipeline_mode<synchronous>, transform_indices = @transform_4, window_bounds = array<i64: 1, 512>}, {pipeline_mode = #tpu.pipeline_mode<synchronous>, transform_indices = @transform_5, window_bounds = array<i64: 1, 512>}, {pipeline_mode = #tpu.pipeline_mode<synchronous>, transform_indices = @transform_6, window_bounds = array<i64: 64, 512>}]} {
    %eq3A = arith.constant 0 : i32
    %eq3A_0 = arith.cmpi eq, %arg0, %eq3A : i32
    %convert_element_type3A = arith.extui %eq3A_0 : i1 to i32
    %cond3A = arith.constant 0 : i32
    %cond3A_1 = arith.cmpi ne, %convert_element_type3A, %cond3A : i32
    scf.if %cond3A_1 {
      %broadcast_in_dim3A_746 = arith.constant 0.000000e+00 : f32
      %broadcast_in_dim3A_747 = vector.broadcast %broadcast_in_dim3A_746 : f32 to vector<64x128xf32>
      %swap3A_748 = arith.constant 0 : index
      %swap3A_749 = arith.constant 0 : index
      %swap3A_750 = vector.load %arg8[%swap3A_748, %swap3A_749] : memref<64x128xf32, #tpu.memory_space<vmem>>, vector<64x128xf32>
      tpu.vector_store %arg8[%swap3A_748, %swap3A_749], %broadcast_in_dim3A_747 {strides = array<i32>} : memref<64x128xf32, #tpu.memory_space<vmem>>, vector<64x128xf32>,
      %broadcast_in_dim3A_751 = arith.constant 0xFF800000 : f32
      %broadcast_in_dim3A_752 = vector.broadcast %broadcast_in_dim3A_751 : f32 to vector<64x64xf32>
      %swap3A_753 = arith.constant 0 : index
      %swap3A_754 = arith.constant 0 : index
      %swap3A_755 = vector.load %arg9[%swap3A_753, %swap3A_754] : memref<64x64xf32, #tpu.memory_space<vmem>>, vector<64x64xf32>
      tpu.vector_store %arg9[%swap3A_753, %swap3A_754], %broadcast_in_dim3A_752 {strides = array<i32>} : memref<64x64xf32, #tpu.memory_space<vmem>>, vector<64x64xf32>,
    } else {
    }
    %get3A = arith.constant 0 : index
    %get3A_2 = arith.constant 0 : index
    %get3A_3 = arith.constant 0 : index
    %get3A_4 = vector.load %arg1[%get3A, %get3A_2, %get3A_3] : memref<2x1000x32xf32, #tpu.memory_space<vmem>>, vector<1x1000x32xf32>
    %get3A_5 = vector.shape_cast %get3A_4 : vector<1x1000x32xf32> to vector<1000x32xf32>
    %get3A_6 = arith.constant 1 : index
    %get3A_7 = arith.constant 0 : index
    %get3A_8 = arith.constant 0 : index
    %get3A_9 = vector.load %arg1[%get3A_6, %get3A_7, %get3A_8] : memref<2x1000x32xf32, #tpu.memory_space<vmem>>, vector<1x1000x32xf32>
    %get3A_10 = vector.shape_cast %get3A_9 : vector<1x1000x32xf32> to vector<1000x32xf32>
    %concatenate3A = tpu.concatenate %get3A_5, %get3A_10 in 1 : vector<1000x32xf32>, vector<1000x32xf32> -> vector<1000x64xf32>
    %get3A_11 = arith.constant 0 : index
    %get3A_12 = arith.constant 0 : index
    %get3A_13 = arith.constant 0 : index
    %get3A_14 = vector.load %arg2[%get3A_11, %get3A_12, %get3A_13] : memref<1x1x1000xi32, #tpu.memory_space<vmem>>, vector<1x1x1000xi32>
    %get3A_15 = vector.shape_cast %get3A_14 : vector<1x1x1000xi32> to vector<1000xi32>
    %iota3A = tpu.iota {dimensions = array<i32: 1>} : vector<1x64xi32>
    %broadcast_in_dim3A = vector.shape_cast %get3A_15 : vector<1000xi32> to vector<1000x1xi32>
    %eq3A_16 = vector.broadcast %broadcast_in_dim3A : vector<1000x1xi32> to vector<1000x64xi32>
    %eq3A_17 = vector.broadcast %iota3A : vector<1x64xi32> to vector<1000x64xi32>
    %eq3A_18 = arith.cmpi eq, %eq3A_16, %eq3A_17 : vector<1000x64xi32>
    %convert_element_type3A_19 = arith.extui %eq3A_18 : vector<1000x64xi1> to vector<1000x64xi32>
    %convert_element_type3A_20 = arith.sitofp %convert_element_type3A_19 : vector<1000x64xi32> to vector<1000x64xf32>
    %broadcast_in_dim3A_21 = arith.constant 1.000000e+00 : f32
    %broadcast_in_dim3A_22 = vector.broadcast %broadcast_in_dim3A_21 : f32 to vector<1000x1xf32>
    %broadcast_in_dim3A_23 = arith.constant 0.000000e+00 : f32
    %broadcast_in_dim3A_24 = vector.broadcast %broadcast_in_dim3A_23 : f32 to vector<1000x63xf32>
    %concatenate3A_25 = tpu.concatenate %concatenate3A, %broadcast_in_dim3A_22, %broadcast_in_dim3A_24 in 1 : vector<1000x64xf32>, vector<1000x1xf32>, vector<1000x63xf32> -> vector<1000x128xf32>
    %get3A_26 = arith.constant 0 : index
    %get3A_27 = arith.constant 0 : index
    %get3A_28 = vector.load %arg8[%get3A_26, %get3A_27] : memref<64x128xf32, #tpu.memory_space<vmem>>, vector<64x128xf32>
    %transpose3A = tpu.transpose %convert_element_type3A_20, [1, 0] : vector<1000x64xf32> -> vector<64x1000xf32>
    %dot_general3A = arith.constant dense<0.000000e+00> : vector<64x128xf32>
    %dot_general3A_29 = tpu.matmul %transpose3A, %concatenate3A_25, %dot_general3A {dimension_numbers = #tpu.dot_dimension_numbers<[1], [0], [0], [1], [0, 0, 1, 1], [], []>, transpose_lhs_hint = false} : vector<64x1000xf32>, vector<1000x128xf32>, vector<64x128xf32> -> vector<64x128xf32>
    %add3A = arith.addf %get3A_28, %dot_general3A_29 : vector<64x128xf32>
    %swap3A = arith.constant 0 : index
    %swap3A_30 = arith.constant 0 : index
    %swap3A_31 = vector.load %arg8[%swap3A, %swap3A_30] : memref<64x128xf32, #tpu.memory_space<vmem>>, vector<64x128xf32>
    tpu.vector_store %arg8[%swap3A, %swap3A_30], %add3A {strides = array<i32>} : memref<64x128xf32, #tpu.memory_space<vmem>>, vector<64x128xf32>,
    %broadcast_in_dim3A_32 = vector.shape_cast %get3A_15 : vector<1000xi32> to vector<1000x1xi32>
    %eq3A_33 = arith.constant 0 : i32
    %eq3A_34 = vector.broadcast %eq3A_33 : i32 to vector<1000x1xi32>
    %eq3A_35 = arith.cmpi eq, %broadcast_in_dim3A_32, %eq3A_34 : vector<1000x1xi32>
    %jit3A = arith.constant 0xFF800000 : f32
    %broadcast_in_dim3A_36 = vector.shape_cast %eq3A_35 : vector<1000x1xi1> to vector<1000x1xi1>
    %broadcast_in_dim3A_37 = vector.broadcast %broadcast_in_dim3A_36 : vector<1000x1xi1> to vector<1000x64xi1>
    %broadcast_in_dim3A_38 = vector.broadcast %jit3A : f32 to vector<1000x64xf32>
    %select_n3A = arith.select %broadcast_in_dim3A_37, %concatenate3A, %broadcast_in_dim3A_38 : vector<1000x64xi1>, vector<1000x64xf32>
    %reduce_max3A = arith.constant dense<0xFF800000> : vector<64xf32>
    %reduce_max3A_39 = vector.multi_reduction <maximumf>, %select_n3A, %reduce_max3A [0] : vector<1000x64xf32> to vector<64xf32>
    %broadcast_in_dim3A_40 = vector.shape_cast %reduce_max3A_39 : vector<64xf32> to vector<1x64xf32>
    %eq3A_41 = arith.constant 1 : i32
    %eq3A_42 = vector.broadcast %eq3A_41 : i32 to vector<1000x1xi32>
    %eq3A_43 = arith.cmpi eq, %broadcast_in_dim3A_32, %eq3A_42 : vector<1000x1xi32>
    %jit3A_44 = arith.constant 0xFF800000 : f32
    %broadcast_in_dim3A_45 = vector.shape_cast %eq3A_43 : vector<1000x1xi1> to vector<1000x1xi1>
    %broadcast_in_dim3A_46 = vector.broadcast %broadcast_in_dim3A_45 : vector<1000x1xi1> to vector<1000x64xi1>
    %broadcast_in_dim3A_47 = vector.broadcast %jit3A_44 : f32 to vector<1000x64xf32>
    %select_n3A_48 = arith.select %broadcast_in_dim3A_46, %concatenate3A, %broadcast_in_dim3A_47 : vector<1000x64xi1>, vector<1000x64xf32>
    %reduce_max3A_49 = arith.constant dense<0xFF800000> : vector<64xf32>
    %reduce_max3A_50 = vector.multi_reduction <maximumf>, %select_n3A_48, %reduce_max3A_49 [0] : vector<1000x64xf32> to vector<64xf32>
    %broadcast_in_dim3A_51 = vector.shape_cast %reduce_max3A_50 : vector<64xf32> to vector<1x64xf32>
    %eq3A_52 = arith.constant 2 : i32
    %eq3A_53 = vector.broadcast %eq3A_52 : i32 to vector<1000x1xi32>
    %eq3A_54 = arith.cmpi eq, %broadcast_in_dim3A_32, %eq3A_53 : vector<1000x1xi32>
    %jit3A_55 = arith.constant 0xFF800000 : f32
    %broadcast_in_dim3A_56 = vector.shape_cast %eq3A_54 : vector<1000x1xi1> to vector<1000x1xi1>
    %broadcast_in_dim3A_57 = vector.broadcast %broadcast_in_dim3A_56 : vector<1000x1xi1> to vector<1000x64xi1>
    %broadcast_in_dim3A_58 = vector.broadcast %jit3A_55 : f32 to vector<1000x64xf32>
    %select_n3A_59 = arith.select %broadcast_in_dim3A_57, %concatenate3A, %broadcast_in_dim3A_58 : vector<1000x64xi1>, vector<1000x64xf32>
    %reduce_max3A_60 = arith.constant dense<0xFF800000> : vector<64xf32>
    %reduce_max3A_61 = vector.multi_reduction <maximumf>, %select_n3A_59, %reduce_max3A_60 [0] : vector<1000x64xf32> to vector<64xf32>
    %broadcast_in_dim3A_62 = vector.shape_cast %reduce_max3A_61 : vector<64xf32> to vector<1x64xf32>
    %eq3A_63 = arith.constant 3 : i32
    %eq3A_64 = vector.broadcast %eq3A_63 : i32 to vector<1000x1xi32>
    %eq3A_65 = arith.cmpi eq, %broadcast_in_dim3A_32, %eq3A_64 : vector<1000x1xi32>
    %jit3A_66 = arith.constant 0xFF800000 : f32
    %broadcast_in_dim3A_67 = vector.shape_cast %eq3A_65 : vector<1000x1xi1> to vector<1000x1xi1>
    %broadcast_in_dim3A_68 = vector.broadcast %broadcast_in_dim3A_67 : vector<1000x1xi1> to vector<1000x64xi1>
    %broadcast_in_dim3A_69 = vector.broadcast %jit3A_66 : f32 to vector<1000x64xf32>
    %select_n3A_70 = arith.select %broadcast_in_dim3A_68, %concatenate3A, %broadcast_in_dim3A_69 : vector<1000x64xi1>, vector<1000x64xf32>
    %reduce_max3A_71 = arith.constant dense<0xFF800000> : vector<64xf32>
    %reduce_max3A_72 = vector.multi_reduction <maximumf>, %select_n3A_70, %reduce_max3A_71 [0] : vector<1000x64xf32> to vector<64xf32>
    %broadcast_in_dim3A_73 = vector.shape_cast %reduce_max3A_72 : vector<64xf32> to vector<1x64xf32>
    %eq3A_74 = arith.constant 4 : i32
    %eq3A_75 = vector.broadcast %eq3A_74 : i32 to vector<1000x1xi32>
    %eq3A_76 = arith.cmpi eq, %broadcast_in_dim3A_32, %eq3A_75 : vector<1000x1xi32>
    %jit3A_77 = arith.constant 0xFF800000 : f32
    %broadcast_in_dim3A_78 = vector.shape_cast %eq3A_76 : vector<1000x1xi1> to vector<1000x1xi1>
    %broadcast_in_dim3A_79 = vector.broadcast %broadcast_in_dim3A_78 : vector<1000x1xi1> to vector<1000x64xi1>
    %broadcast_in_dim3A_80 = vector.broadcast %jit3A_77 : f32 to vector<1000x64xf32>
    %select_n3A_81 = arith.select %broadcast_in_dim3A_79, %concatenate3A, %broadcast_in_dim3A_80 : vector<1000x64xi1>, vector<1000x64xf32>
    %reduce_max3A_82 = arith.constant dense<0xFF800000> : vector<64xf32>
    %reduce_max3A_83 = vector.multi_reduction <maximumf>, %select_n3A_81, %reduce_max3A_82 [0] : vector<1000x64xf32> to vector<64xf32>
    %broadcast_in_dim3A_84 = vector.shape_cast %reduce_max3A_83 : vector<64xf32> to vector<1x64xf32>
    %eq3A_85 = arith.constant 5 : i32
    %eq3A_86 = vector.broadcast %eq3A_85 : i32 to vector<1000x1xi32>
    %eq3A_87 = arith.cmpi eq, %broadcast_in_dim3A_32, %eq3A_86 : vector<1000x1xi32>
    %jit3A_88 = arith.constant 0xFF800000 : f32
    %broadcast_in_dim3A_89 = vector.shape_cast %eq3A_87 : vector<1000x1xi1> to vector<1000x1xi1>
    %broadcast_in_dim3A_90 = vector.broadcast %broadcast_in_dim3A_89 : vector<1000x1xi1> to vector<1000x64xi1>
    %broadcast_in_dim3A_91 = vector.broadcast %jit3A_88 : f32 to vector<1000x64xf32>
    %select_n3A_92 = arith.select %broadcast_in_dim3A_90, %concatenate3A, %broadcast_in_dim3A_91 : vector<1000x64xi1>, vector<1000x64xf32>
    %reduce_max3A_93 = arith.constant dense<0xFF800000> : vector<64xf32>
    %reduce_max3A_94 = vector.multi_reduction <maximumf>, %select_n3A_92, %reduce_max3A_93 [0] : vector<1000x64xf32> to vector<64xf32>
    %broadcast_in_dim3A_95 = vector.shape_cast %reduce_max3A_94 : vector<64xf32> to vector<1x64xf32>
    %eq3A_96 = arith.constant 6 : i32
    %eq3A_97 = vector.broadcast %eq3A_96 : i32 to vector<1000x1xi32>
    %eq3A_98 = arith.cmpi eq, %broadcast_in_dim3A_32, %eq3A_97 : vector<1000x1xi32>
    %jit3A_99 = arith.constant 0xFF800000 : f32
    %broadcast_in_dim3A_100 = vector.shape_cast %eq3A_98 : vector<1000x1xi1> to vector<1000x1xi1>
    %broadcast_in_dim3A_101 = vector.broadcast %broadcast_in_dim3A_100 : vector<1000x1xi1> to vector<1000x64xi1>
    %broadcast_in_dim3A_102 = vector.broadcast %jit3A_99 : f32 to vector<1000x64xf32>
    %select_n3A_103 = arith.select %broadcast_in_dim3A_101, %concatenate3A, %broadcast_in_dim3A_102 : vector<1000x64xi1>, vector<1000x64xf32>
    %reduce_max3A_104 = arith.constant dense<0xFF800000> : vector<64xf32>
    %reduce_max3A_105 = vector.multi_reduction <maximumf>, %select_n3A_103, %reduce_max3A_104 [0] : vector<1000x64xf32> to vector<64xf32>
    %broadcast_in_dim3A_106 = vector.shape_cast %reduce_max3A_105 : vector<64xf32> to vector<1x64xf32>
    %eq3A_107 = arith.constant 7 : i32
    %eq3A_108 = vector.broadcast %eq3A_107 : i32 to vector<1000x1xi32>
    %eq3A_109 = arith.cmpi eq, %broadcast_in_dim3A_32, %eq3A_108 : vector<1000x1xi32>
    %jit3A_110 = arith.constant 0xFF800000 : f32
    %broadcast_in_dim3A_111 = vector.shape_cast %eq3A_109 : vector<1000x1xi1> to vector<1000x1xi1>
    %broadcast_in_dim3A_112 = vector.broadcast %broadcast_in_dim3A_111 : vector<1000x1xi1> to vector<1000x64xi1>
    %broadcast_in_dim3A_113 = vector.broadcast %jit3A_110 : f32 to vector<1000x64xf32>
    %select_n3A_114 = arith.select %broadcast_in_dim3A_112, %concatenate3A, %broadcast_in_dim3A_113 : vector<1000x64xi1>, vector<1000x64xf32>
    %reduce_max3A_115 = arith.constant dense<0xFF800000> : vector<64xf32>
    %reduce_max3A_116 = vector.multi_reduction <maximumf>, %select_n3A_114, %reduce_max3A_115 [0] : vector<1000x64xf32> to vector<64xf32>
    %broadcast_in_dim3A_117 = vector.shape_cast %reduce_max3A_116 : vector<64xf32> to vector<1x64xf32>
    %eq3A_118 = arith.constant 8 : i32
    %eq3A_119 = vector.broadcast %eq3A_118 : i32 to vector<1000x1xi32>
    %eq3A_120 = arith.cmpi eq, %broadcast_in_dim3A_32, %eq3A_119 : vector<1000x1xi32>
    %jit3A_121 = arith.constant 0xFF800000 : f32
    %broadcast_in_dim3A_122 = vector.shape_cast %eq3A_120 : vector<1000x1xi1> to vector<1000x1xi1>
    %broadcast_in_dim3A_123 = vector.broadcast %broadcast_in_dim3A_122 : vector<1000x1xi1> to vector<1000x64xi1>
    %broadcast_in_dim3A_124 = vector.broadcast %jit3A_121 : f32 to vector<1000x64xf32>
    %select_n3A_125 = arith.select %broadcast_in_dim3A_123, %concatenate3A, %broadcast_in_dim3A_124 : vector<1000x64xi1>, vector<1000x64xf32>
    %reduce_max3A_126 = arith.constant dense<0xFF800000> : vector<64xf32>
    %reduce_max3A_127 = vector.multi_reduction <maximumf>, %select_n3A_125, %reduce_max3A_126 [0] : vector<1000x64xf32> to vector<64xf32>
    %broadcast_in_dim3A_128 = vector.shape_cast %reduce_max3A_127 : vector<64xf32> to vector<1x64xf32>
    %eq3A_129 = arith.constant 9 : i32
    %eq3A_130 = vector.broadcast %eq3A_129 : i32 to vector<1000x1xi32>
    %eq3A_131 = arith.cmpi eq, %broadcast_in_dim3A_32, %eq3A_130 : vector<1000x1xi32>
    %jit3A_132 = arith.constant 0xFF800000 : f32
    %broadcast_in_dim3A_133 = vector.shape_cast %eq3A_131 : vector<1000x1xi1> to vector<1000x1xi1>
    %broadcast_in_dim3A_134 = vector.broadcast %broadcast_in_dim3A_133 : vector<1000x1xi1> to vector<1000x64xi1>
    %broadcast_in_dim3A_135 = vector.broadcast %jit3A_132 : f32 to vector<1000x64xf32>
    %select_n3A_136 = arith.select %broadcast_in_dim3A_134, %concatenate3A, %broadcast_in_dim3A_135 : vector<1000x64xi1>, vector<1000x64xf32>
    %reduce_max3A_137 = arith.constant dense<0xFF800000> : vector<64xf32>
    %reduce_max3A_138 = vector.multi_reduction <maximumf>, %select_n3A_136, %reduce_max3A_137 [0] : vector<1000x64xf32> to vector<64xf32>
    %broadcast_in_dim3A_139 = vector.shape_cast %reduce_max3A_138 : vector<64xf32> to vector<1x64xf32>
    %eq3A_140 = arith.constant 10 : i32
    %eq3A_141 = vector.broadcast %eq3A_140 : i32 to vector<1000x1xi32>
    %eq3A_142 = arith.cmpi eq, %broadcast_in_dim3A_32, %eq3A_141 : vector<1000x1xi32>
    %jit3A_143 = arith.constant 0xFF800000 : f32
    %broadcast_in_dim3A_144 = vector.shape_cast %eq3A_142 : vector<1000x1xi1> to vector<1000x1xi1>
    %broadcast_in_dim3A_145 = vector.broadcast %broadcast_in_dim3A_144 : vector<1000x1xi1> to vector<1000x64xi1>
    %broadcast_in_dim3A_146 = vector.broadcast %jit3A_143 : f32 to vector<1000x64xf32>
    %select_n3A_147 = arith.select %broadcast_in_dim3A_145, %concatenate3A, %broadcast_in_dim3A_146 : vector<1000x64xi1>, vector<1000x64xf32>
    %reduce_max3A_148 = arith.constant dense<0xFF800000> : vector<64xf32>
    %reduce_max3A_149 = vector.multi_reduction <maximumf>, %select_n3A_147, %reduce_max3A_148 [0] : vector<1000x64xf32> to vector<64xf32>
    %broadcast_in_dim3A_150 = vector.shape_cast %reduce_max3A_149 : vector<64xf32> to vector<1x64xf32>
    %eq3A_151 = arith.constant 11 : i32
    %eq3A_152 = vector.broadcast %eq3A_151 : i32 to vector<1000x1xi32>
    %eq3A_153 = arith.cmpi eq, %broadcast_in_dim3A_32, %eq3A_152 : vector<1000x1xi32>
    %jit3A_154 = arith.constant 0xFF800000 : f32
    %broadcast_in_dim3A_155 = vector.shape_cast %eq3A_153 : vector<1000x1xi1> to vector<1000x1xi1>
    %broadcast_in_dim3A_156 = vector.broadcast %broadcast_in_dim3A_155 : vector<1000x1xi1> to vector<1000x64xi1>
    %broadcast_in_dim3A_157 = vector.broadcast %jit3A_154 : f32 to vector<1000x64xf32>
    %select_n3A_158 = arith.select %broadcast_in_dim3A_156, %concatenate3A, %broadcast_in_dim3A_157 : vector<1000x64xi1>, vector<1000x64xf32>
    %reduce_max3A_159 = arith.constant dense<0xFF800000> : vector<64xf32>
    %reduce_max3A_160 = vector.multi_reduction <maximumf>, %select_n3A_158, %reduce_max3A_159 [0] : vector<1000x64xf32> to vector<64xf32>
    %broadcast_in_dim3A_161 = vector.shape_cast %reduce_max3A_160 : vector<64xf32> to vector<1x64xf32>
    %eq3A_162 = arith.constant 12 : i32
    %eq3A_163 = vector.broadcast %eq3A_162 : i32 to vector<1000x1xi32>
    %eq3A_164 = arith.cmpi eq, %broadcast_in_dim3A_32, %eq3A_163 : vector<1000x1xi32>
    %jit3A_165 = arith.constant 0xFF800000 : f32
    %broadcast_in_dim3A_166 = vector.shape_cast %eq3A_164 : vector<1000x1xi1> to vector<1000x1xi1>
    %broadcast_in_dim3A_167 = vector.broadcast %broadcast_in_dim3A_166 : vector<1000x1xi1> to vector<1000x64xi1>
    %broadcast_in_dim3A_168 = vector.broadcast %jit3A_165 : f32 to vector<1000x64xf32>
    %select_n3A_169 = arith.select %broadcast_in_dim3A_167, %concatenate3A, %broadcast_in_dim3A_168 : vector<1000x64xi1>, vector<1000x64xf32>
    %reduce_max3A_170 = arith.constant dense<0xFF800000> : vector<64xf32>
    %reduce_max3A_171 = vector.multi_reduction <maximumf>, %select_n3A_169, %reduce_max3A_170 [0] : vector<1000x64xf32> to vector<64xf32>
    %broadcast_in_dim3A_172 = vector.shape_cast %reduce_max3A_171 : vector<64xf32> to vector<1x64xf32>
    %eq3A_173 = arith.constant 13 : i32
    %eq3A_174 = vector.broadcast %eq3A_173 : i32 to vector<1000x1xi32>
    %eq3A_175 = arith.cmpi eq, %broadcast_in_dim3A_32, %eq3A_174 : vector<1000x1xi32>
    %jit3A_176 = arith.constant 0xFF800000 : f32
    %broadcast_in_dim3A_177 = vector.shape_cast %eq3A_175 : vector<1000x1xi1> to vector<1000x1xi1>
    %broadcast_in_dim3A_178 = vector.broadcast %broadcast_in_dim3A_177 : vector<1000x1xi1> to vector<1000x64xi1>
    %broadcast_in_dim3A_179 = vector.broadcast %jit3A_176 : f32 to vector<1000x64xf32>
    %select_n3A_180 = arith.select %broadcast_in_dim3A_178, %concatenate3A, %broadcast_in_dim3A_179 : vector<1000x64xi1>, vector<1000x64xf32>
    %reduce_max3A_181 = arith.constant dense<0xFF800000> : vector<64xf32>
    %reduce_max3A_182 = vector.multi_reduction <maximumf>, %select_n3A_180, %reduce_max3A_181 [0] : vector<1000x64xf32> to vector<64xf32>
    %broadcast_in_dim3A_183 = vector.shape_cast %reduce_max3A_182 : vector<64xf32> to vector<1x64xf32>
    %eq3A_184 = arith.constant 14 : i32
    %eq3A_185 = vector.broadcast %eq3A_184 : i32 to vector<1000x1xi32>
    %eq3A_186 = arith.cmpi eq, %broadcast_in_dim3A_32, %eq3A_185 : vector<1000x1xi32>
    %jit3A_187 = arith.constant 0xFF800000 : f32
    %broadcast_in_dim3A_188 = vector.shape_cast %eq3A_186 : vector<1000x1xi1> to vector<1000x1xi1>
    %broadcast_in_dim3A_189 = vector.broadcast %broadcast_in_dim3A_188 : vector<1000x1xi1> to vector<1000x64xi1>
    %broadcast_in_dim3A_190 = vector.broadcast %jit3A_187 : f32 to vector<1000x64xf32>
    %select_n3A_191 = arith.select %broadcast_in_dim3A_189, %concatenate3A, %broadcast_in_dim3A_190 : vector<1000x64xi1>, vector<1000x64xf32>
    %reduce_max3A_192 = arith.constant dense<0xFF800000> : vector<64xf32>
    %reduce_max3A_193 = vector.multi_reduction <maximumf>, %select_n3A_191, %reduce_max3A_192 [0] : vector<1000x64xf32> to vector<64xf32>
    %broadcast_in_dim3A_194 = vector.shape_cast %reduce_max3A_193 : vector<64xf32> to vector<1x64xf32>
    %eq3A_195 = arith.constant 15 : i32
    %eq3A_196 = vector.broadcast %eq3A_195 : i32 to vector<1000x1xi32>
    %eq3A_197 = arith.cmpi eq, %broadcast_in_dim3A_32, %eq3A_196 : vector<1000x1xi32>
    %jit3A_198 = arith.constant 0xFF800000 : f32
    %broadcast_in_dim3A_199 = vector.shape_cast %eq3A_197 : vector<1000x1xi1> to vector<1000x1xi1>
    %broadcast_in_dim3A_200 = vector.broadcast %broadcast_in_dim3A_199 : vector<1000x1xi1> to vector<1000x64xi1>
    %broadcast_in_dim3A_201 = vector.broadcast %jit3A_198 : f32 to vector<1000x64xf32>
    %select_n3A_202 = arith.select %broadcast_in_dim3A_200, %concatenate3A, %broadcast_in_dim3A_201 : vector<1000x64xi1>, vector<1000x64xf32>
    %reduce_max3A_203 = arith.constant dense<0xFF800000> : vector<64xf32>
    %reduce_max3A_204 = vector.multi_reduction <maximumf>, %select_n3A_202, %reduce_max3A_203 [0] : vector<1000x64xf32> to vector<64xf32>
    %broadcast_in_dim3A_205 = vector.shape_cast %reduce_max3A_204 : vector<64xf32> to vector<1x64xf32>
    %eq3A_206 = arith.constant 16 : i32
    %eq3A_207 = vector.broadcast %eq3A_206 : i32 to vector<1000x1xi32>
    %eq3A_208 = arith.cmpi eq, %broadcast_in_dim3A_32, %eq3A_207 : vector<1000x1xi32>
    %jit3A_209 = arith.constant 0xFF800000 : f32
    %broadcast_in_dim3A_210 = vector.shape_cast %eq3A_208 : vector<1000x1xi1> to vector<1000x1xi1>
    %broadcast_in_dim3A_211 = vector.broadcast %broadcast_in_dim3A_210 : vector<1000x1xi1> to vector<1000x64xi1>
    %broadcast_in_dim3A_212 = vector.broadcast %jit3A_209 : f32 to vector<1000x64xf32>
    %select_n3A_213 = arith.select %broadcast_in_dim3A_211, %concatenate3A, %broadcast_in_dim3A_212 : vector<1000x64xi1>, vector<1000x64xf32>
    %reduce_max3A_214 = arith.constant dense<0xFF800000> : vector<64xf32>
    %reduce_max3A_215 = vector.multi_reduction <maximumf>, %select_n3A_213, %reduce_max3A_214 [0] : vector<1000x64xf32> to vector<64xf32>
    %broadcast_in_dim3A_216 = vector.shape_cast %reduce_max3A_215 : vector<64xf32> to vector<1x64xf32>
    %eq3A_217 = arith.constant 17 : i32
    %eq3A_218 = vector.broadcast %eq3A_217 : i32 to vector<1000x1xi32>
    %eq3A_219 = arith.cmpi eq, %broadcast_in_dim3A_32, %eq3A_218 : vector<1000x1xi32>
    %jit3A_220 = arith.constant 0xFF800000 : f32
    %broadcast_in_dim3A_221 = vector.shape_cast %eq3A_219 : vector<1000x1xi1> to vector<1000x1xi1>
    %broadcast_in_dim3A_222 = vector.broadcast %broadcast_in_dim3A_221 : vector<1000x1xi1> to vector<1000x64xi1>
    %broadcast_in_dim3A_223 = vector.broadcast %jit3A_220 : f32 to vector<1000x64xf32>
    %select_n3A_224 = arith.select %broadcast_in_dim3A_222, %concatenate3A, %broadcast_in_dim3A_223 : vector<1000x64xi1>, vector<1000x64xf32>
    %reduce_max3A_225 = arith.constant dense<0xFF800000> : vector<64xf32>
    %reduce_max3A_226 = vector.multi_reduction <maximumf>, %select_n3A_224, %reduce_max3A_225 [0] : vector<1000x64xf32> to vector<64xf32>
    %broadcast_in_dim3A_227 = vector.shape_cast %reduce_max3A_226 : vector<64xf32> to vector<1x64xf32>
    %eq3A_228 = arith.constant 18 : i32
    %eq3A_229 = vector.broadcast %eq3A_228 : i32 to vector<1000x1xi32>
    %eq3A_230 = arith.cmpi eq, %broadcast_in_dim3A_32, %eq3A_229 : vector<1000x1xi32>
    %jit3A_231 = arith.constant 0xFF800000 : f32
    %broadcast_in_dim3A_232 = vector.shape_cast %eq3A_230 : vector<1000x1xi1> to vector<1000x1xi1>
    %broadcast_in_dim3A_233 = vector.broadcast %broadcast_in_dim3A_232 : vector<1000x1xi1> to vector<1000x64xi1>
    %broadcast_in_dim3A_234 = vector.broadcast %jit3A_231 : f32 to vector<1000x64xf32>
    %select_n3A_235 = arith.select %broadcast_in_dim3A_233, %concatenate3A, %broadcast_in_dim3A_234 : vector<1000x64xi1>, vector<1000x64xf32>
    %reduce_max3A_236 = arith.constant dense<0xFF800000> : vector<64xf32>
    %reduce_max3A_237 = vector.multi_reduction <maximumf>, %select_n3A_235, %reduce_max3A_236 [0] : vector<1000x64xf32> to vector<64xf32>
    %broadcast_in_dim3A_238 = vector.shape_cast %reduce_max3A_237 : vector<64xf32> to vector<1x64xf32>
    %eq3A_239 = arith.constant 19 : i32
    %eq3A_240 = vector.broadcast %eq3A_239 : i32 to vector<1000x1xi32>
    %eq3A_241 = arith.cmpi eq, %broadcast_in_dim3A_32, %eq3A_240 : vector<1000x1xi32>
    %jit3A_242 = arith.constant 0xFF800000 : f32
    %broadcast_in_dim3A_243 = vector.shape_cast %eq3A_241 : vector<1000x1xi1> to vector<1000x1xi1>
    %broadcast_in_dim3A_244 = vector.broadcast %broadcast_in_dim3A_243 : vector<1000x1xi1> to vector<1000x64xi1>
    %broadcast_in_dim3A_245 = vector.broadcast %jit3A_242 : f32 to vector<1000x64xf32>
    %select_n3A_246 = arith.select %broadcast_in_dim3A_244, %concatenate3A, %broadcast_in_dim3A_245 : vector<1000x64xi1>, vector<1000x64xf32>
    %reduce_max3A_247 = arith.constant dense<0xFF800000> : vector<64xf32>
    %reduce_max3A_248 = vector.multi_reduction <maximumf>, %select_n3A_246, %reduce_max3A_247 [0] : vector<1000x64xf32> to vector<64xf32>
    %broadcast_in_dim3A_249 = vector.shape_cast %reduce_max3A_248 : vector<64xf32> to vector<1x64xf32>
    %eq3A_250 = arith.constant 20 : i32
    %eq3A_251 = vector.broadcast %eq3A_250 : i32 to vector<1000x1xi32>
    %eq3A_252 = arith.cmpi eq, %broadcast_in_dim3A_32, %eq3A_251 : vector<1000x1xi32>
    %jit3A_253 = arith.constant 0xFF800000 : f32
    %broadcast_in_dim3A_254 = vector.shape_cast %eq3A_252 : vector<1000x1xi1> to vector<1000x1xi1>
    %broadcast_in_dim3A_255 = vector.broadcast %broadcast_in_dim3A_254 : vector<1000x1xi1> to vector<1000x64xi1>
    %broadcast_in_dim3A_256 = vector.broadcast %jit3A_253 : f32 to vector<1000x64xf32>
    %select_n3A_257 = arith.select %broadcast_in_dim3A_255, %concatenate3A, %broadcast_in_dim3A_256 : vector<1000x64xi1>, vector<1000x64xf32>
    %reduce_max3A_258 = arith.constant dense<0xFF800000> : vector<64xf32>
    %reduce_max3A_259 = vector.multi_reduction <maximumf>, %select_n3A_257, %reduce_max3A_258 [0] : vector<1000x64xf32> to vector<64xf32>
    %broadcast_in_dim3A_260 = vector.shape_cast %reduce_max3A_259 : vector<64xf32> to vector<1x64xf32>
    %eq3A_261 = arith.constant 21 : i32
    %eq3A_262 = vector.broadcast %eq3A_261 : i32 to vector<1000x1xi32>
    %eq3A_263 = arith.cmpi eq, %broadcast_in_dim3A_32, %eq3A_262 : vector<1000x1xi32>
    %jit3A_264 = arith.constant 0xFF800000 : f32
    %broadcast_in_dim3A_265 = vector.shape_cast %eq3A_263 : vector<1000x1xi1> to vector<1000x1xi1>
    %broadcast_in_dim3A_266 = vector.broadcast %broadcast_in_dim3A_265 : vector<1000x1xi1> to vector<1000x64xi1>
    %broadcast_in_dim3A_267 = vector.broadcast %jit3A_264 : f32 to vector<1000x64xf32>
    %select_n3A_268 = arith.select %broadcast_in_dim3A_266, %concatenate3A, %broadcast_in_dim3A_267 : vector<1000x64xi1>, vector<1000x64xf32>
    %reduce_max3A_269 = arith.constant dense<0xFF800000> : vector<64xf32>
    %reduce_max3A_270 = vector.multi_reduction <maximumf>, %select_n3A_268, %reduce_max3A_269 [0] : vector<1000x64xf32> to vector<64xf32>
    %broadcast_in_dim3A_271 = vector.shape_cast %reduce_max3A_270 : vector<64xf32> to vector<1x64xf32>
    %eq3A_272 = arith.constant 22 : i32
    %eq3A_273 = vector.broadcast %eq3A_272 : i32 to vector<1000x1xi32>
    %eq3A_274 = arith.cmpi eq, %broadcast_in_dim3A_32, %eq3A_273 : vector<1000x1xi32>
    %jit3A_275 = arith.constant 0xFF800000 : f32
    %broadcast_in_dim3A_276 = vector.shape_cast %eq3A_274 : vector<1000x1xi1> to vector<1000x1xi1>
    %broadcast_in_dim3A_277 = vector.broadcast %broadcast_in_dim3A_276 : vector<1000x1xi1> to vector<1000x64xi1>
    %broadcast_in_dim3A_278 = vector.broadcast %jit3A_275 : f32 to vector<1000x64xf32>
    %select_n3A_279 = arith.select %broadcast_in_dim3A_277, %concatenate3A, %broadcast_in_dim3A_278 : vector<1000x64xi1>, vector<1000x64xf32>
    %reduce_max3A_280 = arith.constant dense<0xFF800000> : vector<64xf32>
    %reduce_max3A_281 = vector.multi_reduction <maximumf>, %select_n3A_279, %reduce_max3A_280 [0] : vector<1000x64xf32> to vector<64xf32>
    %broadcast_in_dim3A_282 = vector.shape_cast %reduce_max3A_281 : vector<64xf32> to vector<1x64xf32>
    %eq3A_283 = arith.constant 23 : i32
    %eq3A_284 = vector.broadcast %eq3A_283 : i32 to vector<1000x1xi32>
    %eq3A_285 = arith.cmpi eq, %broadcast_in_dim3A_32, %eq3A_284 : vector<1000x1xi32>
    %jit3A_286 = arith.constant 0xFF800000 : f32
    %broadcast_in_dim3A_287 = vector.shape_cast %eq3A_285 : vector<1000x1xi1> to vector<1000x1xi1>
    %broadcast_in_dim3A_288 = vector.broadcast %broadcast_in_dim3A_287 : vector<1000x1xi1> to vector<1000x64xi1>
    %broadcast_in_dim3A_289 = vector.broadcast %jit3A_286 : f32 to vector<1000x64xf32>
    %select_n3A_290 = arith.select %broadcast_in_dim3A_288, %concatenate3A, %broadcast_in_dim3A_289 : vector<1000x64xi1>, vector<1000x64xf32>
    %reduce_max3A_291 = arith.constant dense<0xFF800000> : vector<64xf32>
    %reduce_max3A_292 = vector.multi_reduction <maximumf>, %select_n3A_290, %reduce_max3A_291 [0] : vector<1000x64xf32> to vector<64xf32>
    %broadcast_in_dim3A_293 = vector.shape_cast %reduce_max3A_292 : vector<64xf32> to vector<1x64xf32>
    %eq3A_294 = arith.constant 24 : i32
    %eq3A_295 = vector.broadcast %eq3A_294 : i32 to vector<1000x1xi32>
    %eq3A_296 = arith.cmpi eq, %broadcast_in_dim3A_32, %eq3A_295 : vector<1000x1xi32>
    %jit3A_297 = arith.constant 0xFF800000 : f32
    %broadcast_in_dim3A_298 = vector.shape_cast %eq3A_296 : vector<1000x1xi1> to vector<1000x1xi1>
    %broadcast_in_dim3A_299 = vector.broadcast %broadcast_in_dim3A_298 : vector<1000x1xi1> to vector<1000x64xi1>
    %broadcast_in_dim3A_300 = vector.broadcast %jit3A_297 : f32 to vector<1000x64xf32>
    %select_n3A_301 = arith.select %broadcast_in_dim3A_299, %concatenate3A, %broadcast_in_dim3A_300 : vector<1000x64xi1>, vector<1000x64xf32>
    %reduce_max3A_302 = arith.constant dense<0xFF800000> : vector<64xf32>
    %reduce_max3A_303 = vector.multi_reduction <maximumf>, %select_n3A_301, %reduce_max3A_302 [0] : vector<1000x64xf32> to vector<64xf32>
    %broadcast_in_dim3A_304 = vector.shape_cast %reduce_max3A_303 : vector<64xf32> to vector<1x64xf32>
    %eq3A_305 = arith.constant 25 : i32
    %eq3A_306 = vector.broadcast %eq3A_305 : i32 to vector<1000x1xi32>
    %eq3A_307 = arith.cmpi eq, %broadcast_in_dim3A_32, %eq3A_306 : vector<1000x1xi32>
    %jit3A_308 = arith.constant 0xFF800000 : f32
    %broadcast_in_dim3A_309 = vector.shape_cast %eq3A_307 : vector<1000x1xi1> to vector<1000x1xi1>
    %broadcast_in_dim3A_310 = vector.broadcast %broadcast_in_dim3A_309 : vector<1000x1xi1> to vector<1000x64xi1>
    %broadcast_in_dim3A_311 = vector.broadcast %jit3A_308 : f32 to vector<1000x64xf32>
    %select_n3A_312 = arith.select %broadcast_in_dim3A_310, %concatenate3A, %broadcast_in_dim3A_311 : vector<1000x64xi1>, vector<1000x64xf32>
    %reduce_max3A_313 = arith.constant dense<0xFF800000> : vector<64xf32>
    %reduce_max3A_314 = vector.multi_reduction <maximumf>, %select_n3A_312, %reduce_max3A_313 [0] : vector<1000x64xf32> to vector<64xf32>
    %broadcast_in_dim3A_315 = vector.shape_cast %reduce_max3A_314 : vector<64xf32> to vector<1x64xf32>
    %eq3A_316 = arith.constant 26 : i32
    %eq3A_317 = vector.broadcast %eq3A_316 : i32 to vector<1000x1xi32>
    %eq3A_318 = arith.cmpi eq, %broadcast_in_dim3A_32, %eq3A_317 : vector<1000x1xi32>
    %jit3A_319 = arith.constant 0xFF800000 : f32
    %broadcast_in_dim3A_320 = vector.shape_cast %eq3A_318 : vector<1000x1xi1> to vector<1000x1xi1>
    %broadcast_in_dim3A_321 = vector.broadcast %broadcast_in_dim3A_320 : vector<1000x1xi1> to vector<1000x64xi1>
    %broadcast_in_dim3A_322 = vector.broadcast %jit3A_319 : f32 to vector<1000x64xf32>
    %select_n3A_323 = arith.select %broadcast_in_dim3A_321, %concatenate3A, %broadcast_in_dim3A_322 : vector<1000x64xi1>, vector<1000x64xf32>
    %reduce_max3A_324 = arith.constant dense<0xFF800000> : vector<64xf32>
    %reduce_max3A_325 = vector.multi_reduction <maximumf>, %select_n3A_323, %reduce_max3A_324 [0] : vector<1000x64xf32> to vector<64xf32>
    %broadcast_in_dim3A_326 = vector.shape_cast %reduce_max3A_325 : vector<64xf32> to vector<1x64xf32>
    %eq3A_327 = arith.constant 27 : i32
    %eq3A_328 = vector.broadcast %eq3A_327 : i32 to vector<1000x1xi32>
    %eq3A_329 = arith.cmpi eq, %broadcast_in_dim3A_32, %eq3A_328 : vector<1000x1xi32>
    %jit3A_330 = arith.constant 0xFF800000 : f32
    %broadcast_in_dim3A_331 = vector.shape_cast %eq3A_329 : vector<1000x1xi1> to vector<1000x1xi1>
    %broadcast_in_dim3A_332 = vector.broadcast %broadcast_in_dim3A_331 : vector<1000x1xi1> to vector<1000x64xi1>
    %broadcast_in_dim3A_333 = vector.broadcast %jit3A_330 : f32 to vector<1000x64xf32>
    %select_n3A_334 = arith.select %broadcast_in_dim3A_332, %concatenate3A, %broadcast_in_dim3A_333 : vector<1000x64xi1>, vector<1000x64xf32>
    %reduce_max3A_335 = arith.constant dense<0xFF800000> : vector<64xf32>
    %reduce_max3A_336 = vector.multi_reduction <maximumf>, %select_n3A_334, %reduce_max3A_335 [0] : vector<1000x64xf32> to vector<64xf32>
    %broadcast_in_dim3A_337 = vector.shape_cast %reduce_max3A_336 : vector<64xf32> to vector<1x64xf32>
    %eq3A_338 = arith.constant 28 : i32
    %eq3A_339 = vector.broadcast %eq3A_338 : i32 to vector<1000x1xi32>
    %eq3A_340 = arith.cmpi eq, %broadcast_in_dim3A_32, %eq3A_339 : vector<1000x1xi32>
    %jit3A_341 = arith.constant 0xFF800000 : f32
    %broadcast_in_dim3A_342 = vector.shape_cast %eq3A_340 : vector<1000x1xi1> to vector<1000x1xi1>
    %broadcast_in_dim3A_343 = vector.broadcast %broadcast_in_dim3A_342 : vector<1000x1xi1> to vector<1000x64xi1>
    %broadcast_in_dim3A_344 = vector.broadcast %jit3A_341 : f32 to vector<1000x64xf32>
    %select_n3A_345 = arith.select %broadcast_in_dim3A_343, %concatenate3A, %broadcast_in_dim3A_344 : vector<1000x64xi1>, vector<1000x64xf32>
    %reduce_max3A_346 = arith.constant dense<0xFF800000> : vector<64xf32>
    %reduce_max3A_347 = vector.multi_reduction <maximumf>, %select_n3A_345, %reduce_max3A_346 [0] : vector<1000x64xf32> to vector<64xf32>
    %broadcast_in_dim3A_348 = vector.shape_cast %reduce_max3A_347 : vector<64xf32> to vector<1x64xf32>
    %eq3A_349 = arith.constant 29 : i32
    %eq3A_350 = vector.broadcast %eq3A_349 : i32 to vector<1000x1xi32>
    %eq3A_351 = arith.cmpi eq, %broadcast_in_dim3A_32, %eq3A_350 : vector<1000x1xi32>
    %jit3A_352 = arith.constant 0xFF800000 : f32
    %broadcast_in_dim3A_353 = vector.shape_cast %eq3A_351 : vector<1000x1xi1> to vector<1000x1xi1>
    %broadcast_in_dim3A_354 = vector.broadcast %broadcast_in_dim3A_353 : vector<1000x1xi1> to vector<1000x64xi1>
    %broadcast_in_dim3A_355 = vector.broadcast %jit3A_352 : f32 to vector<1000x64xf32>
    %select_n3A_356 = arith.select %broadcast_in_dim3A_354, %concatenate3A, %broadcast_in_dim3A_355 : vector<1000x64xi1>, vector<1000x64xf32>
    %reduce_max3A_357 = arith.constant dense<0xFF800000> : vector<64xf32>
    %reduce_max3A_358 = vector.multi_reduction <maximumf>, %select_n3A_356, %reduce_max3A_357 [0] : vector<1000x64xf32> to vector<64xf32>
    %broadcast_in_dim3A_359 = vector.shape_cast %reduce_max3A_358 : vector<64xf32> to vector<1x64xf32>
    %eq3A_360 = arith.constant 30 : i32
    %eq3A_361 = vector.broadcast %eq3A_360 : i32 to vector<1000x1xi32>
    %eq3A_362 = arith.cmpi eq, %broadcast_in_dim3A_32, %eq3A_361 : vector<1000x1xi32>
    %jit3A_363 = arith.constant 0xFF800000 : f32
    %broadcast_in_dim3A_364 = vector.shape_cast %eq3A_362 : vector<1000x1xi1> to vector<1000x1xi1>
    %broadcast_in_dim3A_365 = vector.broadcast %broadcast_in_dim3A_364 : vector<1000x1xi1> to vector<1000x64xi1>
    %broadcast_in_dim3A_366 = vector.broadcast %jit3A_363 : f32 to vector<1000x64xf32>
    %select_n3A_367 = arith.select %broadcast_in_dim3A_365, %concatenate3A, %broadcast_in_dim3A_366 : vector<1000x64xi1>, vector<1000x64xf32>
    %reduce_max3A_368 = arith.constant dense<0xFF800000> : vector<64xf32>
    %reduce_max3A_369 = vector.multi_reduction <maximumf>, %select_n3A_367, %reduce_max3A_368 [0] : vector<1000x64xf32> to vector<64xf32>
    %broadcast_in_dim3A_370 = vector.shape_cast %reduce_max3A_369 : vector<64xf32> to vector<1x64xf32>
    %eq3A_371 = arith.constant 31 : i32
    %eq3A_372 = vector.broadcast %eq3A_371 : i32 to vector<1000x1xi32>
    %eq3A_373 = arith.cmpi eq, %broadcast_in_dim3A_32, %eq3A_372 : vector<1000x1xi32>
    %jit3A_374 = arith.constant 0xFF800000 : f32
    %broadcast_in_dim3A_375 = vector.shape_cast %eq3A_373 : vector<1000x1xi1> to vector<1000x1xi1>
    %broadcast_in_dim3A_376 = vector.broadcast %broadcast_in_dim3A_375 : vector<1000x1xi1> to vector<1000x64xi1>
    %broadcast_in_dim3A_377 = vector.broadcast %jit3A_374 : f32 to vector<1000x64xf32>
    %select_n3A_378 = arith.select %broadcast_in_dim3A_376, %concatenate3A, %broadcast_in_dim3A_377 : vector<1000x64xi1>, vector<1000x64xf32>
    %reduce_max3A_379 = arith.constant dense<0xFF800000> : vector<64xf32>
    %reduce_max3A_380 = vector.multi_reduction <maximumf>, %select_n3A_378, %reduce_max3A_379 [0] : vector<1000x64xf32> to vector<64xf32>
    %broadcast_in_dim3A_381 = vector.shape_cast %reduce_max3A_380 : vector<64xf32> to vector<1x64xf32>
    %eq3A_382 = arith.constant 32 : i32
    %eq3A_383 = vector.broadcast %eq3A_382 : i32 to vector<1000x1xi32>
    %eq3A_384 = arith.cmpi eq, %broadcast_in_dim3A_32, %eq3A_383 : vector<1000x1xi32>
    %jit3A_385 = arith.constant 0xFF800000 : f32
    %broadcast_in_dim3A_386 = vector.shape_cast %eq3A_384 : vector<1000x1xi1> to vector<1000x1xi1>
    %broadcast_in_dim3A_387 = vector.broadcast %broadcast_in_dim3A_386 : vector<1000x1xi1> to vector<1000x64xi1>
    %broadcast_in_dim3A_388 = vector.broadcast %jit3A_385 : f32 to vector<1000x64xf32>
    %select_n3A_389 = arith.select %broadcast_in_dim3A_387, %concatenate3A, %broadcast_in_dim3A_388 : vector<1000x64xi1>, vector<1000x64xf32>
    %reduce_max3A_390 = arith.constant dense<0xFF800000> : vector<64xf32>
    %reduce_max3A_391 = vector.multi_reduction <maximumf>, %select_n3A_389, %reduce_max3A_390 [0] : vector<1000x64xf32> to vector<64xf32>
    %broadcast_in_dim3A_392 = vector.shape_cast %reduce_max3A_391 : vector<64xf32> to vector<1x64xf32>
    %eq3A_393 = arith.constant 33 : i32
    %eq3A_394 = vector.broadcast %eq3A_393 : i32 to vector<1000x1xi32>
    %eq3A_395 = arith.cmpi eq, %broadcast_in_dim3A_32, %eq3A_394 : vector<1000x1xi32>
    %jit3A_396 = arith.constant 0xFF800000 : f32
    %broadcast_in_dim3A_397 = vector.shape_cast %eq3A_395 : vector<1000x1xi1> to vector<1000x1xi1>
    %broadcast_in_dim3A_398 = vector.broadcast %broadcast_in_dim3A_397 : vector<1000x1xi1> to vector<1000x64xi1>
    %broadcast_in_dim3A_399 = vector.broadcast %jit3A_396 : f32 to vector<1000x64xf32>
    %select_n3A_400 = arith.select %broadcast_in_dim3A_398, %concatenate3A, %broadcast_in_dim3A_399 : vector<1000x64xi1>, vector<1000x64xf32>
    %reduce_max3A_401 = arith.constant dense<0xFF800000> : vector<64xf32>
    %reduce_max3A_402 = vector.multi_reduction <maximumf>, %select_n3A_400, %reduce_max3A_401 [0] : vector<1000x64xf32> to vector<64xf32>
    %broadcast_in_dim3A_403 = vector.shape_cast %reduce_max3A_402 : vector<64xf32> to vector<1x64xf32>
    %eq3A_404 = arith.constant 34 : i32
    %eq3A_405 = vector.broadcast %eq3A_404 : i32 to vector<1000x1xi32>
    %eq3A_406 = arith.cmpi eq, %broadcast_in_dim3A_32, %eq3A_405 : vector<1000x1xi32>
    %jit3A_407 = arith.constant 0xFF800000 : f32
    %broadcast_in_dim3A_408 = vector.shape_cast %eq3A_406 : vector<1000x1xi1> to vector<1000x1xi1>
    %broadcast_in_dim3A_409 = vector.broadcast %broadcast_in_dim3A_408 : vector<1000x1xi1> to vector<1000x64xi1>
    %broadcast_in_dim3A_410 = vector.broadcast %jit3A_407 : f32 to vector<1000x64xf32>
    %select_n3A_411 = arith.select %broadcast_in_dim3A_409, %concatenate3A, %broadcast_in_dim3A_410 : vector<1000x64xi1>, vector<1000x64xf32>
    %reduce_max3A_412 = arith.constant dense<0xFF800000> : vector<64xf32>
    %reduce_max3A_413 = vector.multi_reduction <maximumf>, %select_n3A_411, %reduce_max3A_412 [0] : vector<1000x64xf32> to vector<64xf32>
    %broadcast_in_dim3A_414 = vector.shape_cast %reduce_max3A_413 : vector<64xf32> to vector<1x64xf32>
    %eq3A_415 = arith.constant 35 : i32
    %eq3A_416 = vector.broadcast %eq3A_415 : i32 to vector<1000x1xi32>
    %eq3A_417 = arith.cmpi eq, %broadcast_in_dim3A_32, %eq3A_416 : vector<1000x1xi32>
    %jit3A_418 = arith.constant 0xFF800000 : f32
    %broadcast_in_dim3A_419 = vector.shape_cast %eq3A_417 : vector<1000x1xi1> to vector<1000x1xi1>
    %broadcast_in_dim3A_420 = vector.broadcast %broadcast_in_dim3A_419 : vector<1000x1xi1> to vector<1000x64xi1>
    %broadcast_in_dim3A_421 = vector.broadcast %jit3A_418 : f32 to vector<1000x64xf32>
    %select_n3A_422 = arith.select %broadcast_in_dim3A_420, %concatenate3A, %broadcast_in_dim3A_421 : vector<1000x64xi1>, vector<1000x64xf32>
    %reduce_max3A_423 = arith.constant dense<0xFF800000> : vector<64xf32>
    %reduce_max3A_424 = vector.multi_reduction <maximumf>, %select_n3A_422, %reduce_max3A_423 [0] : vector<1000x64xf32> to vector<64xf32>
    %broadcast_in_dim3A_425 = vector.shape_cast %reduce_max3A_424 : vector<64xf32> to vector<1x64xf32>
    %eq3A_426 = arith.constant 36 : i32
    %eq3A_427 = vector.broadcast %eq3A_426 : i32 to vector<1000x1xi32>
    %eq3A_428 = arith.cmpi eq, %broadcast_in_dim3A_32, %eq3A_427 : vector<1000x1xi32>
    %jit3A_429 = arith.constant 0xFF800000 : f32
    %broadcast_in_dim3A_430 = vector.shape_cast %eq3A_428 : vector<1000x1xi1> to vector<1000x1xi1>
    %broadcast_in_dim3A_431 = vector.broadcast %broadcast_in_dim3A_430 : vector<1000x1xi1> to vector<1000x64xi1>
    %broadcast_in_dim3A_432 = vector.broadcast %jit3A_429 : f32 to vector<1000x64xf32>
    %select_n3A_433 = arith.select %broadcast_in_dim3A_431, %concatenate3A, %broadcast_in_dim3A_432 : vector<1000x64xi1>, vector<1000x64xf32>
    %reduce_max3A_434 = arith.constant dense<0xFF800000> : vector<64xf32>
    %reduce_max3A_435 = vector.multi_reduction <maximumf>, %select_n3A_433, %reduce_max3A_434 [0] : vector<1000x64xf32> to vector<64xf32>
    %broadcast_in_dim3A_436 = vector.shape_cast %reduce_max3A_435 : vector<64xf32> to vector<1x64xf32>
    %eq3A_437 = arith.constant 37 : i32
    %eq3A_438 = vector.broadcast %eq3A_437 : i32 to vector<1000x1xi32>
    %eq3A_439 = arith.cmpi eq, %broadcast_in_dim3A_32, %eq3A_438 : vector<1000x1xi32>
    %jit3A_440 = arith.constant 0xFF800000 : f32
    %broadcast_in_dim3A_441 = vector.shape_cast %eq3A_439 : vector<1000x1xi1> to vector<1000x1xi1>
    %broadcast_in_dim3A_442 = vector.broadcast %broadcast_in_dim3A_441 : vector<1000x1xi1> to vector<1000x64xi1>
    %broadcast_in_dim3A_443 = vector.broadcast %jit3A_440 : f32 to vector<1000x64xf32>
    %select_n3A_444 = arith.select %broadcast_in_dim3A_442, %concatenate3A, %broadcast_in_dim3A_443 : vector<1000x64xi1>, vector<1000x64xf32>
    %reduce_max3A_445 = arith.constant dense<0xFF800000> : vector<64xf32>
    %reduce_max3A_446 = vector.multi_reduction <maximumf>, %select_n3A_444, %reduce_max3A_445 [0] : vector<1000x64xf32> to vector<64xf32>
    %broadcast_in_dim3A_447 = vector.shape_cast %reduce_max3A_446 : vector<64xf32> to vector<1x64xf32>
    %eq3A_448 = arith.constant 38 : i32
    %eq3A_449 = vector.broadcast %eq3A_448 : i32 to vector<1000x1xi32>
    %eq3A_450 = arith.cmpi eq, %broadcast_in_dim3A_32, %eq3A_449 : vector<1000x1xi32>
    %jit3A_451 = arith.constant 0xFF800000 : f32
    %broadcast_in_dim3A_452 = vector.shape_cast %eq3A_450 : vector<1000x1xi1> to vector<1000x1xi1>
    %broadcast_in_dim3A_453 = vector.broadcast %broadcast_in_dim3A_452 : vector<1000x1xi1> to vector<1000x64xi1>
    %broadcast_in_dim3A_454 = vector.broadcast %jit3A_451 : f32 to vector<1000x64xf32>
    %select_n3A_455 = arith.select %broadcast_in_dim3A_453, %concatenate3A, %broadcast_in_dim3A_454 : vector<1000x64xi1>, vector<1000x64xf32>
    %reduce_max3A_456 = arith.constant dense<0xFF800000> : vector<64xf32>
    %reduce_max3A_457 = vector.multi_reduction <maximumf>, %select_n3A_455, %reduce_max3A_456 [0] : vector<1000x64xf32> to vector<64xf32>
    %broadcast_in_dim3A_458 = vector.shape_cast %reduce_max3A_457 : vector<64xf32> to vector<1x64xf32>
    %eq3A_459 = arith.constant 39 : i32
    %eq3A_460 = vector.broadcast %eq3A_459 : i32 to vector<1000x1xi32>
    %eq3A_461 = arith.cmpi eq, %broadcast_in_dim3A_32, %eq3A_460 : vector<1000x1xi32>
    %jit3A_462 = arith.constant 0xFF800000 : f32
    %broadcast_in_dim3A_463 = vector.shape_cast %eq3A_461 : vector<1000x1xi1> to vector<1000x1xi1>
    %broadcast_in_dim3A_464 = vector.broadcast %broadcast_in_dim3A_463 : vector<1000x1xi1> to vector<1000x64xi1>
    %broadcast_in_dim3A_465 = vector.broadcast %jit3A_462 : f32 to vector<1000x64xf32>
    %select_n3A_466 = arith.select %broadcast_in_dim3A_464, %concatenate3A, %broadcast_in_dim3A_465 : vector<1000x64xi1>, vector<1000x64xf32>
    %reduce_max3A_467 = arith.constant dense<0xFF800000> : vector<64xf32>
    %reduce_max3A_468 = vector.multi_reduction <maximumf>, %select_n3A_466, %reduce_max3A_467 [0] : vector<1000x64xf32> to vector<64xf32>
    %broadcast_in_dim3A_469 = vector.shape_cast %reduce_max3A_468 : vector<64xf32> to vector<1x64xf32>
    %eq3A_470 = arith.constant 40 : i32
    %eq3A_471 = vector.broadcast %eq3A_470 : i32 to vector<1000x1xi32>
    %eq3A_472 = arith.cmpi eq, %broadcast_in_dim3A_32, %eq3A_471 : vector<1000x1xi32>
    %jit3A_473 = arith.constant 0xFF800000 : f32
    %broadcast_in_dim3A_474 = vector.shape_cast %eq3A_472 : vector<1000x1xi1> to vector<1000x1xi1>
    %broadcast_in_dim3A_475 = vector.broadcast %broadcast_in_dim3A_474 : vector<1000x1xi1> to vector<1000x64xi1>
    %broadcast_in_dim3A_476 = vector.broadcast %jit3A_473 : f32 to vector<1000x64xf32>
    %select_n3A_477 = arith.select %broadcast_in_dim3A_475, %concatenate3A, %broadcast_in_dim3A_476 : vector<1000x64xi1>, vector<1000x64xf32>
    %reduce_max3A_478 = arith.constant dense<0xFF800000> : vector<64xf32>
    %reduce_max3A_479 = vector.multi_reduction <maximumf>, %select_n3A_477, %reduce_max3A_478 [0] : vector<1000x64xf32> to vector<64xf32>
    %broadcast_in_dim3A_480 = vector.shape_cast %reduce_max3A_479 : vector<64xf32> to vector<1x64xf32>
    %eq3A_481 = arith.constant 41 : i32
    %eq3A_482 = vector.broadcast %eq3A_481 : i32 to vector<1000x1xi32>
    %eq3A_483 = arith.cmpi eq, %broadcast_in_dim3A_32, %eq3A_482 : vector<1000x1xi32>
    %jit3A_484 = arith.constant 0xFF800000 : f32
    %broadcast_in_dim3A_485 = vector.shape_cast %eq3A_483 : vector<1000x1xi1> to vector<1000x1xi1>
    %broadcast_in_dim3A_486 = vector.broadcast %broadcast_in_dim3A_485 : vector<1000x1xi1> to vector<1000x64xi1>
    %broadcast_in_dim3A_487 = vector.broadcast %jit3A_484 : f32 to vector<1000x64xf32>
    %select_n3A_488 = arith.select %broadcast_in_dim3A_486, %concatenate3A, %broadcast_in_dim3A_487 : vector<1000x64xi1>, vector<1000x64xf32>
    %reduce_max3A_489 = arith.constant dense<0xFF800000> : vector<64xf32>
    %reduce_max3A_490 = vector.multi_reduction <maximumf>, %select_n3A_488, %reduce_max3A_489 [0] : vector<1000x64xf32> to vector<64xf32>
    %broadcast_in_dim3A_491 = vector.shape_cast %reduce_max3A_490 : vector<64xf32> to vector<1x64xf32>
    %eq3A_492 = arith.constant 42 : i32
    %eq3A_493 = vector.broadcast %eq3A_492 : i32 to vector<1000x1xi32>
    %eq3A_494 = arith.cmpi eq, %broadcast_in_dim3A_32, %eq3A_493 : vector<1000x1xi32>
    %jit3A_495 = arith.constant 0xFF800000 : f32
    %broadcast_in_dim3A_496 = vector.shape_cast %eq3A_494 : vector<1000x1xi1> to vector<1000x1xi1>
    %broadcast_in_dim3A_497 = vector.broadcast %broadcast_in_dim3A_496 : vector<1000x1xi1> to vector<1000x64xi1>
    %broadcast_in_dim3A_498 = vector.broadcast %jit3A_495 : f32 to vector<1000x64xf32>
    %select_n3A_499 = arith.select %broadcast_in_dim3A_497, %concatenate3A, %broadcast_in_dim3A_498 : vector<1000x64xi1>, vector<1000x64xf32>
    %reduce_max3A_500 = arith.constant dense<0xFF800000> : vector<64xf32>
    %reduce_max3A_501 = vector.multi_reduction <maximumf>, %select_n3A_499, %reduce_max3A_500 [0] : vector<1000x64xf32> to vector<64xf32>
    %broadcast_in_dim3A_502 = vector.shape_cast %reduce_max3A_501 : vector<64xf32> to vector<1x64xf32>
    %eq3A_503 = arith.constant 43 : i32
    %eq3A_504 = vector.broadcast %eq3A_503 : i32 to vector<1000x1xi32>
    %eq3A_505 = arith.cmpi eq, %broadcast_in_dim3A_32, %eq3A_504 : vector<1000x1xi32>
    %jit3A_506 = arith.constant 0xFF800000 : f32
    %broadcast_in_dim3A_507 = vector.shape_cast %eq3A_505 : vector<1000x1xi1> to vector<1000x1xi1>
    %broadcast_in_dim3A_508 = vector.broadcast %broadcast_in_dim3A_507 : vector<1000x1xi1> to vector<1000x64xi1>
    %broadcast_in_dim3A_509 = vector.broadcast %jit3A_506 : f32 to vector<1000x64xf32>
    %select_n3A_510 = arith.select %broadcast_in_dim3A_508, %concatenate3A, %broadcast_in_dim3A_509 : vector<1000x64xi1>, vector<1000x64xf32>
    %reduce_max3A_511 = arith.constant dense<0xFF800000> : vector<64xf32>
    %reduce_max3A_512 = vector.multi_reduction <maximumf>, %select_n3A_510, %reduce_max3A_511 [0] : vector<1000x64xf32> to vector<64xf32>
    %broadcast_in_dim3A_513 = vector.shape_cast %reduce_max3A_512 : vector<64xf32> to vector<1x64xf32>
    %eq3A_514 = arith.constant 44 : i32
    %eq3A_515 = vector.broadcast %eq3A_514 : i32 to vector<1000x1xi32>
    %eq3A_516 = arith.cmpi eq, %broadcast_in_dim3A_32, %eq3A_515 : vector<1000x1xi32>
    %jit3A_517 = arith.constant 0xFF800000 : f32
    %broadcast_in_dim3A_518 = vector.shape_cast %eq3A_516 : vector<1000x1xi1> to vector<1000x1xi1>
    %broadcast_in_dim3A_519 = vector.broadcast %broadcast_in_dim3A_518 : vector<1000x1xi1> to vector<1000x64xi1>
    %broadcast_in_dim3A_520 = vector.broadcast %jit3A_517 : f32 to vector<1000x64xf32>
    %select_n3A_521 = arith.select %broadcast_in_dim3A_519, %concatenate3A, %broadcast_in_dim3A_520 : vector<1000x64xi1>, vector<1000x64xf32>
    %reduce_max3A_522 = arith.constant dense<0xFF800000> : vector<64xf32>
    %reduce_max3A_523 = vector.multi_reduction <maximumf>, %select_n3A_521, %reduce_max3A_522 [0] : vector<1000x64xf32> to vector<64xf32>
    %broadcast_in_dim3A_524 = vector.shape_cast %reduce_max3A_523 : vector<64xf32> to vector<1x64xf32>
    %eq3A_525 = arith.constant 45 : i32
    %eq3A_526 = vector.broadcast %eq3A_525 : i32 to vector<1000x1xi32>
    %eq3A_527 = arith.cmpi eq, %broadcast_in_dim3A_32, %eq3A_526 : vector<1000x1xi32>
    %jit3A_528 = arith.constant 0xFF800000 : f32
    %broadcast_in_dim3A_529 = vector.shape_cast %eq3A_527 : vector<1000x1xi1> to vector<1000x1xi1>
    %broadcast_in_dim3A_530 = vector.broadcast %broadcast_in_dim3A_529 : vector<1000x1xi1> to vector<1000x64xi1>
    %broadcast_in_dim3A_531 = vector.broadcast %jit3A_528 : f32 to vector<1000x64xf32>
    %select_n3A_532 = arith.select %broadcast_in_dim3A_530, %concatenate3A, %broadcast_in_dim3A_531 : vector<1000x64xi1>, vector<1000x64xf32>
    %reduce_max3A_533 = arith.constant dense<0xFF800000> : vector<64xf32>
    %reduce_max3A_534 = vector.multi_reduction <maximumf>, %select_n3A_532, %reduce_max3A_533 [0] : vector<1000x64xf32> to vector<64xf32>
    %broadcast_in_dim3A_535 = vector.shape_cast %reduce_max3A_534 : vector<64xf32> to vector<1x64xf32>
    %eq3A_536 = arith.constant 46 : i32
    %eq3A_537 = vector.broadcast %eq3A_536 : i32 to vector<1000x1xi32>
    %eq3A_538 = arith.cmpi eq, %broadcast_in_dim3A_32, %eq3A_537 : vector<1000x1xi32>
    %jit3A_539 = arith.constant 0xFF800000 : f32
    %broadcast_in_dim3A_540 = vector.shape_cast %eq3A_538 : vector<1000x1xi1> to vector<1000x1xi1>
    %broadcast_in_dim3A_541 = vector.broadcast %broadcast_in_dim3A_540 : vector<1000x1xi1> to vector<1000x64xi1>
    %broadcast_in_dim3A_542 = vector.broadcast %jit3A_539 : f32 to vector<1000x64xf32>
    %select_n3A_543 = arith.select %broadcast_in_dim3A_541, %concatenate3A, %broadcast_in_dim3A_542 : vector<1000x64xi1>, vector<1000x64xf32>
    %reduce_max3A_544 = arith.constant dense<0xFF800000> : vector<64xf32>
    %reduce_max3A_545 = vector.multi_reduction <maximumf>, %select_n3A_543, %reduce_max3A_544 [0] : vector<1000x64xf32> to vector<64xf32>
    %broadcast_in_dim3A_546 = vector.shape_cast %reduce_max3A_545 : vector<64xf32> to vector<1x64xf32>
    %eq3A_547 = arith.constant 47 : i32
    %eq3A_548 = vector.broadcast %eq3A_547 : i32 to vector<1000x1xi32>
    %eq3A_549 = arith.cmpi eq, %broadcast_in_dim3A_32, %eq3A_548 : vector<1000x1xi32>
    %jit3A_550 = arith.constant 0xFF800000 : f32
    %broadcast_in_dim3A_551 = vector.shape_cast %eq3A_549 : vector<1000x1xi1> to vector<1000x1xi1>
    %broadcast_in_dim3A_552 = vector.broadcast %broadcast_in_dim3A_551 : vector<1000x1xi1> to vector<1000x64xi1>
    %broadcast_in_dim3A_553 = vector.broadcast %jit3A_550 : f32 to vector<1000x64xf32>
    %select_n3A_554 = arith.select %broadcast_in_dim3A_552, %concatenate3A, %broadcast_in_dim3A_553 : vector<1000x64xi1>, vector<1000x64xf32>
    %reduce_max3A_555 = arith.constant dense<0xFF800000> : vector<64xf32>
    %reduce_max3A_556 = vector.multi_reduction <maximumf>, %select_n3A_554, %reduce_max3A_555 [0] : vector<1000x64xf32> to vector<64xf32>
    %broadcast_in_dim3A_557 = vector.shape_cast %reduce_max3A_556 : vector<64xf32> to vector<1x64xf32>
    %eq3A_558 = arith.constant 48 : i32
    %eq3A_559 = vector.broadcast %eq3A_558 : i32 to vector<1000x1xi32>
    %eq3A_560 = arith.cmpi eq, %broadcast_in_dim3A_32, %eq3A_559 : vector<1000x1xi32>
    %jit3A_561 = arith.constant 0xFF800000 : f32
    %broadcast_in_dim3A_562 = vector.shape_cast %eq3A_560 : vector<1000x1xi1> to vector<1000x1xi1>
    %broadcast_in_dim3A_563 = vector.broadcast %broadcast_in_dim3A_562 : vector<1000x1xi1> to vector<1000x64xi1>
    %broadcast_in_dim3A_564 = vector.broadcast %jit3A_561 : f32 to vector<1000x64xf32>
    %select_n3A_565 = arith.select %broadcast_in_dim3A_563, %concatenate3A, %broadcast_in_dim3A_564 : vector<1000x64xi1>, vector<1000x64xf32>
    %reduce_max3A_566 = arith.constant dense<0xFF800000> : vector<64xf32>
    %reduce_max3A_567 = vector.multi_reduction <maximumf>, %select_n3A_565, %reduce_max3A_566 [0] : vector<1000x64xf32> to vector<64xf32>
    %broadcast_in_dim3A_568 = vector.shape_cast %reduce_max3A_567 : vector<64xf32> to vector<1x64xf32>
    %eq3A_569 = arith.constant 49 : i32
    %eq3A_570 = vector.broadcast %eq3A_569 : i32 to vector<1000x1xi32>
    %eq3A_571 = arith.cmpi eq, %broadcast_in_dim3A_32, %eq3A_570 : vector<1000x1xi32>
    %jit3A_572 = arith.constant 0xFF800000 : f32
    %broadcast_in_dim3A_573 = vector.shape_cast %eq3A_571 : vector<1000x1xi1> to vector<1000x1xi1>
    %broadcast_in_dim3A_574 = vector.broadcast %broadcast_in_dim3A_573 : vector<1000x1xi1> to vector<1000x64xi1>
    %broadcast_in_dim3A_575 = vector.broadcast %jit3A_572 : f32 to vector<1000x64xf32>
    %select_n3A_576 = arith.select %broadcast_in_dim3A_574, %concatenate3A, %broadcast_in_dim3A_575 : vector<1000x64xi1>, vector<1000x64xf32>
    %reduce_max3A_577 = arith.constant dense<0xFF800000> : vector<64xf32>
    %reduce_max3A_578 = vector.multi_reduction <maximumf>, %select_n3A_576, %reduce_max3A_577 [0] : vector<1000x64xf32> to vector<64xf32>
    %broadcast_in_dim3A_579 = vector.shape_cast %reduce_max3A_578 : vector<64xf32> to vector<1x64xf32>
    %eq3A_580 = arith.constant 50 : i32
    %eq3A_581 = vector.broadcast %eq3A_580 : i32 to vector<1000x1xi32>
    %eq3A_582 = arith.cmpi eq, %broadcast_in_dim3A_32, %eq3A_581 : vector<1000x1xi32>
    %jit3A_583 = arith.constant 0xFF800000 : f32
    %broadcast_in_dim3A_584 = vector.shape_cast %eq3A_582 : vector<1000x1xi1> to vector<1000x1xi1>
    %broadcast_in_dim3A_585 = vector.broadcast %broadcast_in_dim3A_584 : vector<1000x1xi1> to vector<1000x64xi1>
    %broadcast_in_dim3A_586 = vector.broadcast %jit3A_583 : f32 to vector<1000x64xf32>
    %select_n3A_587 = arith.select %broadcast_in_dim3A_585, %concatenate3A, %broadcast_in_dim3A_586 : vector<1000x64xi1>, vector<1000x64xf32>
    %reduce_max3A_588 = arith.constant dense<0xFF800000> : vector<64xf32>
    %reduce_max3A_589 = vector.multi_reduction <maximumf>, %select_n3A_587, %reduce_max3A_588 [0] : vector<1000x64xf32> to vector<64xf32>
    %broadcast_in_dim3A_590 = vector.shape_cast %reduce_max3A_589 : vector<64xf32> to vector<1x64xf32>
    %eq3A_591 = arith.constant 51 : i32
    %eq3A_592 = vector.broadcast %eq3A_591 : i32 to vector<1000x1xi32>
    %eq3A_593 = arith.cmpi eq, %broadcast_in_dim3A_32, %eq3A_592 : vector<1000x1xi32>
    %jit3A_594 = arith.constant 0xFF800000 : f32
    %broadcast_in_dim3A_595 = vector.shape_cast %eq3A_593 : vector<1000x1xi1> to vector<1000x1xi1>
    %broadcast_in_dim3A_596 = vector.broadcast %broadcast_in_dim3A_595 : vector<1000x1xi1> to vector<1000x64xi1>
    %broadcast_in_dim3A_597 = vector.broadcast %jit3A_594 : f32 to vector<1000x64xf32>
    %select_n3A_598 = arith.select %broadcast_in_dim3A_596, %concatenate3A, %broadcast_in_dim3A_597 : vector<1000x64xi1>, vector<1000x64xf32>
    %reduce_max3A_599 = arith.constant dense<0xFF800000> : vector<64xf32>
    %reduce_max3A_600 = vector.multi_reduction <maximumf>, %select_n3A_598, %reduce_max3A_599 [0] : vector<1000x64xf32> to vector<64xf32>
    %broadcast_in_dim3A_601 = vector.shape_cast %reduce_max3A_600 : vector<64xf32> to vector<1x64xf32>
    %eq3A_602 = arith.constant 52 : i32
    %eq3A_603 = vector.broadcast %eq3A_602 : i32 to vector<1000x1xi32>
    %eq3A_604 = arith.cmpi eq, %broadcast_in_dim3A_32, %eq3A_603 : vector<1000x1xi32>
    %jit3A_605 = arith.constant 0xFF800000 : f32
    %broadcast_in_dim3A_606 = vector.shape_cast %eq3A_604 : vector<1000x1xi1> to vector<1000x1xi1>
    %broadcast_in_dim3A_607 = vector.broadcast %broadcast_in_dim3A_606 : vector<1000x1xi1> to vector<1000x64xi1>
    %broadcast_in_dim3A_608 = vector.broadcast %jit3A_605 : f32 to vector<1000x64xf32>
    %select_n3A_609 = arith.select %broadcast_in_dim3A_607, %concatenate3A, %broadcast_in_dim3A_608 : vector<1000x64xi1>, vector<1000x64xf32>
    %reduce_max3A_610 = arith.constant dense<0xFF800000> : vector<64xf32>
    %reduce_max3A_611 = vector.multi_reduction <maximumf>, %select_n3A_609, %reduce_max3A_610 [0] : vector<1000x64xf32> to vector<64xf32>
    %broadcast_in_dim3A_612 = vector.shape_cast %reduce_max3A_611 : vector<64xf32> to vector<1x64xf32>
    %eq3A_613 = arith.constant 53 : i32
    %eq3A_614 = vector.broadcast %eq3A_613 : i32 to vector<1000x1xi32>
    %eq3A_615 = arith.cmpi eq, %broadcast_in_dim3A_32, %eq3A_614 : vector<1000x1xi32>
    %jit3A_616 = arith.constant 0xFF800000 : f32
    %broadcast_in_dim3A_617 = vector.shape_cast %eq3A_615 : vector<1000x1xi1> to vector<1000x1xi1>
    %broadcast_in_dim3A_618 = vector.broadcast %broadcast_in_dim3A_617 : vector<1000x1xi1> to vector<1000x64xi1>
    %broadcast_in_dim3A_619 = vector.broadcast %jit3A_616 : f32 to vector<1000x64xf32>
    %select_n3A_620 = arith.select %broadcast_in_dim3A_618, %concatenate3A, %broadcast_in_dim3A_619 : vector<1000x64xi1>, vector<1000x64xf32>
    %reduce_max3A_621 = arith.constant dense<0xFF800000> : vector<64xf32>
    %reduce_max3A_622 = vector.multi_reduction <maximumf>, %select_n3A_620, %reduce_max3A_621 [0] : vector<1000x64xf32> to vector<64xf32>
    %broadcast_in_dim3A_623 = vector.shape_cast %reduce_max3A_622 : vector<64xf32> to vector<1x64xf32>
    %eq3A_624 = arith.constant 54 : i32
    %eq3A_625 = vector.broadcast %eq3A_624 : i32 to vector<1000x1xi32>
    %eq3A_626 = arith.cmpi eq, %broadcast_in_dim3A_32, %eq3A_625 : vector<1000x1xi32>
    %jit3A_627 = arith.constant 0xFF800000 : f32
    %broadcast_in_dim3A_628 = vector.shape_cast %eq3A_626 : vector<1000x1xi1> to vector<1000x1xi1>
    %broadcast_in_dim3A_629 = vector.broadcast %broadcast_in_dim3A_628 : vector<1000x1xi1> to vector<1000x64xi1>
    %broadcast_in_dim3A_630 = vector.broadcast %jit3A_627 : f32 to vector<1000x64xf32>
    %select_n3A_631 = arith.select %broadcast_in_dim3A_629, %concatenate3A, %broadcast_in_dim3A_630 : vector<1000x64xi1>, vector<1000x64xf32>
    %reduce_max3A_632 = arith.constant dense<0xFF800000> : vector<64xf32>
    %reduce_max3A_633 = vector.multi_reduction <maximumf>, %select_n3A_631, %reduce_max3A_632 [0] : vector<1000x64xf32> to vector<64xf32>
    %broadcast_in_dim3A_634 = vector.shape_cast %reduce_max3A_633 : vector<64xf32> to vector<1x64xf32>
    %eq3A_635 = arith.constant 55 : i32
    %eq3A_636 = vector.broadcast %eq3A_635 : i32 to vector<1000x1xi32>
    %eq3A_637 = arith.cmpi eq, %broadcast_in_dim3A_32, %eq3A_636 : vector<1000x1xi32>
    %jit3A_638 = arith.constant 0xFF800000 : f32
    %broadcast_in_dim3A_639 = vector.shape_cast %eq3A_637 : vector<1000x1xi1> to vector<1000x1xi1>
    %broadcast_in_dim3A_640 = vector.broadcast %broadcast_in_dim3A_639 : vector<1000x1xi1> to vector<1000x64xi1>
    %broadcast_in_dim3A_641 = vector.broadcast %jit3A_638 : f32 to vector<1000x64xf32>
    %select_n3A_642 = arith.select %broadcast_in_dim3A_640, %concatenate3A, %broadcast_in_dim3A_641 : vector<1000x64xi1>, vector<1000x64xf32>
    %reduce_max3A_643 = arith.constant dense<0xFF800000> : vector<64xf32>
    %reduce_max3A_644 = vector.multi_reduction <maximumf>, %select_n3A_642, %reduce_max3A_643 [0] : vector<1000x64xf32> to vector<64xf32>
    %broadcast_in_dim3A_645 = vector.shape_cast %reduce_max3A_644 : vector<64xf32> to vector<1x64xf32>
    %eq3A_646 = arith.constant 56 : i32
    %eq3A_647 = vector.broadcast %eq3A_646 : i32 to vector<1000x1xi32>
    %eq3A_648 = arith.cmpi eq, %broadcast_in_dim3A_32, %eq3A_647 : vector<1000x1xi32>
    %jit3A_649 = arith.constant 0xFF800000 : f32
    %broadcast_in_dim3A_650 = vector.shape_cast %eq3A_648 : vector<1000x1xi1> to vector<1000x1xi1>
    %broadcast_in_dim3A_651 = vector.broadcast %broadcast_in_dim3A_650 : vector<1000x1xi1> to vector<1000x64xi1>
    %broadcast_in_dim3A_652 = vector.broadcast %jit3A_649 : f32 to vector<1000x64xf32>
    %select_n3A_653 = arith.select %broadcast_in_dim3A_651, %concatenate3A, %broadcast_in_dim3A_652 : vector<1000x64xi1>, vector<1000x64xf32>
    %reduce_max3A_654 = arith.constant dense<0xFF800000> : vector<64xf32>
    %reduce_max3A_655 = vector.multi_reduction <maximumf>, %select_n3A_653, %reduce_max3A_654 [0] : vector<1000x64xf32> to vector<64xf32>
    %broadcast_in_dim3A_656 = vector.shape_cast %reduce_max3A_655 : vector<64xf32> to vector<1x64xf32>
    %eq3A_657 = arith.constant 57 : i32
    %eq3A_658 = vector.broadcast %eq3A_657 : i32 to vector<1000x1xi32>
    %eq3A_659 = arith.cmpi eq, %broadcast_in_dim3A_32, %eq3A_658 : vector<1000x1xi32>
    %jit3A_660 = arith.constant 0xFF800000 : f32
    %broadcast_in_dim3A_661 = vector.shape_cast %eq3A_659 : vector<1000x1xi1> to vector<1000x1xi1>
    %broadcast_in_dim3A_662 = vector.broadcast %broadcast_in_dim3A_661 : vector<1000x1xi1> to vector<1000x64xi1>
    %broadcast_in_dim3A_663 = vector.broadcast %jit3A_660 : f32 to vector<1000x64xf32>
    %select_n3A_664 = arith.select %broadcast_in_dim3A_662, %concatenate3A, %broadcast_in_dim3A_663 : vector<1000x64xi1>, vector<1000x64xf32>
    %reduce_max3A_665 = arith.constant dense<0xFF800000> : vector<64xf32>
    %reduce_max3A_666 = vector.multi_reduction <maximumf>, %select_n3A_664, %reduce_max3A_665 [0] : vector<1000x64xf32> to vector<64xf32>
    %broadcast_in_dim3A_667 = vector.shape_cast %reduce_max3A_666 : vector<64xf32> to vector<1x64xf32>
    %eq3A_668 = arith.constant 58 : i32
    %eq3A_669 = vector.broadcast %eq3A_668 : i32 to vector<1000x1xi32>
    %eq3A_670 = arith.cmpi eq, %broadcast_in_dim3A_32, %eq3A_669 : vector<1000x1xi32>
    %jit3A_671 = arith.constant 0xFF800000 : f32
    %broadcast_in_dim3A_672 = vector.shape_cast %eq3A_670 : vector<1000x1xi1> to vector<1000x1xi1>
    %broadcast_in_dim3A_673 = vector.broadcast %broadcast_in_dim3A_672 : vector<1000x1xi1> to vector<1000x64xi1>
    %broadcast_in_dim3A_674 = vector.broadcast %jit3A_671 : f32 to vector<1000x64xf32>
    %select_n3A_675 = arith.select %broadcast_in_dim3A_673, %concatenate3A, %broadcast_in_dim3A_674 : vector<1000x64xi1>, vector<1000x64xf32>
    %reduce_max3A_676 = arith.constant dense<0xFF800000> : vector<64xf32>
    %reduce_max3A_677 = vector.multi_reduction <maximumf>, %select_n3A_675, %reduce_max3A_676 [0] : vector<1000x64xf32> to vector<64xf32>
    %broadcast_in_dim3A_678 = vector.shape_cast %reduce_max3A_677 : vector<64xf32> to vector<1x64xf32>
    %eq3A_679 = arith.constant 59 : i32
    %eq3A_680 = vector.broadcast %eq3A_679 : i32 to vector<1000x1xi32>
    %eq3A_681 = arith.cmpi eq, %broadcast_in_dim3A_32, %eq3A_680 : vector<1000x1xi32>
    %jit3A_682 = arith.constant 0xFF800000 : f32
    %broadcast_in_dim3A_683 = vector.shape_cast %eq3A_681 : vector<1000x1xi1> to vector<1000x1xi1>
    %broadcast_in_dim3A_684 = vector.broadcast %broadcast_in_dim3A_683 : vector<1000x1xi1> to vector<1000x64xi1>
    %broadcast_in_dim3A_685 = vector.broadcast %jit3A_682 : f32 to vector<1000x64xf32>
    %select_n3A_686 = arith.select %broadcast_in_dim3A_684, %concatenate3A, %broadcast_in_dim3A_685 : vector<1000x64xi1>, vector<1000x64xf32>
    %reduce_max3A_687 = arith.constant dense<0xFF800000> : vector<64xf32>
    %reduce_max3A_688 = vector.multi_reduction <maximumf>, %select_n3A_686, %reduce_max3A_687 [0] : vector<1000x64xf32> to vector<64xf32>
    %broadcast_in_dim3A_689 = vector.shape_cast %reduce_max3A_688 : vector<64xf32> to vector<1x64xf32>
    %eq3A_690 = arith.constant 60 : i32
    %eq3A_691 = vector.broadcast %eq3A_690 : i32 to vector<1000x1xi32>
    %eq3A_692 = arith.cmpi eq, %broadcast_in_dim3A_32, %eq3A_691 : vector<1000x1xi32>
    %jit3A_693 = arith.constant 0xFF800000 : f32
    %broadcast_in_dim3A_694 = vector.shape_cast %eq3A_692 : vector<1000x1xi1> to vector<1000x1xi1>
    %broadcast_in_dim3A_695 = vector.broadcast %broadcast_in_dim3A_694 : vector<1000x1xi1> to vector<1000x64xi1>
    %broadcast_in_dim3A_696 = vector.broadcast %jit3A_693 : f32 to vector<1000x64xf32>
    %select_n3A_697 = arith.select %broadcast_in_dim3A_695, %concatenate3A, %broadcast_in_dim3A_696 : vector<1000x64xi1>, vector<1000x64xf32>
    %reduce_max3A_698 = arith.constant dense<0xFF800000> : vector<64xf32>
    %reduce_max3A_699 = vector.multi_reduction <maximumf>, %select_n3A_697, %reduce_max3A_698 [0] : vector<1000x64xf32> to vector<64xf32>
    %broadcast_in_dim3A_700 = vector.shape_cast %reduce_max3A_699 : vector<64xf32> to vector<1x64xf32>
    %eq3A_701 = arith.constant 61 : i32
    %eq3A_702 = vector.broadcast %eq3A_701 : i32 to vector<1000x1xi32>
    %eq3A_703 = arith.cmpi eq, %broadcast_in_dim3A_32, %eq3A_702 : vector<1000x1xi32>
    %jit3A_704 = arith.constant 0xFF800000 : f32
    %broadcast_in_dim3A_705 = vector.shape_cast %eq3A_703 : vector<1000x1xi1> to vector<1000x1xi1>
    %broadcast_in_dim3A_706 = vector.broadcast %broadcast_in_dim3A_705 : vector<1000x1xi1> to vector<1000x64xi1>
    %broadcast_in_dim3A_707 = vector.broadcast %jit3A_704 : f32 to vector<1000x64xf32>
    %select_n3A_708 = arith.select %broadcast_in_dim3A_706, %concatenate3A, %broadcast_in_dim3A_707 : vector<1000x64xi1>, vector<1000x64xf32>
    %reduce_max3A_709 = arith.constant dense<0xFF800000> : vector<64xf32>
    %reduce_max3A_710 = vector.multi_reduction <maximumf>, %select_n3A_708, %reduce_max3A_709 [0] : vector<1000x64xf32> to vector<64xf32>
    %broadcast_in_dim3A_711 = vector.shape_cast %reduce_max3A_710 : vector<64xf32> to vector<1x64xf32>
    %eq3A_712 = arith.constant 62 : i32
    %eq3A_713 = vector.broadcast %eq3A_712 : i32 to vector<1000x1xi32>
    %eq3A_714 = arith.cmpi eq, %broadcast_in_dim3A_32, %eq3A_713 : vector<1000x1xi32>
    %jit3A_715 = arith.constant 0xFF800000 : f32
    %broadcast_in_dim3A_716 = vector.shape_cast %eq3A_714 : vector<1000x1xi1> to vector<1000x1xi1>
    %broadcast_in_dim3A_717 = vector.broadcast %broadcast_in_dim3A_716 : vector<1000x1xi1> to vector<1000x64xi1>
    %broadcast_in_dim3A_718 = vector.broadcast %jit3A_715 : f32 to vector<1000x64xf32>
    %select_n3A_719 = arith.select %broadcast_in_dim3A_717, %concatenate3A, %broadcast_in_dim3A_718 : vector<1000x64xi1>, vector<1000x64xf32>
    %reduce_max3A_720 = arith.constant dense<0xFF800000> : vector<64xf32>
    %reduce_max3A_721 = vector.multi_reduction <maximumf>, %select_n3A_719, %reduce_max3A_720 [0] : vector<1000x64xf32> to vector<64xf32>
    %broadcast_in_dim3A_722 = vector.shape_cast %reduce_max3A_721 : vector<64xf32> to vector<1x64xf32>
    %eq3A_723 = arith.constant 63 : i32
    %eq3A_724 = vector.broadcast %eq3A_723 : i32 to vector<1000x1xi32>
    %eq3A_725 = arith.cmpi eq, %broadcast_in_dim3A_32, %eq3A_724 : vector<1000x1xi32>
    %jit3A_726 = arith.constant 0xFF800000 : f32
    %broadcast_in_dim3A_727 = vector.shape_cast %eq3A_725 : vector<1000x1xi1> to vector<1000x1xi1>
    %broadcast_in_dim3A_728 = vector.broadcast %broadcast_in_dim3A_727 : vector<1000x1xi1> to vector<1000x64xi1>
    %broadcast_in_dim3A_729 = vector.broadcast %jit3A_726 : f32 to vector<1000x64xf32>
    %select_n3A_730 = arith.select %broadcast_in_dim3A_728, %concatenate3A, %broadcast_in_dim3A_729 : vector<1000x64xi1>, vector<1000x64xf32>
    %reduce_max3A_731 = arith.constant dense<0xFF800000> : vector<64xf32>
    %reduce_max3A_732 = vector.multi_reduction <maximumf>, %select_n3A_730, %reduce_max3A_731 [0] : vector<1000x64xf32> to vector<64xf32>
    %broadcast_in_dim3A_733 = vector.shape_cast %reduce_max3A_732 : vector<64xf32> to vector<1x64xf32>
    %get3A_734 = arith.constant 0 : index
    %get3A_735 = arith.constant 0 : index
    %get3A_736 = vector.load %arg9[%get3A_734, %get3A_735] : memref<64x64xf32, #tpu.memory_space<vmem>>, vector<64x64xf32>
    %concatenate3A_737 = tpu.concatenate %broadcast_in_dim3A_40, %broadcast_in_dim3A_51, %broadcast_in_dim3A_62, %broadcast_in_dim3A_73, %broadcast_in_dim3A_84, %broadcast_in_dim3A_95, %broadcast_in_dim3A_106, %broadcast_in_dim3A_117, %broadcast_in_dim3A_128, %broadcast_in_dim3A_139, %broadcast_in_dim3A_150, %broadcast_in_dim3A_161, %broadcast_in_dim3A_172, %broadcast_in_dim3A_183, %broadcast_in_dim3A_194, %broadcast_in_dim3A_205, %broadcast_in_dim3A_216, %broadcast_in_dim3A_227, %broadcast_in_dim3A_238, %broadcast_in_dim3A_249, %broadcast_in_dim3A_260, %broadcast_in_dim3A_271, %broadcast_in_dim3A_282, %broadcast_in_dim3A_293, %broadcast_in_dim3A_304, %broadcast_in_dim3A_315, %broadcast_in_dim3A_326, %broadcast_in_dim3A_337, %broadcast_in_dim3A_348, %broadcast_in_dim3A_359, %broadcast_in_dim3A_370, %broadcast_in_dim3A_381, %broadcast_in_dim3A_392, %broadcast_in_dim3A_403, %broadcast_in_dim3A_414, %broadcast_in_dim3A_425, %broadcast_in_dim3A_436, %broadcast_in_dim3A_447, %broadcast_in_dim3A_458, %broadcast_in_dim3A_469, %broadcast_in_dim3A_480, %broadcast_in_dim3A_491, %broadcast_in_dim3A_502, %broadcast_in_dim3A_513, %broadcast_in_dim3A_524, %broadcast_in_dim3A_535, %broadcast_in_dim3A_546, %broadcast_in_dim3A_557, %broadcast_in_dim3A_568, %broadcast_in_dim3A_579, %broadcast_in_dim3A_590, %broadcast_in_dim3A_601, %broadcast_in_dim3A_612, %broadcast_in_dim3A_623, %broadcast_in_dim3A_634, %broadcast_in_dim3A_645, %broadcast_in_dim3A_656, %broadcast_in_dim3A_667, %broadcast_in_dim3A_678, %broadcast_in_dim3A_689, %broadcast_in_dim3A_700, %broadcast_in_dim3A_711, %broadcast_in_dim3A_722, %broadcast_in_dim3A_733 in 0 : vector<1x64xf32>, vector<1x64xf32>, vector<1x64xf32>, vector<1x64xf32>, vector<1x64xf32>, vector<1x64xf32>, vector<1x64xf32>, vector<1x64xf32>, vector<1x64xf32>, vector<1x64xf32>, vector<1x64xf32>, vector<1x64xf32>, vector<1x64xf32>, vector<1x64xf32>, vector<1x64xf32>, vector<1x64xf32>, vector<1x64xf32>, vector<1x64xf32>, vector<1x64xf32>, vector<1x64xf32>, vector<1x64xf32>, vector<1x64xf32>, vector<1x64xf32>, vector<1x64xf32>, vector<1x64xf32>, vector<1x64xf32>, vector<1x64xf32>, vector<1x64xf32>, vector<1x64xf32>, vector<1x64xf32>, vector<1x64xf32>, vector<1x64xf32>, vector<1x64xf32>, vector<1x64xf32>, vector<1x64xf32>, vector<1x64xf32>, vector<1x64xf32>, vector<1x64xf32>, vector<1x64xf32>, vector<1x64xf32>, vector<1x64xf32>, vector<1x64xf32>, vector<1x64xf32>, vector<1x64xf32>, vector<1x64xf32>, vector<1x64xf32>, vector<1x64xf32>, vector<1x64xf32>, vector<1x64xf32>, vector<1x64xf32>, vector<1x64xf32>, vector<1x64xf32>, vector<1x64xf32>, vector<1x64xf32>, vector<1x64xf32>, vector<1x64xf32>, vector<1x64xf32>, vector<1x64xf32>, vector<1x64xf32>, vector<1x64xf32>, vector<1x64xf32>, vector<1x64xf32>, vector<1x64xf32>, vector<1x64xf32> -> vector<64x64xf32>
    %max3A = arith.maximumf %get3A_736, %concatenate3A_737 : vector<64x64xf32>
    %swap3A_738 = arith.constant 0 : index
    %swap3A_739 = arith.constant 0 : index
    %swap3A_740 = vector.load %arg9[%swap3A_738, %swap3A_739] : memref<64x64xf32, #tpu.memory_space<vmem>>, vector<64x64xf32>
    tpu.vector_store %arg9[%swap3A_738, %swap3A_739], %max3A {strides = array<i32>} : memref<64x64xf32, #tpu.memory_space<vmem>>, vector<64x64xf32>,
    %eq3A_741 = arith.constant 49 : i32
    %eq3A_742 = arith.cmpi eq, %arg0, %eq3A_741 : i32
    %convert_element_type3A_743 = arith.extui %eq3A_742 : i1 to i32
    %cond3A_744 = arith.constant 0 : i32
    %cond3A_745 = arith.cmpi ne, %convert_element_type3A_743, %cond3A_744 : i32
    scf.if %cond3A_745 {
      %get3A_746 = arith.constant 0 : index
      %get3A_747 = arith.constant 0 : index
      %get3A_748 = vector.load %arg8[%get3A_746, %get3A_747] : memref<64x128xf32, #tpu.memory_space<vmem>>, vector<64x128xf32>
      %slice3A = vector.extract_strided_slice %get3A_748 {offsets = [0, 0], sizes = [64, 64], strides = [1, 1]} : vector<64x128xf32> to vector<64x64xf32>
      %slice3A_749 = vector.extract_strided_slice %get3A_748 {offsets = [0, 64], sizes = [64, 1], strides = [1, 1]} : vector<64x128xf32> to vector<64x1xf32>
      %max3A_750 = arith.constant 1.000000e+00 : f32
      %max3A_751 = vector.broadcast %max3A_750 : f32 to vector<64x1xf32>
      %max3A_752 = arith.maximumf %slice3A_749, %max3A_751 : vector<64x1xf32>
      %div3A = vector.broadcast %max3A_752 : vector<64x1xf32> to vector<64x64xf32>
      %div3A_753 = arith.divf %slice3A, %div3A : vector<64x64xf32>
      %get3A_754 = arith.constant 0 : index
      %get3A_755 = arith.constant 0 : index
      %get3A_756 = vector.load %arg9[%get3A_754, %get3A_755] : memref<64x64xf32, #tpu.memory_space<vmem>>, vector<64x64xf32>
      %concatenate3A_757 = tpu.concatenate %div3A_753, %get3A_756 in 1 : vector<64x64xf32>, vector<64x64xf32> -> vector<64x128xf32>
      %get3A_758 = arith.constant 0 : index
      %get3A_759 = arith.constant 0 : index
      %get3A_760 = vector.load %arg3[%get3A_758, %get3A_759] : memref<128x512xf32, #tpu.memory_space<vmem>>, vector<128x512xf32>
      %dot_general3A_761 = arith.constant dense<0.000000e+00> : vector<64x512xf32>
      %dot_general3A_762 = tpu.matmul %concatenate3A_757, %get3A_760, %dot_general3A_761 {dimension_numbers = #tpu.dot_dimension_numbers<[1], [0], [0], [1], [0, 0, 1, 1], [], []>, transpose_lhs_hint = false} : vector<64x128xf32>, vector<128x512xf32>, vector<64x512xf32> -> vector<64x512xf32>
      %get3A_763 = arith.constant 0 : index
      %get3A_764 = arith.constant 0 : index
      %get3A_765 = vector.load %arg4[%get3A_763, %get3A_764] : memref<1x512xf32, #tpu.memory_space<vmem>>, vector<1x512xf32>
      %add3A_766 = vector.broadcast %get3A_765 : vector<1x512xf32> to vector<64x512xf32>
      %add3A_767 = arith.addf %dot_general3A_762, %add3A_766 : vector<64x512xf32>
      %reduce_sum3A = arith.constant dense<0.000000e+00> : vector<64xf32>
      %reduce_sum3A_768 = vector.multi_reduction <add>, %add3A_767, %reduce_sum3A [1] : vector<64x512xf32> to vector<64xf32>
      %broadcast_in_dim3A_769 = vector.shape_cast %reduce_sum3A_768 : vector<64xf32> to vector<64x1xf32>
      %div3A_770 = arith.constant 5.120000e+02 : f32
      %div3A_771 = vector.broadcast %div3A_770 : f32 to vector<64x1xf32>
      %div3A_772 = arith.divf %broadcast_in_dim3A_769, %div3A_771 : vector<64x1xf32>
      %sub3A = vector.broadcast %div3A_772 : vector<64x1xf32> to vector<64x512xf32>
      %sub3A_773 = arith.subf %add3A_767, %sub3A : vector<64x512xf32>
      %sub3A_774 = vector.broadcast %div3A_772 : vector<64x1xf32> to vector<64x512xf32>
      %sub3A_775 = arith.subf %add3A_767, %sub3A_774 : vector<64x512xf32>
      %mul3A = arith.mulf %sub3A_773, %sub3A_775 : vector<64x512xf32>
      %reduce_sum3A_776 = arith.constant dense<0.000000e+00> : vector<64xf32>
      %reduce_sum3A_777 = vector.multi_reduction <add>, %mul3A, %reduce_sum3A_776 [1] : vector<64x512xf32> to vector<64xf32>
      %broadcast_in_dim3A_778 = vector.shape_cast %reduce_sum3A_777 : vector<64xf32> to vector<64x1xf32>
      %div3A_779 = arith.constant 5.120000e+02 : f32
      %div3A_780 = vector.broadcast %div3A_779 : f32 to vector<64x1xf32>
      %div3A_781 = arith.divf %broadcast_in_dim3A_778, %div3A_780 : vector<64x1xf32>
      %sub3A_782 = vector.broadcast %div3A_772 : vector<64x1xf32> to vector<64x512xf32>
      %sub3A_783 = arith.subf %add3A_767, %sub3A_782 : vector<64x512xf32>
      %add3A_784 = arith.constant 9.99999974E-6 : f32
      %add3A_785 = vector.broadcast %add3A_784 : f32 to vector<64x1xf32>
      %add3A_786 = arith.addf %div3A_781, %add3A_785 : vector<64x1xf32>
      %sqrt3A = math.sqrt %add3A_786 : vector<64x1xf32>
      %div3A_787 = vector.broadcast %sqrt3A : vector<64x1xf32> to vector<64x512xf32>
      %div3A_788 = arith.divf %sub3A_783, %div3A_787 : vector<64x512xf32>
      %get3A_789 = arith.constant 0 : index
      %get3A_790 = arith.constant 0 : index
      %get3A_791 = vector.load %arg5[%get3A_789, %get3A_790] : memref<1x512xf32, #tpu.memory_space<vmem>>, vector<1x512xf32>
      %mul3A_792 = vector.broadcast %get3A_791 : vector<1x512xf32> to vector<64x512xf32>
      %mul3A_793 = arith.mulf %div3A_788, %mul3A_792 : vector<64x512xf32>
      %get3A_794 = arith.constant 0 : index
      %get3A_795 = arith.constant 0 : index
      %get3A_796 = vector.load %arg6[%get3A_794, %get3A_795] : memref<1x512xf32, #tpu.memory_space<vmem>>, vector<1x512xf32>
      %add3A_797 = vector.broadcast %get3A_796 : vector<1x512xf32> to vector<64x512xf32>
      %add3A_798 = arith.addf %mul3A_793, %add3A_797 : vector<64x512xf32>
      %max3A_799 = arith.constant 0.000000e+00 : f32
      %max3A_800 = vector.broadcast %max3A_799 : f32 to vector<64x512xf32>
      %max3A_801 = arith.maximumf %add3A_798, %max3A_800 : vector<64x512xf32>
      %swap3A_802 = arith.constant 0 : index
      %swap3A_803 = arith.constant 0 : index
      %swap3A_804 = vector.load %arg7[%swap3A_802, %swap3A_803] : memref<64x512xf32, #tpu.memory_space<vmem>>, vector<64x512xf32>
      tpu.vector_store %arg7[%swap3A_802, %swap3A_803], %max3A_801 {strides = array<i32>} : memref<64x512xf32, #tpu.memory_space<vmem>>, vector<64x512xf32>,
    } else {
    }
    return
  }
  func.func @transform_0(%arg0: i32) -> (i32, i32, i32) {
    %c0_i32 = arith.constant 0 : i32
    %c0_i32_0 = arith.constant 0 : i32
    %c0_i32_1 = arith.constant 0 : i32
    return %c0_i32, %arg0, %c0_i32_0 : i32, i32, i32
  }
  func.func @transform_1(%arg0: i32) -> (i32, i32, i32) {
    %c0_i32 = arith.constant 0 : i32
    %c0_i32_0 = arith.constant 0 : i32
    %c0_i32_1 = arith.constant 0 : i32
    return %arg0, %c0_i32, %c0_i32_0 : i32, i32, i32
  }
  func.func @transform_2(%arg0: i32) -> (i32, i32) {
    %c0_i32 = arith.constant 0 : i32
    %c0_i32_0 = arith.constant 0 : i32
    %c0_i32_1 = arith.constant 0 : i32
    return %c0_i32, %c0_i32_0 : i32, i32
  }
  func.func @transform_3(%arg0: i32) -> (i32, i32) {
    %c0_i32 = arith.constant 0 : i32
    %c0_i32_0 = arith.constant 0 : i32
    %c0_i32_1 = arith.constant 0 : i32
    return %c0_i32, %c0_i32_0 : i32, i32
  }
  func.func @transform_4(%arg0: i32) -> (i32, i32) {
    %c0_i32 = arith.constant 0 : i32
    %c0_i32_0 = arith.constant 0 : i32
    %c0_i32_1 = arith.constant 0 : i32
    return %c0_i32, %c0_i32_0 : i32, i32
  }
  func.func @transform_5(%arg0: i32) -> (i32, i32) {
    %c0_i32 = arith.constant 0 : i32
    %c0_i32_0 = arith.constant 0 : i32
    %c0_i32_1 = arith.constant 0 : i32
    return %c0_i32, %c0_i32_0 : i32, i32
  }
  func.func @transform_6(%arg0: i32) -> (i32, i32) {
    %c0_i32 = arith.constant 0 : i32
    %c0_i32_0 = arith.constant 0 : i32
    %c0_i32_1 = arith.constant 0 : i32
    return %c0_i32, %c0_i32_0 : i32, i32
  }
}

</mosaic_0001>

<sc_bundles>
// kernel: kernel.13.cloned.1.call-start
scs
__scs_entry_jumppad:
0x0: {  	(pc) =	sbr.rel $0x88, $3  }
0x1: {  	(tag) =	ssettag $0x0;
	lr =	simm.s32 $0x1  }
0x2: {  	[smem:$0x3F7F] =	sst lr;
	_ =	strace $0xD0000000  }
0x3: {  	_ = 	snop  }
0x4: {  	_ = 	snop  }
0x5: {  	_ = 	snop  }
0x6: {  	_ = 	snop  }
0x7: {  	_ = 	snop  }
__scs_overlays_trampoline_lowered:
0x8: {  	[smem:$0x3F8E] =	sst s0  }
0x9: {  	[smem:$0x3F8F] =	sst s1  }
0xa: {  	[smem:$0x3F90] =	sst s2  }
0xb: {  	[smem:$0x3F91] =	sst s3  }
0xc: {  	[smem:$0x3F92] =	sst s4  }
0xd: {  	[smem:$0x3F93] =	sst s5  }
0xe: {  	[smem:$0x3F94] =	sst s6  }
0xf: {  	[smem:$0x3F95] =	sst s7  }
0x10: {  	[smem:$0x3F96] =	sst s8  }
0x11: {  	[smem:$0x3F97] =	sst s9;
	s0 =	simm.s32 @!p0 $0x0  }
0x12: {  	s1 =	sld [smem:$0x3F7D];
	s0 =	simm.s32 @p0 $0x1  }
0x13: {  	[smem:$0x3F98] =	sst s0;
	s0 =	simm.s32 @!p1 $0x0  }
0x14: {  	s2 =	sld [smem:$0x3F7C];
	s0 =	simm.s32 @p1 $0x1  }
0x15: {  	[smem:$0x3F99] =	sst s0;
	s0 =	simm.s32 @!p2 $0x0  }
0x16: {  	s3 =	sld [smem:$0x3FDB];
	s0 =	simm.s32 @p2 $0x1  }
0x17: {  	s4 =	simm.s32 $0x1BF5;
	[smem:$0x3F9B] =	sst s0  }
0x18: {  	s0 =	sld [smem:$0x3F7E];
	_ =	swait.ge [sflag:s4], $0x0  }
0x19: {  	s7 =	sld [smem:$0x3F7F]  }
0x1a: {  	s8 =	sadd.s32 $0xFFFFE003, lr  }
0x1b: {  	s9 =	sadd.s32 $0xFFFFFEF7, lr;
	s5 =	simm.s32 $0xFFFFFFFF;
	p2 =	slt.u32 s8, $0xFFFFF086  }
0x1c: {  	p1 =	slt.u32 s9, $0xF7A;
	s5 =	simm.s32 @!p2 $0x0  }
0x1d: {  	s5 =	simm.s32 @p1 $0x1;
	p0 =	seq.s32 s7, s2  }
0x1e: {  	s7 =	smul.u32 @!p0 $0xF7A, s2;
	p2 =	seq.s32 @!p0 s5, $0x0  }
0x1f: {  	s9 =	smul.u32 $0xF7A, s1;
	s8 =	simm.s32 @!p0 $0x1BF5;
	p2 =	por !p2, p0  }
0x20: {  	[sflag:s8] =	ssyncset.s32 @!p0 $0xFFFFF086;
	s6 =	sadd.s32 @!p0 s3, s7;
	s7 =	simm.s32 @!p0 $0x108  }
0x21: {  	s3 =	sadd.s32 s3, s9;
	s6 =	sadd.s32 @!p0 $0x88, s6;
	s7 =	simm.s32 @p2 $0x1082  }
0x22: {  	[simem:s7], [sflag:s8] =	dma.local @!p0 [hbm:s6], $0xF7A  }
0x23: {  	s9 =	sor.u32 $0xD0000000, s2;
	s6 =	simm.s32 $0x108;
	_ =	swait.ge @!p0 [sflag:s8], $0x0  }
0x24: {  	s3 =	sadd.s32 $0x88, s3;
	s6 =	simm.s32 @!p1 $0x1082;
	[sflag:s4] =	ssyncset.s32 $0xFFFFF086  }
0x25: {  	[simem:s6], [sflag:s4] =	dma.local [hbm:s3], $0xF7A  }
0x26: {  	[smem:$0x3F7F] =	sst s1;
	(tag) =	ssettag s2;
	_ =	strace s9  }
0x27: {  	s1 =	sld [smem:$0x3F8F]  }
0x28: {  	s2 =	sld [smem:$0x3F90]  }
0x29: {  	s4 =	sld [smem:$0x3F92]  }
0x2a: {  	p0 =	seq.s32 s5, $0x0;
	s5 =	sld [smem:$0x3F93]  }
0x2b: {  	s6 =	sld [smem:$0x3F94]  }
0x2c: {  	s7 =	sld [smem:$0x3F95]  }
0x2d: {  	s3 =	simm.s32 $0x108;
	s8 =	sld [smem:$0x3F96]  }
0x2e: {  	s3 =	simm.s32 @!p0 $0x1082;
	s9 =	sld [smem:$0x3F97]  }
0x2f: {  	lr =	sadd.s32 s0, s3;
	s0 =	sld [smem:$0x3F8E]  }
0x30: {  	s3 =	sld [smem:$0x3F91]  }
0x31: {  	[smem:$0x3F9A] =	sst s10  }
0x32: {  	s10 =	sld [smem:$0x3F98];
	_ =	sdelay $0x3  }
0x33: {  	p0 =	seq.s32 s10, $0x1;
	s10 =	sld [smem:$0x3F9A];
	_ =	sdelay $0x3  }
0x34: {  	[smem:$0x3F9A] =	sst s10  }
0x35: {  	s10 =	sld [smem:$0x3F99];
	_ =	sdelay $0x3  }
0x36: {  	p1 =	seq.s32 s10, $0x1;
	s10 =	sld [smem:$0x3F9A];
	_ =	sdelay $0x3  }
0x37: {  	[smem:$0x3F9A] =	sst s10  }
0x38: {  	s10 =	sld [smem:$0x3F9B]  }
0x39: {  	_ = 	snop;
	(pc) =	sbr.ind lr, $3  }
0x3a: {  	_ = 	snop  }
0x3b: {  	_ = 	snop  }
0x3c: {  	p2 =	seq.s32 s10, $0x1;
	s10 =	sld [smem:$0x3F9A]  }
0x3d: {  	_ =	shalt  }
0x3e: {  	_ =	shalt  }
0x3f: {  	_ =	shalt  }
0x40: {  	_ =	shalt  }
0x41: {  	_ =	shalt  }
0x42: {  	_ =	shalt  }
0x43: {  	_ =	shalt  }
0x44: {  	_ =	shalt  }
0x45: {  	_ =	shalt  }
0x46: {  	_ =	shalt  }
0x47: {  	_ =	shalt  }
0x48: {  	_ =	shalt  }
0x49: {  	_ =	shalt  }
0x4a: {  	_ =	shalt  }
0x4b: {  	_ =	shalt  }
0x4c: {  	_ =	shalt  }
0x4d: {  	_ =	shalt  }
0x4e: {  	_ =	shalt  }
0x4f: {  	_ =	shalt  }
0x50: {  	_ =	shalt  }
0x51: {  	_ =	shalt  }
0x52: {  	_ =	shalt  }
0x53: {  	_ =	shalt  }
0x54: {  	_ =	shalt  }
0x55: {  	_ =	shalt  }
0x56: {  	_ =	shalt  }
0x57: {  	_ =	shalt  }
0x58: {  	_ =	shalt  }
0x59: {  	_ =	shalt  }
0x5a: {  	_ =	shalt  }
0x5b: {  	_ =	shalt  }
0x5c: {  	_ =	shalt  }
0x5d: {  	_ =	shalt  }
0x5e: {  	_ =	shalt  }
0x5f: {  	_ =	shalt  }
0x60: {  	_ =	shalt  }
0x61: {  	_ =	shalt  }
0x62: {  	_ =	shalt  }
0x63: {  	_ =	shalt  }
0x64: {  	_ =	shalt  }
0x65: {  	_ =	shalt  }
0x66: {  	_ =	shalt  }
0x67: {  	_ =	shalt  }
0x68: {  	_ =	shalt  }
0x69: {  	_ =	shalt  }
0x6a: {  	_ =	shalt  }
0x6b: {  	_ =	shalt  }
0x6c: {  	_ =	shalt  }
0x6d: {  	_ =	shalt  }
0x6e: {  	_ =	shalt  }
0x6f: {  	_ =	shalt  }
0x70: {  	_ =	shalt  }
0x71: {  	_ =	shalt  }
0x72: {  	_ =	shalt  }
0x73: {  	_ =	shalt  }
0x74: {  	_ =	shalt  }
0x75: {  	_ =	shalt  }
0x76: {  	_ =	shalt  }
0x77: {  	_ =	shalt  }
0x78: {  	_ =	shalt  }
0x79: {  	_ =	shalt  }
0x7a: {  	_ =	shalt  }
0x7b: {  	_ =	shalt  }
0x7c: {  	_ =	shalt  }
0x7d: {  	_ =	shalt  }
0x7e: {  	_ =	shalt  }
0x7f: {  	_ =	shalt  }
0x80: {  	_ =	shalt  }
0x81: {  	_ =	shalt  }
0x82: {  	_ =	shalt  }
0x83: {  	_ =	shalt  }
0x84: {  	_ =	shalt  }
0x85: {  	_ =	shalt  }
0x86: {  	_ =	shalt  }
0x87: {  	_ =	shalt  }
.Lfunc_end0:
.L_simem_size_0:
called_computation_lowered:
.L_overlay_start_0:
0x88: {  	s2 =	sld [smem:$0x3FD9]  }
0x89: {  	s3 =	sld [smem:$0x3FFE];
	_ =	sdelay $0x1  }
0x8a: {  	s1 =	srdreg.scid  }
0x8b: {  	s0 =	sand.u32 $0x1, s1  }
0x8c: {  	s16 =	sshll.u32 s0, $0xA;
	s2 =	sadd.s32 s3, s2  }
0x8d: {  	s2 =	sadd.s32 s2, s16  }
0x8e: {  	[smem:$0x3FA6] =	sst s2  }
0x8f: {  	_ = 	snop  }
0x90: {  	(tm) =	ssettm $0x1  }
0x91: {  	s17 =	sld [smem:$0x3FFB];
	_ =	sdelay $0x3  }
0x92: {  	_ =	strace s17  }
0x93: {  	s2 =	sld [smem:$0x3FFC];
	_ =	sdelay $0x3  }
0x94: {  	_ =	strace s2  }
0x95: {  	s2 =	sld [smem:$0x3FFD];
	_ =	sdelay $0x3  }
0x96: {  	_ =	strace s2  }
0x97: {  	_ =	strace $0x8FFFFFFF  }
0x98: {  	s18 =	sld [smem:$0x3FDB];
	_ =	sdelay $0x1  }
0x99: {  	s19 =	simm.s32 $_scs_section_size  }
0x9a: {  	s4 =	simm.s32 $_size__tile_overlayer_lowered;
	s5 =	simm.s32 $_tile_overlayer_lowered  }
0x9b: {  	s22 =	simm.s32 $0x1BFF;
	s21 =	sshll.u32 s5, $0x1;
	s2 =	sadd.s32 s19, s18  }
0x9c: {  	s6 =	simm.s32 $0x0;
	s20 =	sshll.u32 s4, $0x1;
	s4 =	sadd.s32 s21, s2  }
0x9d: {  	[timem:s6], [sflag:s22] =	dma.local [hbm:s4], s20  }
0x9e: {  	_ =	swait.ge [sflag:s22], s20  }
0x9f: {  	s3 =	ssub.s32 $0x0, s20;
	[sflag:s22] =	ssyncset.done $0x0  }
0xa0: {  	[sflag:s22] =	ssyncadd.s32 s3;
	_ =	sdelay $0x1  }
0xa1: {  	s23 =	simm.s32 $0x1B8B  }
0xa2: {  	_ =	swait.ge [sflag:s23], $0x1  }
0xa3: {  	[sflag:s23] =	ssyncset.done $0x0  }
0xa4: {  	s25 =	simm.s32 $0x1B8E;
	s24 =	sld [smem:$0x3FFE];
	[sflag:s23] =	ssyncadd.s32 $0xFFFFFFFF  }
0xa5: {  	s26 =	simm.s32 $execute0_lowered;
	[smem:$0x3FD2] =	sst s25  }
0xa6: {  	s4 =	sshll.u32 s26, $0x1;
	_ =	strace $0x80000046;
	[dreg:$0x1] =	wrdreg $0xFFFFFFFF  }
0xa7: {  	s28 =	simm.s32 $_size_execute0_lowered;
	s2 =	sadd.s32 s2, s4;
	[dreg:$0x0] =	wrdreg $0x0  }
0xa8: {  	s4 =	sshll.u32 s28, $0x1;
	[dreg:$0x2] =	wrdreg s2  }
0xa9: {  	[dreg:$0x3] =	wrdreg s4  }
0xaa: {  	[dreg:$0x4] =	wrdreg $0xC0  }
0xab: {  	_ =	task [dreg:s6], $0x5FFFF  }
0xac: {  	[dreg:$0x1] =	wrdreg $0xFFFFFFFF  }
0xad: {  	[dreg:$0x0] =	wrdreg $0x60  }
0xae: {  	[dreg:$0x2] =	wrdreg s24  }
0xaf: {  	[dreg:$0x3] =	wrdreg $0x42000  }
0xb0: {  	[dreg:$0x4] =	wrdreg $0x9  }
0xb1: {  	_ =	task.clear_ibuf [dreg:s6], $0x5FFFF;
	_ =	strace $0x90000046  }
0xb2: {  	s29 =	simm.s32 $0x9;
	_ =	strace $0x80000048  }
0xb3: {  	_ =	swait.ge [sflag:s29], $0x1  }
0xb4: {  	[sflag:s29] =	ssyncadd.s32 $0xFFFFFFFF  }
0xb5: {  	_ =	strace $0x90000048  }
0xb6: {  	_ =	sfence  }
0xb7: {  	s30 =	sld [smem:$0x0];
	_ =	sdelay $0x2  }
0xb8: {  	s31 =	sshll.u32 s1, $0xD;
	s1 =	sshrl.u32 s1, $0x2  }
0xb9: {  	s3 =	sand.u32 $0x4000, s31;
	s1 =	sadd.s32 s1, s30  }
0xba: {  	s0 =	sor.u32 s3, s0;
	s1 =	sshll.u32 s1, $0x11  }
0xbb: {  	s0 =	sor.u32 s1, s0  }
0xbc: {  	s0 =	sadd.s32 $0x8F2B, s0  }
0xbd: {  	[sflag:s0] =	ssyncadd.remote.s32 $0x1  }
0xbe: {  	_ =	sfence.sel $0xFFFF  }
0xbf: {  	[dreg:$0x0] =	wrdreg $0xFFFFFFFF;
	(pc) =	sbr.abs _section_cstart, $3  }
0xc0: {  	[dreg:$0x1] =	wrdreg $0xFFFFFFFF  }
0xc1: {  	_ =	task.clear_ibuf [dreg:s6], $0x2FFFF;
	_ =	strace $0x9FFFFFFF  }
0xc2: {  	(tm) =	ssettm $0x7FFFFFFF  }
0xc3: {  	_ =	shalt  }
tec
execute0_lowered:
.L_overlay_start_1:
0x0: {  	(tag) =	ssettag $0x1  }
0x1: {  	s8 =	rddreg [dreg:$0x0]  }
0x2: {  	s1 =	rddreg [dreg:$0x1]  }
0x3: {  	s0 =	rddreg [dreg:$0x2];
	s3 =	simm.s32 $0x0  }
0x4: {  	s2 =	srdreg.scid;
	s14 =	simm.s32 $0x2;
	s15 =	simm.s32 $0x100  }
0x5: {  	s16 =	simm.s32 $0x80;
	s17 =	simm.s32 $0x1200;
	s9 =	sand.u32 $0x1, s2  }
0x6: {  	s18 =	simm.s32 $0x2200;
	s2 =	stileid.u32;
	s7 =	smul.u32 $0x32000, s9  }
0x7: {  	s20 =	simm.s32 $0x180;
	s21 =	simm.s32 $0x0;
	s10 =	smul.u32 $0x3200, s2  }
0x8: {  	[smem:$0x7FF] =	sst s3;
	s4 =	sadd.s32 $0xDF1000, s8;
	s11 =	smul.u32 $0x64000, s2  }
0x9: {  	s5 =	sadd.s32 $0x24EA600, s8;
	s6 =	sadd.s32 $0x4600, s8;
	s19 =	smul.u32 $0xC350, s9  }
0xa: {  	_ =	strace $0x80000047;
	s30 =	ssub.s32 $0x2, s9;
	s9 =	smul.u32 $0x1880, s9  }
0xb: {  	s31 =	sshrl.u32 s30, $0x1;
	s10 =	sadd.s32 s10, s7;
	s7 =	sadd.s32 $0xE52C00, s8  }
0xc: {  	s11 =	sshrl.u32 s11, $0x2;
	s13 =	ssub.s32 s30, s31;
	v0 =	vmov s19;
	s19 =	simm.s32 $0x1  }
0xd: {  	s12 =	sadd.s32 s10, s8;
	s8 =	sadd.s32 s11, s1;
	s10 =	smul.u32 $0x188, s2  }
0xe: {  	v1 =	vimm.f32 $0.0e+00;
	s11 =	sadd.s32 $0xE6B400, s12;
	s12 =	smax.u32 s13, $0x1;
	s13 =	simm.s32 $0x200  }
.LBB2_1:
0xf: {  	s22 =	simm.s32 $0x0  }
.LBB2_2:
0x10: {  	p0 =	sne.s32 s22, $0x3F80  }
.Ltmp0:
0x11: {  	_ = 	snop;
	(pc) =	sbr.rel @p0 .LBB2_2-.Ltmp0, $4  }
0x12: {  	_ = 	snop  }
0x13: {  	s23 =	sshra.s32 s22, $0x2  }
0x14: {  	[tilespmem:s23+$0x200] =	vst v1  }
0x15: {  	s22 =	sadd.s32 $0x80, s22;
	[tilespmem:s23+$0x210] =	vst v1  }
0x16: {  	s22 =	sadd.s32 $0x0, s8  }
0x17: {  	[spmem:s22] =	stream.linear.scatter [tilespmem:s13], [sflag:$0x2], $0x1000, $0x38;
	[tilespmem:$0x1D200] =	vst v63  }
0x18: {  	s22 =	simm.s32 $0x4000;
	_ =	swait.ge [sflag:s14], $0x1000  }
.LBB2_4:
0x19: {  	s23 =	sshra.s32 s22, $0x2;
	[sflag:s14] =	ssyncset.done $0x0;
	p0 =	sne.s32 s22, $0x60000  }
.Ltmp1:
0x1a: {  	s23 =	sadd.s32 s23, s8;
	[sflag:s14] =	ssyncadd.s32 $0xFFFFF000;
	(pc) =	sbr.rel @p0 .LBB2_4-.Ltmp1, $3  }
0x1b: {  	[spmem:s23] =	stream.linear.scatter [tilespmem:s13], [sflag:$0x2], $0x1000, $0x38;
	[tilespmem:$0x1D200] =	vst v63  }
0x1c: {  	s22 =	sadd.s32 $0x4000, s22;
	_ =	sdelay $0x1  }
0x1d: {  	_ =	swait.ge [sflag:s14], $0x1000  }
0x1e: {  	[sflag:s14] =	ssyncset.done $0x0  }
0x1f: {  	[sflag:s14] =	ssyncadd.s32 $0xFFFFF000  }
0x20: {  	s22 =	simm.s32 $0x0;
	[bflag:$0x0] =	sbarrier.arrive $0xFFFF  }
.LBB2_6:
0x21: {  	s23 =	sshll.u32 s22, $0x1  }
0x22: {  	s23 =	sadd.s32 s10, s23  }
0x23: {  	s24 =	sshll.u32 s23, $0x4  }
0x24: {  	s25 =	sadd.s32 s6, s24  }
0x25: {  	[tilespmem:s3], [sflag:$0x2] =	stream.linear.gather [hbm4b:s25+s3], $0x100, $0x38;
	[tilespmem:$0x1D200] =	vst v63  }
0x26: {  	_ =	swait.ge [sflag:s14], $0x100  }
0x27: {  	[sflag:s14] =	ssyncset.done $0x0  }
0x28: {  	s24 =	sadd.s32 s7, s24;
	[sflag:s14] =	ssyncadd.s32 $0xFFFFFF00  }
0x29: {  	[tilespmem:s15], [sflag:$0x2] =	stream.linear.gather [hbm4b:s24+s3], $0x100, $0x38;
	[tilespmem:$0x1D200] =	vst v63  }
0x2a: {  	_ =	swait.ge [sflag:s14], $0x100  }
0x2b: {  	[sflag:s14] =	ssyncset.done $0x0  }
0x2c: {  	[sflag:s14] =	ssyncadd.s32 $0xFFFFFF00  }
0x2d: {  	v2 =	vld [tilespmem:$0x0]  }
0x2e: {  	v3 =	vld [tilespmem:$0x10]  }
0x2f: {  	v4 =	vld [tilespmem:$0x20]  }
0x30: {  	v5 =	vld [tilespmem:$0x30]  }
0x31: {  	v6 =	vld [tilespmem:$0x40]  }
0x32: {  	v7 =	vld [tilespmem:$0x50];
	v2 =	vadd.s32 v0, v2  }
0x33: {  	[tilespmem:$0x0] =	vst v2;
	v2 =	vadd.s32 v0, v3;
	v3 =	vld [tilespmem:$0x60]  }
0x34: {  	[tilespmem:$0x10] =	vst v2;
	v2 =	vadd.s32 v0, v4;
	v4 =	vld [tilespmem:$0x70]  }
0x35: {  	[tilespmem:$0x20] =	vst v2;
	v2 =	vadd.s32 v0, v5;
	v5 =	vld [tilespmem:$0x80]  }
0x36: {  	[tilespmem:$0x30] =	vst v2;
	v2 =	vadd.s32 v0, v6;
	v6 =	vld [tilespmem:$0x90]  }
0x37: {  	[tilespmem:$0x40] =	vst v2;
	v2 =	vadd.s32 v0, v7;
	v7 =	vld [tilespmem:$0xA0]  }
0x38: {  	[tilespmem:$0x50] =	vst v2;
	v2 =	vadd.s32 v0, v3;
	v3 =	vld [tilespmem:$0xB0]  }
0x39: {  	[tilespmem:$0x60] =	vst v2;
	v2 =	vadd.s32 v0, v4;
	v4 =	vld [tilespmem:$0xC0]  }
0x3a: {  	[tilespmem:$0x70] =	vst v2;
	v2 =	vadd.s32 v0, v5;
	v5 =	vld [tilespmem:$0xD0]  }
0x3b: {  	[tilespmem:$0x80] =	vst v2;
	v2 =	vadd.s32 v0, v6;
	v6 =	vld [tilespmem:$0xE0]  }
0x3c: {  	[tilespmem:$0x90] =	vst v2;
	v2 =	vadd.s32 v0, v7;
	v7 =	vld [tilespmem:$0xF0]  }
0x3d: {  	[tilespmem:$0xA0] =	vst v2;
	v2 =	vadd.s32 v0, v3  }
0x3e: {  	[tilespmem:$0xB0] =	vst v2;
	v2 =	vadd.s32 v0, v4  }
0x3f: {  	[tilespmem:$0xC0] =	vst v2;
	v2 =	vadd.s32 v0, v5  }
0x40: {  	[tilespmem:$0xD0] =	vst v2;
	v2 =	vadd.s32 v0, v6  }
0x41: {  	[tilespmem:$0xE0] =	vst v2;
	v2 =	vadd.s32 v0, v7  }
0x42: {  	s23 =	sadd.s32 s9, s23;
	[tilespmem:$0xF0] =	vst v2  }
0x43: {  	[tilespmem:s13], [sflag:$0x1] =	stream.indirect.gather [hbm4b:s4+s16], $0x20, s3, s16, $0xb8;
	[tilespmem:$0x1D200] =	vst v63  }
0x44: {  	s23 =	sshll.u32 s23, $0x9  }
0x45: {  	[tilespmem:s17], [sflag:$0x1] =	stream.indirect.gather [hbm4b:s4+s16], $0x20, s16, s16, $0xb8;
	[tilespmem:$0x1D200] =	vst v63  }
0x46: {  	s23 =	sadd.s32 s5, s23  }
0x47: {  	[tilespmem:s18], [sflag:$0x2] =	stream.linear.gather [hbm4b:s23+s3], $0x2000, $0x38;
	[tilespmem:$0x1D200] =	vst v63  }
0x48: {  	_ =	swait.ge [sflag:s14], $0x2000  }
0x49: {  	[sflag:s14] =	ssyncset.done $0x0  }
0x4a: {  	[sflag:s14] =	ssyncadd.s32 $0xFFFFE000  }
0x4b: {  	_ =	swait.ge [sflag:s19], $0x1000  }
0x4c: {  	[sflag:s19] =	ssyncset.done $0x0  }
0x4d: {  	[sflag:s19] =	ssyncadd.s32 $0xFFFFF000  }
0x4e: {  	_ =	swait.ge [sflag:s19], $0x1000  }
0x4f: {  	[sflag:s19] =	ssyncset.done $0x0  }
0x50: {  	s23 =	simm.s32 $0x240;
	[sflag:s19] =	ssyncadd.s32 $0xFFFFF000  }
0x51: {  	s24 =	simm.s32 $0x2240;
	v2 =	vld [tilespmem:s23+$0xFFFFFFD0]  }
0x52: {  	v3 =	vld [tilespmem:s24+$0xFFFFFFD0]  }
0x53: {  	v4 =	vld [tilespmem:s23+$0xFFFFFFC0]  }
0x54: {  	v5 =	vld [tilespmem:s24+$0xFFFFFFC0];
	_ =	sdelay $0x3  }
0x55: {  	v2 =	vadd.f32 v3, v2  }
0x56: {  	v3 =	vadd.f32 v5, v4  }
0x57: {  	v2 =	vmax.f32 v2, $0.0e+00  }
0x58: {  	v4 =	vld [tilespmem:s23+$0xFFFFFFE0];
	[tilespmem:s23+$0xFFFFFFD0] =	vst v2;
	v2 =	vmax.f32 v3, $0.0e+00  }
0x59: {  	v3 =	vld [tilespmem:s23+$0xFFFFFFF0];
	[tilespmem:s23+$0xFFFFFFC0] =	vst v2  }
0x5a: {  	v2 =	vld [tilespmem:s24+$0xFFFFFFF0]  }
0x5b: {  	v5 =	vld [tilespmem:s24+$0xFFFFFFE0];
	_ =	sdelay $0x3  }
0x5c: {  	v2 =	vadd.f32 v2, v3  }
0x5d: {  	v3 =	vadd.f32 v5, v4  }
0x5e: {  	v2 =	vmax.f32 v2, $0.0e+00  }
0x5f: {  	[tilespmem:s23+$0xFFFFFFF0] =	vst v2;
	v2 =	vmax.f32 v3, $0.0e+00;
	v3 =	vld [tilespmem:s23+$0x10]  }
0x60: {  	[tilespmem:s23+$0xFFFFFFE0] =	vst v2;
	v2 =	vld [tilespmem:s23+$0x0]  }
0x61: {  	v4 =	vld [tilespmem:s24+$0x0]  }
0x62: {  	v5 =	vld [tilespmem:s24+$0x10];
	_ =	sdelay $0x3  }
0x63: {  	v2 =	vadd.f32 v4, v2  }
0x64: {  	v3 =	vadd.f32 v5, v3  }
0x65: {  	v2 =	vmax.f32 v2, $0.0e+00  }
0x66: {  	v4 =	vld [tilespmem:s23+$0x20];
	v3 =	vmax.f32 v3, $0.0e+00;
	[tilespmem:s23+$0x0] =	vst v2  }
0x67: {  	v2 =	vld [tilespmem:s23+$0x30];
	[tilespmem:s23+$0x10] =	vst v3  }
0x68: {  	v5 =	vld [tilespmem:s24+$0x20]  }
0x69: {  	v3 =	vld [tilespmem:s24+$0x30];
	_ =	sdelay $0x3  }
0x6a: {  	s26 =	simm.s32 $0x0;
	s25 =	simm.s32 $0x240;
	v4 =	vadd.f32 v5, v4  }
.LBB2_7:
0x6b: {  	s26 =	sadd.s32 $0x4, s26;
	v2 =	vadd.f32 v3, v2;
	s23 =	sadd.s32 $0x80, s23;
	s24 =	sadd.s32 $0x80, s24  }
0x6c: {  	p0 =	slt.u32 s26, $0xFC;
	v3 =	vmax.f32 v4, $0.0e+00  }
0x6d: {  	v4 =	vld [tilespmem:s23+$0xFFFFFFC0];
	[tilespmem:s25+$0x20] =	vst v3;
	v2 =	vmax.f32 v2, $0.0e+00  }
0x6e: {  	v3 =	vld [tilespmem:s23+$0xFFFFFFD0];
	[tilespmem:s25+$0x30] =	vst v2;
	s25 =	smov.u32 s23  }
0x6f: {  	v2 =	vld [tilespmem:s24+$0xFFFFFFD0]  }
0x70: {  	v5 =	vld [tilespmem:s24+$0xFFFFFFC0];
	_ =	sdelay $0x3  }
0x71: {  	v2 =	vadd.f32 v2, v3  }
0x72: {  	v3 =	vadd.f32 v5, v4  }
0x73: {  	v2 =	vmax.f32 v2, $0.0e+00  }
0x74: {  	v3 =	vmax.f32 v3, $0.0e+00;
	[tilespmem:s23+$0xFFFFFFD0] =	vst v2;
	v2 =	vld [tilespmem:s23+$0xFFFFFFF0]  }
0x75: {  	[tilespmem:s23+$0xFFFFFFC0] =	vst v3;
	v3 =	vld [tilespmem:s23+$0xFFFFFFE0]  }
0x76: {  	v4 =	vld [tilespmem:s24+$0xFFFFFFF0]  }
0x77: {  	v5 =	vld [tilespmem:s24+$0xFFFFFFE0];
	_ =	sdelay $0x3  }
0x78: {  	v2 =	vadd.f32 v4, v2  }
0x79: {  	v3 =	vadd.f32 v5, v3  }
0x7a: {  	v2 =	vmax.f32 v2, $0.0e+00  }
0x7b: {  	v3 =	vmax.f32 v3, $0.0e+00;
	[tilespmem:s23+$0xFFFFFFF0] =	vst v2;
	v2 =	vld [tilespmem:s23+$0x10]  }
0x7c: {  	[tilespmem:s23+$0xFFFFFFE0] =	vst v3;
	v3 =	vld [tilespmem:s23+$0x0]  }
0x7d: {  	v4 =	vld [tilespmem:s24+$0x0]  }
0x7e: {  	v5 =	vld [tilespmem:s24+$0x10];
	_ =	sdelay $0x3  }
0x7f: {  	v3 =	vadd.f32 v4, v3  }
0x80: {  	v2 =	vadd.f32 v5, v2  }
0x81: {  	v3 =	vmax.f32 v3, $0.0e+00;
	v4 =	vld [tilespmem:s23+$0x20]  }
0x82: {  	[tilespmem:s23+$0x0] =	vst v3;
	v3 =	vmax.f32 v2, $0.0e+00;
	v2 =	vld [tilespmem:s23+$0x30]  }
0x83: {  	[tilespmem:s23+$0x10] =	vst v3  }
0x84: {  	v5 =	vld [tilespmem:s24+$0x20]  }
.Ltmp2:
0x85: {  	v3 =	vld [tilespmem:s24+$0x30];
	(pc) =	sbr.rel @p0 .LBB2_7-.Ltmp2, $2  }
0x86: {  	_ =	sdelay $0x2  }
0x87: {  	v4 =	vadd.f32 v5, v4  }
0x88: {  	v2 =	vadd.f32 v3, v2  }
0x89: {  	v3 =	vmax.f32 v4, $0.0e+00  }
0x8a: {  	[tilespmem:s25+$0x20] =	vst v3;
	v2 =	vmax.f32 v2, $0.0e+00  }
0x8b: {  	[tilespmem:s25+$0x30] =	vst v2  }
0x8c: {  	[spmem:s1] =	stream.indirect.scatter.add.f32 [tilespmem:s13], [sflag:$0x2], $0x20, s15, s16, $0xb8;
	[tilespmem:$0x1D200] =	vst v63  }
0x8d: {  	s22 =	sadd.s32 $0x1, s22;
	_ =	swait.ge [sflag:s14], $0x1000  }
0x8e: {  	p0 =	sne.s32 s22, $0xC4;
	[sflag:s14] =	ssyncset.done $0x0  }
.Ltmp3:
0x8f: {  	[sflag:s14] =	ssyncadd.s32 $0xFFFFF000;
	(pc) =	sbr.rel @p0 .LBB2_6-.Ltmp3, $4  }
0x90: {  	[spmem:s1] =	stream.indirect.scatter.add.f32 [tilespmem:s17], [sflag:$0x2], $0x20, s20, s16, $0xb8;
	[tilespmem:$0x1D200] =	vst v63  }
0x91: {  	_ =	swait.ge [sflag:s14], $0x1000  }
0x92: {  	[sflag:s14] =	ssyncset.done $0x0  }
0x93: {  	[sflag:s14] =	ssyncadd.s32 $0xFFFFF000  }
0x94: {  	s21 =	sadd.s32 $0x1, s21  }
0x95: {  	s22 =	sshll.u32 s2, $0x6;
	[bflag:$0x0] =	sbarrier.arrive $0xFFFF;
	p0 =	sne.s32 s21, s12  }
.Ltmp4:
0x96: {  	s23 =	sshrl.u32 s8, $0x3;
	s22 =	sor.u32 $0x1C02, s22;
	(pc) =	sbr.rel @p0 .LBB2_1-.Ltmp4, $4  }
0x97: {  	[hbm:s11], [sflag:s22] =	dma.local [spmem:s23], $0x3200  }
0x98: {  	_ =	swait.ge [sflag:s14], $0x3200  }
0x99: {  	[sflag:s14] =	ssyncset.done $0x0  }
0x9a: {  	[sflag:s14] =	ssyncadd.s32 $0xFFFFCE00  }
0x9b: {  	_ =	sfence.sel $0x180000  }
0x9c: {  	[bflag:$0x0] =	sbarrier.arrive $0xFFFF  }
0x9d: {  	p0 =	sne.s32 s2, $0x0;
	_ =	strace $0x90000047  }
0x9e: {  	s0 =	sadd.s32 @!p0 $0x100000, s0;
	[bflag:$0x2] =	sbarrier.arrive $0xFFFF  }
0x9f: {  	[sflag:s0] =	ssyncadd.tile.s32 @!p0 $0x1;
	_ =	shalt  }
.Lfunc_end2:
_tile_overlayer_lowered:
.L_overlay_start_2:
0xa0: {  	(tag) =	ssettag $0x2  }
0xa1: {  	s0 =	rddreg [dreg:$0x0];
	s2 =	stileid.u32  }
0xa2: {  	s1 =	rddreg [dreg:$0x1];
	p0 =	sne.s32 s2, $0x0  }
0xa3: {  	s3 =	rddreg [dreg:$0x2];
	[bflag:$0x3] =	sbarrier.arrive $0xFFFF;
	s2 =	simm.s32 @!p0 $0x1C02  }
0xa4: {  	[timem:s3], [sflag:s2] =	dma.local @!p0 [hbm:s0], s1  }
0xa5: {  	s0 =	simm.s32 @!p0 $0x2  }
0xa6: {  	_ =	swait.ge @!p0 [sflag:s0], s1  }
0xa7: {  	s1 =	ssub.s32 @!p0 $0x0, s1;
	[sflag:s0] =	ssyncset.done @!p0 $0x0  }
0xa8: {  	[sflag:s0] =	ssyncadd.s32 @!p0 s1  }
0xa9: {  	[bflag:$0x3] =	sbarrier.arrive $0xFFFF  }
0xaa: {  	_ =	shalt  }

// kernel: kernel.16.cloned.1.call-start
scs
__scs_entry_jumppad:
0x0: {  	(pc) =	sbr.rel $0x88, $3  }
0x1: {  	(tag) =	ssettag $0x0;
	lr =	simm.s32 $0x1  }
0x2: {  	[smem:$0x3F7F] =	sst lr;
	_ =	strace $0xD0000000  }
0x3: {  	_ = 	snop  }
0x4: {  	_ = 	snop  }
0x5: {  	_ = 	snop  }
0x6: {  	_ = 	snop  }
0x7: {  	_ = 	snop  }
__scs_overlays_trampoline_lowered:
0x8: {  	[smem:$0x3F8E] =	sst s0  }
0x9: {  	[smem:$0x3F8F] =	sst s1  }
0xa: {  	[smem:$0x3F90] =	sst s2  }
0xb: {  	[smem:$0x3F91] =	sst s3  }
0xc: {  	[smem:$0x3F92] =	sst s4  }
0xd: {  	[smem:$0x3F93] =	sst s5  }
0xe: {  	[smem:$0x3F94] =	sst s6  }
0xf: {  	[smem:$0x3F95] =	sst s7  }
0x10: {  	[smem:$0x3F96] =	sst s8  }
0x11: {  	[smem:$0x3F97] =	sst s9;
	s0 =	simm.s32 @!p0 $0x0  }
0x12: {  	s1 =	sld [smem:$0x3F7D];
	s0 =	simm.s32 @p0 $0x1  }
0x13: {  	[smem:$0x3F98] =	sst s0;
	s0 =	simm.s32 @!p1 $0x0  }
0x14: {  	s2 =	sld [smem:$0x3F7C];
	s0 =	simm.s32 @p1 $0x1  }
0x15: {  	[smem:$0x3F99] =	sst s0;
	s0 =	simm.s32 @!p2 $0x0  }
0x16: {  	s3 =	sld [smem:$0x3FDB];
	s0 =	simm.s32 @p2 $0x1  }
0x17: {  	s4 =	simm.s32 $0x1BF5;
	[smem:$0x3F9B] =	sst s0  }
0x18: {  	s0 =	sld [smem:$0x3F7E];
	_ =	swait.ge [sflag:s4], $0x0  }
0x19: {  	s7 =	sld [smem:$0x3F7F]  }
0x1a: {  	s8 =	sadd.s32 $0xFFFFE003, lr  }
0x1b: {  	s9 =	sadd.s32 $0xFFFFFEF7, lr;
	s5 =	simm.s32 $0xFFFFFFFF;
	p2 =	slt.u32 s8, $0xFFFFF086  }
0x1c: {  	p1 =	slt.u32 s9, $0xF7A;
	s5 =	simm.s32 @!p2 $0x0  }
0x1d: {  	s5 =	simm.s32 @p1 $0x1;
	p0 =	seq.s32 s7, s2  }
0x1e: {  	s7 =	smul.u32 @!p0 $0xF7A, s2;
	p2 =	seq.s32 @!p0 s5, $0x0  }
0x1f: {  	s9 =	smul.u32 $0xF7A, s1;
	s8 =	simm.s32 @!p0 $0x1BF5;
	p2 =	por !p2, p0  }
0x20: {  	[sflag:s8] =	ssyncset.s32 @!p0 $0xFFFFF086;
	s6 =	sadd.s32 @!p0 s3, s7;
	s7 =	simm.s32 @!p0 $0x108  }
0x21: {  	s3 =	sadd.s32 s3, s9;
	s6 =	sadd.s32 @!p0 $0x88, s6;
	s7 =	simm.s32 @p2 $0x1082  }
0x22: {  	[simem:s7], [sflag:s8] =	dma.local @!p0 [hbm:s6], $0xF7A  }
0x23: {  	s9 =	sor.u32 $0xD0000000, s2;
	s6 =	simm.s32 $0x108;
	_ =	swait.ge @!p0 [sflag:s8], $0x0  }
0x24: {  	s3 =	sadd.s32 $0x88, s3;
	s6 =	simm.s32 @!p1 $0x1082;
	[sflag:s4] =	ssyncset.s32 $0xFFFFF086  }
0x25: {  	[simem:s6], [sflag:s4] =	dma.local [hbm:s3], $0xF7A  }
0x26: {  	[smem:$0x3F7F] =	sst s1;
	(tag) =	ssettag s2;
	_ =	strace s9  }
0x27: {  	s1 =	sld [smem:$0x3F8F]  }
0x28: {  	s2 =	sld [smem:$0x3F90]  }
0x29: {  	s4 =	sld [smem:$0x3F92]  }
0x2a: {  	p0 =	seq.s32 s5, $0x0;
	s5 =	sld [smem:$0x3F93]  }
0x2b: {  	s6 =	sld [smem:$0x3F94]  }
0x2c: {  	s7 =	sld [smem:$0x3F95]  }
0x2d: {  	s3 =	simm.s32 $0x108;
	s8 =	sld [smem:$0x3F96]  }
0x2e: {  	s3 =	simm.s32 @!p0 $0x1082;
	s9 =	sld [smem:$0x3F97]  }
0x2f: {  	lr =	sadd.s32 s0, s3;
	s0 =	sld [smem:$0x3F8E]  }
0x30: {  	s3 =	sld [smem:$0x3F91]  }
0x31: {  	[smem:$0x3F9A] =	sst s10  }
0x32: {  	s10 =	sld [smem:$0x3F98];
	_ =	sdelay $0x3  }
0x33: {  	p0 =	seq.s32 s10, $0x1;
	s10 =	sld [smem:$0x3F9A];
	_ =	sdelay $0x3  }
0x34: {  	[smem:$0x3F9A] =	sst s10  }
0x35: {  	s10 =	sld [smem:$0x3F99];
	_ =	sdelay $0x3  }
0x36: {  	p1 =	seq.s32 s10, $0x1;
	s10 =	sld [smem:$0x3F9A];
	_ =	sdelay $0x3  }
0x37: {  	[smem:$0x3F9A] =	sst s10  }
0x38: {  	s10 =	sld [smem:$0x3F9B]  }
0x39: {  	_ = 	snop;
	(pc) =	sbr.ind lr, $3  }
0x3a: {  	_ = 	snop  }
0x3b: {  	_ = 	snop  }
0x3c: {  	p2 =	seq.s32 s10, $0x1;
	s10 =	sld [smem:$0x3F9A]  }
0x3d: {  	_ =	shalt  }
0x3e: {  	_ =	shalt  }
0x3f: {  	_ =	shalt  }
0x40: {  	_ =	shalt  }
0x41: {  	_ =	shalt  }
0x42: {  	_ =	shalt  }
0x43: {  	_ =	shalt  }
0x44: {  	_ =	shalt  }
0x45: {  	_ =	shalt  }
0x46: {  	_ =	shalt  }
0x47: {  	_ =	shalt  }
0x48: {  	_ =	shalt  }
0x49: {  	_ =	shalt  }
0x4a: {  	_ =	shalt  }
0x4b: {  	_ =	shalt  }
0x4c: {  	_ =	shalt  }
0x4d: {  	_ =	shalt  }
0x4e: {  	_ =	shalt  }
0x4f: {  	_ =	shalt  }
0x50: {  	_ =	shalt  }
0x51: {  	_ =	shalt  }
0x52: {  	_ =	shalt  }
0x53: {  	_ =	shalt  }
0x54: {  	_ =	shalt  }
0x55: {  	_ =	shalt  }
0x56: {  	_ =	shalt  }
0x57: {  	_ =	shalt  }
0x58: {  	_ =	shalt  }
0x59: {  	_ =	shalt  }
0x5a: {  	_ =	shalt  }
0x5b: {  	_ =	shalt  }
0x5c: {  	_ =	shalt  }
0x5d: {  	_ =	shalt  }
0x5e: {  	_ =	shalt  }
0x5f: {  	_ =	shalt  }
0x60: {  	_ =	shalt  }
0x61: {  	_ =	shalt  }
0x62: {  	_ =	shalt  }
0x63: {  	_ =	shalt  }
0x64: {  	_ =	shalt  }
0x65: {  	_ =	shalt  }
0x66: {  	_ =	shalt  }
0x67: {  	_ =	shalt  }
0x68: {  	_ =	shalt  }
0x69: {  	_ =	shalt  }
0x6a: {  	_ =	shalt  }
0x6b: {  	_ =	shalt  }
0x6c: {  	_ =	shalt  }
0x6d: {  	_ =	shalt  }
0x6e: {  	_ =	shalt  }
0x6f: {  	_ =	shalt  }
0x70: {  	_ =	shalt  }
0x71: {  	_ =	shalt  }
0x72: {  	_ =	shalt  }
0x73: {  	_ =	shalt  }
0x74: {  	_ =	shalt  }
0x75: {  	_ =	shalt  }
0x76: {  	_ =	shalt  }
0x77: {  	_ =	shalt  }
0x78: {  	_ =	shalt  }
0x79: {  	_ =	shalt  }
0x7a: {  	_ =	shalt  }
0x7b: {  	_ =	shalt  }
0x7c: {  	_ =	shalt  }
0x7d: {  	_ =	shalt  }
0x7e: {  	_ =	shalt  }
0x7f: {  	_ =	shalt  }
0x80: {  	_ =	shalt  }
0x81: {  	_ =	shalt  }
0x82: {  	_ =	shalt  }
0x83: {  	_ =	shalt  }
0x84: {  	_ =	shalt  }
0x85: {  	_ =	shalt  }
0x86: {  	_ =	shalt  }
0x87: {  	_ =	shalt  }
.Lfunc_end0:
.L_simem_size_0:
called_computation.1_lowered:
.L_overlay_start_0:
0x88: {  	s2 =	sld [smem:$0x3FD9]  }
0x89: {  	s3 =	sld [smem:$0x3FFE];
	_ =	sdelay $0x1  }
0x8a: {  	s1 =	srdreg.scid  }
0x8b: {  	s0 =	sand.u32 $0x1, s1  }
0x8c: {  	s16 =	sshll.u32 s0, $0xA;
	s2 =	sadd.s32 s3, s2  }
0x8d: {  	s2 =	sadd.s32 s2, s16  }
0x8e: {  	[smem:$0x3FA6] =	sst s2  }
0x8f: {  	_ = 	snop  }
0x90: {  	(tm) =	ssettm $0x1  }
0x91: {  	s17 =	sld [smem:$0x3FFB];
	_ =	sdelay $0x3  }
0x92: {  	_ =	strace s17  }
0x93: {  	s2 =	sld [smem:$0x3FFC];
	_ =	sdelay $0x3  }
0x94: {  	_ =	strace s2  }
0x95: {  	s2 =	sld [smem:$0x3FFD];
	_ =	sdelay $0x3  }
0x96: {  	_ =	strace s2  }
0x97: {  	_ =	strace $0x8FFFFFFF  }
0x98: {  	s18 =	sld [smem:$0x3FDB];
	_ =	sdelay $0x1  }
0x99: {  	s19 =	simm.s32 $_scs_section_size  }
0x9a: {  	s4 =	simm.s32 $_size__tile_overlayer_lowered;
	s5 =	simm.s32 $_tile_overlayer_lowered  }
0x9b: {  	s22 =	simm.s32 $0x1BFF;
	s21 =	sshll.u32 s5, $0x1;
	s2 =	sadd.s32 s19, s18  }
0x9c: {  	s6 =	simm.s32 $0x0;
	s20 =	sshll.u32 s4, $0x1;
	s4 =	sadd.s32 s21, s2  }
0x9d: {  	[timem:s6], [sflag:s22] =	dma.local [hbm:s4], s20  }
0x9e: {  	_ =	swait.ge [sflag:s22], s20  }
0x9f: {  	s3 =	ssub.s32 $0x0, s20;
	[sflag:s22] =	ssyncset.done $0x0  }
0xa0: {  	[sflag:s22] =	ssyncadd.s32 s3;
	_ =	sdelay $0x1  }
0xa1: {  	s23 =	simm.s32 $0x1B8B  }
0xa2: {  	_ =	swait.ge [sflag:s23], $0x1  }
0xa3: {  	[sflag:s23] =	ssyncset.done $0x0  }
0xa4: {  	s25 =	simm.s32 $0x1B8E;
	s24 =	sld [smem:$0x3FFE];
	[sflag:s23] =	ssyncadd.s32 $0xFFFFFFFF  }
0xa5: {  	s26 =	simm.s32 $execute0_lowered;
	[smem:$0x3FD2] =	sst s25  }
0xa6: {  	s4 =	sshll.u32 s26, $0x1;
	_ =	strace $0x80000049;
	[dreg:$0x1] =	wrdreg $0xFFFFFFFF  }
0xa7: {  	s28 =	simm.s32 $_size_execute0_lowered;
	s2 =	sadd.s32 s2, s4;
	[dreg:$0x0] =	wrdreg $0x0  }
0xa8: {  	s4 =	sshll.u32 s28, $0x1;
	[dreg:$0x2] =	wrdreg s2  }
0xa9: {  	[dreg:$0x3] =	wrdreg s4  }
0xaa: {  	[dreg:$0x4] =	wrdreg $0xC0  }
0xab: {  	_ =	task [dreg:s6], $0x5FFFF  }
0xac: {  	[dreg:$0x1] =	wrdreg $0xFFFFFFFF  }
0xad: {  	[dreg:$0x0] =	wrdreg $0x60  }
0xae: {  	[dreg:$0x2] =	wrdreg s24  }
0xaf: {  	[dreg:$0x3] =	wrdreg $0x42000  }
0xb0: {  	[dreg:$0x4] =	wrdreg $0x9  }
0xb1: {  	_ =	task.clear_ibuf [dreg:s6], $0x5FFFF;
	_ =	strace $0x90000049  }
0xb2: {  	s29 =	simm.s32 $0x9;
	_ =	strace $0x8000004B  }
0xb3: {  	_ =	swait.ge [sflag:s29], $0x1  }
0xb4: {  	[sflag:s29] =	ssyncadd.s32 $0xFFFFFFFF  }
0xb5: {  	_ =	strace $0x9000004B  }
0xb6: {  	_ =	sfence  }
0xb7: {  	s30 =	sld [smem:$0x0];
	_ =	sdelay $0x2  }
0xb8: {  	s31 =	sshll.u32 s1, $0xD;
	s1 =	sshrl.u32 s1, $0x2  }
0xb9: {  	s3 =	sand.u32 $0x4000, s31;
	s1 =	sadd.s32 s1, s30  }
0xba: {  	s0 =	sor.u32 s3, s0;
	s1 =	sshll.u32 s1, $0x11  }
0xbb: {  	s0 =	sor.u32 s1, s0  }
0xbc: {  	s0 =	sadd.s32 $0x8F2B, s0  }
0xbd: {  	[sflag:s0] =	ssyncadd.remote.s32 $0x1  }
0xbe: {  	_ =	sfence.sel $0xFFFF  }
0xbf: {  	[dreg:$0x0] =	wrdreg $0xFFFFFFFF;
	(pc) =	sbr.abs _section_cstart, $3  }
0xc0: {  	[dreg:$0x1] =	wrdreg $0xFFFFFFFF  }
0xc1: {  	_ =	task.clear_ibuf [dreg:s6], $0x2FFFF;
	_ =	strace $0x9FFFFFFF  }
0xc2: {  	(tm) =	ssettm $0x7FFFFFFF  }
0xc3: {  	_ =	shalt  }
tec
execute0_lowered:
.L_overlay_start_1:
0x0: {  	(tag) =	ssettag $0x1  }
0x1: {  	s8 =	rddreg [dreg:$0x0]  }
0x2: {  	s1 =	rddreg [dreg:$0x1]  }
0x3: {  	s0 =	rddreg [dreg:$0x2];
	s3 =	simm.s32 $0x0  }
0x4: {  	s2 =	srdreg.scid;
	s14 =	simm.s32 $0x2;
	s15 =	simm.s32 $0x100  }
0x5: {  	s16 =	simm.s32 $0x80;
	s17 =	simm.s32 $0x1200;
	s9 =	sand.u32 $0x1, s2  }
0x6: {  	s18 =	simm.s32 $0x2200;
	s2 =	stileid.u32;
	s7 =	smul.u32 $0x32000, s9  }
0x7: {  	s20 =	simm.s32 $0x180;
	s21 =	simm.s32 $0x0;
	s10 =	smul.u32 $0x3200, s2  }
0x8: {  	[smem:$0x7FF] =	sst s3;
	s4 =	sadd.s32 $0xE6B400, s8;
	s11 =	smul.u32 $0x64000, s2  }
0x9: {  	s5 =	sadd.s32 $0xECF400, s8;
	s6 =	sadd.s32 $0x4600, s8;
	s19 =	smul.u32 $0xC350, s9  }
0xa: {  	_ =	strace $0x8000004A;
	s30 =	ssub.s32 $0x2, s9;
	s9 =	smul.u32 $0x1880, s9  }
0xb: {  	s31 =	sshrl.u32 s30, $0x1;
	s10 =	sadd.s32 s10, s7;
	s7 =	sadd.s32 $0xE52C00, s8  }
0xc: {  	s11 =	sshrl.u32 s11, $0x2;
	s13 =	ssub.s32 s30, s31;
	v0 =	vmov s19;
	s19 =	simm.s32 $0x1  }
0xd: {  	s12 =	sadd.s32 s10, s8;
	s8 =	sadd.s32 s11, s1;
	s10 =	smul.u32 $0x188, s2  }
0xe: {  	v1 =	vimm.f32 $0.0e+00;
	s11 =	sadd.s32 $0x14EF400, s12;
	s12 =	smax.u32 s13, $0x1;
	s13 =	simm.s32 $0x200  }
.LBB2_1:
0xf: {  	s22 =	simm.s32 $0x0  }
.LBB2_2:
0x10: {  	p0 =	sne.s32 s22, $0x3F80  }
.Ltmp0:
0x11: {  	_ = 	snop;
	(pc) =	sbr.rel @p0 .LBB2_2-.Ltmp0, $4  }
0x12: {  	_ = 	snop  }
0x13: {  	s23 =	sshra.s32 s22, $0x2  }
0x14: {  	[tilespmem:s23+$0x200] =	vst v1  }
0x15: {  	s22 =	sadd.s32 $0x80, s22;
	[tilespmem:s23+$0x210] =	vst v1  }
0x16: {  	s22 =	sadd.s32 $0x0, s8  }
0x17: {  	[spmem:s22] =	stream.linear.scatter [tilespmem:s13], [sflag:$0x2], $0x1000, $0x38;
	[tilespmem:$0x1D200] =	vst v63  }
0x18: {  	s22 =	simm.s32 $0x4000;
	_ =	swait.ge [sflag:s14], $0x1000  }
.LBB2_4:
0x19: {  	s23 =	sshra.s32 s22, $0x2;
	[sflag:s14] =	ssyncset.done $0x0;
	p0 =	sne.s32 s22, $0x60000  }
.Ltmp1:
0x1a: {  	s23 =	sadd.s32 s23, s8;
	[sflag:s14] =	ssyncadd.s32 $0xFFFFF000;
	(pc) =	sbr.rel @p0 .LBB2_4-.Ltmp1, $3  }
0x1b: {  	[spmem:s23] =	stream.linear.scatter [tilespmem:s13], [sflag:$0x2], $0x1000, $0x38;
	[tilespmem:$0x1D200] =	vst v63  }
0x1c: {  	s22 =	sadd.s32 $0x4000, s22;
	_ =	sdelay $0x1  }
0x1d: {  	_ =	swait.ge [sflag:s14], $0x1000  }
0x1e: {  	[sflag:s14] =	ssyncset.done $0x0  }
0x1f: {  	[sflag:s14] =	ssyncadd.s32 $0xFFFFF000  }
0x20: {  	s22 =	simm.s32 $0x0;
	[bflag:$0x0] =	sbarrier.arrive $0xFFFF  }
.LBB2_6:
0x21: {  	s23 =	sshll.u32 s22, $0x1  }
0x22: {  	s23 =	sadd.s32 s10, s23  }
0x23: {  	s24 =	sshll.u32 s23, $0x4  }
0x24: {  	s25 =	sadd.s32 s6, s24  }
0x25: {  	[tilespmem:s3], [sflag:$0x2] =	stream.linear.gather [hbm4b:s25+s3], $0x100, $0x38;
	[tilespmem:$0x1D200] =	vst v63  }
0x26: {  	_ =	swait.ge [sflag:s14], $0x100  }
0x27: {  	[sflag:s14] =	ssyncset.done $0x0  }
0x28: {  	s24 =	sadd.s32 s7, s24;
	[sflag:s14] =	ssyncadd.s32 $0xFFFFFF00  }
0x29: {  	[tilespmem:s15], [sflag:$0x2] =	stream.linear.gather [hbm4b:s24+s3], $0x100, $0x38;
	[tilespmem:$0x1D200] =	vst v63  }
0x2a: {  	_ =	swait.ge [sflag:s14], $0x100  }
0x2b: {  	[sflag:s14] =	ssyncset.done $0x0  }
0x2c: {  	[sflag:s14] =	ssyncadd.s32 $0xFFFFFF00  }
0x2d: {  	v2 =	vld [tilespmem:$0x0]  }
0x2e: {  	v3 =	vld [tilespmem:$0x10]  }
0x2f: {  	v4 =	vld [tilespmem:$0x20]  }
0x30: {  	v5 =	vld [tilespmem:$0x30]  }
0x31: {  	v6 =	vld [tilespmem:$0x40]  }
0x32: {  	v7 =	vld [tilespmem:$0x50];
	v2 =	vadd.s32 v0, v2  }
0x33: {  	[tilespmem:$0x0] =	vst v2;
	v2 =	vadd.s32 v0, v3;
	v3 =	vld [tilespmem:$0x60]  }
0x34: {  	[tilespmem:$0x10] =	vst v2;
	v2 =	vadd.s32 v0, v4;
	v4 =	vld [tilespmem:$0x70]  }
0x35: {  	[tilespmem:$0x20] =	vst v2;
	v2 =	vadd.s32 v0, v5;
	v5 =	vld [tilespmem:$0x80]  }
0x36: {  	[tilespmem:$0x30] =	vst v2;
	v2 =	vadd.s32 v0, v6;
	v6 =	vld [tilespmem:$0x90]  }
0x37: {  	[tilespmem:$0x40] =	vst v2;
	v2 =	vadd.s32 v0, v7;
	v7 =	vld [tilespmem:$0xA0]  }
0x38: {  	[tilespmem:$0x50] =	vst v2;
	v2 =	vadd.s32 v0, v3;
	v3 =	vld [tilespmem:$0xB0]  }
0x39: {  	[tilespmem:$0x60] =	vst v2;
	v2 =	vadd.s32 v0, v4;
	v4 =	vld [tilespmem:$0xC0]  }
0x3a: {  	[tilespmem:$0x70] =	vst v2;
	v2 =	vadd.s32 v0, v5;
	v5 =	vld [tilespmem:$0xD0]  }
0x3b: {  	[tilespmem:$0x80] =	vst v2;
	v2 =	vadd.s32 v0, v6;
	v6 =	vld [tilespmem:$0xE0]  }
0x3c: {  	[tilespmem:$0x90] =	vst v2;
	v2 =	vadd.s32 v0, v7;
	v7 =	vld [tilespmem:$0xF0]  }
0x3d: {  	[tilespmem:$0xA0] =	vst v2;
	v2 =	vadd.s32 v0, v3  }
0x3e: {  	[tilespmem:$0xB0] =	vst v2;
	v2 =	vadd.s32 v0, v4  }
0x3f: {  	[tilespmem:$0xC0] =	vst v2;
	v2 =	vadd.s32 v0, v5  }
0x40: {  	[tilespmem:$0xD0] =	vst v2;
	v2 =	vadd.s32 v0, v6  }
0x41: {  	[tilespmem:$0xE0] =	vst v2;
	v2 =	vadd.s32 v0, v7  }
0x42: {  	s23 =	sadd.s32 s9, s23;
	[tilespmem:$0xF0] =	vst v2  }
0x43: {  	[tilespmem:s13], [sflag:$0x1] =	stream.indirect.gather [hbm4b:s4+s16], $0x20, s3, s16, $0xb8;
	[tilespmem:$0x1D200] =	vst v63  }
0x44: {  	s23 =	sshll.u32 s23, $0x9  }
0x45: {  	[tilespmem:s17], [sflag:$0x1] =	stream.indirect.gather [hbm4b:s4+s16], $0x20, s16, s16, $0xb8;
	[tilespmem:$0x1D200] =	vst v63  }
0x46: {  	s23 =	sadd.s32 s5, s23  }
0x47: {  	[tilespmem:s18], [sflag:$0x2] =	stream.linear.gather [hbm4b:s23+s3], $0x2000, $0x38;
	[tilespmem:$0x1D200] =	vst v63  }
0x48: {  	_ =	swait.ge [sflag:s14], $0x2000  }
0x49: {  	[sflag:s14] =	ssyncset.done $0x0  }
0x4a: {  	[sflag:s14] =	ssyncadd.s32 $0xFFFFE000  }
0x4b: {  	_ =	swait.ge [sflag:s19], $0x1000  }
0x4c: {  	[sflag:s19] =	ssyncset.done $0x0  }
0x4d: {  	[sflag:s19] =	ssyncadd.s32 $0xFFFFF000  }
0x4e: {  	_ =	swait.ge [sflag:s19], $0x1000  }
0x4f: {  	[sflag:s19] =	ssyncset.done $0x0  }
0x50: {  	s23 =	simm.s32 $0x240;
	[sflag:s19] =	ssyncadd.s32 $0xFFFFF000  }
0x51: {  	s24 =	simm.s32 $0x2240;
	v2 =	vld [tilespmem:s23+$0xFFFFFFD0]  }
0x52: {  	v3 =	vld [tilespmem:s24+$0xFFFFFFD0]  }
0x53: {  	v4 =	vld [tilespmem:s23+$0xFFFFFFC0]  }
0x54: {  	v5 =	vld [tilespmem:s24+$0xFFFFFFC0];
	_ =	sdelay $0x3  }
0x55: {  	v2 =	vadd.f32 v3, v2  }
0x56: {  	v3 =	vadd.f32 v5, v4  }
0x57: {  	v2 =	vmax.f32 v2, $0.0e+00  }
0x58: {  	v4 =	vld [tilespmem:s23+$0xFFFFFFE0];
	[tilespmem:s23+$0xFFFFFFD0] =	vst v2;
	v2 =	vmax.f32 v3, $0.0e+00  }
0x59: {  	v3 =	vld [tilespmem:s23+$0xFFFFFFF0];
	[tilespmem:s23+$0xFFFFFFC0] =	vst v2  }
0x5a: {  	v2 =	vld [tilespmem:s24+$0xFFFFFFF0]  }
0x5b: {  	v5 =	vld [tilespmem:s24+$0xFFFFFFE0];
	_ =	sdelay $0x3  }
0x5c: {  	v2 =	vadd.f32 v2, v3  }
0x5d: {  	v3 =	vadd.f32 v5, v4  }
0x5e: {  	v2 =	vmax.f32 v2, $0.0e+00  }
0x5f: {  	[tilespmem:s23+$0xFFFFFFF0] =	vst v2;
	v2 =	vmax.f32 v3, $0.0e+00;
	v3 =	vld [tilespmem:s23+$0x10]  }
0x60: {  	[tilespmem:s23+$0xFFFFFFE0] =	vst v2;
	v2 =	vld [tilespmem:s23+$0x0]  }
0x61: {  	v4 =	vld [tilespmem:s24+$0x0]  }
0x62: {  	v5 =	vld [tilespmem:s24+$0x10];
	_ =	sdelay $0x3  }
0x63: {  	v2 =	vadd.f32 v4, v2  }
0x64: {  	v3 =	vadd.f32 v5, v3  }
0x65: {  	v2 =	vmax.f32 v2, $0.0e+00  }
0x66: {  	v4 =	vld [tilespmem:s23+$0x20];
	v3 =	vmax.f32 v3, $0.0e+00;
	[tilespmem:s23+$0x0] =	vst v2  }
0x67: {  	v2 =	vld [tilespmem:s23+$0x30];
	[tilespmem:s23+$0x10] =	vst v3  }
0x68: {  	v5 =	vld [tilespmem:s24+$0x20]  }
0x69: {  	v3 =	vld [tilespmem:s24+$0x30];
	_ =	sdelay $0x3  }
0x6a: {  	s26 =	simm.s32 $0x0;
	s25 =	simm.s32 $0x240;
	v4 =	vadd.f32 v5, v4  }
.LBB2_7:
0x6b: {  	s26 =	sadd.s32 $0x4, s26;
	v2 =	vadd.f32 v3, v2;
	s23 =	sadd.s32 $0x80, s23;
	s24 =	sadd.s32 $0x80, s24  }
0x6c: {  	p0 =	slt.u32 s26, $0xFC;
	v3 =	vmax.f32 v4, $0.0e+00  }
0x6d: {  	v4 =	vld [tilespmem:s23+$0xFFFFFFC0];
	[tilespmem:s25+$0x20] =	vst v3;
	v2 =	vmax.f32 v2, $0.0e+00  }
0x6e: {  	v3 =	vld [tilespmem:s23+$0xFFFFFFD0];
	[tilespmem:s25+$0x30] =	vst v2;
	s25 =	smov.u32 s23  }
0x6f: {  	v2 =	vld [tilespmem:s24+$0xFFFFFFD0]  }
0x70: {  	v5 =	vld [tilespmem:s24+$0xFFFFFFC0];
	_ =	sdelay $0x3  }
0x71: {  	v2 =	vadd.f32 v2, v3  }
0x72: {  	v3 =	vadd.f32 v5, v4  }
0x73: {  	v2 =	vmax.f32 v2, $0.0e+00  }
0x74: {  	v3 =	vmax.f32 v3, $0.0e+00;
	[tilespmem:s23+$0xFFFFFFD0] =	vst v2;
	v2 =	vld [tilespmem:s23+$0xFFFFFFF0]  }
0x75: {  	[tilespmem:s23+$0xFFFFFFC0] =	vst v3;
	v3 =	vld [tilespmem:s23+$0xFFFFFFE0]  }
0x76: {  	v4 =	vld [tilespmem:s24+$0xFFFFFFF0]  }
0x77: {  	v5 =	vld [tilespmem:s24+$0xFFFFFFE0];
	_ =	sdelay $0x3  }
0x78: {  	v2 =	vadd.f32 v4, v2  }
0x79: {  	v3 =	vadd.f32 v5, v3  }
0x7a: {  	v2 =	vmax.f32 v2, $0.0e+00  }
0x7b: {  	v3 =	vmax.f32 v3, $0.0e+00;
	[tilespmem:s23+$0xFFFFFFF0] =	vst v2;
	v2 =	vld [tilespmem:s23+$0x10]  }
0x7c: {  	[tilespmem:s23+$0xFFFFFFE0] =	vst v3;
	v3 =	vld [tilespmem:s23+$0x0]  }
0x7d: {  	v4 =	vld [tilespmem:s24+$0x0]  }
0x7e: {  	v5 =	vld [tilespmem:s24+$0x10];
	_ =	sdelay $0x3  }
0x7f: {  	v3 =	vadd.f32 v4, v3  }
0x80: {  	v2 =	vadd.f32 v5, v2  }
0x81: {  	v3 =	vmax.f32 v3, $0.0e+00;
	v4 =	vld [tilespmem:s23+$0x20]  }
0x82: {  	[tilespmem:s23+$0x0] =	vst v3;
	v3 =	vmax.f32 v2, $0.0e+00;
	v2 =	vld [tilespmem:s23+$0x30]  }
0x83: {  	[tilespmem:s23+$0x10] =	vst v3  }
0x84: {  	v5 =	vld [tilespmem:s24+$0x20]  }
.Ltmp2:
0x85: {  	v3 =	vld [tilespmem:s24+$0x30];
	(pc) =	sbr.rel @p0 .LBB2_7-.Ltmp2, $2  }
0x86: {  	_ =	sdelay $0x2  }
0x87: {  	v4 =	vadd.f32 v5, v4  }
0x88: {  	v2 =	vadd.f32 v3, v2  }
0x89: {  	v3 =	vmax.f32 v4, $0.0e+00  }
0x8a: {  	[tilespmem:s25+$0x20] =	vst v3;
	v2 =	vmax.f32 v2, $0.0e+00  }
0x8b: {  	[tilespmem:s25+$0x30] =	vst v2  }
0x8c: {  	[spmem:s1] =	stream.indirect.scatter.add.f32 [tilespmem:s13], [sflag:$0x2], $0x20, s15, s16, $0xb8;
	[tilespmem:$0x1D200] =	vst v63  }
0x8d: {  	s22 =	sadd.s32 $0x1, s22;
	_ =	swait.ge [sflag:s14], $0x1000  }
0x8e: {  	p0 =	sne.s32 s22, $0xC4;
	[sflag:s14] =	ssyncset.done $0x0  }
.Ltmp3:
0x8f: {  	[sflag:s14] =	ssyncadd.s32 $0xFFFFF000;
	(pc) =	sbr.rel @p0 .LBB2_6-.Ltmp3, $4  }
0x90: {  	[spmem:s1] =	stream.indirect.scatter.add.f32 [tilespmem:s17], [sflag:$0x2], $0x20, s20, s16, $0xb8;
	[tilespmem:$0x1D200] =	vst v63  }
0x91: {  	_ =	swait.ge [sflag:s14], $0x1000  }
0x92: {  	[sflag:s14] =	ssyncset.done $0x0  }
0x93: {  	[sflag:s14] =	ssyncadd.s32 $0xFFFFF000  }
0x94: {  	s21 =	sadd.s32 $0x1, s21  }
0x95: {  	s22 =	sshll.u32 s2, $0x6;
	[bflag:$0x0] =	sbarrier.arrive $0xFFFF;
	p0 =	sne.s32 s21, s12  }
.Ltmp4:
0x96: {  	s23 =	sshrl.u32 s8, $0x3;
	s22 =	sor.u32 $0x1C02, s22;
	(pc) =	sbr.rel @p0 .LBB2_1-.Ltmp4, $4  }
0x97: {  	[hbm:s11], [sflag:s22] =	dma.local [spmem:s23], $0x3200  }
0x98: {  	_ =	swait.ge [sflag:s14], $0x3200  }
0x99: {  	[sflag:s14] =	ssyncset.done $0x0  }
0x9a: {  	[sflag:s14] =	ssyncadd.s32 $0xFFFFCE00  }
0x9b: {  	_ =	sfence.sel $0x180000  }
0x9c: {  	[bflag:$0x0] =	sbarrier.arrive $0xFFFF  }
0x9d: {  	p0 =	sne.s32 s2, $0x0;
	_ =	strace $0x9000004A  }
0x9e: {  	s0 =	sadd.s32 @!p0 $0x100000, s0;
	[bflag:$0x2] =	sbarrier.arrive $0xFFFF  }
0x9f: {  	[sflag:s0] =	ssyncadd.tile.s32 @!p0 $0x1;
	_ =	shalt  }
.Lfunc_end2:
_tile_overlayer_lowered:
.L_overlay_start_2:
0xa0: {  	(tag) =	ssettag $0x2  }
0xa1: {  	s0 =	rddreg [dreg:$0x0];
	s2 =	stileid.u32  }
0xa2: {  	s1 =	rddreg [dreg:$0x1];
	p0 =	sne.s32 s2, $0x0  }
0xa3: {  	s3 =	rddreg [dreg:$0x2];
	[bflag:$0x3] =	sbarrier.arrive $0xFFFF;
	s2 =	simm.s32 @!p0 $0x1C02  }
0xa4: {  	[timem:s3], [sflag:s2] =	dma.local @!p0 [hbm:s0], s1  }
0xa5: {  	s0 =	simm.s32 @!p0 $0x2  }
0xa6: {  	_ =	swait.ge @!p0 [sflag:s0], s1  }
0xa7: {  	s1 =	ssub.s32 @!p0 $0x0, s1;
	[sflag:s0] =	ssyncset.done @!p0 $0x0  }
0xa8: {  	[sflag:s0] =	ssyncadd.s32 @!p0 s1  }
0xa9: {  	[bflag:$0x3] =	sbarrier.arrive $0xFFFF  }
0xaa: {  	_ =	shalt  }

// kernel: kernel.19.cloned.1.call-start
scs
__scs_entry_jumppad:
0x0: {  	(pc) =	sbr.rel $0x88, $3  }
0x1: {  	(tag) =	ssettag $0x0;
	lr =	simm.s32 $0x1  }
0x2: {  	[smem:$0x3F7F] =	sst lr;
	_ =	strace $0xD0000000  }
0x3: {  	_ = 	snop  }
0x4: {  	_ = 	snop  }
0x5: {  	_ = 	snop  }
0x6: {  	_ = 	snop  }
0x7: {  	_ = 	snop  }
__scs_overlays_trampoline_lowered:
0x8: {  	[smem:$0x3F8E] =	sst s0  }
0x9: {  	[smem:$0x3F8F] =	sst s1  }
0xa: {  	[smem:$0x3F90] =	sst s2  }
0xb: {  	[smem:$0x3F91] =	sst s3  }
0xc: {  	[smem:$0x3F92] =	sst s4  }
0xd: {  	[smem:$0x3F93] =	sst s5  }
0xe: {  	[smem:$0x3F94] =	sst s6  }
0xf: {  	[smem:$0x3F95] =	sst s7  }
0x10: {  	[smem:$0x3F96] =	sst s8  }
0x11: {  	[smem:$0x3F97] =	sst s9;
	s0 =	simm.s32 @!p0 $0x0  }
0x12: {  	s1 =	sld [smem:$0x3F7D];
	s0 =	simm.s32 @p0 $0x1  }
0x13: {  	[smem:$0x3F98] =	sst s0;
	s0 =	simm.s32 @!p1 $0x0  }
0x14: {  	s2 =	sld [smem:$0x3F7C];
	s0 =	simm.s32 @p1 $0x1  }
0x15: {  	[smem:$0x3F99] =	sst s0;
	s0 =	simm.s32 @!p2 $0x0  }
0x16: {  	s3 =	sld [smem:$0x3FDB];
	s0 =	simm.s32 @p2 $0x1  }
0x17: {  	s4 =	simm.s32 $0x1BF5;
	[smem:$0x3F9B] =	sst s0  }
0x18: {  	s0 =	sld [smem:$0x3F7E];
	_ =	swait.ge [sflag:s4], $0x0  }
0x19: {  	s7 =	sld [smem:$0x3F7F]  }
0x1a: {  	s8 =	sadd.s32 $0xFFFFE003, lr  }
0x1b: {  	s9 =	sadd.s32 $0xFFFFFEF7, lr;
	s5 =	simm.s32 $0xFFFFFFFF;
	p2 =	slt.u32 s8, $0xFFFFF086  }
0x1c: {  	p1 =	slt.u32 s9, $0xF7A;
	s5 =	simm.s32 @!p2 $0x0  }
0x1d: {  	s5 =	simm.s32 @p1 $0x1;
	p0 =	seq.s32 s7, s2  }
0x1e: {  	s7 =	smul.u32 @!p0 $0xF7A, s2;
	p2 =	seq.s32 @!p0 s5, $0x0  }
0x1f: {  	s9 =	smul.u32 $0xF7A, s1;
	s8 =	simm.s32 @!p0 $0x1BF5;
	p2 =	por !p2, p0  }
0x20: {  	[sflag:s8] =	ssyncset.s32 @!p0 $0xFFFFF086;
	s6 =	sadd.s32 @!p0 s3, s7;
	s7 =	simm.s32 @!p0 $0x108  }
0x21: {  	s3 =	sadd.s32 s3, s9;
	s6 =	sadd.s32 @!p0 $0x88, s6;
	s7 =	simm.s32 @p2 $0x1082  }
0x22: {  	[simem:s7], [sflag:s8] =	dma.local @!p0 [hbm:s6], $0xF7A  }
0x23: {  	s9 =	sor.u32 $0xD0000000, s2;
	s6 =	simm.s32 $0x108;
	_ =	swait.ge @!p0 [sflag:s8], $0x0  }
0x24: {  	s3 =	sadd.s32 $0x88, s3;
	s6 =	simm.s32 @!p1 $0x1082;
	[sflag:s4] =	ssyncset.s32 $0xFFFFF086  }
0x25: {  	[simem:s6], [sflag:s4] =	dma.local [hbm:s3], $0xF7A  }
0x26: {  	[smem:$0x3F7F] =	sst s1;
	(tag) =	ssettag s2;
	_ =	strace s9  }
0x27: {  	s1 =	sld [smem:$0x3F8F]  }
0x28: {  	s2 =	sld [smem:$0x3F90]  }
0x29: {  	s4 =	sld [smem:$0x3F92]  }
0x2a: {  	p0 =	seq.s32 s5, $0x0;
	s5 =	sld [smem:$0x3F93]  }
0x2b: {  	s6 =	sld [smem:$0x3F94]  }
0x2c: {  	s7 =	sld [smem:$0x3F95]  }
0x2d: {  	s3 =	simm.s32 $0x108;
	s8 =	sld [smem:$0x3F96]  }
0x2e: {  	s3 =	simm.s32 @!p0 $0x1082;
	s9 =	sld [smem:$0x3F97]  }
0x2f: {  	lr =	sadd.s32 s0, s3;
	s0 =	sld [smem:$0x3F8E]  }
0x30: {  	s3 =	sld [smem:$0x3F91]  }
0x31: {  	[smem:$0x3F9A] =	sst s10  }
0x32: {  	s10 =	sld [smem:$0x3F98];
	_ =	sdelay $0x3  }
0x33: {  	p0 =	seq.s32 s10, $0x1;
	s10 =	sld [smem:$0x3F9A];
	_ =	sdelay $0x3  }
0x34: {  	[smem:$0x3F9A] =	sst s10  }
0x35: {  	s10 =	sld [smem:$0x3F99];
	_ =	sdelay $0x3  }
0x36: {  	p1 =	seq.s32 s10, $0x1;
	s10 =	sld [smem:$0x3F9A];
	_ =	sdelay $0x3  }
0x37: {  	[smem:$0x3F9A] =	sst s10  }
0x38: {  	s10 =	sld [smem:$0x3F9B]  }
0x39: {  	_ = 	snop;
	(pc) =	sbr.ind lr, $3  }
0x3a: {  	_ = 	snop  }
0x3b: {  	_ = 	snop  }
0x3c: {  	p2 =	seq.s32 s10, $0x1;
	s10 =	sld [smem:$0x3F9A]  }
0x3d: {  	_ =	shalt  }
0x3e: {  	_ =	shalt  }
0x3f: {  	_ =	shalt  }
0x40: {  	_ =	shalt  }
0x41: {  	_ =	shalt  }
0x42: {  	_ =	shalt  }
0x43: {  	_ =	shalt  }
0x44: {  	_ =	shalt  }
0x45: {  	_ =	shalt  }
0x46: {  	_ =	shalt  }
0x47: {  	_ =	shalt  }
0x48: {  	_ =	shalt  }
0x49: {  	_ =	shalt  }
0x4a: {  	_ =	shalt  }
0x4b: {  	_ =	shalt  }
0x4c: {  	_ =	shalt  }
0x4d: {  	_ =	shalt  }
0x4e: {  	_ =	shalt  }
0x4f: {  	_ =	shalt  }
0x50: {  	_ =	shalt  }
0x51: {  	_ =	shalt  }
0x52: {  	_ =	shalt  }
0x53: {  	_ =	shalt  }
0x54: {  	_ =	shalt  }
0x55: {  	_ =	shalt  }
0x56: {  	_ =	shalt  }
0x57: {  	_ =	shalt  }
0x58: {  	_ =	shalt  }
0x59: {  	_ =	shalt  }
0x5a: {  	_ =	shalt  }
0x5b: {  	_ =	shalt  }
0x5c: {  	_ =	shalt  }
0x5d: {  	_ =	shalt  }
0x5e: {  	_ =	shalt  }
0x5f: {  	_ =	shalt  }
0x60: {  	_ =	shalt  }
0x61: {  	_ =	shalt  }
0x62: {  	_ =	shalt  }
0x63: {  	_ =	shalt  }
0x64: {  	_ =	shalt  }
0x65: {  	_ =	shalt  }
0x66: {  	_ =	shalt  }
0x67: {  	_ =	shalt  }
0x68: {  	_ =	shalt  }
0x69: {  	_ =	shalt  }
0x6a: {  	_ =	shalt  }
0x6b: {  	_ =	shalt  }
0x6c: {  	_ =	shalt  }
0x6d: {  	_ =	shalt  }
0x6e: {  	_ =	shalt  }
0x6f: {  	_ =	shalt  }
0x70: {  	_ =	shalt  }
0x71: {  	_ =	shalt  }
0x72: {  	_ =	shalt  }
0x73: {  	_ =	shalt  }
0x74: {  	_ =	shalt  }
0x75: {  	_ =	shalt  }
0x76: {  	_ =	shalt  }
0x77: {  	_ =	shalt  }
0x78: {  	_ =	shalt  }
0x79: {  	_ =	shalt  }
0x7a: {  	_ =	shalt  }
0x7b: {  	_ =	shalt  }
0x7c: {  	_ =	shalt  }
0x7d: {  	_ =	shalt  }
0x7e: {  	_ =	shalt  }
0x7f: {  	_ =	shalt  }
0x80: {  	_ =	shalt  }
0x81: {  	_ =	shalt  }
0x82: {  	_ =	shalt  }
0x83: {  	_ =	shalt  }
0x84: {  	_ =	shalt  }
0x85: {  	_ =	shalt  }
0x86: {  	_ =	shalt  }
0x87: {  	_ =	shalt  }
.Lfunc_end0:
.L_simem_size_0:
called_computation.2_lowered:
.L_overlay_start_0:
0x88: {  	s2 =	sld [smem:$0x3FD9]  }
0x89: {  	s3 =	sld [smem:$0x3FFE];
	_ =	sdelay $0x1  }
0x8a: {  	s1 =	srdreg.scid  }
0x8b: {  	s0 =	sand.u32 $0x1, s1  }
0x8c: {  	s16 =	sshll.u32 s0, $0xA;
	s2 =	sadd.s32 s3, s2  }
0x8d: {  	s2 =	sadd.s32 s2, s16  }
0x8e: {  	[smem:$0x3FA6] =	sst s2  }
0x8f: {  	_ = 	snop  }
0x90: {  	(tm) =	ssettm $0x1  }
0x91: {  	s17 =	sld [smem:$0x3FFB];
	_ =	sdelay $0x3  }
0x92: {  	_ =	strace s17  }
0x93: {  	s2 =	sld [smem:$0x3FFC];
	_ =	sdelay $0x3  }
0x94: {  	_ =	strace s2  }
0x95: {  	s2 =	sld [smem:$0x3FFD];
	_ =	sdelay $0x3  }
0x96: {  	_ =	strace s2  }
0x97: {  	_ =	strace $0x8FFFFFFF  }
0x98: {  	s18 =	sld [smem:$0x3FDB];
	_ =	sdelay $0x1  }
0x99: {  	s19 =	simm.s32 $_scs_section_size  }
0x9a: {  	s4 =	simm.s32 $_size__tile_overlayer_lowered;
	s5 =	simm.s32 $_tile_overlayer_lowered  }
0x9b: {  	s22 =	simm.s32 $0x1BFF;
	s21 =	sshll.u32 s5, $0x1;
	s2 =	sadd.s32 s19, s18  }
0x9c: {  	s6 =	simm.s32 $0x0;
	s20 =	sshll.u32 s4, $0x1;
	s4 =	sadd.s32 s21, s2  }
0x9d: {  	[timem:s6], [sflag:s22] =	dma.local [hbm:s4], s20  }
0x9e: {  	_ =	swait.ge [sflag:s22], s20  }
0x9f: {  	s3 =	ssub.s32 $0x0, s20;
	[sflag:s22] =	ssyncset.done $0x0  }
0xa0: {  	[sflag:s22] =	ssyncadd.s32 s3;
	_ =	sdelay $0x1  }
0xa1: {  	s23 =	simm.s32 $0x1B8B  }
0xa2: {  	_ =	swait.ge [sflag:s23], $0x1  }
0xa3: {  	[sflag:s23] =	ssyncset.done $0x0  }
0xa4: {  	s25 =	simm.s32 $0x1B8E;
	s24 =	sld [smem:$0x3FFE];
	[sflag:s23] =	ssyncadd.s32 $0xFFFFFFFF  }
0xa5: {  	s26 =	simm.s32 $execute0_lowered;
	[smem:$0x3FD2] =	sst s25  }
0xa6: {  	s4 =	sshll.u32 s26, $0x1;
	_ =	strace $0x8000004C;
	[dreg:$0x1] =	wrdreg $0xFFFFFFFF  }
0xa7: {  	s28 =	simm.s32 $_size_execute0_lowered;
	s2 =	sadd.s32 s2, s4;
	[dreg:$0x0] =	wrdreg $0x0  }
0xa8: {  	s4 =	sshll.u32 s28, $0x1;
	[dreg:$0x2] =	wrdreg s2  }
0xa9: {  	[dreg:$0x3] =	wrdreg s4  }
0xaa: {  	[dreg:$0x4] =	wrdreg $0xC0  }
0xab: {  	_ =	task [dreg:s6], $0x5FFFF  }
0xac: {  	[dreg:$0x1] =	wrdreg $0xFFFFFFFF  }
0xad: {  	[dreg:$0x0] =	wrdreg $0x60  }
0xae: {  	[dreg:$0x2] =	wrdreg s24  }
0xaf: {  	[dreg:$0x3] =	wrdreg $0x42000  }
0xb0: {  	[dreg:$0x4] =	wrdreg $0x9  }
0xb1: {  	_ =	task.clear_ibuf [dreg:s6], $0x5FFFF;
	_ =	strace $0x9000004C  }
0xb2: {  	s29 =	simm.s32 $0x9;
	_ =	strace $0x8000004E  }
0xb3: {  	_ =	swait.ge [sflag:s29], $0x1  }
0xb4: {  	[sflag:s29] =	ssyncadd.s32 $0xFFFFFFFF  }
0xb5: {  	_ =	strace $0x9000004E  }
0xb6: {  	_ =	sfence  }
0xb7: {  	s30 =	sld [smem:$0x0];
	_ =	sdelay $0x2  }
0xb8: {  	s31 =	sshll.u32 s1, $0xD;
	s1 =	sshrl.u32 s1, $0x2  }
0xb9: {  	s3 =	sand.u32 $0x4000, s31;
	s1 =	sadd.s32 s1, s30  }
0xba: {  	s0 =	sor.u32 s3, s0;
	s1 =	sshll.u32 s1, $0x11  }
0xbb: {  	s0 =	sor.u32 s1, s0  }
0xbc: {  	s0 =	sadd.s32 $0x8F2B, s0  }
0xbd: {  	[sflag:s0] =	ssyncadd.remote.s32 $0x1  }
0xbe: {  	_ =	sfence.sel $0xFFFF  }
0xbf: {  	[dreg:$0x0] =	wrdreg $0xFFFFFFFF;
	(pc) =	sbr.abs _section_cstart, $3  }
0xc0: {  	[dreg:$0x1] =	wrdreg $0xFFFFFFFF  }
0xc1: {  	_ =	task.clear_ibuf [dreg:s6], $0x2FFFF;
	_ =	strace $0x9FFFFFFF  }
0xc2: {  	(tm) =	ssettm $0x7FFFFFFF  }
0xc3: {  	_ =	shalt  }
tec
execute0_lowered:
.L_overlay_start_1:
0x0: {  	(tag) =	ssettag $0x1  }
0x1: {  	s8 =	rddreg [dreg:$0x0]  }
0x2: {  	s1 =	rddreg [dreg:$0x1]  }
0x3: {  	s0 =	rddreg [dreg:$0x2];
	s3 =	simm.s32 $0x0  }
0x4: {  	s2 =	srdreg.scid;
	s14 =	simm.s32 $0x2;
	s15 =	simm.s32 $0x100  }
0x5: {  	s16 =	simm.s32 $0x80;
	s17 =	simm.s32 $0x1200;
	s9 =	sand.u32 $0x1, s2  }
0x6: {  	s18 =	simm.s32 $0x2200;
	s2 =	stileid.u32;
	s7 =	smul.u32 $0x32000, s9  }
0x7: {  	s20 =	simm.s32 $0x180;
	s21 =	simm.s32 $0x0;
	s10 =	smul.u32 $0x3200, s2  }
0x8: {  	[smem:$0x7FF] =	sst s3;
	s4 =	sadd.s32 $0xE6B400, s8;
	s11 =	smul.u32 $0x64000, s2  }
0x9: {  	s5 =	sadd.s32 $0x1CE00, s8;
	s6 =	sadd.s32 $0x4600, s8;
	s19 =	smul.u32 $0xC350, s9  }
0xa: {  	_ =	strace $0x8000004D;
	s30 =	ssub.s32 $0x2, s9;
	s9 =	smul.u32 $0x1880, s9  }
0xb: {  	s31 =	sshrl.u32 s30, $0x1;
	s10 =	sadd.s32 s10, s7;
	s7 =	sadd.s32 $0xE52C00, s8  }
0xc: {  	s11 =	sshrl.u32 s11, $0x2;
	s13 =	ssub.s32 s30, s31;
	v0 =	vmov s19;
	s19 =	simm.s32 $0x1  }
0xd: {  	s12 =	sadd.s32 s10, s8;
	s8 =	sadd.s32 s11, s1;
	s10 =	smul.u32 $0x188, s2  }
0xe: {  	v1 =	vimm.f32 $0.0e+00;
	s11 =	sadd.s32 $0xECD000, s12;
	s12 =	smax.u32 s13, $0x1;
	s13 =	simm.s32 $0x200  }
.LBB2_1:
0xf: {  	s22 =	simm.s32 $0x0  }
.LBB2_2:
0x10: {  	p0 =	sne.s32 s22, $0x3F80  }
.Ltmp0:
0x11: {  	_ = 	snop;
	(pc) =	sbr.rel @p0 .LBB2_2-.Ltmp0, $4  }
0x12: {  	_ = 	snop  }
0x13: {  	s23 =	sshra.s32 s22, $0x2  }
0x14: {  	[tilespmem:s23+$0x200] =	vst v1  }
0x15: {  	s22 =	sadd.s32 $0x80, s22;
	[tilespmem:s23+$0x210] =	vst v1  }
0x16: {  	s22 =	sadd.s32 $0x0, s8  }
0x17: {  	[spmem:s22] =	stream.linear.scatter [tilespmem:s13], [sflag:$0x2], $0x1000, $0x38;
	[tilespmem:$0x1D200] =	vst v63  }
0x18: {  	s22 =	simm.s32 $0x4000;
	_ =	swait.ge [sflag:s14], $0x1000  }
.LBB2_4:
0x19: {  	s23 =	sshra.s32 s22, $0x2;
	[sflag:s14] =	ssyncset.done $0x0;
	p0 =	sne.s32 s22, $0x60000  }
.Ltmp1:
0x1a: {  	s23 =	sadd.s32 s23, s8;
	[sflag:s14] =	ssyncadd.s32 $0xFFFFF000;
	(pc) =	sbr.rel @p0 .LBB2_4-.Ltmp1, $3  }
0x1b: {  	[spmem:s23] =	stream.linear.scatter [tilespmem:s13], [sflag:$0x2], $0x1000, $0x38;
	[tilespmem:$0x1D200] =	vst v63  }
0x1c: {  	s22 =	sadd.s32 $0x4000, s22;
	_ =	sdelay $0x1  }
0x1d: {  	_ =	swait.ge [sflag:s14], $0x1000  }
0x1e: {  	[sflag:s14] =	ssyncset.done $0x0  }
0x1f: {  	[sflag:s14] =	ssyncadd.s32 $0xFFFFF000  }
0x20: {  	s22 =	simm.s32 $0x0;
	[bflag:$0x0] =	sbarrier.arrive $0xFFFF  }
.LBB2_6:
0x21: {  	s23 =	sshll.u32 s22, $0x1  }
0x22: {  	s23 =	sadd.s32 s10, s23  }
0x23: {  	s24 =	sshll.u32 s23, $0x4  }
0x24: {  	s25 =	sadd.s32 s6, s24  }
0x25: {  	[tilespmem:s3], [sflag:$0x2] =	stream.linear.gather [hbm4b:s25+s3], $0x100, $0x38;
	[tilespmem:$0x1D200] =	vst v63  }
0x26: {  	_ =	swait.ge [sflag:s14], $0x100  }
0x27: {  	[sflag:s14] =	ssyncset.done $0x0  }
0x28: {  	s24 =	sadd.s32 s7, s24;
	[sflag:s14] =	ssyncadd.s32 $0xFFFFFF00  }
0x29: {  	[tilespmem:s15], [sflag:$0x2] =	stream.linear.gather [hbm4b:s24+s3], $0x100, $0x38;
	[tilespmem:$0x1D200] =	vst v63  }
0x2a: {  	_ =	swait.ge [sflag:s14], $0x100  }
0x2b: {  	[sflag:s14] =	ssyncset.done $0x0  }
0x2c: {  	[sflag:s14] =	ssyncadd.s32 $0xFFFFFF00  }
0x2d: {  	v2 =	vld [tilespmem:$0x0]  }
0x2e: {  	v3 =	vld [tilespmem:$0x10]  }
0x2f: {  	v4 =	vld [tilespmem:$0x20]  }
0x30: {  	v5 =	vld [tilespmem:$0x30]  }
0x31: {  	v6 =	vld [tilespmem:$0x40]  }
0x32: {  	v7 =	vld [tilespmem:$0x50];
	v2 =	vadd.s32 v0, v2  }
0x33: {  	[tilespmem:$0x0] =	vst v2;
	v2 =	vadd.s32 v0, v3;
	v3 =	vld [tilespmem:$0x60]  }
0x34: {  	[tilespmem:$0x10] =	vst v2;
	v2 =	vadd.s32 v0, v4;
	v4 =	vld [tilespmem:$0x70]  }
0x35: {  	[tilespmem:$0x20] =	vst v2;
	v2 =	vadd.s32 v0, v5;
	v5 =	vld [tilespmem:$0x80]  }
0x36: {  	[tilespmem:$0x30] =	vst v2;
	v2 =	vadd.s32 v0, v6;
	v6 =	vld [tilespmem:$0x90]  }
0x37: {  	[tilespmem:$0x40] =	vst v2;
	v2 =	vadd.s32 v0, v7;
	v7 =	vld [tilespmem:$0xA0]  }
0x38: {  	[tilespmem:$0x50] =	vst v2;
	v2 =	vadd.s32 v0, v3;
	v3 =	vld [tilespmem:$0xB0]  }
0x39: {  	[tilespmem:$0x60] =	vst v2;
	v2 =	vadd.s32 v0, v4;
	v4 =	vld [tilespmem:$0xC0]  }
0x3a: {  	[tilespmem:$0x70] =	vst v2;
	v2 =	vadd.s32 v0, v5;
	v5 =	vld [tilespmem:$0xD0]  }
0x3b: {  	[tilespmem:$0x80] =	vst v2;
	v2 =	vadd.s32 v0, v6;
	v6 =	vld [tilespmem:$0xE0]  }
0x3c: {  	[tilespmem:$0x90] =	vst v2;
	v2 =	vadd.s32 v0, v7;
	v7 =	vld [tilespmem:$0xF0]  }
0x3d: {  	[tilespmem:$0xA0] =	vst v2;
	v2 =	vadd.s32 v0, v3  }
0x3e: {  	[tilespmem:$0xB0] =	vst v2;
	v2 =	vadd.s32 v0, v4  }
0x3f: {  	[tilespmem:$0xC0] =	vst v2;
	v2 =	vadd.s32 v0, v5  }
0x40: {  	[tilespmem:$0xD0] =	vst v2;
	v2 =	vadd.s32 v0, v6  }
0x41: {  	[tilespmem:$0xE0] =	vst v2;
	v2 =	vadd.s32 v0, v7  }
0x42: {  	s23 =	sadd.s32 s9, s23;
	[tilespmem:$0xF0] =	vst v2  }
0x43: {  	[tilespmem:s13], [sflag:$0x1] =	stream.indirect.gather [hbm4b:s4+s16], $0x20, s3, s16, $0xb8;
	[tilespmem:$0x1D200] =	vst v63  }
0x44: {  	s23 =	sshll.u32 s23, $0x9  }
0x45: {  	[tilespmem:s17], [sflag:$0x1] =	stream.indirect.gather [hbm4b:s4+s16], $0x20, s16, s16, $0xb8;
	[tilespmem:$0x1D200] =	vst v63  }
0x46: {  	s23 =	sadd.s32 s5, s23  }
0x47: {  	[tilespmem:s18], [sflag:$0x2] =	stream.linear.gather [hbm4b:s23+s3], $0x2000, $0x38;
	[tilespmem:$0x1D200] =	vst v63  }
0x48: {  	_ =	swait.ge [sflag:s14], $0x2000  }
0x49: {  	[sflag:s14] =	ssyncset.done $0x0  }
0x4a: {  	[sflag:s14] =	ssyncadd.s32 $0xFFFFE000  }
0x4b: {  	_ =	swait.ge [sflag:s19], $0x1000  }
0x4c: {  	[sflag:s19] =	ssyncset.done $0x0  }
0x4d: {  	[sflag:s19] =	ssyncadd.s32 $0xFFFFF000  }
0x4e: {  	_ =	swait.ge [sflag:s19], $0x1000  }
0x4f: {  	[sflag:s19] =	ssyncset.done $0x0  }
0x50: {  	s23 =	simm.s32 $0x240;
	[sflag:s19] =	ssyncadd.s32 $0xFFFFF000  }
0x51: {  	s24 =	simm.s32 $0x2240;
	v2 =	vld [tilespmem:s23+$0xFFFFFFD0]  }
0x52: {  	v3 =	vld [tilespmem:s24+$0xFFFFFFD0]  }
0x53: {  	v4 =	vld [tilespmem:s23+$0xFFFFFFC0]  }
0x54: {  	v5 =	vld [tilespmem:s24+$0xFFFFFFC0];
	_ =	sdelay $0x3  }
0x55: {  	v2 =	vadd.f32 v3, v2  }
0x56: {  	v3 =	vadd.f32 v5, v4  }
0x57: {  	v2 =	vmax.f32 v2, $0.0e+00  }
0x58: {  	v4 =	vld [tilespmem:s23+$0xFFFFFFE0];
	[tilespmem:s23+$0xFFFFFFD0] =	vst v2;
	v2 =	vmax.f32 v3, $0.0e+00  }
0x59: {  	v3 =	vld [tilespmem:s23+$0xFFFFFFF0];
	[tilespmem:s23+$0xFFFFFFC0] =	vst v2  }
0x5a: {  	v2 =	vld [tilespmem:s24+$0xFFFFFFF0]  }
0x5b: {  	v5 =	vld [tilespmem:s24+$0xFFFFFFE0];
	_ =	sdelay $0x3  }
0x5c: {  	v2 =	vadd.f32 v2, v3  }
0x5d: {  	v3 =	vadd.f32 v5, v4  }
0x5e: {  	v2 =	vmax.f32 v2, $0.0e+00  }
0x5f: {  	[tilespmem:s23+$0xFFFFFFF0] =	vst v2;
	v2 =	vmax.f32 v3, $0.0e+00;
	v3 =	vld [tilespmem:s23+$0x10]  }
0x60: {  	[tilespmem:s23+$0xFFFFFFE0] =	vst v2;
	v2 =	vld [tilespmem:s23+$0x0]  }
0x61: {  	v4 =	vld [tilespmem:s24+$0x0]  }
0x62: {  	v5 =	vld [tilespmem:s24+$0x10];
	_ =	sdelay $0x3  }
0x63: {  	v2 =	vadd.f32 v4, v2  }
0x64: {  	v3 =	vadd.f32 v5, v3  }
0x65: {  	v2 =	vmax.f32 v2, $0.0e+00  }
0x66: {  	v4 =	vld [tilespmem:s23+$0x20];
	v3 =	vmax.f32 v3, $0.0e+00;
	[tilespmem:s23+$0x0] =	vst v2  }
0x67: {  	v2 =	vld [tilespmem:s23+$0x30];
	[tilespmem:s23+$0x10] =	vst v3  }
0x68: {  	v5 =	vld [tilespmem:s24+$0x20]  }
0x69: {  	v3 =	vld [tilespmem:s24+$0x30];
	_ =	sdelay $0x3  }
0x6a: {  	s26 =	simm.s32 $0x0;
	s25 =	simm.s32 $0x240;
	v4 =	vadd.f32 v5, v4  }
.LBB2_7:
0x6b: {  	s26 =	sadd.s32 $0x4, s26;
	v2 =	vadd.f32 v3, v2;
	s23 =	sadd.s32 $0x80, s23;
	s24 =	sadd.s32 $0x80, s24  }
0x6c: {  	p0 =	slt.u32 s26, $0xFC;
	v3 =	vmax.f32 v4, $0.0e+00  }
0x6d: {  	v4 =	vld [tilespmem:s23+$0xFFFFFFC0];
	[tilespmem:s25+$0x20] =	vst v3;
	v2 =	vmax.f32 v2, $0.0e+00  }
0x6e: {  	v3 =	vld [tilespmem:s23+$0xFFFFFFD0];
	[tilespmem:s25+$0x30] =	vst v2;
	s25 =	smov.u32 s23  }
0x6f: {  	v2 =	vld [tilespmem:s24+$0xFFFFFFD0]  }
0x70: {  	v5 =	vld [tilespmem:s24+$0xFFFFFFC0];
	_ =	sdelay $0x3  }
0x71: {  	v2 =	vadd.f32 v2, v3  }
0x72: {  	v3 =	vadd.f32 v5, v4  }
0x73: {  	v2 =	vmax.f32 v2, $0.0e+00  }
0x74: {  	v3 =	vmax.f32 v3, $0.0e+00;
	[tilespmem:s23+$0xFFFFFFD0] =	vst v2;
	v2 =	vld [tilespmem:s23+$0xFFFFFFF0]  }
0x75: {  	[tilespmem:s23+$0xFFFFFFC0] =	vst v3;
	v3 =	vld [tilespmem:s23+$0xFFFFFFE0]  }
0x76: {  	v4 =	vld [tilespmem:s24+$0xFFFFFFF0]  }
0x77: {  	v5 =	vld [tilespmem:s24+$0xFFFFFFE0];
	_ =	sdelay $0x3  }
0x78: {  	v2 =	vadd.f32 v4, v2  }
0x79: {  	v3 =	vadd.f32 v5, v3  }
0x7a: {  	v2 =	vmax.f32 v2, $0.0e+00  }
0x7b: {  	v3 =	vmax.f32 v3, $0.0e+00;
	[tilespmem:s23+$0xFFFFFFF0] =	vst v2;
	v2 =	vld [tilespmem:s23+$0x10]  }
0x7c: {  	[tilespmem:s23+$0xFFFFFFE0] =	vst v3;
	v3 =	vld [tilespmem:s23+$0x0]  }
0x7d: {  	v4 =	vld [tilespmem:s24+$0x0]  }
0x7e: {  	v5 =	vld [tilespmem:s24+$0x10];
	_ =	sdelay $0x3  }
0x7f: {  	v3 =	vadd.f32 v4, v3  }
0x80: {  	v2 =	vadd.f32 v5, v2  }
0x81: {  	v3 =	vmax.f32 v3, $0.0e+00;
	v4 =	vld [tilespmem:s23+$0x20]  }
0x82: {  	[tilespmem:s23+$0x0] =	vst v3;
	v3 =	vmax.f32 v2, $0.0e+00;
	v2 =	vld [tilespmem:s23+$0x30]  }
0x83: {  	[tilespmem:s23+$0x10] =	vst v3  }
0x84: {  	v5 =	vld [tilespmem:s24+$0x20]  }
.Ltmp2:
0x85: {  	v3 =	vld [tilespmem:s24+$0x30];
	(pc) =	sbr.rel @p0 .LBB2_7-.Ltmp2, $2  }
0x86: {  	_ =	sdelay $0x2  }
0x87: {  	v4 =	vadd.f32 v5, v4  }
0x88: {  	v2 =	vadd.f32 v3, v2  }
0x89: {  	v3 =	vmax.f32 v4, $0.0e+00  }
0x8a: {  	[tilespmem:s25+$0x20] =	vst v3;
	v2 =	vmax.f32 v2, $0.0e+00  }
0x8b: {  	[tilespmem:s25+$0x30] =	vst v2  }
0x8c: {  	[spmem:s1] =	stream.indirect.scatter.add.f32 [tilespmem:s13], [sflag:$0x2], $0x20, s15, s16, $0xb8;
	[tilespmem:$0x1D200] =	vst v63  }
0x8d: {  	s22 =	sadd.s32 $0x1, s22;
	_ =	swait.ge [sflag:s14], $0x1000  }
0x8e: {  	p0 =	sne.s32 s22, $0xC4;
	[sflag:s14] =	ssyncset.done $0x0  }
.Ltmp3:
0x8f: {  	[sflag:s14] =	ssyncadd.s32 $0xFFFFF000;
	(pc) =	sbr.rel @p0 .LBB2_6-.Ltmp3, $4  }
0x90: {  	[spmem:s1] =	stream.indirect.scatter.add.f32 [tilespmem:s17], [sflag:$0x2], $0x20, s20, s16, $0xb8;
	[tilespmem:$0x1D200] =	vst v63  }
0x91: {  	_ =	swait.ge [sflag:s14], $0x1000  }
0x92: {  	[sflag:s14] =	ssyncset.done $0x0  }
0x93: {  	[sflag:s14] =	ssyncadd.s32 $0xFFFFF000  }
0x94: {  	s21 =	sadd.s32 $0x1, s21  }
0x95: {  	s22 =	sshll.u32 s2, $0x6;
	[bflag:$0x0] =	sbarrier.arrive $0xFFFF;
	p0 =	sne.s32 s21, s12  }
.Ltmp4:
0x96: {  	s23 =	sshrl.u32 s8, $0x3;
	s22 =	sor.u32 $0x1C02, s22;
	(pc) =	sbr.rel @p0 .LBB2_1-.Ltmp4, $4  }
0x97: {  	[hbm:s11], [sflag:s22] =	dma.local [spmem:s23], $0x3200  }
0x98: {  	_ =	swait.ge [sflag:s14], $0x3200  }
0x99: {  	[sflag:s14] =	ssyncset.done $0x0  }
0x9a: {  	[sflag:s14] =	ssyncadd.s32 $0xFFFFCE00  }
0x9b: {  	_ =	sfence.sel $0x180000  }
0x9c: {  	[bflag:$0x0] =	sbarrier.arrive $0xFFFF  }
0x9d: {  	p0 =	sne.s32 s2, $0x0;
	_ =	strace $0x9000004D  }
0x9e: {  	s0 =	sadd.s32 @!p0 $0x100000, s0;
	[bflag:$0x2] =	sbarrier.arrive $0xFFFF  }
0x9f: {  	[sflag:s0] =	ssyncadd.tile.s32 @!p0 $0x1;
	_ =	shalt  }
.Lfunc_end2:
_tile_overlayer_lowered:
.L_overlay_start_2:
0xa0: {  	(tag) =	ssettag $0x2  }
0xa1: {  	s0 =	rddreg [dreg:$0x0];
	s2 =	stileid.u32  }
0xa2: {  	s1 =	rddreg [dreg:$0x1];
	p0 =	sne.s32 s2, $0x0  }
0xa3: {  	s3 =	rddreg [dreg:$0x2];
	[bflag:$0x3] =	sbarrier.arrive $0xFFFF;
	s2 =	simm.s32 @!p0 $0x1C02  }
0xa4: {  	[timem:s3], [sflag:s2] =	dma.local @!p0 [hbm:s0], s1  }
0xa5: {  	s0 =	simm.s32 @!p0 $0x2  }
0xa6: {  	_ =	swait.ge @!p0 [sflag:s0], s1  }
0xa7: {  	s1 =	ssub.s32 @!p0 $0x0, s1;
	[sflag:s0] =	ssyncset.done @!p0 $0x0  }
0xa8: {  	[sflag:s0] =	ssyncadd.s32 @!p0 s1  }
0xa9: {  	[bflag:$0x3] =	sbarrier.arrive $0xFFFF  }
0xaa: {  	_ =	shalt  }

</sc_bundles>
